<compile_context>
chip_gen: v7x
topology: tpu7x:2x2x1
jax: 0.10.2.dev20260603
libtpu: 0.0.44.dev20260713+nightly
codegen_flags: <defaults>
</compile_context>

<pallas_src>
import functools

import jax
import jax.numpy as jnp
from jax import lax
from jax.experimental import pallas as pl
from jax.experimental.pallas import tpu as pltpu
from jax.experimental.pallas import tpu_sc as plsc

_NUM_SEEDS = 64
_HIDDEN = 2048
_CHUNK = 32
_NUM_BP = 10
_TOKENS = 16384
_NW = 32
_RPW = _TOKENS // _NW
_R = 48
_NBLK = _RPW // _R


def _sc_body(x_hbm, lc_hbm, bp_hbm, st_hbm, bwr_hbm, out_hbm,
             lc_v, bp_v, st_v, idx_v, w_v, a_v, b_v, xb_v, sem):
    c = lax.axis_index("c")
    s = lax.axis_index("s")
    wid = s * 2 + c

    pltpu.sync_copy(lc_hbm, lc_v)
    pltpu.sync_copy(bp_hbm, bp_v)
    pltpu.sync_copy(st_hbm, st_v)

    for g in range(4):
        sl = pl.ds(g * 16, 16)
        bpv = bp_v[sl]
        seeds = lax.iota(jnp.int32, 16) + g * 16
        idx_v[sl] = jnp.clip(bpv, 0, _NUM_BP - 1) * _NUM_SEEDS + seeds

    pltpu.async_copy(bwr_hbm.at[idx_v], w_v, sem).wait()

    one = jnp.full((16,), 1.0, jnp.float32)
    half = jnp.full((16,), 0.5, jnp.float32)
    zero = jnp.full((16,), 0.0, jnp.float32)
    for g in range(4):
        sl = pl.ds(g * 16, 16)
        lc = lc_v[sl]
        bp = bp_v[sl]
        st = st_v[sl]
        active = (lc >= 2) & (lc <= 5) & (bp < _NUM_BP)
        act0 = active & (st == 0)
        act1 = active & (st == 1)
        actm = active & (st >= 2)
        m1 = jnp.where(act0, zero, jnp.where(act1, one, jnp.where(actm, half, one)))
        m2 = jnp.where(act1, one, jnp.where(actm, half, zero))
        m3 = jnp.where(act0, one, zero)
        for l in range(16):
            sidx = g * 16 + l
            m1s = jnp.broadcast_to(m1[l:l + 1], (16,))
            m2s = jnp.broadcast_to(m2[l:l + 1], (16,))
            m3s = jnp.broadcast_to(m3[l:l + 1], (16,))
            for h in (0, 16):
                wv = w_v[sidx, pl.ds(h, 16)]
                a_v[sidx, pl.ds(h, 16)] = wv * m3s + m1s
                b_v[sidx, pl.ds(h, 16)] = wv * m2s

    def blk_body(blk, carry):
        base = wid * _RPW + blk * _R
        pltpu.sync_copy(x_hbm.at[pl.ds(base, _R)], xb_v)

        def seed_body(sidx, carry2):
            for h in (0, 16):
                col = sidx * _CHUNK + h
                av = a_v[sidx, pl.ds(h, 16)]
                bv = b_v[sidx, pl.ds(h, 16)]

                def row_body(r, carry3):
                    xb_v[r, pl.ds(col, 16)] = xb_v[r, pl.ds(col, 16)] * av + bv
                    return carry3

                lax.fori_loop(0, _R, row_body, 0, unroll=16)
            return carry2

        lax.fori_loop(0, _NUM_SEEDS, seed_body, 0, unroll=2)
        pltpu.sync_copy(xb_v, out_hbm.at[pl.ds(base, _R)])
        return carry

    lax.fori_loop(0, _NBLK, blk_body, 0)


@jax.jit
def kernel(x, lifecycle_states, blueprint_ids, grafting_strategies, blueprint_weights):
    bwr = jnp.pad(blueprint_weights.reshape(_NUM_BP * _NUM_SEEDS, _CHUNK),
                  ((0, 0), (0, 128 - _CHUNK)))
    mesh = plsc.VectorSubcoreMesh(core_axis_name="c", subcore_axis_name="s")
    run = pl.kernel(
        _sc_body,
        out_type=jax.ShapeDtypeStruct((_TOKENS, _HIDDEN), jnp.float32),
        mesh=mesh,
        scratch_types=[
            pltpu.VMEM((_NUM_SEEDS,), jnp.int32),
            pltpu.VMEM((_NUM_SEEDS,), jnp.int32),
            pltpu.VMEM((_NUM_SEEDS,), jnp.int32),
            pltpu.VMEM((_NUM_SEEDS,), jnp.int32),
            pltpu.VMEM((_NUM_SEEDS, 128), jnp.float32),
            pltpu.VMEM((_NUM_SEEDS, _CHUNK), jnp.float32),
            pltpu.VMEM((_NUM_SEEDS, _CHUNK), jnp.float32),
            pltpu.VMEM((_R, _HIDDEN), jnp.float32),
            pltpu.SemaphoreType.DMA,
        ],
    )
    return run(x, lifecycle_states, blueprint_ids, grafting_strategies, bwr)

# --- scband reference (transcript-rebuilt; emitter-appended) ---
"""Pipeline reference for scband-triton-chunked-kasmina-layer-40200893890919 (READ-ONLY COPY).

The authoritative reference and input builder live on the scoring server;
editing this copy changes nothing except your own understanding.
"""

import jax, jax.numpy as jnp
import numpy as np

NUM_SEEDS = 64
HIDDEN = 2048
CHUNK = max(1, HIDDEN // NUM_SEEDS)  # 32
NUM_BP = 10
TOKENS = 16384


def setup_inputs(seed: int = 0) -> dict:
    key = jax.random.key(seed)
    k1, k2, k3, k4, k5 = jax.random.split(key, 5)
    x = jax.random.normal(k1, (TOKENS, HIDDEN), dtype=jnp.float32)
    # Per-seed lifecycle state (DORMANT=0 ... values beyond 5 are other states).
    lifecycle_states = jax.random.randint(k2, (NUM_SEEDS,), 0, 8, dtype=jnp.int32)
    blueprint_ids = jax.random.randint(k3, (NUM_SEEDS,), 0, NUM_BP, dtype=jnp.int32)
    grafting_strategies = jax.random.randint(k4, (NUM_SEEDS,), 0, 3, dtype=jnp.int32)
    blueprint_weights = jax.random.normal(k5, (NUM_BP, HIDDEN), dtype=jnp.float32)
    return {
        'x': x,
        'lifecycle_states': lifecycle_states,
        'blueprint_ids': blueprint_ids,
        'grafting_strategies': grafting_strategies,
        'blueprint_weights': blueprint_weights,
    }


def reference(x, lifecycle_states, blueprint_ids, grafting_strategies, blueprint_weights):
    # Vectorized translation of TritonChunkedKasminaLayer._forward_pytorch.
    # Each hidden feature belongs to chunk seed = feature // chunk_size.
    feat = jnp.arange(HIDDEN)
    seed = jnp.minimum(feat // CHUNK, NUM_SEEDS - 1)
    lc = jnp.take(lifecycle_states, seed)          # gather per-feature lifecycle
    bp = jnp.take(blueprint_ids, seed)             # gather per-feature blueprint id
    st = jnp.take(grafting_strategies, seed)       # gather per-feature strategy
    # Active lifecycles: GRAFTING / STABILIZATION / EVALUATING / FINE_TUNING (2..5)
    active = (lc >= 2) & (lc <= 5) & (bp < NUM_BP)
    # Gather blueprint weight for each feature from its blueprint row.
    w = blueprint_weights[jnp.clip(bp, 0, NUM_BP - 1), feat]  # [HIDDEN]
    w = w[None, :]
    out_mul = x * w
    out_add = x + w
    out_mix = x * 0.5 + w * 0.5
    active_b = active[None, :]
    out = jnp.where(active_b & (st[None, :] == 0), out_mul,
          jnp.where(active_b & (st[None, :] == 1), out_add,
          jnp.where(active_b, out_mix, x)))
    return out

if __name__ == "__main__":
    import jax
    _d = setup_inputs()
    print(jax.jit(kernel)(*tuple(_d.values())))

</pallas_src>

<mosaic_0001>
#map = affine_map<(d0, d1) -> (0, 0)>
#map1 = affine_map<(d0, d1) -> (0)>
module attributes {stable_mosaic.version = 14 : i64} {
  func.func @_sc_body(%arg0: i32, %arg1: i32, %arg2: memref<16384x2048xf32, #tpu.memory_space<hbm>>, %arg3: memref<64xi32, #tpu.memory_space<hbm>>, %arg4: memref<64xi32, #tpu.memory_space<hbm>>, %arg5: memref<64xi32, #tpu.memory_space<hbm>>, %arg6: memref<640x128xf32, #tpu.memory_space<hbm>>, %arg7: memref<16384x2048xf32, #tpu.memory_space<hbm>>, %arg8: memref<64xi32, #tpu.memory_space<vmem>>, %arg9: memref<64xi32, #tpu.memory_space<vmem>>, %arg10: memref<64xi32, #tpu.memory_space<vmem>>, %arg11: memref<64xi32, #tpu.memory_space<vmem>>, %arg12: memref<64x128xf32, #tpu.memory_space<vmem>>, %arg13: memref<64x32xf32, #tpu.memory_space<vmem>>, %arg14: memref<64x32xf32, #tpu.memory_space<vmem>>, %arg15: memref<48x2048xf32, #tpu.memory_space<vmem>>, %arg16: memref<!tpu.dma_semaphore, #tpu.memory_space<semaphore_mem>>) attributes {dimension_semantics = [#tpu.dimension_semantics<core_parallel>, #tpu.dimension_semantics<subcore_parallel>], iteration_bounds = array<i64: 2, 16>, scalar_prefetch = 0 : i64, scratch_operands = 9 : i64, tpu.core_type = #tpu.core_type<sc_vector_subcore>, window_params = [{transform_indices = #map}, {transform_indices = #map1}, {transform_indices = #map1}, {transform_indices = #map1}, {transform_indices = #map}, {transform_indices = #map}]} {
    %mul3A = arith.constant 2 : i32
    %mul3A_0 = arith.muli %arg1, %mul3A : i32
    %add3A = arith.addi %mul3A_0, %arg0 : i32
    "tpu.region"() ({
      %run_scoped3A = tpu.sem_alloc : memref<!tpu.dma_semaphore, #tpu.memory_space<semaphore_mem>>
      tpu.enqueue_dma source(%arg3 : memref<64xi32, #tpu.memory_space<hbm>>) target(%arg8 : memref<64xi32, #tpu.memory_space<vmem>>) target_semaphore(%run_scoped3A : memref<!tpu.dma_semaphore, #tpu.memory_space<semaphore_mem>>)
      tpu.wait_dma2 semaphore(%run_scoped3A : memref<!tpu.dma_semaphore, #tpu.memory_space<semaphore_mem>>) src(%arg3 : memref<64xi32, #tpu.memory_space<hbm>>) dst(%arg8 : memref<64xi32, #tpu.memory_space<vmem>>)
      tpu.yield
    }) : () -> ()
    "tpu.region"() ({
      %run_scoped3A = tpu.sem_alloc : memref<!tpu.dma_semaphore, #tpu.memory_space<semaphore_mem>>
      tpu.enqueue_dma source(%arg4 : memref<64xi32, #tpu.memory_space<hbm>>) target(%arg9 : memref<64xi32, #tpu.memory_space<vmem>>) target_semaphore(%run_scoped3A : memref<!tpu.dma_semaphore, #tpu.memory_space<semaphore_mem>>)
      tpu.wait_dma2 semaphore(%run_scoped3A : memref<!tpu.dma_semaphore, #tpu.memory_space<semaphore_mem>>) src(%arg4 : memref<64xi32, #tpu.memory_space<hbm>>) dst(%arg9 : memref<64xi32, #tpu.memory_space<vmem>>)
      tpu.yield
    }) : () -> ()
    "tpu.region"() ({
      %run_scoped3A = tpu.sem_alloc : memref<!tpu.dma_semaphore, #tpu.memory_space<semaphore_mem>>
      tpu.enqueue_dma source(%arg5 : memref<64xi32, #tpu.memory_space<hbm>>) target(%arg10 : memref<64xi32, #tpu.memory_space<vmem>>) target_semaphore(%run_scoped3A : memref<!tpu.dma_semaphore, #tpu.memory_space<semaphore_mem>>)
      tpu.wait_dma2 semaphore(%run_scoped3A : memref<!tpu.dma_semaphore, #tpu.memory_space<semaphore_mem>>) src(%arg5 : memref<64xi32, #tpu.memory_space<hbm>>) dst(%arg10 : memref<64xi32, #tpu.memory_space<vmem>>)
      tpu.yield
    }) : () -> ()
    %get3A = arith.constant 0 : index
    %get3A_1 = tpu.vector_load %arg9[%get3A] {strides = array<i32>} : memref<64xi32, #tpu.memory_space<vmem>>, vector<16xi32>,
    %get3A_2 = vector.shape_cast %get3A_1 : vector<16xi32> to vector<16xi32>
    %iota3A = tpu.iota {dimensions = array<i32: 0>} : vector<16xi32>
    %add3A_3 = arith.constant 0 : i32
    %add3A_4 = vector.broadcast %add3A_3 : i32 to vector<16xi32>
    %add3A_5 = arith.addi %iota3A, %add3A_4 : vector<16xi32>
    %jit3A = arith.constant 0 : i32
    %jit3A_6 = arith.constant 9 : i32
    %max3A = vector.broadcast %jit3A : i32 to vector<16xi32>
    %max3A_7 = arith.maxsi %max3A, %get3A_2 : vector<16xi32>
    %min3A = vector.broadcast %jit3A_6 : i32 to vector<16xi32>
    %min3A_8 = arith.minsi %min3A, %max3A_7 : vector<16xi32>
    %mul3A_9 = arith.constant 64 : i32
    %mul3A_10 = vector.broadcast %mul3A_9 : i32 to vector<16xi32>
    %mul3A_11 = arith.muli %min3A_8, %mul3A_10 : vector<16xi32>
    %add3A_12 = arith.addi %mul3A_11, %add3A_5 : vector<16xi32>
    %swap3A = arith.constant 0 : index
    %swap3A_13 = tpu.vector_load %arg11[%swap3A] {strides = array<i32>} : memref<64xi32, #tpu.memory_space<vmem>>, vector<16xi32>,
    %swap3A_14 = vector.shape_cast %swap3A_13 : vector<16xi32> to vector<16xi32>
    %swap3A_15 = vector.shape_cast %add3A_12 : vector<16xi32> to vector<16xi32>
    tpu.vector_store %arg11[%swap3A], %swap3A_15 {strides = array<i32>} : memref<64xi32, #tpu.memory_space<vmem>>, vector<16xi32>,
    %get3A_16 = arith.constant 16 : index
    %get3A_17 = tpu.vector_load %arg9[%get3A_16] {strides = array<i32>} : memref<64xi32, #tpu.memory_space<vmem>>, vector<16xi32>,
    %get3A_18 = vector.shape_cast %get3A_17 : vector<16xi32> to vector<16xi32>
    %iota3A_19 = tpu.iota {dimensions = array<i32: 0>} : vector<16xi32>
    %add3A_20 = arith.constant 16 : i32
    %add3A_21 = vector.broadcast %add3A_20 : i32 to vector<16xi32>
    %add3A_22 = arith.addi %iota3A_19, %add3A_21 : vector<16xi32>
    %jit3A_23 = arith.constant 0 : i32
    %jit3A_24 = arith.constant 9 : i32
    %max3A_25 = vector.broadcast %jit3A_23 : i32 to vector<16xi32>
    %max3A_26 = arith.maxsi %max3A_25, %get3A_18 : vector<16xi32>
    %min3A_27 = vector.broadcast %jit3A_24 : i32 to vector<16xi32>
    %min3A_28 = arith.minsi %min3A_27, %max3A_26 : vector<16xi32>
    %mul3A_29 = arith.constant 64 : i32
    %mul3A_30 = vector.broadcast %mul3A_29 : i32 to vector<16xi32>
    %mul3A_31 = arith.muli %min3A_28, %mul3A_30 : vector<16xi32>
    %add3A_32 = arith.addi %mul3A_31, %add3A_22 : vector<16xi32>
    %swap3A_33 = arith.constant 16 : index
    %swap3A_34 = tpu.vector_load %arg11[%swap3A_33] {strides = array<i32>} : memref<64xi32, #tpu.memory_space<vmem>>, vector<16xi32>,
    %swap3A_35 = vector.shape_cast %swap3A_34 : vector<16xi32> to vector<16xi32>
    %swap3A_36 = vector.shape_cast %add3A_32 : vector<16xi32> to vector<16xi32>
    tpu.vector_store %arg11[%swap3A_33], %swap3A_36 {strides = array<i32>} : memref<64xi32, #tpu.memory_space<vmem>>, vector<16xi32>,
    %get3A_37 = arith.constant 32 : index
    %get3A_38 = tpu.vector_load %arg9[%get3A_37] {strides = array<i32>} : memref<64xi32, #tpu.memory_space<vmem>>, vector<16xi32>,
    %get3A_39 = vector.shape_cast %get3A_38 : vector<16xi32> to vector<16xi32>
    %iota3A_40 = tpu.iota {dimensions = array<i32: 0>} : vector<16xi32>
    %add3A_41 = arith.constant 32 : i32
    %add3A_42 = vector.broadcast %add3A_41 : i32 to vector<16xi32>
    %add3A_43 = arith.addi %iota3A_40, %add3A_42 : vector<16xi32>
    %jit3A_44 = arith.constant 0 : i32
    %jit3A_45 = arith.constant 9 : i32
    %max3A_46 = vector.broadcast %jit3A_44 : i32 to vector<16xi32>
    %max3A_47 = arith.maxsi %max3A_46, %get3A_39 : vector<16xi32>
    %min3A_48 = vector.broadcast %jit3A_45 : i32 to vector<16xi32>
    %min3A_49 = arith.minsi %min3A_48, %max3A_47 : vector<16xi32>
    %mul3A_50 = arith.constant 64 : i32
    %mul3A_51 = vector.broadcast %mul3A_50 : i32 to vector<16xi32>
    %mul3A_52 = arith.muli %min3A_49, %mul3A_51 : vector<16xi32>
    %add3A_53 = arith.addi %mul3A_52, %add3A_43 : vector<16xi32>
    %swap3A_54 = arith.constant 32 : index
    %swap3A_55 = tpu.vector_load %arg11[%swap3A_54] {strides = array<i32>} : memref<64xi32, #tpu.memory_space<vmem>>, vector<16xi32>,
    %swap3A_56 = vector.shape_cast %swap3A_55 : vector<16xi32> to vector<16xi32>
    %swap3A_57 = vector.shape_cast %add3A_53 : vector<16xi32> to vector<16xi32>
    tpu.vector_store %arg11[%swap3A_54], %swap3A_57 {strides = array<i32>} : memref<64xi32, #tpu.memory_space<vmem>>, vector<16xi32>,
    %get3A_58 = arith.constant 48 : index
    %get3A_59 = tpu.vector_load %arg9[%get3A_58] {strides = array<i32>} : memref<64xi32, #tpu.memory_space<vmem>>, vector<16xi32>,
    %get3A_60 = vector.shape_cast %get3A_59 : vector<16xi32> to vector<16xi32>
    %iota3A_61 = tpu.iota {dimensions = array<i32: 0>} : vector<16xi32>
    %add3A_62 = arith.constant 48 : i32
    %add3A_63 = vector.broadcast %add3A_62 : i32 to vector<16xi32>
    %add3A_64 = arith.addi %iota3A_61, %add3A_63 : vector<16xi32>
    %jit3A_65 = arith.constant 0 : i32
    %jit3A_66 = arith.constant 9 : i32
    %max3A_67 = vector.broadcast %jit3A_65 : i32 to vector<16xi32>
    %max3A_68 = arith.maxsi %max3A_67, %get3A_60 : vector<16xi32>
    %min3A_69 = vector.broadcast %jit3A_66 : i32 to vector<16xi32>
    %min3A_70 = arith.minsi %min3A_69, %max3A_68 : vector<16xi32>
    %mul3A_71 = arith.constant 64 : i32
    %mul3A_72 = vector.broadcast %mul3A_71 : i32 to vector<16xi32>
    %mul3A_73 = arith.muli %min3A_70, %mul3A_72 : vector<16xi32>
    %add3A_74 = arith.addi %mul3A_73, %add3A_64 : vector<16xi32>
    %swap3A_75 = arith.constant 48 : index
    %swap3A_76 = tpu.vector_load %arg11[%swap3A_75] {strides = array<i32>} : memref<64xi32, #tpu.memory_space<vmem>>, vector<16xi32>,
    %swap3A_77 = vector.shape_cast %swap3A_76 : vector<16xi32> to vector<16xi32>
    %swap3A_78 = vector.shape_cast %add3A_74 : vector<16xi32> to vector<16xi32>
    tpu.vector_store %arg11[%swap3A_75], %swap3A_78 {strides = array<i32>} : memref<64xi32, #tpu.memory_space<vmem>>, vector<16xi32>,
    %dma_start3A = arith.constant 0 : i32
    %dma_start3A_79 = arith.constant 0 : i32
    %dma_start3A_80 = tpu.memref_slice %arg6[%dma_start3A, %dma_start3A_79] : memref<640x128xf32, #tpu.memory_space<hbm>> -> memref<640x128xf32, #tpu.memory_space<hbm>>
    tpu.enqueue_indirect_dma source(%dma_start3A_80 : memref<640x128xf32, #tpu.memory_space<hbm>>) target(%arg12 : memref<64x128xf32, #tpu.memory_space<vmem>>) offsets(%arg11 : memref<64xi32, #tpu.memory_space<vmem>>) semaphore(%arg16 : memref<!tpu.dma_semaphore, #tpu.memory_space<semaphore_mem>>)
    %dma_wait3A = arith.constant 0 : i32
    %dma_wait3A_81 = arith.constant 0 : i32
    %dma_wait3A_82 = tpu.memref_slice %arg6[%dma_wait3A, %dma_wait3A_81] : memref<640x128xf32, #tpu.memory_space<hbm>> -> memref<640x128xf32, #tpu.memory_space<hbm>>
    tpu.wait_indirect_dma semaphore(%arg16 : memref<!tpu.dma_semaphore, #tpu.memory_space<semaphore_mem>>) src(%dma_wait3A_82 : memref<640x128xf32, #tpu.memory_space<hbm>>) dst(%arg12 : memref<64x128xf32, #tpu.memory_space<vmem>>)
    %broadcast_in_dim3A = arith.constant 1.000000e+00 : f32
    %broadcast_in_dim3A_83 = vector.broadcast %broadcast_in_dim3A : f32 to vector<16xf32>
    %broadcast_in_dim3A_84 = arith.constant 5.000000e-01 : f32
    %broadcast_in_dim3A_85 = vector.broadcast %broadcast_in_dim3A_84 : f32 to vector<16xf32>
    %broadcast_in_dim3A_86 = arith.constant 0.000000e+00 : f32
    %broadcast_in_dim3A_87 = vector.broadcast %broadcast_in_dim3A_86 : f32 to vector<16xf32>
    %get3A_88 = arith.constant 0 : index
    %get3A_89 = tpu.vector_load %arg8[%get3A_88] {strides = array<i32>} : memref<64xi32, #tpu.memory_space<vmem>>, vector<16xi32>,
    %get3A_90 = vector.shape_cast %get3A_89 : vector<16xi32> to vector<16xi32>
    %get3A_91 = arith.constant 0 : index
    %get3A_92 = tpu.vector_load %arg9[%get3A_91] {strides = array<i32>} : memref<64xi32, #tpu.memory_space<vmem>>, vector<16xi32>,
    %get3A_93 = vector.shape_cast %get3A_92 : vector<16xi32> to vector<16xi32>
    %get3A_94 = arith.constant 0 : index
    %get3A_95 = tpu.vector_load %arg10[%get3A_94] {strides = array<i32>} : memref<64xi32, #tpu.memory_space<vmem>>, vector<16xi32>,
    %get3A_96 = vector.shape_cast %get3A_95 : vector<16xi32> to vector<16xi32>
    %ge3A = arith.constant 2 : i32
    %ge3A_97 = vector.broadcast %ge3A : i32 to vector<16xi32>
    %ge3A_98 = arith.cmpi sge, %get3A_90, %ge3A_97 : vector<16xi32>
    %le3A = arith.constant 5 : i32
    %le3A_99 = vector.broadcast %le3A : i32 to vector<16xi32>
    %le3A_100 = arith.cmpi sle, %get3A_90, %le3A_99 : vector<16xi32>
    %and3A = arith.andi %ge3A_98, %le3A_100 : vector<16xi1>
    %lt3A = arith.constant 10 : i32
    %lt3A_101 = vector.broadcast %lt3A : i32 to vector<16xi32>
    %lt3A_102 = arith.cmpi slt, %get3A_93, %lt3A_101 : vector<16xi32>
    %and3A_103 = arith.andi %and3A, %lt3A_102 : vector<16xi1>
    %eq3A = arith.constant 0 : i32
    %eq3A_104 = vector.broadcast %eq3A : i32 to vector<16xi32>
    %eq3A_105 = arith.cmpi eq, %get3A_96, %eq3A_104 : vector<16xi32>
    %and3A_106 = arith.andi %and3A_103, %eq3A_105 : vector<16xi1>
    %eq3A_107 = arith.constant 1 : i32
    %eq3A_108 = vector.broadcast %eq3A_107 : i32 to vector<16xi32>
    %eq3A_109 = arith.cmpi eq, %get3A_96, %eq3A_108 : vector<16xi32>
    %and3A_110 = arith.andi %and3A_103, %eq3A_109 : vector<16xi1>
    %ge3A_111 = arith.constant 2 : i32
    %ge3A_112 = vector.broadcast %ge3A_111 : i32 to vector<16xi32>
    %ge3A_113 = arith.cmpi sge, %get3A_96, %ge3A_112 : vector<16xi32>
    %and3A_114 = arith.andi %and3A_103, %ge3A_113 : vector<16xi1>
    %select_n3A = arith.select %and3A_114, %broadcast_in_dim3A_85, %broadcast_in_dim3A_83 : vector<16xi1>, vector<16xf32>
    %select_n3A_115 = arith.select %and3A_110, %broadcast_in_dim3A_83, %select_n3A : vector<16xi1>, vector<16xf32>
    %select_n3A_116 = arith.select %and3A_106, %broadcast_in_dim3A_87, %select_n3A_115 : vector<16xi1>, vector<16xf32>
    %select_n3A_117 = arith.select %and3A_114, %broadcast_in_dim3A_85, %broadcast_in_dim3A_87 : vector<16xi1>, vector<16xf32>
    %select_n3A_118 = arith.select %and3A_110, %broadcast_in_dim3A_83, %select_n3A_117 : vector<16xi1>, vector<16xf32>
    %select_n3A_119 = arith.select %and3A_106, %broadcast_in_dim3A_83, %broadcast_in_dim3A_87 : vector<16xi1>, vector<16xf32>
    %slice3A = vector.extract_strided_slice %select_n3A_116 {offsets = [0], sizes = [1], strides = [1]} : vector<16xf32> to vector<1xf32>
    %broadcast_in_dim3A_120 = vector.shape_cast %slice3A : vector<1xf32> to vector<1xf32>
    %broadcast_in_dim3A_121 = vector.broadcast %broadcast_in_dim3A_120 : vector<1xf32> to vector<16xf32>
    %slice3A_122 = vector.extract_strided_slice %select_n3A_118 {offsets = [0], sizes = [1], strides = [1]} : vector<16xf32> to vector<1xf32>
    %broadcast_in_dim3A_123 = vector.shape_cast %slice3A_122 : vector<1xf32> to vector<1xf32>
    %broadcast_in_dim3A_124 = vector.broadcast %broadcast_in_dim3A_123 : vector<1xf32> to vector<16xf32>
    %slice3A_125 = vector.extract_strided_slice %select_n3A_119 {offsets = [0], sizes = [1], strides = [1]} : vector<16xf32> to vector<1xf32>
    %broadcast_in_dim3A_126 = vector.shape_cast %slice3A_125 : vector<1xf32> to vector<1xf32>
    %broadcast_in_dim3A_127 = vector.broadcast %broadcast_in_dim3A_126 : vector<1xf32> to vector<16xf32>
    %get3A_128 = arith.constant 0 : i32
    %get3A_129 = arith.index_cast %get3A_128 : i32 to index
    %get3A_130 = arith.constant 0 : index
    %get3A_131 = tpu.vector_load %arg12[%get3A_129, %get3A_130] {strides = array<i32>} : memref<64x128xf32, #tpu.memory_space<vmem>>, vector<1x16xf32>,
    %get3A_132 = vector.shape_cast %get3A_131 : vector<1x16xf32> to vector<16xf32>
    %mul3A_133 = arith.mulf %get3A_132, %broadcast_in_dim3A_127 : vector<16xf32>
    %add3A_134 = arith.addf %mul3A_133, %broadcast_in_dim3A_121 : vector<16xf32>
    %swap3A_135 = arith.constant 0 : i32
    %swap3A_136 = arith.index_cast %swap3A_135 : i32 to index
    %swap3A_137 = arith.constant 0 : index
    %swap3A_138 = tpu.vector_load %arg13[%swap3A_136, %swap3A_137] {strides = array<i32>} : memref<64x32xf32, #tpu.memory_space<vmem>>, vector<1x16xf32>,
    %swap3A_139 = vector.shape_cast %swap3A_138 : vector<1x16xf32> to vector<16xf32>
    %swap3A_140 = vector.shape_cast %add3A_134 : vector<16xf32> to vector<1x16xf32>
    tpu.vector_store %arg13[%swap3A_136, %swap3A_137], %swap3A_140 {strides = array<i32>} : memref<64x32xf32, #tpu.memory_space<vmem>>, vector<1x16xf32>,
    %mul3A_141 = arith.mulf %get3A_132, %broadcast_in_dim3A_124 : vector<16xf32>
    %swap3A_142 = arith.constant 0 : i32
    %swap3A_143 = arith.index_cast %swap3A_142 : i32 to index
    %swap3A_144 = arith.constant 0 : index
    %swap3A_145 = tpu.vector_load %arg14[%swap3A_143, %swap3A_144] {strides = array<i32>} : memref<64x32xf32, #tpu.memory_space<vmem>>, vector<1x16xf32>,
    %swap3A_146 = vector.shape_cast %swap3A_145 : vector<1x16xf32> to vector<16xf32>
    %swap3A_147 = vector.shape_cast %mul3A_141 : vector<16xf32> to vector<1x16xf32>
    tpu.vector_store %arg14[%swap3A_143, %swap3A_144], %swap3A_147 {strides = array<i32>} : memref<64x32xf32, #tpu.memory_space<vmem>>, vector<1x16xf32>,
    %get3A_148 = arith.constant 0 : i32
    %get3A_149 = arith.index_cast %get3A_148 : i32 to index
    %get3A_150 = arith.constant 16 : index
    %get3A_151 = tpu.vector_load %arg12[%get3A_149, %get3A_150] {strides = array<i32>} : memref<64x128xf32, #tpu.memory_space<vmem>>, vector<1x16xf32>,
    %get3A_152 = vector.shape_cast %get3A_151 : vector<1x16xf32> to vector<16xf32>
    %mul3A_153 = arith.mulf %get3A_152, %broadcast_in_dim3A_127 : vector<16xf32>
    %add3A_154 = arith.addf %mul3A_153, %broadcast_in_dim3A_121 : vector<16xf32>
    %swap3A_155 = arith.constant 0 : i32
    %swap3A_156 = arith.index_cast %swap3A_155 : i32 to index
    %swap3A_157 = arith.constant 16 : index
    %swap3A_158 = tpu.vector_load %arg13[%swap3A_156, %swap3A_157] {strides = array<i32>} : memref<64x32xf32, #tpu.memory_space<vmem>>, vector<1x16xf32>,
    %swap3A_159 = vector.shape_cast %swap3A_158 : vector<1x16xf32> to vector<16xf32>
    %swap3A_160 = vector.shape_cast %add3A_154 : vector<16xf32> to vector<1x16xf32>
    tpu.vector_store %arg13[%swap3A_156, %swap3A_157], %swap3A_160 {strides = array<i32>} : memref<64x32xf32, #tpu.memory_space<vmem>>, vector<1x16xf32>,
    %mul3A_161 = arith.mulf %get3A_152, %broadcast_in_dim3A_124 : vector<16xf32>
    %swap3A_162 = arith.constant 0 : i32
    %swap3A_163 = arith.index_cast %swap3A_162 : i32 to index
    %swap3A_164 = arith.constant 16 : index
    %swap3A_165 = tpu.vector_load %arg14[%swap3A_163, %swap3A_164] {strides = array<i32>} : memref<64x32xf32, #tpu.memory_space<vmem>>, vector<1x16xf32>,
    %swap3A_166 = vector.shape_cast %swap3A_165 : vector<1x16xf32> to vector<16xf32>
    %swap3A_167 = vector.shape_cast %mul3A_161 : vector<16xf32> to vector<1x16xf32>
    tpu.vector_store %arg14[%swap3A_163, %swap3A_164], %swap3A_167 {strides = array<i32>} : memref<64x32xf32, #tpu.memory_space<vmem>>, vector<1x16xf32>,
    %slice3A_168 = vector.extract_strided_slice %select_n3A_116 {offsets = [1], sizes = [1], strides = [1]} : vector<16xf32> to vector<1xf32>
    %broadcast_in_dim3A_169 = vector.shape_cast %slice3A_168 : vector<1xf32> to vector<1xf32>
    %broadcast_in_dim3A_170 = vector.broadcast %broadcast_in_dim3A_169 : vector<1xf32> to vector<16xf32>
    %slice3A_171 = vector.extract_strided_slice %select_n3A_118 {offsets = [1], sizes = [1], strides = [1]} : vector<16xf32> to vector<1xf32>
    %broadcast_in_dim3A_172 = vector.shape_cast %slice3A_171 : vector<1xf32> to vector<1xf32>
    %broadcast_in_dim3A_173 = vector.broadcast %broadcast_in_dim3A_172 : vector<1xf32> to vector<16xf32>
    %slice3A_174 = vector.extract_strided_slice %select_n3A_119 {offsets = [1], sizes = [1], strides = [1]} : vector<16xf32> to vector<1xf32>
    %broadcast_in_dim3A_175 = vector.shape_cast %slice3A_174 : vector<1xf32> to vector<1xf32>
    %broadcast_in_dim3A_176 = vector.broadcast %broadcast_in_dim3A_175 : vector<1xf32> to vector<16xf32>
    %get3A_177 = arith.constant 1 : i32
    %get3A_178 = arith.index_cast %get3A_177 : i32 to index
    %get3A_179 = arith.constant 0 : index
    %get3A_180 = tpu.vector_load %arg12[%get3A_178, %get3A_179] {strides = array<i32>} : memref<64x128xf32, #tpu.memory_space<vmem>>, vector<1x16xf32>,
    %get3A_181 = vector.shape_cast %get3A_180 : vector<1x16xf32> to vector<16xf32>
    %mul3A_182 = arith.mulf %get3A_181, %broadcast_in_dim3A_176 : vector<16xf32>
    %add3A_183 = arith.addf %mul3A_182, %broadcast_in_dim3A_170 : vector<16xf32>
    %swap3A_184 = arith.constant 1 : i32
    %swap3A_185 = arith.index_cast %swap3A_184 : i32 to index
    %swap3A_186 = arith.constant 0 : index
    %swap3A_187 = tpu.vector_load %arg13[%swap3A_185, %swap3A_186] {strides = array<i32>} : memref<64x32xf32, #tpu.memory_space<vmem>>, vector<1x16xf32>,
    %swap3A_188 = vector.shape_cast %swap3A_187 : vector<1x16xf32> to vector<16xf32>
    %swap3A_189 = vector.shape_cast %add3A_183 : vector<16xf32> to vector<1x16xf32>
    tpu.vector_store %arg13[%swap3A_185, %swap3A_186], %swap3A_189 {strides = array<i32>} : memref<64x32xf32, #tpu.memory_space<vmem>>, vector<1x16xf32>,
    %mul3A_190 = arith.mulf %get3A_181, %broadcast_in_dim3A_173 : vector<16xf32>
    %swap3A_191 = arith.constant 1 : i32
    %swap3A_192 = arith.index_cast %swap3A_191 : i32 to index
    %swap3A_193 = arith.constant 0 : index
    %swap3A_194 = tpu.vector_load %arg14[%swap3A_192, %swap3A_193] {strides = array<i32>} : memref<64x32xf32, #tpu.memory_space<vmem>>, vector<1x16xf32>,
    %swap3A_195 = vector.shape_cast %swap3A_194 : vector<1x16xf32> to vector<16xf32>
    %swap3A_196 = vector.shape_cast %mul3A_190 : vector<16xf32> to vector<1x16xf32>
    tpu.vector_store %arg14[%swap3A_192, %swap3A_193], %swap3A_196 {strides = array<i32>} : memref<64x32xf32, #tpu.memory_space<vmem>>, vector<1x16xf32>,
    %get3A_197 = arith.constant 1 : i32
    %get3A_198 = arith.index_cast %get3A_197 : i32 to index
    %get3A_199 = arith.constant 16 : index
    %get3A_200 = tpu.vector_load %arg12[%get3A_198, %get3A_199] {strides = array<i32>} : memref<64x128xf32, #tpu.memory_space<vmem>>, vector<1x16xf32>,
    %get3A_201 = vector.shape_cast %get3A_200 : vector<1x16xf32> to vector<16xf32>
    %mul3A_202 = arith.mulf %get3A_201, %broadcast_in_dim3A_176 : vector<16xf32>
    %add3A_203 = arith.addf %mul3A_202, %broadcast_in_dim3A_170 : vector<16xf32>
    %swap3A_204 = arith.constant 1 : i32
    %swap3A_205 = arith.index_cast %swap3A_204 : i32 to index
    %swap3A_206 = arith.constant 16 : index
    %swap3A_207 = tpu.vector_load %arg13[%swap3A_205, %swap3A_206] {strides = array<i32>} : memref<64x32xf32, #tpu.memory_space<vmem>>, vector<1x16xf32>,
    %swap3A_208 = vector.shape_cast %swap3A_207 : vector<1x16xf32> to vector<16xf32>
    %swap3A_209 = vector.shape_cast %add3A_203 : vector<16xf32> to vector<1x16xf32>
    tpu.vector_store %arg13[%swap3A_205, %swap3A_206], %swap3A_209 {strides = array<i32>} : memref<64x32xf32, #tpu.memory_space<vmem>>, vector<1x16xf32>,
    %mul3A_210 = arith.mulf %get3A_201, %broadcast_in_dim3A_173 : vector<16xf32>
    %swap3A_211 = arith.constant 1 : i32
    %swap3A_212 = arith.index_cast %swap3A_211 : i32 to index
    %swap3A_213 = arith.constant 16 : index
    %swap3A_214 = tpu.vector_load %arg14[%swap3A_212, %swap3A_213] {strides = array<i32>} : memref<64x32xf32, #tpu.memory_space<vmem>>, vector<1x16xf32>,
    %swap3A_215 = vector.shape_cast %swap3A_214 : vector<1x16xf32> to vector<16xf32>
    %swap3A_216 = vector.shape_cast %mul3A_210 : vector<16xf32> to vector<1x16xf32>
    tpu.vector_store %arg14[%swap3A_212, %swap3A_213], %swap3A_216 {strides = array<i32>} : memref<64x32xf32, #tpu.memory_space<vmem>>, vector<1x16xf32>,
    %slice3A_217 = vector.extract_strided_slice %select_n3A_116 {offsets = [2], sizes = [1], strides = [1]} : vector<16xf32> to vector<1xf32>
    %broadcast_in_dim3A_218 = vector.shape_cast %slice3A_217 : vector<1xf32> to vector<1xf32>
    %broadcast_in_dim3A_219 = vector.broadcast %broadcast_in_dim3A_218 : vector<1xf32> to vector<16xf32>
    %slice3A_220 = vector.extract_strided_slice %select_n3A_118 {offsets = [2], sizes = [1], strides = [1]} : vector<16xf32> to vector<1xf32>
    %broadcast_in_dim3A_221 = vector.shape_cast %slice3A_220 : vector<1xf32> to vector<1xf32>
    %broadcast_in_dim3A_222 = vector.broadcast %broadcast_in_dim3A_221 : vector<1xf32> to vector<16xf32>
    %slice3A_223 = vector.extract_strided_slice %select_n3A_119 {offsets = [2], sizes = [1], strides = [1]} : vector<16xf32> to vector<1xf32>
    %broadcast_in_dim3A_224 = vector.shape_cast %slice3A_223 : vector<1xf32> to vector<1xf32>
    %broadcast_in_dim3A_225 = vector.broadcast %broadcast_in_dim3A_224 : vector<1xf32> to vector<16xf32>
    %get3A_226 = arith.constant 2 : i32
    %get3A_227 = arith.index_cast %get3A_226 : i32 to index
    %get3A_228 = arith.constant 0 : index
    %get3A_229 = tpu.vector_load %arg12[%get3A_227, %get3A_228] {strides = array<i32>} : memref<64x128xf32, #tpu.memory_space<vmem>>, vector<1x16xf32>,
    %get3A_230 = vector.shape_cast %get3A_229 : vector<1x16xf32> to vector<16xf32>
    %mul3A_231 = arith.mulf %get3A_230, %broadcast_in_dim3A_225 : vector<16xf32>
    %add3A_232 = arith.addf %mul3A_231, %broadcast_in_dim3A_219 : vector<16xf32>
    %swap3A_233 = arith.constant 2 : i32
    %swap3A_234 = arith.index_cast %swap3A_233 : i32 to index
    %swap3A_235 = arith.constant 0 : index
    %swap3A_236 = tpu.vector_load %arg13[%swap3A_234, %swap3A_235] {strides = array<i32>} : memref<64x32xf32, #tpu.memory_space<vmem>>, vector<1x16xf32>,
    %swap3A_237 = vector.shape_cast %swap3A_236 : vector<1x16xf32> to vector<16xf32>
    %swap3A_238 = vector.shape_cast %add3A_232 : vector<16xf32> to vector<1x16xf32>
    tpu.vector_store %arg13[%swap3A_234, %swap3A_235], %swap3A_238 {strides = array<i32>} : memref<64x32xf32, #tpu.memory_space<vmem>>, vector<1x16xf32>,
    %mul3A_239 = arith.mulf %get3A_230, %broadcast_in_dim3A_222 : vector<16xf32>
    %swap3A_240 = arith.constant 2 : i32
    %swap3A_241 = arith.index_cast %swap3A_240 : i32 to index
    %swap3A_242 = arith.constant 0 : index
    %swap3A_243 = tpu.vector_load %arg14[%swap3A_241, %swap3A_242] {strides = array<i32>} : memref<64x32xf32, #tpu.memory_space<vmem>>, vector<1x16xf32>,
    %swap3A_244 = vector.shape_cast %swap3A_243 : vector<1x16xf32> to vector<16xf32>
    %swap3A_245 = vector.shape_cast %mul3A_239 : vector<16xf32> to vector<1x16xf32>
    tpu.vector_store %arg14[%swap3A_241, %swap3A_242], %swap3A_245 {strides = array<i32>} : memref<64x32xf32, #tpu.memory_space<vmem>>, vector<1x16xf32>,
    %get3A_246 = arith.constant 2 : i32
    %get3A_247 = arith.index_cast %get3A_246 : i32 to index
    %get3A_248 = arith.constant 16 : index
    %get3A_249 = tpu.vector_load %arg12[%get3A_247, %get3A_248] {strides = array<i32>} : memref<64x128xf32, #tpu.memory_space<vmem>>, vector<1x16xf32>,
    %get3A_250 = vector.shape_cast %get3A_249 : vector<1x16xf32> to vector<16xf32>
    %mul3A_251 = arith.mulf %get3A_250, %broadcast_in_dim3A_225 : vector<16xf32>
    %add3A_252 = arith.addf %mul3A_251, %broadcast_in_dim3A_219 : vector<16xf32>
    %swap3A_253 = arith.constant 2 : i32
    %swap3A_254 = arith.index_cast %swap3A_253 : i32 to index
    %swap3A_255 = arith.constant 16 : index
    %swap3A_256 = tpu.vector_load %arg13[%swap3A_254, %swap3A_255] {strides = array<i32>} : memref<64x32xf32, #tpu.memory_space<vmem>>, vector<1x16xf32>,
    %swap3A_257 = vector.shape_cast %swap3A_256 : vector<1x16xf32> to vector<16xf32>
    %swap3A_258 = vector.shape_cast %add3A_252 : vector<16xf32> to vector<1x16xf32>
    tpu.vector_store %arg13[%swap3A_254, %swap3A_255], %swap3A_258 {strides = array<i32>} : memref<64x32xf32, #tpu.memory_space<vmem>>, vector<1x16xf32>,
    %mul3A_259 = arith.mulf %get3A_250, %broadcast_in_dim3A_222 : vector<16xf32>
    %swap3A_260 = arith.constant 2 : i32
    %swap3A_261 = arith.index_cast %swap3A_260 : i32 to index
    %swap3A_262 = arith.constant 16 : index
    %swap3A_263 = tpu.vector_load %arg14[%swap3A_261, %swap3A_262] {strides = array<i32>} : memref<64x32xf32, #tpu.memory_space<vmem>>, vector<1x16xf32>,
    %swap3A_264 = vector.shape_cast %swap3A_263 : vector<1x16xf32> to vector<16xf32>
    %swap3A_265 = vector.shape_cast %mul3A_259 : vector<16xf32> to vector<1x16xf32>
    tpu.vector_store %arg14[%swap3A_261, %swap3A_262], %swap3A_265 {strides = array<i32>} : memref<64x32xf32, #tpu.memory_space<vmem>>, vector<1x16xf32>,
    %slice3A_266 = vector.extract_strided_slice %select_n3A_116 {offsets = [3], sizes = [1], strides = [1]} : vector<16xf32> to vector<1xf32>
    %broadcast_in_dim3A_267 = vector.shape_cast %slice3A_266 : vector<1xf32> to vector<1xf32>
    %broadcast_in_dim3A_268 = vector.broadcast %broadcast_in_dim3A_267 : vector<1xf32> to vector<16xf32>
    %slice3A_269 = vector.extract_strided_slice %select_n3A_118 {offsets = [3], sizes = [1], strides = [1]} : vector<16xf32> to vector<1xf32>
    %broadcast_in_dim3A_270 = vector.shape_cast %slice3A_269 : vector<1xf32> to vector<1xf32>
    %broadcast_in_dim3A_271 = vector.broadcast %broadcast_in_dim3A_270 : vector<1xf32> to vector<16xf32>
    %slice3A_272 = vector.extract_strided_slice %select_n3A_119 {offsets = [3], sizes = [1], strides = [1]} : vector<16xf32> to vector<1xf32>
    %broadcast_in_dim3A_273 = vector.shape_cast %slice3A_272 : vector<1xf32> to vector<1xf32>
    %broadcast_in_dim3A_274 = vector.broadcast %broadcast_in_dim3A_273 : vector<1xf32> to vector<16xf32>
    %get3A_275 = arith.constant 3 : i32
    %get3A_276 = arith.index_cast %get3A_275 : i32 to index
    %get3A_277 = arith.constant 0 : index
    %get3A_278 = tpu.vector_load %arg12[%get3A_276, %get3A_277] {strides = array<i32>} : memref<64x128xf32, #tpu.memory_space<vmem>>, vector<1x16xf32>,
    %get3A_279 = vector.shape_cast %get3A_278 : vector<1x16xf32> to vector<16xf32>
    %mul3A_280 = arith.mulf %get3A_279, %broadcast_in_dim3A_274 : vector<16xf32>
    %add3A_281 = arith.addf %mul3A_280, %broadcast_in_dim3A_268 : vector<16xf32>
    %swap3A_282 = arith.constant 3 : i32
    %swap3A_283 = arith.index_cast %swap3A_282 : i32 to index
    %swap3A_284 = arith.constant 0 : index
    %swap3A_285 = tpu.vector_load %arg13[%swap3A_283, %swap3A_284] {strides = array<i32>} : memref<64x32xf32, #tpu.memory_space<vmem>>, vector<1x16xf32>,
    %swap3A_286 = vector.shape_cast %swap3A_285 : vector<1x16xf32> to vector<16xf32>
    %swap3A_287 = vector.shape_cast %add3A_281 : vector<16xf32> to vector<1x16xf32>
    tpu.vector_store %arg13[%swap3A_283, %swap3A_284], %swap3A_287 {strides = array<i32>} : memref<64x32xf32, #tpu.memory_space<vmem>>, vector<1x16xf32>,
    %mul3A_288 = arith.mulf %get3A_279, %broadcast_in_dim3A_271 : vector<16xf32>
    %swap3A_289 = arith.constant 3 : i32
    %swap3A_290 = arith.index_cast %swap3A_289 : i32 to index
    %swap3A_291 = arith.constant 0 : index
    %swap3A_292 = tpu.vector_load %arg14[%swap3A_290, %swap3A_291] {strides = array<i32>} : memref<64x32xf32, #tpu.memory_space<vmem>>, vector<1x16xf32>,
    %swap3A_293 = vector.shape_cast %swap3A_292 : vector<1x16xf32> to vector<16xf32>
    %swap3A_294 = vector.shape_cast %mul3A_288 : vector<16xf32> to vector<1x16xf32>
    tpu.vector_store %arg14[%swap3A_290, %swap3A_291], %swap3A_294 {strides = array<i32>} : memref<64x32xf32, #tpu.memory_space<vmem>>, vector<1x16xf32>,
    %get3A_295 = arith.constant 3 : i32
    %get3A_296 = arith.index_cast %get3A_295 : i32 to index
    %get3A_297 = arith.constant 16 : index
    %get3A_298 = tpu.vector_load %arg12[%get3A_296, %get3A_297] {strides = array<i32>} : memref<64x128xf32, #tpu.memory_space<vmem>>, vector<1x16xf32>,
    %get3A_299 = vector.shape_cast %get3A_298 : vector<1x16xf32> to vector<16xf32>
    %mul3A_300 = arith.mulf %get3A_299, %broadcast_in_dim3A_274 : vector<16xf32>
    %add3A_301 = arith.addf %mul3A_300, %broadcast_in_dim3A_268 : vector<16xf32>
    %swap3A_302 = arith.constant 3 : i32
    %swap3A_303 = arith.index_cast %swap3A_302 : i32 to index
    %swap3A_304 = arith.constant 16 : index
    %swap3A_305 = tpu.vector_load %arg13[%swap3A_303, %swap3A_304] {strides = array<i32>} : memref<64x32xf32, #tpu.memory_space<vmem>>, vector<1x16xf32>,
    %swap3A_306 = vector.shape_cast %swap3A_305 : vector<1x16xf32> to vector<16xf32>
    %swap3A_307 = vector.shape_cast %add3A_301 : vector<16xf32> to vector<1x16xf32>
    tpu.vector_store %arg13[%swap3A_303, %swap3A_304], %swap3A_307 {strides = array<i32>} : memref<64x32xf32, #tpu.memory_space<vmem>>, vector<1x16xf32>,
    %mul3A_308 = arith.mulf %get3A_299, %broadcast_in_dim3A_271 : vector<16xf32>
    %swap3A_309 = arith.constant 3 : i32
    %swap3A_310 = arith.index_cast %swap3A_309 : i32 to index
    %swap3A_311 = arith.constant 16 : index
    %swap3A_312 = tpu.vector_load %arg14[%swap3A_310, %swap3A_311] {strides = array<i32>} : memref<64x32xf32, #tpu.memory_space<vmem>>, vector<1x16xf32>,
    %swap3A_313 = vector.shape_cast %swap3A_312 : vector<1x16xf32> to vector<16xf32>
    %swap3A_314 = vector.shape_cast %mul3A_308 : vector<16xf32> to vector<1x16xf32>
    tpu.vector_store %arg14[%swap3A_310, %swap3A_311], %swap3A_314 {strides = array<i32>} : memref<64x32xf32, #tpu.memory_space<vmem>>, vector<1x16xf32>,
    %slice3A_315 = vector.extract_strided_slice %select_n3A_116 {offsets = [4], sizes = [1], strides = [1]} : vector<16xf32> to vector<1xf32>
    %broadcast_in_dim3A_316 = vector.shape_cast %slice3A_315 : vector<1xf32> to vector<1xf32>
    %broadcast_in_dim3A_317 = vector.broadcast %broadcast_in_dim3A_316 : vector<1xf32> to vector<16xf32>
    %slice3A_318 = vector.extract_strided_slice %select_n3A_118 {offsets = [4], sizes = [1], strides = [1]} : vector<16xf32> to vector<1xf32>
    %broadcast_in_dim3A_319 = vector.shape_cast %slice3A_318 : vector<1xf32> to vector<1xf32>
    %broadcast_in_dim3A_320 = vector.broadcast %broadcast_in_dim3A_319 : vector<1xf32> to vector<16xf32>
    %slice3A_321 = vector.extract_strided_slice %select_n3A_119 {offsets = [4], sizes = [1], strides = [1]} : vector<16xf32> to vector<1xf32>
    %broadcast_in_dim3A_322 = vector.shape_cast %slice3A_321 : vector<1xf32> to vector<1xf32>
    %broadcast_in_dim3A_323 = vector.broadcast %broadcast_in_dim3A_322 : vector<1xf32> to vector<16xf32>
    %get3A_324 = arith.constant 4 : i32
    %get3A_325 = arith.index_cast %get3A_324 : i32 to index
    %get3A_326 = arith.constant 0 : index
    %get3A_327 = tpu.vector_load %arg12[%get3A_325, %get3A_326] {strides = array<i32>} : memref<64x128xf32, #tpu.memory_space<vmem>>, vector<1x16xf32>,
    %get3A_328 = vector.shape_cast %get3A_327 : vector<1x16xf32> to vector<16xf32>
    %mul3A_329 = arith.mulf %get3A_328, %broadcast_in_dim3A_323 : vector<16xf32>
    %add3A_330 = arith.addf %mul3A_329, %broadcast_in_dim3A_317 : vector<16xf32>
    %swap3A_331 = arith.constant 4 : i32
    %swap3A_332 = arith.index_cast %swap3A_331 : i32 to index
    %swap3A_333 = arith.constant 0 : index
    %swap3A_334 = tpu.vector_load %arg13[%swap3A_332, %swap3A_333] {strides = array<i32>} : memref<64x32xf32, #tpu.memory_space<vmem>>, vector<1x16xf32>,
    %swap3A_335 = vector.shape_cast %swap3A_334 : vector<1x16xf32> to vector<16xf32>
    %swap3A_336 = vector.shape_cast %add3A_330 : vector<16xf32> to vector<1x16xf32>
    tpu.vector_store %arg13[%swap3A_332, %swap3A_333], %swap3A_336 {strides = array<i32>} : memref<64x32xf32, #tpu.memory_space<vmem>>, vector<1x16xf32>,
    %mul3A_337 = arith.mulf %get3A_328, %broadcast_in_dim3A_320 : vector<16xf32>
    %swap3A_338 = arith.constant 4 : i32
    %swap3A_339 = arith.index_cast %swap3A_338 : i32 to index
    %swap3A_340 = arith.constant 0 : index
    %swap3A_341 = tpu.vector_load %arg14[%swap3A_339, %swap3A_340] {strides = array<i32>} : memref<64x32xf32, #tpu.memory_space<vmem>>, vector<1x16xf32>,
    %swap3A_342 = vector.shape_cast %swap3A_341 : vector<1x16xf32> to vector<16xf32>
    %swap3A_343 = vector.shape_cast %mul3A_337 : vector<16xf32> to vector<1x16xf32>
    tpu.vector_store %arg14[%swap3A_339, %swap3A_340], %swap3A_343 {strides = array<i32>} : memref<64x32xf32, #tpu.memory_space<vmem>>, vector<1x16xf32>,
    %get3A_344 = arith.constant 4 : i32
    %get3A_345 = arith.index_cast %get3A_344 : i32 to index
    %get3A_346 = arith.constant 16 : index
    %get3A_347 = tpu.vector_load %arg12[%get3A_345, %get3A_346] {strides = array<i32>} : memref<64x128xf32, #tpu.memory_space<vmem>>, vector<1x16xf32>,
    %get3A_348 = vector.shape_cast %get3A_347 : vector<1x16xf32> to vector<16xf32>
    %mul3A_349 = arith.mulf %get3A_348, %broadcast_in_dim3A_323 : vector<16xf32>
    %add3A_350 = arith.addf %mul3A_349, %broadcast_in_dim3A_317 : vector<16xf32>
    %swap3A_351 = arith.constant 4 : i32
    %swap3A_352 = arith.index_cast %swap3A_351 : i32 to index
    %swap3A_353 = arith.constant 16 : index
    %swap3A_354 = tpu.vector_load %arg13[%swap3A_352, %swap3A_353] {strides = array<i32>} : memref<64x32xf32, #tpu.memory_space<vmem>>, vector<1x16xf32>,
    %swap3A_355 = vector.shape_cast %swap3A_354 : vector<1x16xf32> to vector<16xf32>
    %swap3A_356 = vector.shape_cast %add3A_350 : vector<16xf32> to vector<1x16xf32>
    tpu.vector_store %arg13[%swap3A_352, %swap3A_353], %swap3A_356 {strides = array<i32>} : memref<64x32xf32, #tpu.memory_space<vmem>>, vector<1x16xf32>,
    %mul3A_357 = arith.mulf %get3A_348, %broadcast_in_dim3A_320 : vector<16xf32>
    %swap3A_358 = arith.constant 4 : i32
    %swap3A_359 = arith.index_cast %swap3A_358 : i32 to index
    %swap3A_360 = arith.constant 16 : index
    %swap3A_361 = tpu.vector_load %arg14[%swap3A_359, %swap3A_360] {strides = array<i32>} : memref<64x32xf32, #tpu.memory_space<vmem>>, vector<1x16xf32>,
    %swap3A_362 = vector.shape_cast %swap3A_361 : vector<1x16xf32> to vector<16xf32>
    %swap3A_363 = vector.shape_cast %mul3A_357 : vector<16xf32> to vector<1x16xf32>
    tpu.vector_store %arg14[%swap3A_359, %swap3A_360], %swap3A_363 {strides = array<i32>} : memref<64x32xf32, #tpu.memory_space<vmem>>, vector<1x16xf32>,
    %slice3A_364 = vector.extract_strided_slice %select_n3A_116 {offsets = [5], sizes = [1], strides = [1]} : vector<16xf32> to vector<1xf32>
    %broadcast_in_dim3A_365 = vector.shape_cast %slice3A_364 : vector<1xf32> to vector<1xf32>
    %broadcast_in_dim3A_366 = vector.broadcast %broadcast_in_dim3A_365 : vector<1xf32> to vector<16xf32>
    %slice3A_367 = vector.extract_strided_slice %select_n3A_118 {offsets = [5], sizes = [1], strides = [1]} : vector<16xf32> to vector<1xf32>
    %broadcast_in_dim3A_368 = vector.shape_cast %slice3A_367 : vector<1xf32> to vector<1xf32>
    %broadcast_in_dim3A_369 = vector.broadcast %broadcast_in_dim3A_368 : vector<1xf32> to vector<16xf32>
    %slice3A_370 = vector.extract_strided_slice %select_n3A_119 {offsets = [5], sizes = [1], strides = [1]} : vector<16xf32> to vector<1xf32>
    %broadcast_in_dim3A_371 = vector.shape_cast %slice3A_370 : vector<1xf32> to vector<1xf32>
    %broadcast_in_dim3A_372 = vector.broadcast %broadcast_in_dim3A_371 : vector<1xf32> to vector<16xf32>
    %get3A_373 = arith.constant 5 : i32
    %get3A_374 = arith.index_cast %get3A_373 : i32 to index
    %get3A_375 = arith.constant 0 : index
    %get3A_376 = tpu.vector_load %arg12[%get3A_374, %get3A_375] {strides = array<i32>} : memref<64x128xf32, #tpu.memory_space<vmem>>, vector<1x16xf32>,
    %get3A_377 = vector.shape_cast %get3A_376 : vector<1x16xf32> to vector<16xf32>
    %mul3A_378 = arith.mulf %get3A_377, %broadcast_in_dim3A_372 : vector<16xf32>
    %add3A_379 = arith.addf %mul3A_378, %broadcast_in_dim3A_366 : vector<16xf32>
    %swap3A_380 = arith.constant 5 : i32
    %swap3A_381 = arith.index_cast %swap3A_380 : i32 to index
    %swap3A_382 = arith.constant 0 : index
    %swap3A_383 = tpu.vector_load %arg13[%swap3A_381, %swap3A_382] {strides = array<i32>} : memref<64x32xf32, #tpu.memory_space<vmem>>, vector<1x16xf32>,
    %swap3A_384 = vector.shape_cast %swap3A_383 : vector<1x16xf32> to vector<16xf32>
    %swap3A_385 = vector.shape_cast %add3A_379 : vector<16xf32> to vector<1x16xf32>
    tpu.vector_store %arg13[%swap3A_381, %swap3A_382], %swap3A_385 {strides = array<i32>} : memref<64x32xf32, #tpu.memory_space<vmem>>, vector<1x16xf32>,
    %mul3A_386 = arith.mulf %get3A_377, %broadcast_in_dim3A_369 : vector<16xf32>
    %swap3A_387 = arith.constant 5 : i32
    %swap3A_388 = arith.index_cast %swap3A_387 : i32 to index
    %swap3A_389 = arith.constant 0 : index
    %swap3A_390 = tpu.vector_load %arg14[%swap3A_388, %swap3A_389] {strides = array<i32>} : memref<64x32xf32, #tpu.memory_space<vmem>>, vector<1x16xf32>,
    %swap3A_391 = vector.shape_cast %swap3A_390 : vector<1x16xf32> to vector<16xf32>
    %swap3A_392 = vector.shape_cast %mul3A_386 : vector<16xf32> to vector<1x16xf32>
    tpu.vector_store %arg14[%swap3A_388, %swap3A_389], %swap3A_392 {strides = array<i32>} : memref<64x32xf32, #tpu.memory_space<vmem>>, vector<1x16xf32>,
    %get3A_393 = arith.constant 5 : i32
    %get3A_394 = arith.index_cast %get3A_393 : i32 to index
    %get3A_395 = arith.constant 16 : index
    %get3A_396 = tpu.vector_load %arg12[%get3A_394, %get3A_395] {strides = array<i32>} : memref<64x128xf32, #tpu.memory_space<vmem>>, vector<1x16xf32>,
    %get3A_397 = vector.shape_cast %get3A_396 : vector<1x16xf32> to vector<16xf32>
    %mul3A_398 = arith.mulf %get3A_397, %broadcast_in_dim3A_372 : vector<16xf32>
    %add3A_399 = arith.addf %mul3A_398, %broadcast_in_dim3A_366 : vector<16xf32>
    %swap3A_400 = arith.constant 5 : i32
    %swap3A_401 = arith.index_cast %swap3A_400 : i32 to index
    %swap3A_402 = arith.constant 16 : index
    %swap3A_403 = tpu.vector_load %arg13[%swap3A_401, %swap3A_402] {strides = array<i32>} : memref<64x32xf32, #tpu.memory_space<vmem>>, vector<1x16xf32>,
    %swap3A_404 = vector.shape_cast %swap3A_403 : vector<1x16xf32> to vector<16xf32>
    %swap3A_405 = vector.shape_cast %add3A_399 : vector<16xf32> to vector<1x16xf32>
    tpu.vector_store %arg13[%swap3A_401, %swap3A_402], %swap3A_405 {strides = array<i32>} : memref<64x32xf32, #tpu.memory_space<vmem>>, vector<1x16xf32>,
    %mul3A_406 = arith.mulf %get3A_397, %broadcast_in_dim3A_369 : vector<16xf32>
    %swap3A_407 = arith.constant 5 : i32
    %swap3A_408 = arith.index_cast %swap3A_407 : i32 to index
    %swap3A_409 = arith.constant 16 : index
    %swap3A_410 = tpu.vector_load %arg14[%swap3A_408, %swap3A_409] {strides = array<i32>} : memref<64x32xf32, #tpu.memory_space<vmem>>, vector<1x16xf32>,
    %swap3A_411 = vector.shape_cast %swap3A_410 : vector<1x16xf32> to vector<16xf32>
    %swap3A_412 = vector.shape_cast %mul3A_406 : vector<16xf32> to vector<1x16xf32>
    tpu.vector_store %arg14[%swap3A_408, %swap3A_409], %swap3A_412 {strides = array<i32>} : memref<64x32xf32, #tpu.memory_space<vmem>>, vector<1x16xf32>,
    %slice3A_413 = vector.extract_strided_slice %select_n3A_116 {offsets = [6], sizes = [1], strides = [1]} : vector<16xf32> to vector<1xf32>
    %broadcast_in_dim3A_414 = vector.shape_cast %slice3A_413 : vector<1xf32> to vector<1xf32>
    %broadcast_in_dim3A_415 = vector.broadcast %broadcast_in_dim3A_414 : vector<1xf32> to vector<16xf32>
    %slice3A_416 = vector.extract_strided_slice %select_n3A_118 {offsets = [6], sizes = [1], strides = [1]} : vector<16xf32> to vector<1xf32>
    %broadcast_in_dim3A_417 = vector.shape_cast %slice3A_416 : vector<1xf32> to vector<1xf32>
    %broadcast_in_dim3A_418 = vector.broadcast %broadcast_in_dim3A_417 : vector<1xf32> to vector<16xf32>
    %slice3A_419 = vector.extract_strided_slice %select_n3A_119 {offsets = [6], sizes = [1], strides = [1]} : vector<16xf32> to vector<1xf32>
    %broadcast_in_dim3A_420 = vector.shape_cast %slice3A_419 : vector<1xf32> to vector<1xf32>
    %broadcast_in_dim3A_421 = vector.broadcast %broadcast_in_dim3A_420 : vector<1xf32> to vector<16xf32>
    %get3A_422 = arith.constant 6 : i32
    %get3A_423 = arith.index_cast %get3A_422 : i32 to index
    %get3A_424 = arith.constant 0 : index
    %get3A_425 = tpu.vector_load %arg12[%get3A_423, %get3A_424] {strides = array<i32>} : memref<64x128xf32, #tpu.memory_space<vmem>>, vector<1x16xf32>,
    %get3A_426 = vector.shape_cast %get3A_425 : vector<1x16xf32> to vector<16xf32>
    %mul3A_427 = arith.mulf %get3A_426, %broadcast_in_dim3A_421 : vector<16xf32>
    %add3A_428 = arith.addf %mul3A_427, %broadcast_in_dim3A_415 : vector<16xf32>
    %swap3A_429 = arith.constant 6 : i32
    %swap3A_430 = arith.index_cast %swap3A_429 : i32 to index
    %swap3A_431 = arith.constant 0 : index
    %swap3A_432 = tpu.vector_load %arg13[%swap3A_430, %swap3A_431] {strides = array<i32>} : memref<64x32xf32, #tpu.memory_space<vmem>>, vector<1x16xf32>,
    %swap3A_433 = vector.shape_cast %swap3A_432 : vector<1x16xf32> to vector<16xf32>
    %swap3A_434 = vector.shape_cast %add3A_428 : vector<16xf32> to vector<1x16xf32>
    tpu.vector_store %arg13[%swap3A_430, %swap3A_431], %swap3A_434 {strides = array<i32>} : memref<64x32xf32, #tpu.memory_space<vmem>>, vector<1x16xf32>,
    %mul3A_435 = arith.mulf %get3A_426, %broadcast_in_dim3A_418 : vector<16xf32>
    %swap3A_436 = arith.constant 6 : i32
    %swap3A_437 = arith.index_cast %swap3A_436 : i32 to index
    %swap3A_438 = arith.constant 0 : index
    %swap3A_439 = tpu.vector_load %arg14[%swap3A_437, %swap3A_438] {strides = array<i32>} : memref<64x32xf32, #tpu.memory_space<vmem>>, vector<1x16xf32>,
    %swap3A_440 = vector.shape_cast %swap3A_439 : vector<1x16xf32> to vector<16xf32>
    %swap3A_441 = vector.shape_cast %mul3A_435 : vector<16xf32> to vector<1x16xf32>
    tpu.vector_store %arg14[%swap3A_437, %swap3A_438], %swap3A_441 {strides = array<i32>} : memref<64x32xf32, #tpu.memory_space<vmem>>, vector<1x16xf32>,
    %get3A_442 = arith.constant 6 : i32
    %get3A_443 = arith.index_cast %get3A_442 : i32 to index
    %get3A_444 = arith.constant 16 : index
    %get3A_445 = tpu.vector_load %arg12[%get3A_443, %get3A_444] {strides = array<i32>} : memref<64x128xf32, #tpu.memory_space<vmem>>, vector<1x16xf32>,
    %get3A_446 = vector.shape_cast %get3A_445 : vector<1x16xf32> to vector<16xf32>
    %mul3A_447 = arith.mulf %get3A_446, %broadcast_in_dim3A_421 : vector<16xf32>
    %add3A_448 = arith.addf %mul3A_447, %broadcast_in_dim3A_415 : vector<16xf32>
    %swap3A_449 = arith.constant 6 : i32
    %swap3A_450 = arith.index_cast %swap3A_449 : i32 to index
    %swap3A_451 = arith.constant 16 : index
    %swap3A_452 = tpu.vector_load %arg13[%swap3A_450, %swap3A_451] {strides = array<i32>} : memref<64x32xf32, #tpu.memory_space<vmem>>, vector<1x16xf32>,
    %swap3A_453 = vector.shape_cast %swap3A_452 : vector<1x16xf32> to vector<16xf32>
    %swap3A_454 = vector.shape_cast %add3A_448 : vector<16xf32> to vector<1x16xf32>
    tpu.vector_store %arg13[%swap3A_450, %swap3A_451], %swap3A_454 {strides = array<i32>} : memref<64x32xf32, #tpu.memory_space<vmem>>, vector<1x16xf32>,
    %mul3A_455 = arith.mulf %get3A_446, %broadcast_in_dim3A_418 : vector<16xf32>
    %swap3A_456 = arith.constant 6 : i32
    %swap3A_457 = arith.index_cast %swap3A_456 : i32 to index
    %swap3A_458 = arith.constant 16 : index
    %swap3A_459 = tpu.vector_load %arg14[%swap3A_457, %swap3A_458] {strides = array<i32>} : memref<64x32xf32, #tpu.memory_space<vmem>>, vector<1x16xf32>,
    %swap3A_460 = vector.shape_cast %swap3A_459 : vector<1x16xf32> to vector<16xf32>
    %swap3A_461 = vector.shape_cast %mul3A_455 : vector<16xf32> to vector<1x16xf32>
    tpu.vector_store %arg14[%swap3A_457, %swap3A_458], %swap3A_461 {strides = array<i32>} : memref<64x32xf32, #tpu.memory_space<vmem>>, vector<1x16xf32>,
    %slice3A_462 = vector.extract_strided_slice %select_n3A_116 {offsets = [7], sizes = [1], strides = [1]} : vector<16xf32> to vector<1xf32>
    %broadcast_in_dim3A_463 = vector.shape_cast %slice3A_462 : vector<1xf32> to vector<1xf32>
    %broadcast_in_dim3A_464 = vector.broadcast %broadcast_in_dim3A_463 : vector<1xf32> to vector<16xf32>
    %slice3A_465 = vector.extract_strided_slice %select_n3A_118 {offsets = [7], sizes = [1], strides = [1]} : vector<16xf32> to vector<1xf32>
    %broadcast_in_dim3A_466 = vector.shape_cast %slice3A_465 : vector<1xf32> to vector<1xf32>
    %broadcast_in_dim3A_467 = vector.broadcast %broadcast_in_dim3A_466 : vector<1xf32> to vector<16xf32>
    %slice3A_468 = vector.extract_strided_slice %select_n3A_119 {offsets = [7], sizes = [1], strides = [1]} : vector<16xf32> to vector<1xf32>
    %broadcast_in_dim3A_469 = vector.shape_cast %slice3A_468 : vector<1xf32> to vector<1xf32>
    %broadcast_in_dim3A_470 = vector.broadcast %broadcast_in_dim3A_469 : vector<1xf32> to vector<16xf32>
    %get3A_471 = arith.constant 7 : i32
    %get3A_472 = arith.index_cast %get3A_471 : i32 to index
    %get3A_473 = arith.constant 0 : index
    %get3A_474 = tpu.vector_load %arg12[%get3A_472, %get3A_473] {strides = array<i32>} : memref<64x128xf32, #tpu.memory_space<vmem>>, vector<1x16xf32>,
    %get3A_475 = vector.shape_cast %get3A_474 : vector<1x16xf32> to vector<16xf32>
    %mul3A_476 = arith.mulf %get3A_475, %broadcast_in_dim3A_470 : vector<16xf32>
    %add3A_477 = arith.addf %mul3A_476, %broadcast_in_dim3A_464 : vector<16xf32>
    %swap3A_478 = arith.constant 7 : i32
    %swap3A_479 = arith.index_cast %swap3A_478 : i32 to index
    %swap3A_480 = arith.constant 0 : index
    %swap3A_481 = tpu.vector_load %arg13[%swap3A_479, %swap3A_480] {strides = array<i32>} : memref<64x32xf32, #tpu.memory_space<vmem>>, vector<1x16xf32>,
    %swap3A_482 = vector.shape_cast %swap3A_481 : vector<1x16xf32> to vector<16xf32>
    %swap3A_483 = vector.shape_cast %add3A_477 : vector<16xf32> to vector<1x16xf32>
    tpu.vector_store %arg13[%swap3A_479, %swap3A_480], %swap3A_483 {strides = array<i32>} : memref<64x32xf32, #tpu.memory_space<vmem>>, vector<1x16xf32>,
    %mul3A_484 = arith.mulf %get3A_475, %broadcast_in_dim3A_467 : vector<16xf32>
    %swap3A_485 = arith.constant 7 : i32
    %swap3A_486 = arith.index_cast %swap3A_485 : i32 to index
    %swap3A_487 = arith.constant 0 : index
    %swap3A_488 = tpu.vector_load %arg14[%swap3A_486, %swap3A_487] {strides = array<i32>} : memref<64x32xf32, #tpu.memory_space<vmem>>, vector<1x16xf32>,
    %swap3A_489 = vector.shape_cast %swap3A_488 : vector<1x16xf32> to vector<16xf32>
    %swap3A_490 = vector.shape_cast %mul3A_484 : vector<16xf32> to vector<1x16xf32>
    tpu.vector_store %arg14[%swap3A_486, %swap3A_487], %swap3A_490 {strides = array<i32>} : memref<64x32xf32, #tpu.memory_space<vmem>>, vector<1x16xf32>,
    %get3A_491 = arith.constant 7 : i32
    %get3A_492 = arith.index_cast %get3A_491 : i32 to index
    %get3A_493 = arith.constant 16 : index
    %get3A_494 = tpu.vector_load %arg12[%get3A_492, %get3A_493] {strides = array<i32>} : memref<64x128xf32, #tpu.memory_space<vmem>>, vector<1x16xf32>,
    %get3A_495 = vector.shape_cast %get3A_494 : vector<1x16xf32> to vector<16xf32>
    %mul3A_496 = arith.mulf %get3A_495, %broadcast_in_dim3A_470 : vector<16xf32>
    %add3A_497 = arith.addf %mul3A_496, %broadcast_in_dim3A_464 : vector<16xf32>
    %swap3A_498 = arith.constant 7 : i32
    %swap3A_499 = arith.index_cast %swap3A_498 : i32 to index
    %swap3A_500 = arith.constant 16 : index
    %swap3A_501 = tpu.vector_load %arg13[%swap3A_499, %swap3A_500] {strides = array<i32>} : memref<64x32xf32, #tpu.memory_space<vmem>>, vector<1x16xf32>,
    %swap3A_502 = vector.shape_cast %swap3A_501 : vector<1x16xf32> to vector<16xf32>
    %swap3A_503 = vector.shape_cast %add3A_497 : vector<16xf32> to vector<1x16xf32>
    tpu.vector_store %arg13[%swap3A_499, %swap3A_500], %swap3A_503 {strides = array<i32>} : memref<64x32xf32, #tpu.memory_space<vmem>>, vector<1x16xf32>,
    %mul3A_504 = arith.mulf %get3A_495, %broadcast_in_dim3A_467 : vector<16xf32>
    %swap3A_505 = arith.constant 7 : i32
    %swap3A_506 = arith.index_cast %swap3A_505 : i32 to index
    %swap3A_507 = arith.constant 16 : index
    %swap3A_508 = tpu.vector_load %arg14[%swap3A_506, %swap3A_507] {strides = array<i32>} : memref<64x32xf32, #tpu.memory_space<vmem>>, vector<1x16xf32>,
    %swap3A_509 = vector.shape_cast %swap3A_508 : vector<1x16xf32> to vector<16xf32>
    %swap3A_510 = vector.shape_cast %mul3A_504 : vector<16xf32> to vector<1x16xf32>
    tpu.vector_store %arg14[%swap3A_506, %swap3A_507], %swap3A_510 {strides = array<i32>} : memref<64x32xf32, #tpu.memory_space<vmem>>, vector<1x16xf32>,
    %slice3A_511 = vector.extract_strided_slice %select_n3A_116 {offsets = [8], sizes = [1], strides = [1]} : vector<16xf32> to vector<1xf32>
    %broadcast_in_dim3A_512 = vector.shape_cast %slice3A_511 : vector<1xf32> to vector<1xf32>
    %broadcast_in_dim3A_513 = vector.broadcast %broadcast_in_dim3A_512 : vector<1xf32> to vector<16xf32>
    %slice3A_514 = vector.extract_strided_slice %select_n3A_118 {offsets = [8], sizes = [1], strides = [1]} : vector<16xf32> to vector<1xf32>
    %broadcast_in_dim3A_515 = vector.shape_cast %slice3A_514 : vector<1xf32> to vector<1xf32>
    %broadcast_in_dim3A_516 = vector.broadcast %broadcast_in_dim3A_515 : vector<1xf32> to vector<16xf32>
    %slice3A_517 = vector.extract_strided_slice %select_n3A_119 {offsets = [8], sizes = [1], strides = [1]} : vector<16xf32> to vector<1xf32>
    %broadcast_in_dim3A_518 = vector.shape_cast %slice3A_517 : vector<1xf32> to vector<1xf32>
    %broadcast_in_dim3A_519 = vector.broadcast %broadcast_in_dim3A_518 : vector<1xf32> to vector<16xf32>
    %get3A_520 = arith.constant 8 : i32
    %get3A_521 = arith.index_cast %get3A_520 : i32 to index
    %get3A_522 = arith.constant 0 : index
    %get3A_523 = tpu.vector_load %arg12[%get3A_521, %get3A_522] {strides = array<i32>} : memref<64x128xf32, #tpu.memory_space<vmem>>, vector<1x16xf32>,
    %get3A_524 = vector.shape_cast %get3A_523 : vector<1x16xf32> to vector<16xf32>
    %mul3A_525 = arith.mulf %get3A_524, %broadcast_in_dim3A_519 : vector<16xf32>
    %add3A_526 = arith.addf %mul3A_525, %broadcast_in_dim3A_513 : vector<16xf32>
    %swap3A_527 = arith.constant 8 : i32
    %swap3A_528 = arith.index_cast %swap3A_527 : i32 to index
    %swap3A_529 = arith.constant 0 : index
    %swap3A_530 = tpu.vector_load %arg13[%swap3A_528, %swap3A_529] {strides = array<i32>} : memref<64x32xf32, #tpu.memory_space<vmem>>, vector<1x16xf32>,
    %swap3A_531 = vector.shape_cast %swap3A_530 : vector<1x16xf32> to vector<16xf32>
    %swap3A_532 = vector.shape_cast %add3A_526 : vector<16xf32> to vector<1x16xf32>
    tpu.vector_store %arg13[%swap3A_528, %swap3A_529], %swap3A_532 {strides = array<i32>} : memref<64x32xf32, #tpu.memory_space<vmem>>, vector<1x16xf32>,
    %mul3A_533 = arith.mulf %get3A_524, %broadcast_in_dim3A_516 : vector<16xf32>
    %swap3A_534 = arith.constant 8 : i32
    %swap3A_535 = arith.index_cast %swap3A_534 : i32 to index
    %swap3A_536 = arith.constant 0 : index
    %swap3A_537 = tpu.vector_load %arg14[%swap3A_535, %swap3A_536] {strides = array<i32>} : memref<64x32xf32, #tpu.memory_space<vmem>>, vector<1x16xf32>,
    %swap3A_538 = vector.shape_cast %swap3A_537 : vector<1x16xf32> to vector<16xf32>
    %swap3A_539 = vector.shape_cast %mul3A_533 : vector<16xf32> to vector<1x16xf32>
    tpu.vector_store %arg14[%swap3A_535, %swap3A_536], %swap3A_539 {strides = array<i32>} : memref<64x32xf32, #tpu.memory_space<vmem>>, vector<1x16xf32>,
    %get3A_540 = arith.constant 8 : i32
    %get3A_541 = arith.index_cast %get3A_540 : i32 to index
    %get3A_542 = arith.constant 16 : index
    %get3A_543 = tpu.vector_load %arg12[%get3A_541, %get3A_542] {strides = array<i32>} : memref<64x128xf32, #tpu.memory_space<vmem>>, vector<1x16xf32>,
    %get3A_544 = vector.shape_cast %get3A_543 : vector<1x16xf32> to vector<16xf32>
    %mul3A_545 = arith.mulf %get3A_544, %broadcast_in_dim3A_519 : vector<16xf32>
    %add3A_546 = arith.addf %mul3A_545, %broadcast_in_dim3A_513 : vector<16xf32>
    %swap3A_547 = arith.constant 8 : i32
    %swap3A_548 = arith.index_cast %swap3A_547 : i32 to index
    %swap3A_549 = arith.constant 16 : index
    %swap3A_550 = tpu.vector_load %arg13[%swap3A_548, %swap3A_549] {strides = array<i32>} : memref<64x32xf32, #tpu.memory_space<vmem>>, vector<1x16xf32>,
    %swap3A_551 = vector.shape_cast %swap3A_550 : vector<1x16xf32> to vector<16xf32>
    %swap3A_552 = vector.shape_cast %add3A_546 : vector<16xf32> to vector<1x16xf32>
    tpu.vector_store %arg13[%swap3A_548, %swap3A_549], %swap3A_552 {strides = array<i32>} : memref<64x32xf32, #tpu.memory_space<vmem>>, vector<1x16xf32>,
    %mul3A_553 = arith.mulf %get3A_544, %broadcast_in_dim3A_516 : vector<16xf32>
    %swap3A_554 = arith.constant 8 : i32
    %swap3A_555 = arith.index_cast %swap3A_554 : i32 to index
    %swap3A_556 = arith.constant 16 : index
    %swap3A_557 = tpu.vector_load %arg14[%swap3A_555, %swap3A_556] {strides = array<i32>} : memref<64x32xf32, #tpu.memory_space<vmem>>, vector<1x16xf32>,
    %swap3A_558 = vector.shape_cast %swap3A_557 : vector<1x16xf32> to vector<16xf32>
    %swap3A_559 = vector.shape_cast %mul3A_553 : vector<16xf32> to vector<1x16xf32>
    tpu.vector_store %arg14[%swap3A_555, %swap3A_556], %swap3A_559 {strides = array<i32>} : memref<64x32xf32, #tpu.memory_space<vmem>>, vector<1x16xf32>,
    %slice3A_560 = vector.extract_strided_slice %select_n3A_116 {offsets = [9], sizes = [1], strides = [1]} : vector<16xf32> to vector<1xf32>
    %broadcast_in_dim3A_561 = vector.shape_cast %slice3A_560 : vector<1xf32> to vector<1xf32>
    %broadcast_in_dim3A_562 = vector.broadcast %broadcast_in_dim3A_561 : vector<1xf32> to vector<16xf32>
    %slice3A_563 = vector.extract_strided_slice %select_n3A_118 {offsets = [9], sizes = [1], strides = [1]} : vector<16xf32> to vector<1xf32>
    %broadcast_in_dim3A_564 = vector.shape_cast %slice3A_563 : vector<1xf32> to vector<1xf32>
    %broadcast_in_dim3A_565 = vector.broadcast %broadcast_in_dim3A_564 : vector<1xf32> to vector<16xf32>
    %slice3A_566 = vector.extract_strided_slice %select_n3A_119 {offsets = [9], sizes = [1], strides = [1]} : vector<16xf32> to vector<1xf32>
    %broadcast_in_dim3A_567 = vector.shape_cast %slice3A_566 : vector<1xf32> to vector<1xf32>
    %broadcast_in_dim3A_568 = vector.broadcast %broadcast_in_dim3A_567 : vector<1xf32> to vector<16xf32>
    %get3A_569 = arith.constant 9 : i32
    %get3A_570 = arith.index_cast %get3A_569 : i32 to index
    %get3A_571 = arith.constant 0 : index
    %get3A_572 = tpu.vector_load %arg12[%get3A_570, %get3A_571] {strides = array<i32>} : memref<64x128xf32, #tpu.memory_space<vmem>>, vector<1x16xf32>,
    %get3A_573 = vector.shape_cast %get3A_572 : vector<1x16xf32> to vector<16xf32>
    %mul3A_574 = arith.mulf %get3A_573, %broadcast_in_dim3A_568 : vector<16xf32>
    %add3A_575 = arith.addf %mul3A_574, %broadcast_in_dim3A_562 : vector<16xf32>
    %swap3A_576 = arith.constant 9 : i32
    %swap3A_577 = arith.index_cast %swap3A_576 : i32 to index
    %swap3A_578 = arith.constant 0 : index
    %swap3A_579 = tpu.vector_load %arg13[%swap3A_577, %swap3A_578] {strides = array<i32>} : memref<64x32xf32, #tpu.memory_space<vmem>>, vector<1x16xf32>,
    %swap3A_580 = vector.shape_cast %swap3A_579 : vector<1x16xf32> to vector<16xf32>
    %swap3A_581 = vector.shape_cast %add3A_575 : vector<16xf32> to vector<1x16xf32>
    tpu.vector_store %arg13[%swap3A_577, %swap3A_578], %swap3A_581 {strides = array<i32>} : memref<64x32xf32, #tpu.memory_space<vmem>>, vector<1x16xf32>,
    %mul3A_582 = arith.mulf %get3A_573, %broadcast_in_dim3A_565 : vector<16xf32>
    %swap3A_583 = arith.constant 9 : i32
    %swap3A_584 = arith.index_cast %swap3A_583 : i32 to index
    %swap3A_585 = arith.constant 0 : index
    %swap3A_586 = tpu.vector_load %arg14[%swap3A_584, %swap3A_585] {strides = array<i32>} : memref<64x32xf32, #tpu.memory_space<vmem>>, vector<1x16xf32>,
    %swap3A_587 = vector.shape_cast %swap3A_586 : vector<1x16xf32> to vector<16xf32>
    %swap3A_588 = vector.shape_cast %mul3A_582 : vector<16xf32> to vector<1x16xf32>
    tpu.vector_store %arg14[%swap3A_584, %swap3A_585], %swap3A_588 {strides = array<i32>} : memref<64x32xf32, #tpu.memory_space<vmem>>, vector<1x16xf32>,
    %get3A_589 = arith.constant 9 : i32
    %get3A_590 = arith.index_cast %get3A_589 : i32 to index
    %get3A_591 = arith.constant 16 : index
    %get3A_592 = tpu.vector_load %arg12[%get3A_590, %get3A_591] {strides = array<i32>} : memref<64x128xf32, #tpu.memory_space<vmem>>, vector<1x16xf32>,
    %get3A_593 = vector.shape_cast %get3A_592 : vector<1x16xf32> to vector<16xf32>
    %mul3A_594 = arith.mulf %get3A_593, %broadcast_in_dim3A_568 : vector<16xf32>
    %add3A_595 = arith.addf %mul3A_594, %broadcast_in_dim3A_562 : vector<16xf32>
    %swap3A_596 = arith.constant 9 : i32
    %swap3A_597 = arith.index_cast %swap3A_596 : i32 to index
    %swap3A_598 = arith.constant 16 : index
    %swap3A_599 = tpu.vector_load %arg13[%swap3A_597, %swap3A_598] {strides = array<i32>} : memref<64x32xf32, #tpu.memory_space<vmem>>, vector<1x16xf32>,
    %swap3A_600 = vector.shape_cast %swap3A_599 : vector<1x16xf32> to vector<16xf32>
    %swap3A_601 = vector.shape_cast %add3A_595 : vector<16xf32> to vector<1x16xf32>
    tpu.vector_store %arg13[%swap3A_597, %swap3A_598], %swap3A_601 {strides = array<i32>} : memref<64x32xf32, #tpu.memory_space<vmem>>, vector<1x16xf32>,
    %mul3A_602 = arith.mulf %get3A_593, %broadcast_in_dim3A_565 : vector<16xf32>
    %swap3A_603 = arith.constant 9 : i32
    %swap3A_604 = arith.index_cast %swap3A_603 : i32 to index
    %swap3A_605 = arith.constant 16 : index
    %swap3A_606 = tpu.vector_load %arg14[%swap3A_604, %swap3A_605] {strides = array<i32>} : memref<64x32xf32, #tpu.memory_space<vmem>>, vector<1x16xf32>,
    %swap3A_607 = vector.shape_cast %swap3A_606 : vector<1x16xf32> to vector<16xf32>
    %swap3A_608 = vector.shape_cast %mul3A_602 : vector<16xf32> to vector<1x16xf32>
    tpu.vector_store %arg14[%swap3A_604, %swap3A_605], %swap3A_608 {strides = array<i32>} : memref<64x32xf32, #tpu.memory_space<vmem>>, vector<1x16xf32>,
    %slice3A_609 = vector.extract_strided_slice %select_n3A_116 {offsets = [10], sizes = [1], strides = [1]} : vector<16xf32> to vector<1xf32>
    %broadcast_in_dim3A_610 = vector.shape_cast %slice3A_609 : vector<1xf32> to vector<1xf32>
    %broadcast_in_dim3A_611 = vector.broadcast %broadcast_in_dim3A_610 : vector<1xf32> to vector<16xf32>
    %slice3A_612 = vector.extract_strided_slice %select_n3A_118 {offsets = [10], sizes = [1], strides = [1]} : vector<16xf32> to vector<1xf32>
    %broadcast_in_dim3A_613 = vector.shape_cast %slice3A_612 : vector<1xf32> to vector<1xf32>
    %broadcast_in_dim3A_614 = vector.broadcast %broadcast_in_dim3A_613 : vector<1xf32> to vector<16xf32>
    %slice3A_615 = vector.extract_strided_slice %select_n3A_119 {offsets = [10], sizes = [1], strides = [1]} : vector<16xf32> to vector<1xf32>
    %broadcast_in_dim3A_616 = vector.shape_cast %slice3A_615 : vector<1xf32> to vector<1xf32>
    %broadcast_in_dim3A_617 = vector.broadcast %broadcast_in_dim3A_616 : vector<1xf32> to vector<16xf32>
    %get3A_618 = arith.constant 10 : i32
    %get3A_619 = arith.index_cast %get3A_618 : i32 to index
    %get3A_620 = arith.constant 0 : index
    %get3A_621 = tpu.vector_load %arg12[%get3A_619, %get3A_620] {strides = array<i32>} : memref<64x128xf32, #tpu.memory_space<vmem>>, vector<1x16xf32>,
    %get3A_622 = vector.shape_cast %get3A_621 : vector<1x16xf32> to vector<16xf32>
    %mul3A_623 = arith.mulf %get3A_622, %broadcast_in_dim3A_617 : vector<16xf32>
    %add3A_624 = arith.addf %mul3A_623, %broadcast_in_dim3A_611 : vector<16xf32>
    %swap3A_625 = arith.constant 10 : i32
    %swap3A_626 = arith.index_cast %swap3A_625 : i32 to index
    %swap3A_627 = arith.constant 0 : index
    %swap3A_628 = tpu.vector_load %arg13[%swap3A_626, %swap3A_627] {strides = array<i32>} : memref<64x32xf32, #tpu.memory_space<vmem>>, vector<1x16xf32>,
    %swap3A_629 = vector.shape_cast %swap3A_628 : vector<1x16xf32> to vector<16xf32>
    %swap3A_630 = vector.shape_cast %add3A_624 : vector<16xf32> to vector<1x16xf32>
    tpu.vector_store %arg13[%swap3A_626, %swap3A_627], %swap3A_630 {strides = array<i32>} : memref<64x32xf32, #tpu.memory_space<vmem>>, vector<1x16xf32>,
    %mul3A_631 = arith.mulf %get3A_622, %broadcast_in_dim3A_614 : vector<16xf32>
    %swap3A_632 = arith.constant 10 : i32
    %swap3A_633 = arith.index_cast %swap3A_632 : i32 to index
    %swap3A_634 = arith.constant 0 : index
    %swap3A_635 = tpu.vector_load %arg14[%swap3A_633, %swap3A_634] {strides = array<i32>} : memref<64x32xf32, #tpu.memory_space<vmem>>, vector<1x16xf32>,
    %swap3A_636 = vector.shape_cast %swap3A_635 : vector<1x16xf32> to vector<16xf32>
    %swap3A_637 = vector.shape_cast %mul3A_631 : vector<16xf32> to vector<1x16xf32>
    tpu.vector_store %arg14[%swap3A_633, %swap3A_634], %swap3A_637 {strides = array<i32>} : memref<64x32xf32, #tpu.memory_space<vmem>>, vector<1x16xf32>,
    %get3A_638 = arith.constant 10 : i32
    %get3A_639 = arith.index_cast %get3A_638 : i32 to index
    %get3A_640 = arith.constant 16 : index
    %get3A_641 = tpu.vector_load %arg12[%get3A_639, %get3A_640] {strides = array<i32>} : memref<64x128xf32, #tpu.memory_space<vmem>>, vector<1x16xf32>,
    %get3A_642 = vector.shape_cast %get3A_641 : vector<1x16xf32> to vector<16xf32>
    %mul3A_643 = arith.mulf %get3A_642, %broadcast_in_dim3A_617 : vector<16xf32>
    %add3A_644 = arith.addf %mul3A_643, %broadcast_in_dim3A_611 : vector<16xf32>
    %swap3A_645 = arith.constant 10 : i32
    %swap3A_646 = arith.index_cast %swap3A_645 : i32 to index
    %swap3A_647 = arith.constant 16 : index
    %swap3A_648 = tpu.vector_load %arg13[%swap3A_646, %swap3A_647] {strides = array<i32>} : memref<64x32xf32, #tpu.memory_space<vmem>>, vector<1x16xf32>,
    %swap3A_649 = vector.shape_cast %swap3A_648 : vector<1x16xf32> to vector<16xf32>
    %swap3A_650 = vector.shape_cast %add3A_644 : vector<16xf32> to vector<1x16xf32>
    tpu.vector_store %arg13[%swap3A_646, %swap3A_647], %swap3A_650 {strides = array<i32>} : memref<64x32xf32, #tpu.memory_space<vmem>>, vector<1x16xf32>,
    %mul3A_651 = arith.mulf %get3A_642, %broadcast_in_dim3A_614 : vector<16xf32>
    %swap3A_652 = arith.constant 10 : i32
    %swap3A_653 = arith.index_cast %swap3A_652 : i32 to index
    %swap3A_654 = arith.constant 16 : index
    %swap3A_655 = tpu.vector_load %arg14[%swap3A_653, %swap3A_654] {strides = array<i32>} : memref<64x32xf32, #tpu.memory_space<vmem>>, vector<1x16xf32>,
    %swap3A_656 = vector.shape_cast %swap3A_655 : vector<1x16xf32> to vector<16xf32>
    %swap3A_657 = vector.shape_cast %mul3A_651 : vector<16xf32> to vector<1x16xf32>
    tpu.vector_store %arg14[%swap3A_653, %swap3A_654], %swap3A_657 {strides = array<i32>} : memref<64x32xf32, #tpu.memory_space<vmem>>, vector<1x16xf32>,
    %slice3A_658 = vector.extract_strided_slice %select_n3A_116 {offsets = [11], sizes = [1], strides = [1]} : vector<16xf32> to vector<1xf32>
    %broadcast_in_dim3A_659 = vector.shape_cast %slice3A_658 : vector<1xf32> to vector<1xf32>
    %broadcast_in_dim3A_660 = vector.broadcast %broadcast_in_dim3A_659 : vector<1xf32> to vector<16xf32>
    %slice3A_661 = vector.extract_strided_slice %select_n3A_118 {offsets = [11], sizes = [1], strides = [1]} : vector<16xf32> to vector<1xf32>
    %broadcast_in_dim3A_662 = vector.shape_cast %slice3A_661 : vector<1xf32> to vector<1xf32>
    %broadcast_in_dim3A_663 = vector.broadcast %broadcast_in_dim3A_662 : vector<1xf32> to vector<16xf32>
    %slice3A_664 = vector.extract_strided_slice %select_n3A_119 {offsets = [11], sizes = [1], strides = [1]} : vector<16xf32> to vector<1xf32>
    %broadcast_in_dim3A_665 = vector.shape_cast %slice3A_664 : vector<1xf32> to vector<1xf32>
    %broadcast_in_dim3A_666 = vector.broadcast %broadcast_in_dim3A_665 : vector<1xf32> to vector<16xf32>
    %get3A_667 = arith.constant 11 : i32
    %get3A_668 = arith.index_cast %get3A_667 : i32 to index
    %get3A_669 = arith.constant 0 : index
    %get3A_670 = tpu.vector_load %arg12[%get3A_668, %get3A_669] {strides = array<i32>} : memref<64x128xf32, #tpu.memory_space<vmem>>, vector<1x16xf32>,
    %get3A_671 = vector.shape_cast %get3A_670 : vector<1x16xf32> to vector<16xf32>
    %mul3A_672 = arith.mulf %get3A_671, %broadcast_in_dim3A_666 : vector<16xf32>
    %add3A_673 = arith.addf %mul3A_672, %broadcast_in_dim3A_660 : vector<16xf32>
    %swap3A_674 = arith.constant 11 : i32
    %swap3A_675 = arith.index_cast %swap3A_674 : i32 to index
    %swap3A_676 = arith.constant 0 : index
    %swap3A_677 = tpu.vector_load %arg13[%swap3A_675, %swap3A_676] {strides = array<i32>} : memref<64x32xf32, #tpu.memory_space<vmem>>, vector<1x16xf32>,
    %swap3A_678 = vector.shape_cast %swap3A_677 : vector<1x16xf32> to vector<16xf32>
    %swap3A_679 = vector.shape_cast %add3A_673 : vector<16xf32> to vector<1x16xf32>
    tpu.vector_store %arg13[%swap3A_675, %swap3A_676], %swap3A_679 {strides = array<i32>} : memref<64x32xf32, #tpu.memory_space<vmem>>, vector<1x16xf32>,
    %mul3A_680 = arith.mulf %get3A_671, %broadcast_in_dim3A_663 : vector<16xf32>
    %swap3A_681 = arith.constant 11 : i32
    %swap3A_682 = arith.index_cast %swap3A_681 : i32 to index
    %swap3A_683 = arith.constant 0 : index
    %swap3A_684 = tpu.vector_load %arg14[%swap3A_682, %swap3A_683] {strides = array<i32>} : memref<64x32xf32, #tpu.memory_space<vmem>>, vector<1x16xf32>,
    %swap3A_685 = vector.shape_cast %swap3A_684 : vector<1x16xf32> to vector<16xf32>
    %swap3A_686 = vector.shape_cast %mul3A_680 : vector<16xf32> to vector<1x16xf32>
    tpu.vector_store %arg14[%swap3A_682, %swap3A_683], %swap3A_686 {strides = array<i32>} : memref<64x32xf32, #tpu.memory_space<vmem>>, vector<1x16xf32>,
    %get3A_687 = arith.constant 11 : i32
    %get3A_688 = arith.index_cast %get3A_687 : i32 to index
    %get3A_689 = arith.constant 16 : index
    %get3A_690 = tpu.vector_load %arg12[%get3A_688, %get3A_689] {strides = array<i32>} : memref<64x128xf32, #tpu.memory_space<vmem>>, vector<1x16xf32>,
    %get3A_691 = vector.shape_cast %get3A_690 : vector<1x16xf32> to vector<16xf32>
    %mul3A_692 = arith.mulf %get3A_691, %broadcast_in_dim3A_666 : vector<16xf32>
    %add3A_693 = arith.addf %mul3A_692, %broadcast_in_dim3A_660 : vector<16xf32>
    %swap3A_694 = arith.constant 11 : i32
    %swap3A_695 = arith.index_cast %swap3A_694 : i32 to index
    %swap3A_696 = arith.constant 16 : index
    %swap3A_697 = tpu.vector_load %arg13[%swap3A_695, %swap3A_696] {strides = array<i32>} : memref<64x32xf32, #tpu.memory_space<vmem>>, vector<1x16xf32>,
    %swap3A_698 = vector.shape_cast %swap3A_697 : vector<1x16xf32> to vector<16xf32>
    %swap3A_699 = vector.shape_cast %add3A_693 : vector<16xf32> to vector<1x16xf32>
    tpu.vector_store %arg13[%swap3A_695, %swap3A_696], %swap3A_699 {strides = array<i32>} : memref<64x32xf32, #tpu.memory_space<vmem>>, vector<1x16xf32>,
    %mul3A_700 = arith.mulf %get3A_691, %broadcast_in_dim3A_663 : vector<16xf32>
    %swap3A_701 = arith.constant 11 : i32
    %swap3A_702 = arith.index_cast %swap3A_701 : i32 to index
    %swap3A_703 = arith.constant 16 : index
    %swap3A_704 = tpu.vector_load %arg14[%swap3A_702, %swap3A_703] {strides = array<i32>} : memref<64x32xf32, #tpu.memory_space<vmem>>, vector<1x16xf32>,
    %swap3A_705 = vector.shape_cast %swap3A_704 : vector<1x16xf32> to vector<16xf32>
    %swap3A_706 = vector.shape_cast %mul3A_700 : vector<16xf32> to vector<1x16xf32>
    tpu.vector_store %arg14[%swap3A_702, %swap3A_703], %swap3A_706 {strides = array<i32>} : memref<64x32xf32, #tpu.memory_space<vmem>>, vector<1x16xf32>,
    %slice3A_707 = vector.extract_strided_slice %select_n3A_116 {offsets = [12], sizes = [1], strides = [1]} : vector<16xf32> to vector<1xf32>
    %broadcast_in_dim3A_708 = vector.shape_cast %slice3A_707 : vector<1xf32> to vector<1xf32>
    %broadcast_in_dim3A_709 = vector.broadcast %broadcast_in_dim3A_708 : vector<1xf32> to vector<16xf32>
    %slice3A_710 = vector.extract_strided_slice %select_n3A_118 {offsets = [12], sizes = [1], strides = [1]} : vector<16xf32> to vector<1xf32>
    %broadcast_in_dim3A_711 = vector.shape_cast %slice3A_710 : vector<1xf32> to vector<1xf32>
    %broadcast_in_dim3A_712 = vector.broadcast %broadcast_in_dim3A_711 : vector<1xf32> to vector<16xf32>
    %slice3A_713 = vector.extract_strided_slice %select_n3A_119 {offsets = [12], sizes = [1], strides = [1]} : vector<16xf32> to vector<1xf32>
    %broadcast_in_dim3A_714 = vector.shape_cast %slice3A_713 : vector<1xf32> to vector<1xf32>
    %broadcast_in_dim3A_715 = vector.broadcast %broadcast_in_dim3A_714 : vector<1xf32> to vector<16xf32>
    %get3A_716 = arith.constant 12 : i32
    %get3A_717 = arith.index_cast %get3A_716 : i32 to index
    %get3A_718 = arith.constant 0 : index
    %get3A_719 = tpu.vector_load %arg12[%get3A_717, %get3A_718] {strides = array<i32>} : memref<64x128xf32, #tpu.memory_space<vmem>>, vector<1x16xf32>,
    %get3A_720 = vector.shape_cast %get3A_719 : vector<1x16xf32> to vector<16xf32>
    %mul3A_721 = arith.mulf %get3A_720, %broadcast_in_dim3A_715 : vector<16xf32>
    %add3A_722 = arith.addf %mul3A_721, %broadcast_in_dim3A_709 : vector<16xf32>
    %swap3A_723 = arith.constant 12 : i32
    %swap3A_724 = arith.index_cast %swap3A_723 : i32 to index
    %swap3A_725 = arith.constant 0 : index
    %swap3A_726 = tpu.vector_load %arg13[%swap3A_724, %swap3A_725] {strides = array<i32>} : memref<64x32xf32, #tpu.memory_space<vmem>>, vector<1x16xf32>,
    %swap3A_727 = vector.shape_cast %swap3A_726 : vector<1x16xf32> to vector<16xf32>
    %swap3A_728 = vector.shape_cast %add3A_722 : vector<16xf32> to vector<1x16xf32>
    tpu.vector_store %arg13[%swap3A_724, %swap3A_725], %swap3A_728 {strides = array<i32>} : memref<64x32xf32, #tpu.memory_space<vmem>>, vector<1x16xf32>,
    %mul3A_729 = arith.mulf %get3A_720, %broadcast_in_dim3A_712 : vector<16xf32>
    %swap3A_730 = arith.constant 12 : i32
    %swap3A_731 = arith.index_cast %swap3A_730 : i32 to index
    %swap3A_732 = arith.constant 0 : index
    %swap3A_733 = tpu.vector_load %arg14[%swap3A_731, %swap3A_732] {strides = array<i32>} : memref<64x32xf32, #tpu.memory_space<vmem>>, vector<1x16xf32>,
    %swap3A_734 = vector.shape_cast %swap3A_733 : vector<1x16xf32> to vector<16xf32>
    %swap3A_735 = vector.shape_cast %mul3A_729 : vector<16xf32> to vector<1x16xf32>
    tpu.vector_store %arg14[%swap3A_731, %swap3A_732], %swap3A_735 {strides = array<i32>} : memref<64x32xf32, #tpu.memory_space<vmem>>, vector<1x16xf32>,
    %get3A_736 = arith.constant 12 : i32
    %get3A_737 = arith.index_cast %get3A_736 : i32 to index
    %get3A_738 = arith.constant 16 : index
    %get3A_739 = tpu.vector_load %arg12[%get3A_737, %get3A_738] {strides = array<i32>} : memref<64x128xf32, #tpu.memory_space<vmem>>, vector<1x16xf32>,
    %get3A_740 = vector.shape_cast %get3A_739 : vector<1x16xf32> to vector<16xf32>
    %mul3A_741 = arith.mulf %get3A_740, %broadcast_in_dim3A_715 : vector<16xf32>
    %add3A_742 = arith.addf %mul3A_741, %broadcast_in_dim3A_709 : vector<16xf32>
    %swap3A_743 = arith.constant 12 : i32
    %swap3A_744 = arith.index_cast %swap3A_743 : i32 to index
    %swap3A_745 = arith.constant 16 : index
    %swap3A_746 = tpu.vector_load %arg13[%swap3A_744, %swap3A_745] {strides = array<i32>} : memref<64x32xf32, #tpu.memory_space<vmem>>, vector<1x16xf32>,
    %swap3A_747 = vector.shape_cast %swap3A_746 : vector<1x16xf32> to vector<16xf32>
    %swap3A_748 = vector.shape_cast %add3A_742 : vector<16xf32> to vector<1x16xf32>
    tpu.vector_store %arg13[%swap3A_744, %swap3A_745], %swap3A_748 {strides = array<i32>} : memref<64x32xf32, #tpu.memory_space<vmem>>, vector<1x16xf32>,
    %mul3A_749 = arith.mulf %get3A_740, %broadcast_in_dim3A_712 : vector<16xf32>
    %swap3A_750 = arith.constant 12 : i32
    %swap3A_751 = arith.index_cast %swap3A_750 : i32 to index
    %swap3A_752 = arith.constant 16 : index
    %swap3A_753 = tpu.vector_load %arg14[%swap3A_751, %swap3A_752] {strides = array<i32>} : memref<64x32xf32, #tpu.memory_space<vmem>>, vector<1x16xf32>,
    %swap3A_754 = vector.shape_cast %swap3A_753 : vector<1x16xf32> to vector<16xf32>
    %swap3A_755 = vector.shape_cast %mul3A_749 : vector<16xf32> to vector<1x16xf32>
    tpu.vector_store %arg14[%swap3A_751, %swap3A_752], %swap3A_755 {strides = array<i32>} : memref<64x32xf32, #tpu.memory_space<vmem>>, vector<1x16xf32>,
    %slice3A_756 = vector.extract_strided_slice %select_n3A_116 {offsets = [13], sizes = [1], strides = [1]} : vector<16xf32> to vector<1xf32>
    %broadcast_in_dim3A_757 = vector.shape_cast %slice3A_756 : vector<1xf32> to vector<1xf32>
    %broadcast_in_dim3A_758 = vector.broadcast %broadcast_in_dim3A_757 : vector<1xf32> to vector<16xf32>
    %slice3A_759 = vector.extract_strided_slice %select_n3A_118 {offsets = [13], sizes = [1], strides = [1]} : vector<16xf32> to vector<1xf32>
    %broadcast_in_dim3A_760 = vector.shape_cast %slice3A_759 : vector<1xf32> to vector<1xf32>
    %broadcast_in_dim3A_761 = vector.broadcast %broadcast_in_dim3A_760 : vector<1xf32> to vector<16xf32>
    %slice3A_762 = vector.extract_strided_slice %select_n3A_119 {offsets = [13], sizes = [1], strides = [1]} : vector<16xf32> to vector<1xf32>
    %broadcast_in_dim3A_763 = vector.shape_cast %slice3A_762 : vector<1xf32> to vector<1xf32>
    %broadcast_in_dim3A_764 = vector.broadcast %broadcast_in_dim3A_763 : vector<1xf32> to vector<16xf32>
    %get3A_765 = arith.constant 13 : i32
    %get3A_766 = arith.index_cast %get3A_765 : i32 to index
    %get3A_767 = arith.constant 0 : index
    %get3A_768 = tpu.vector_load %arg12[%get3A_766, %get3A_767] {strides = array<i32>} : memref<64x128xf32, #tpu.memory_space<vmem>>, vector<1x16xf32>,
    %get3A_769 = vector.shape_cast %get3A_768 : vector<1x16xf32> to vector<16xf32>
    %mul3A_770 = arith.mulf %get3A_769, %broadcast_in_dim3A_764 : vector<16xf32>
    %add3A_771 = arith.addf %mul3A_770, %broadcast_in_dim3A_758 : vector<16xf32>
    %swap3A_772 = arith.constant 13 : i32
    %swap3A_773 = arith.index_cast %swap3A_772 : i32 to index
    %swap3A_774 = arith.constant 0 : index
    %swap3A_775 = tpu.vector_load %arg13[%swap3A_773, %swap3A_774] {strides = array<i32>} : memref<64x32xf32, #tpu.memory_space<vmem>>, vector<1x16xf32>,
    %swap3A_776 = vector.shape_cast %swap3A_775 : vector<1x16xf32> to vector<16xf32>
    %swap3A_777 = vector.shape_cast %add3A_771 : vector<16xf32> to vector<1x16xf32>
    tpu.vector_store %arg13[%swap3A_773, %swap3A_774], %swap3A_777 {strides = array<i32>} : memref<64x32xf32, #tpu.memory_space<vmem>>, vector<1x16xf32>,
    %mul3A_778 = arith.mulf %get3A_769, %broadcast_in_dim3A_761 : vector<16xf32>
    %swap3A_779 = arith.constant 13 : i32
    %swap3A_780 = arith.index_cast %swap3A_779 : i32 to index
    %swap3A_781 = arith.constant 0 : index
    %swap3A_782 = tpu.vector_load %arg14[%swap3A_780, %swap3A_781] {strides = array<i32>} : memref<64x32xf32, #tpu.memory_space<vmem>>, vector<1x16xf32>,
    %swap3A_783 = vector.shape_cast %swap3A_782 : vector<1x16xf32> to vector<16xf32>
    %swap3A_784 = vector.shape_cast %mul3A_778 : vector<16xf32> to vector<1x16xf32>
    tpu.vector_store %arg14[%swap3A_780, %swap3A_781], %swap3A_784 {strides = array<i32>} : memref<64x32xf32, #tpu.memory_space<vmem>>, vector<1x16xf32>,
    %get3A_785 = arith.constant 13 : i32
    %get3A_786 = arith.index_cast %get3A_785 : i32 to index
    %get3A_787 = arith.constant 16 : index
    %get3A_788 = tpu.vector_load %arg12[%get3A_786, %get3A_787] {strides = array<i32>} : memref<64x128xf32, #tpu.memory_space<vmem>>, vector<1x16xf32>,
    %get3A_789 = vector.shape_cast %get3A_788 : vector<1x16xf32> to vector<16xf32>
    %mul3A_790 = arith.mulf %get3A_789, %broadcast_in_dim3A_764 : vector<16xf32>
    %add3A_791 = arith.addf %mul3A_790, %broadcast_in_dim3A_758 : vector<16xf32>
    %swap3A_792 = arith.constant 13 : i32
    %swap3A_793 = arith.index_cast %swap3A_792 : i32 to index
    %swap3A_794 = arith.constant 16 : index
    %swap3A_795 = tpu.vector_load %arg13[%swap3A_793, %swap3A_794] {strides = array<i32>} : memref<64x32xf32, #tpu.memory_space<vmem>>, vector<1x16xf32>,
    %swap3A_796 = vector.shape_cast %swap3A_795 : vector<1x16xf32> to vector<16xf32>
    %swap3A_797 = vector.shape_cast %add3A_791 : vector<16xf32> to vector<1x16xf32>
    tpu.vector_store %arg13[%swap3A_793, %swap3A_794], %swap3A_797 {strides = array<i32>} : memref<64x32xf32, #tpu.memory_space<vmem>>, vector<1x16xf32>,
    %mul3A_798 = arith.mulf %get3A_789, %broadcast_in_dim3A_761 : vector<16xf32>
    %swap3A_799 = arith.constant 13 : i32
    %swap3A_800 = arith.index_cast %swap3A_799 : i32 to index
    %swap3A_801 = arith.constant 16 : index
    %swap3A_802 = tpu.vector_load %arg14[%swap3A_800, %swap3A_801] {strides = array<i32>} : memref<64x32xf32, #tpu.memory_space<vmem>>, vector<1x16xf32>,
    %swap3A_803 = vector.shape_cast %swap3A_802 : vector<1x16xf32> to vector<16xf32>
    %swap3A_804 = vector.shape_cast %mul3A_798 : vector<16xf32> to vector<1x16xf32>
    tpu.vector_store %arg14[%swap3A_800, %swap3A_801], %swap3A_804 {strides = array<i32>} : memref<64x32xf32, #tpu.memory_space<vmem>>, vector<1x16xf32>,
    %slice3A_805 = vector.extract_strided_slice %select_n3A_116 {offsets = [14], sizes = [1], strides = [1]} : vector<16xf32> to vector<1xf32>
    %broadcast_in_dim3A_806 = vector.shape_cast %slice3A_805 : vector<1xf32> to vector<1xf32>
    %broadcast_in_dim3A_807 = vector.broadcast %broadcast_in_dim3A_806 : vector<1xf32> to vector<16xf32>
    %slice3A_808 = vector.extract_strided_slice %select_n3A_118 {offsets = [14], sizes = [1], strides = [1]} : vector<16xf32> to vector<1xf32>
    %broadcast_in_dim3A_809 = vector.shape_cast %slice3A_808 : vector<1xf32> to vector<1xf32>
    %broadcast_in_dim3A_810 = vector.broadcast %broadcast_in_dim3A_809 : vector<1xf32> to vector<16xf32>
    %slice3A_811 = vector.extract_strided_slice %select_n3A_119 {offsets = [14], sizes = [1], strides = [1]} : vector<16xf32> to vector<1xf32>
    %broadcast_in_dim3A_812 = vector.shape_cast %slice3A_811 : vector<1xf32> to vector<1xf32>
    %broadcast_in_dim3A_813 = vector.broadcast %broadcast_in_dim3A_812 : vector<1xf32> to vector<16xf32>
    %get3A_814 = arith.constant 14 : i32
    %get3A_815 = arith.index_cast %get3A_814 : i32 to index
    %get3A_816 = arith.constant 0 : index
    %get3A_817 = tpu.vector_load %arg12[%get3A_815, %get3A_816] {strides = array<i32>} : memref<64x128xf32, #tpu.memory_space<vmem>>, vector<1x16xf32>,
    %get3A_818 = vector.shape_cast %get3A_817 : vector<1x16xf32> to vector<16xf32>
    %mul3A_819 = arith.mulf %get3A_818, %broadcast_in_dim3A_813 : vector<16xf32>
    %add3A_820 = arith.addf %mul3A_819, %broadcast_in_dim3A_807 : vector<16xf32>
    %swap3A_821 = arith.constant 14 : i32
    %swap3A_822 = arith.index_cast %swap3A_821 : i32 to index
    %swap3A_823 = arith.constant 0 : index
    %swap3A_824 = tpu.vector_load %arg13[%swap3A_822, %swap3A_823] {strides = array<i32>} : memref<64x32xf32, #tpu.memory_space<vmem>>, vector<1x16xf32>,
    %swap3A_825 = vector.shape_cast %swap3A_824 : vector<1x16xf32> to vector<16xf32>
    %swap3A_826 = vector.shape_cast %add3A_820 : vector<16xf32> to vector<1x16xf32>
    tpu.vector_store %arg13[%swap3A_822, %swap3A_823], %swap3A_826 {strides = array<i32>} : memref<64x32xf32, #tpu.memory_space<vmem>>, vector<1x16xf32>,
    %mul3A_827 = arith.mulf %get3A_818, %broadcast_in_dim3A_810 : vector<16xf32>
    %swap3A_828 = arith.constant 14 : i32
    %swap3A_829 = arith.index_cast %swap3A_828 : i32 to index
    %swap3A_830 = arith.constant 0 : index
    %swap3A_831 = tpu.vector_load %arg14[%swap3A_829, %swap3A_830] {strides = array<i32>} : memref<64x32xf32, #tpu.memory_space<vmem>>, vector<1x16xf32>,
    %swap3A_832 = vector.shape_cast %swap3A_831 : vector<1x16xf32> to vector<16xf32>
    %swap3A_833 = vector.shape_cast %mul3A_827 : vector<16xf32> to vector<1x16xf32>
    tpu.vector_store %arg14[%swap3A_829, %swap3A_830], %swap3A_833 {strides = array<i32>} : memref<64x32xf32, #tpu.memory_space<vmem>>, vector<1x16xf32>,
    %get3A_834 = arith.constant 14 : i32
    %get3A_835 = arith.index_cast %get3A_834 : i32 to index
    %get3A_836 = arith.constant 16 : index
    %get3A_837 = tpu.vector_load %arg12[%get3A_835, %get3A_836] {strides = array<i32>} : memref<64x128xf32, #tpu.memory_space<vmem>>, vector<1x16xf32>,
    %get3A_838 = vector.shape_cast %get3A_837 : vector<1x16xf32> to vector<16xf32>
    %mul3A_839 = arith.mulf %get3A_838, %broadcast_in_dim3A_813 : vector<16xf32>
    %add3A_840 = arith.addf %mul3A_839, %broadcast_in_dim3A_807 : vector<16xf32>
    %swap3A_841 = arith.constant 14 : i32
    %swap3A_842 = arith.index_cast %swap3A_841 : i32 to index
    %swap3A_843 = arith.constant 16 : index
    %swap3A_844 = tpu.vector_load %arg13[%swap3A_842, %swap3A_843] {strides = array<i32>} : memref<64x32xf32, #tpu.memory_space<vmem>>, vector<1x16xf32>,
    %swap3A_845 = vector.shape_cast %swap3A_844 : vector<1x16xf32> to vector<16xf32>
    %swap3A_846 = vector.shape_cast %add3A_840 : vector<16xf32> to vector<1x16xf32>
    tpu.vector_store %arg13[%swap3A_842, %swap3A_843], %swap3A_846 {strides = array<i32>} : memref<64x32xf32, #tpu.memory_space<vmem>>, vector<1x16xf32>,
    %mul3A_847 = arith.mulf %get3A_838, %broadcast_in_dim3A_810 : vector<16xf32>
    %swap3A_848 = arith.constant 14 : i32
    %swap3A_849 = arith.index_cast %swap3A_848 : i32 to index
    %swap3A_850 = arith.constant 16 : index
    %swap3A_851 = tpu.vector_load %arg14[%swap3A_849, %swap3A_850] {strides = array<i32>} : memref<64x32xf32, #tpu.memory_space<vmem>>, vector<1x16xf32>,
    %swap3A_852 = vector.shape_cast %swap3A_851 : vector<1x16xf32> to vector<16xf32>
    %swap3A_853 = vector.shape_cast %mul3A_847 : vector<16xf32> to vector<1x16xf32>
    tpu.vector_store %arg14[%swap3A_849, %swap3A_850], %swap3A_853 {strides = array<i32>} : memref<64x32xf32, #tpu.memory_space<vmem>>, vector<1x16xf32>,
    %slice3A_854 = vector.extract_strided_slice %select_n3A_116 {offsets = [15], sizes = [1], strides = [1]} : vector<16xf32> to vector<1xf32>
    %broadcast_in_dim3A_855 = vector.shape_cast %slice3A_854 : vector<1xf32> to vector<1xf32>
    %broadcast_in_dim3A_856 = vector.broadcast %broadcast_in_dim3A_855 : vector<1xf32> to vector<16xf32>
    %slice3A_857 = vector.extract_strided_slice %select_n3A_118 {offsets = [15], sizes = [1], strides = [1]} : vector<16xf32> to vector<1xf32>
    %broadcast_in_dim3A_858 = vector.shape_cast %slice3A_857 : vector<1xf32> to vector<1xf32>
    %broadcast_in_dim3A_859 = vector.broadcast %broadcast_in_dim3A_858 : vector<1xf32> to vector<16xf32>
    %slice3A_860 = vector.extract_strided_slice %select_n3A_119 {offsets = [15], sizes = [1], strides = [1]} : vector<16xf32> to vector<1xf32>
    %broadcast_in_dim3A_861 = vector.shape_cast %slice3A_860 : vector<1xf32> to vector<1xf32>
    %broadcast_in_dim3A_862 = vector.broadcast %broadcast_in_dim3A_861 : vector<1xf32> to vector<16xf32>
    %get3A_863 = arith.constant 15 : i32
    %get3A_864 = arith.index_cast %get3A_863 : i32 to index
    %get3A_865 = arith.constant 0 : index
    %get3A_866 = tpu.vector_load %arg12[%get3A_864, %get3A_865] {strides = array<i32>} : memref<64x128xf32, #tpu.memory_space<vmem>>, vector<1x16xf32>,
    %get3A_867 = vector.shape_cast %get3A_866 : vector<1x16xf32> to vector<16xf32>
    %mul3A_868 = arith.mulf %get3A_867, %broadcast_in_dim3A_862 : vector<16xf32>
    %add3A_869 = arith.addf %mul3A_868, %broadcast_in_dim3A_856 : vector<16xf32>
    %swap3A_870 = arith.constant 15 : i32
    %swap3A_871 = arith.index_cast %swap3A_870 : i32 to index
    %swap3A_872 = arith.constant 0 : index
    %swap3A_873 = tpu.vector_load %arg13[%swap3A_871, %swap3A_872] {strides = array<i32>} : memref<64x32xf32, #tpu.memory_space<vmem>>, vector<1x16xf32>,
    %swap3A_874 = vector.shape_cast %swap3A_873 : vector<1x16xf32> to vector<16xf32>
    %swap3A_875 = vector.shape_cast %add3A_869 : vector<16xf32> to vector<1x16xf32>
    tpu.vector_store %arg13[%swap3A_871, %swap3A_872], %swap3A_875 {strides = array<i32>} : memref<64x32xf32, #tpu.memory_space<vmem>>, vector<1x16xf32>,
    %mul3A_876 = arith.mulf %get3A_867, %broadcast_in_dim3A_859 : vector<16xf32>
    %swap3A_877 = arith.constant 15 : i32
    %swap3A_878 = arith.index_cast %swap3A_877 : i32 to index
    %swap3A_879 = arith.constant 0 : index
    %swap3A_880 = tpu.vector_load %arg14[%swap3A_878, %swap3A_879] {strides = array<i32>} : memref<64x32xf32, #tpu.memory_space<vmem>>, vector<1x16xf32>,
    %swap3A_881 = vector.shape_cast %swap3A_880 : vector<1x16xf32> to vector<16xf32>
    %swap3A_882 = vector.shape_cast %mul3A_876 : vector<16xf32> to vector<1x16xf32>
    tpu.vector_store %arg14[%swap3A_878, %swap3A_879], %swap3A_882 {strides = array<i32>} : memref<64x32xf32, #tpu.memory_space<vmem>>, vector<1x16xf32>,
    %get3A_883 = arith.constant 15 : i32
    %get3A_884 = arith.index_cast %get3A_883 : i32 to index
    %get3A_885 = arith.constant 16 : index
    %get3A_886 = tpu.vector_load %arg12[%get3A_884, %get3A_885] {strides = array<i32>} : memref<64x128xf32, #tpu.memory_space<vmem>>, vector<1x16xf32>,
    %get3A_887 = vector.shape_cast %get3A_886 : vector<1x16xf32> to vector<16xf32>
    %mul3A_888 = arith.mulf %get3A_887, %broadcast_in_dim3A_862 : vector<16xf32>
    %add3A_889 = arith.addf %mul3A_888, %broadcast_in_dim3A_856 : vector<16xf32>
    %swap3A_890 = arith.constant 15 : i32
    %swap3A_891 = arith.index_cast %swap3A_890 : i32 to index
    %swap3A_892 = arith.constant 16 : index
    %swap3A_893 = tpu.vector_load %arg13[%swap3A_891, %swap3A_892] {strides = array<i32>} : memref<64x32xf32, #tpu.memory_space<vmem>>, vector<1x16xf32>,
    %swap3A_894 = vector.shape_cast %swap3A_893 : vector<1x16xf32> to vector<16xf32>
    %swap3A_895 = vector.shape_cast %add3A_889 : vector<16xf32> to vector<1x16xf32>
    tpu.vector_store %arg13[%swap3A_891, %swap3A_892], %swap3A_895 {strides = array<i32>} : memref<64x32xf32, #tpu.memory_space<vmem>>, vector<1x16xf32>,
    %mul3A_896 = arith.mulf %get3A_887, %broadcast_in_dim3A_859 : vector<16xf32>
    %swap3A_897 = arith.constant 15 : i32
    %swap3A_898 = arith.index_cast %swap3A_897 : i32 to index
    %swap3A_899 = arith.constant 16 : index
    %swap3A_900 = tpu.vector_load %arg14[%swap3A_898, %swap3A_899] {strides = array<i32>} : memref<64x32xf32, #tpu.memory_space<vmem>>, vector<1x16xf32>,
    %swap3A_901 = vector.shape_cast %swap3A_900 : vector<1x16xf32> to vector<16xf32>
    %swap3A_902 = vector.shape_cast %mul3A_896 : vector<16xf32> to vector<1x16xf32>
    tpu.vector_store %arg14[%swap3A_898, %swap3A_899], %swap3A_902 {strides = array<i32>} : memref<64x32xf32, #tpu.memory_space<vmem>>, vector<1x16xf32>,
    %get3A_903 = arith.constant 16 : index
    %get3A_904 = tpu.vector_load %arg8[%get3A_903] {strides = array<i32>} : memref<64xi32, #tpu.memory_space<vmem>>, vector<16xi32>,
    %get3A_905 = vector.shape_cast %get3A_904 : vector<16xi32> to vector<16xi32>
    %get3A_906 = arith.constant 16 : index
    %get3A_907 = tpu.vector_load %arg9[%get3A_906] {strides = array<i32>} : memref<64xi32, #tpu.memory_space<vmem>>, vector<16xi32>,
    %get3A_908 = vector.shape_cast %get3A_907 : vector<16xi32> to vector<16xi32>
    %get3A_909 = arith.constant 16 : index
    %get3A_910 = tpu.vector_load %arg10[%get3A_909] {strides = array<i32>} : memref<64xi32, #tpu.memory_space<vmem>>, vector<16xi32>,
    %get3A_911 = vector.shape_cast %get3A_910 : vector<16xi32> to vector<16xi32>
    %ge3A_912 = arith.constant 2 : i32
    %ge3A_913 = vector.broadcast %ge3A_912 : i32 to vector<16xi32>
    %ge3A_914 = arith.cmpi sge, %get3A_905, %ge3A_913 : vector<16xi32>
    %le3A_915 = arith.constant 5 : i32
    %le3A_916 = vector.broadcast %le3A_915 : i32 to vector<16xi32>
    %le3A_917 = arith.cmpi sle, %get3A_905, %le3A_916 : vector<16xi32>
    %and3A_918 = arith.andi %ge3A_914, %le3A_917 : vector<16xi1>
    %lt3A_919 = arith.constant 10 : i32
    %lt3A_920 = vector.broadcast %lt3A_919 : i32 to vector<16xi32>
    %lt3A_921 = arith.cmpi slt, %get3A_908, %lt3A_920 : vector<16xi32>
    %and3A_922 = arith.andi %and3A_918, %lt3A_921 : vector<16xi1>
    %eq3A_923 = arith.constant 0 : i32
    %eq3A_924 = vector.broadcast %eq3A_923 : i32 to vector<16xi32>
    %eq3A_925 = arith.cmpi eq, %get3A_911, %eq3A_924 : vector<16xi32>
    %and3A_926 = arith.andi %and3A_922, %eq3A_925 : vector<16xi1>
    %eq3A_927 = arith.constant 1 : i32
    %eq3A_928 = vector.broadcast %eq3A_927 : i32 to vector<16xi32>
    %eq3A_929 = arith.cmpi eq, %get3A_911, %eq3A_928 : vector<16xi32>
    %and3A_930 = arith.andi %and3A_922, %eq3A_929 : vector<16xi1>
    %ge3A_931 = arith.constant 2 : i32
    %ge3A_932 = vector.broadcast %ge3A_931 : i32 to vector<16xi32>
    %ge3A_933 = arith.cmpi sge, %get3A_911, %ge3A_932 : vector<16xi32>
    %and3A_934 = arith.andi %and3A_922, %ge3A_933 : vector<16xi1>
    %select_n3A_935 = arith.select %and3A_934, %broadcast_in_dim3A_85, %broadcast_in_dim3A_83 : vector<16xi1>, vector<16xf32>
    %select_n3A_936 = arith.select %and3A_930, %broadcast_in_dim3A_83, %select_n3A_935 : vector<16xi1>, vector<16xf32>
    %select_n3A_937 = arith.select %and3A_926, %broadcast_in_dim3A_87, %select_n3A_936 : vector<16xi1>, vector<16xf32>
    %select_n3A_938 = arith.select %and3A_934, %broadcast_in_dim3A_85, %broadcast_in_dim3A_87 : vector<16xi1>, vector<16xf32>
    %select_n3A_939 = arith.select %and3A_930, %broadcast_in_dim3A_83, %select_n3A_938 : vector<16xi1>, vector<16xf32>
    %select_n3A_940 = arith.select %and3A_926, %broadcast_in_dim3A_83, %broadcast_in_dim3A_87 : vector<16xi1>, vector<16xf32>
    %slice3A_941 = vector.extract_strided_slice %select_n3A_937 {offsets = [0], sizes = [1], strides = [1]} : vector<16xf32> to vector<1xf32>
    %broadcast_in_dim3A_942 = vector.shape_cast %slice3A_941 : vector<1xf32> to vector<1xf32>
    %broadcast_in_dim3A_943 = vector.broadcast %broadcast_in_dim3A_942 : vector<1xf32> to vector<16xf32>
    %slice3A_944 = vector.extract_strided_slice %select_n3A_939 {offsets = [0], sizes = [1], strides = [1]} : vector<16xf32> to vector<1xf32>
    %broadcast_in_dim3A_945 = vector.shape_cast %slice3A_944 : vector<1xf32> to vector<1xf32>
    %broadcast_in_dim3A_946 = vector.broadcast %broadcast_in_dim3A_945 : vector<1xf32> to vector<16xf32>
    %slice3A_947 = vector.extract_strided_slice %select_n3A_940 {offsets = [0], sizes = [1], strides = [1]} : vector<16xf32> to vector<1xf32>
    %broadcast_in_dim3A_948 = vector.shape_cast %slice3A_947 : vector<1xf32> to vector<1xf32>
    %broadcast_in_dim3A_949 = vector.broadcast %broadcast_in_dim3A_948 : vector<1xf32> to vector<16xf32>
    %get3A_950 = arith.constant 16 : i32
    %get3A_951 = arith.index_cast %get3A_950 : i32 to index
    %get3A_952 = arith.constant 0 : index
    %get3A_953 = tpu.vector_load %arg12[%get3A_951, %get3A_952] {strides = array<i32>} : memref<64x128xf32, #tpu.memory_space<vmem>>, vector<1x16xf32>,
    %get3A_954 = vector.shape_cast %get3A_953 : vector<1x16xf32> to vector<16xf32>
    %mul3A_955 = arith.mulf %get3A_954, %broadcast_in_dim3A_949 : vector<16xf32>
    %add3A_956 = arith.addf %mul3A_955, %broadcast_in_dim3A_943 : vector<16xf32>
    %swap3A_957 = arith.constant 16 : i32
    %swap3A_958 = arith.index_cast %swap3A_957 : i32 to index
    %swap3A_959 = arith.constant 0 : index
    %swap3A_960 = tpu.vector_load %arg13[%swap3A_958, %swap3A_959] {strides = array<i32>} : memref<64x32xf32, #tpu.memory_space<vmem>>, vector<1x16xf32>,
    %swap3A_961 = vector.shape_cast %swap3A_960 : vector<1x16xf32> to vector<16xf32>
    %swap3A_962 = vector.shape_cast %add3A_956 : vector<16xf32> to vector<1x16xf32>
    tpu.vector_store %arg13[%swap3A_958, %swap3A_959], %swap3A_962 {strides = array<i32>} : memref<64x32xf32, #tpu.memory_space<vmem>>, vector<1x16xf32>,
    %mul3A_963 = arith.mulf %get3A_954, %broadcast_in_dim3A_946 : vector<16xf32>
    %swap3A_964 = arith.constant 16 : i32
    %swap3A_965 = arith.index_cast %swap3A_964 : i32 to index
    %swap3A_966 = arith.constant 0 : index
    %swap3A_967 = tpu.vector_load %arg14[%swap3A_965, %swap3A_966] {strides = array<i32>} : memref<64x32xf32, #tpu.memory_space<vmem>>, vector<1x16xf32>,
    %swap3A_968 = vector.shape_cast %swap3A_967 : vector<1x16xf32> to vector<16xf32>
    %swap3A_969 = vector.shape_cast %mul3A_963 : vector<16xf32> to vector<1x16xf32>
    tpu.vector_store %arg14[%swap3A_965, %swap3A_966], %swap3A_969 {strides = array<i32>} : memref<64x32xf32, #tpu.memory_space<vmem>>, vector<1x16xf32>,
    %get3A_970 = arith.constant 16 : i32
    %get3A_971 = arith.index_cast %get3A_970 : i32 to index
    %get3A_972 = arith.constant 16 : index
    %get3A_973 = tpu.vector_load %arg12[%get3A_971, %get3A_972] {strides = array<i32>} : memref<64x128xf32, #tpu.memory_space<vmem>>, vector<1x16xf32>,
    %get3A_974 = vector.shape_cast %get3A_973 : vector<1x16xf32> to vector<16xf32>
    %mul3A_975 = arith.mulf %get3A_974, %broadcast_in_dim3A_949 : vector<16xf32>
    %add3A_976 = arith.addf %mul3A_975, %broadcast_in_dim3A_943 : vector<16xf32>
    %swap3A_977 = arith.constant 16 : i32
    %swap3A_978 = arith.index_cast %swap3A_977 : i32 to index
    %swap3A_979 = arith.constant 16 : index
    %swap3A_980 = tpu.vector_load %arg13[%swap3A_978, %swap3A_979] {strides = array<i32>} : memref<64x32xf32, #tpu.memory_space<vmem>>, vector<1x16xf32>,
    %swap3A_981 = vector.shape_cast %swap3A_980 : vector<1x16xf32> to vector<16xf32>
    %swap3A_982 = vector.shape_cast %add3A_976 : vector<16xf32> to vector<1x16xf32>
    tpu.vector_store %arg13[%swap3A_978, %swap3A_979], %swap3A_982 {strides = array<i32>} : memref<64x32xf32, #tpu.memory_space<vmem>>, vector<1x16xf32>,
    %mul3A_983 = arith.mulf %get3A_974, %broadcast_in_dim3A_946 : vector<16xf32>
    %swap3A_984 = arith.constant 16 : i32
    %swap3A_985 = arith.index_cast %swap3A_984 : i32 to index
    %swap3A_986 = arith.constant 16 : index
    %swap3A_987 = tpu.vector_load %arg14[%swap3A_985, %swap3A_986] {strides = array<i32>} : memref<64x32xf32, #tpu.memory_space<vmem>>, vector<1x16xf32>,
    %swap3A_988 = vector.shape_cast %swap3A_987 : vector<1x16xf32> to vector<16xf32>
    %swap3A_989 = vector.shape_cast %mul3A_983 : vector<16xf32> to vector<1x16xf32>
    tpu.vector_store %arg14[%swap3A_985, %swap3A_986], %swap3A_989 {strides = array<i32>} : memref<64x32xf32, #tpu.memory_space<vmem>>, vector<1x16xf32>,
    %slice3A_990 = vector.extract_strided_slice %select_n3A_937 {offsets = [1], sizes = [1], strides = [1]} : vector<16xf32> to vector<1xf32>
    %broadcast_in_dim3A_991 = vector.shape_cast %slice3A_990 : vector<1xf32> to vector<1xf32>
    %broadcast_in_dim3A_992 = vector.broadcast %broadcast_in_dim3A_991 : vector<1xf32> to vector<16xf32>
    %slice3A_993 = vector.extract_strided_slice %select_n3A_939 {offsets = [1], sizes = [1], strides = [1]} : vector<16xf32> to vector<1xf32>
    %broadcast_in_dim3A_994 = vector.shape_cast %slice3A_993 : vector<1xf32> to vector<1xf32>
    %broadcast_in_dim3A_995 = vector.broadcast %broadcast_in_dim3A_994 : vector<1xf32> to vector<16xf32>
    %slice3A_996 = vector.extract_strided_slice %select_n3A_940 {offsets = [1], sizes = [1], strides = [1]} : vector<16xf32> to vector<1xf32>
    %broadcast_in_dim3A_997 = vector.shape_cast %slice3A_996 : vector<1xf32> to vector<1xf32>
    %broadcast_in_dim3A_998 = vector.broadcast %broadcast_in_dim3A_997 : vector<1xf32> to vector<16xf32>
    %get3A_999 = arith.constant 17 : i32
    %get3A_1000 = arith.index_cast %get3A_999 : i32 to index
    %get3A_1001 = arith.constant 0 : index
    %get3A_1002 = tpu.vector_load %arg12[%get3A_1000, %get3A_1001] {strides = array<i32>} : memref<64x128xf32, #tpu.memory_space<vmem>>, vector<1x16xf32>,
    %get3A_1003 = vector.shape_cast %get3A_1002 : vector<1x16xf32> to vector<16xf32>
    %mul3A_1004 = arith.mulf %get3A_1003, %broadcast_in_dim3A_998 : vector<16xf32>
    %add3A_1005 = arith.addf %mul3A_1004, %broadcast_in_dim3A_992 : vector<16xf32>
    %swap3A_1006 = arith.constant 17 : i32
    %swap3A_1007 = arith.index_cast %swap3A_1006 : i32 to index
    %swap3A_1008 = arith.constant 0 : index
    %swap3A_1009 = tpu.vector_load %arg13[%swap3A_1007, %swap3A_1008] {strides = array<i32>} : memref<64x32xf32, #tpu.memory_space<vmem>>, vector<1x16xf32>,
    %swap3A_1010 = vector.shape_cast %swap3A_1009 : vector<1x16xf32> to vector<16xf32>
    %swap3A_1011 = vector.shape_cast %add3A_1005 : vector<16xf32> to vector<1x16xf32>
    tpu.vector_store %arg13[%swap3A_1007, %swap3A_1008], %swap3A_1011 {strides = array<i32>} : memref<64x32xf32, #tpu.memory_space<vmem>>, vector<1x16xf32>,
    %mul3A_1012 = arith.mulf %get3A_1003, %broadcast_in_dim3A_995 : vector<16xf32>
    %swap3A_1013 = arith.constant 17 : i32
    %swap3A_1014 = arith.index_cast %swap3A_1013 : i32 to index
    %swap3A_1015 = arith.constant 0 : index
    %swap3A_1016 = tpu.vector_load %arg14[%swap3A_1014, %swap3A_1015] {strides = array<i32>} : memref<64x32xf32, #tpu.memory_space<vmem>>, vector<1x16xf32>,
    %swap3A_1017 = vector.shape_cast %swap3A_1016 : vector<1x16xf32> to vector<16xf32>
    %swap3A_1018 = vector.shape_cast %mul3A_1012 : vector<16xf32> to vector<1x16xf32>
    tpu.vector_store %arg14[%swap3A_1014, %swap3A_1015], %swap3A_1018 {strides = array<i32>} : memref<64x32xf32, #tpu.memory_space<vmem>>, vector<1x16xf32>,
    %get3A_1019 = arith.constant 17 : i32
    %get3A_1020 = arith.index_cast %get3A_1019 : i32 to index
    %get3A_1021 = arith.constant 16 : index
    %get3A_1022 = tpu.vector_load %arg12[%get3A_1020, %get3A_1021] {strides = array<i32>} : memref<64x128xf32, #tpu.memory_space<vmem>>, vector<1x16xf32>,
    %get3A_1023 = vector.shape_cast %get3A_1022 : vector<1x16xf32> to vector<16xf32>
    %mul3A_1024 = arith.mulf %get3A_1023, %broadcast_in_dim3A_998 : vector<16xf32>
    %add3A_1025 = arith.addf %mul3A_1024, %broadcast_in_dim3A_992 : vector<16xf32>
    %swap3A_1026 = arith.constant 17 : i32
    %swap3A_1027 = arith.index_cast %swap3A_1026 : i32 to index
    %swap3A_1028 = arith.constant 16 : index
    %swap3A_1029 = tpu.vector_load %arg13[%swap3A_1027, %swap3A_1028] {strides = array<i32>} : memref<64x32xf32, #tpu.memory_space<vmem>>, vector<1x16xf32>,
    %swap3A_1030 = vector.shape_cast %swap3A_1029 : vector<1x16xf32> to vector<16xf32>
    %swap3A_1031 = vector.shape_cast %add3A_1025 : vector<16xf32> to vector<1x16xf32>
    tpu.vector_store %arg13[%swap3A_1027, %swap3A_1028], %swap3A_1031 {strides = array<i32>} : memref<64x32xf32, #tpu.memory_space<vmem>>, vector<1x16xf32>,
    %mul3A_1032 = arith.mulf %get3A_1023, %broadcast_in_dim3A_995 : vector<16xf32>
    %swap3A_1033 = arith.constant 17 : i32
    %swap3A_1034 = arith.index_cast %swap3A_1033 : i32 to index
    %swap3A_1035 = arith.constant 16 : index
    %swap3A_1036 = tpu.vector_load %arg14[%swap3A_1034, %swap3A_1035] {strides = array<i32>} : memref<64x32xf32, #tpu.memory_space<vmem>>, vector<1x16xf32>,
    %swap3A_1037 = vector.shape_cast %swap3A_1036 : vector<1x16xf32> to vector<16xf32>
    %swap3A_1038 = vector.shape_cast %mul3A_1032 : vector<16xf32> to vector<1x16xf32>
    tpu.vector_store %arg14[%swap3A_1034, %swap3A_1035], %swap3A_1038 {strides = array<i32>} : memref<64x32xf32, #tpu.memory_space<vmem>>, vector<1x16xf32>,
    %slice3A_1039 = vector.extract_strided_slice %select_n3A_937 {offsets = [2], sizes = [1], strides = [1]} : vector<16xf32> to vector<1xf32>
    %broadcast_in_dim3A_1040 = vector.shape_cast %slice3A_1039 : vector<1xf32> to vector<1xf32>
    %broadcast_in_dim3A_1041 = vector.broadcast %broadcast_in_dim3A_1040 : vector<1xf32> to vector<16xf32>
    %slice3A_1042 = vector.extract_strided_slice %select_n3A_939 {offsets = [2], sizes = [1], strides = [1]} : vector<16xf32> to vector<1xf32>
    %broadcast_in_dim3A_1043 = vector.shape_cast %slice3A_1042 : vector<1xf32> to vector<1xf32>
    %broadcast_in_dim3A_1044 = vector.broadcast %broadcast_in_dim3A_1043 : vector<1xf32> to vector<16xf32>
    %slice3A_1045 = vector.extract_strided_slice %select_n3A_940 {offsets = [2], sizes = [1], strides = [1]} : vector<16xf32> to vector<1xf32>
    %broadcast_in_dim3A_1046 = vector.shape_cast %slice3A_1045 : vector<1xf32> to vector<1xf32>
    %broadcast_in_dim3A_1047 = vector.broadcast %broadcast_in_dim3A_1046 : vector<1xf32> to vector<16xf32>
    %get3A_1048 = arith.constant 18 : i32
    %get3A_1049 = arith.index_cast %get3A_1048 : i32 to index
    %get3A_1050 = arith.constant 0 : index
    %get3A_1051 = tpu.vector_load %arg12[%get3A_1049, %get3A_1050] {strides = array<i32>} : memref<64x128xf32, #tpu.memory_space<vmem>>, vector<1x16xf32>,
    %get3A_1052 = vector.shape_cast %get3A_1051 : vector<1x16xf32> to vector<16xf32>
    %mul3A_1053 = arith.mulf %get3A_1052, %broadcast_in_dim3A_1047 : vector<16xf32>
    %add3A_1054 = arith.addf %mul3A_1053, %broadcast_in_dim3A_1041 : vector<16xf32>
    %swap3A_1055 = arith.constant 18 : i32
    %swap3A_1056 = arith.index_cast %swap3A_1055 : i32 to index
    %swap3A_1057 = arith.constant 0 : index
    %swap3A_1058 = tpu.vector_load %arg13[%swap3A_1056, %swap3A_1057] {strides = array<i32>} : memref<64x32xf32, #tpu.memory_space<vmem>>, vector<1x16xf32>,
    %swap3A_1059 = vector.shape_cast %swap3A_1058 : vector<1x16xf32> to vector<16xf32>
    %swap3A_1060 = vector.shape_cast %add3A_1054 : vector<16xf32> to vector<1x16xf32>
    tpu.vector_store %arg13[%swap3A_1056, %swap3A_1057], %swap3A_1060 {strides = array<i32>} : memref<64x32xf32, #tpu.memory_space<vmem>>, vector<1x16xf32>,
    %mul3A_1061 = arith.mulf %get3A_1052, %broadcast_in_dim3A_1044 : vector<16xf32>
    %swap3A_1062 = arith.constant 18 : i32
    %swap3A_1063 = arith.index_cast %swap3A_1062 : i32 to index
    %swap3A_1064 = arith.constant 0 : index
    %swap3A_1065 = tpu.vector_load %arg14[%swap3A_1063, %swap3A_1064] {strides = array<i32>} : memref<64x32xf32, #tpu.memory_space<vmem>>, vector<1x16xf32>,
    %swap3A_1066 = vector.shape_cast %swap3A_1065 : vector<1x16xf32> to vector<16xf32>
    %swap3A_1067 = vector.shape_cast %mul3A_1061 : vector<16xf32> to vector<1x16xf32>
    tpu.vector_store %arg14[%swap3A_1063, %swap3A_1064], %swap3A_1067 {strides = array<i32>} : memref<64x32xf32, #tpu.memory_space<vmem>>, vector<1x16xf32>,
    %get3A_1068 = arith.constant 18 : i32
    %get3A_1069 = arith.index_cast %get3A_1068 : i32 to index
    %get3A_1070 = arith.constant 16 : index
    %get3A_1071 = tpu.vector_load %arg12[%get3A_1069, %get3A_1070] {strides = array<i32>} : memref<64x128xf32, #tpu.memory_space<vmem>>, vector<1x16xf32>,
    %get3A_1072 = vector.shape_cast %get3A_1071 : vector<1x16xf32> to vector<16xf32>
    %mul3A_1073 = arith.mulf %get3A_1072, %broadcast_in_dim3A_1047 : vector<16xf32>
    %add3A_1074 = arith.addf %mul3A_1073, %broadcast_in_dim3A_1041 : vector<16xf32>
    %swap3A_1075 = arith.constant 18 : i32
    %swap3A_1076 = arith.index_cast %swap3A_1075 : i32 to index
    %swap3A_1077 = arith.constant 16 : index
    %swap3A_1078 = tpu.vector_load %arg13[%swap3A_1076, %swap3A_1077] {strides = array<i32>} : memref<64x32xf32, #tpu.memory_space<vmem>>, vector<1x16xf32>,
    %swap3A_1079 = vector.shape_cast %swap3A_1078 : vector<1x16xf32> to vector<16xf32>
    %swap3A_1080 = vector.shape_cast %add3A_1074 : vector<16xf32> to vector<1x16xf32>
    tpu.vector_store %arg13[%swap3A_1076, %swap3A_1077], %swap3A_1080 {strides = array<i32>} : memref<64x32xf32, #tpu.memory_space<vmem>>, vector<1x16xf32>,
    %mul3A_1081 = arith.mulf %get3A_1072, %broadcast_in_dim3A_1044 : vector<16xf32>
    %swap3A_1082 = arith.constant 18 : i32
    %swap3A_1083 = arith.index_cast %swap3A_1082 : i32 to index
    %swap3A_1084 = arith.constant 16 : index
    %swap3A_1085 = tpu.vector_load %arg14[%swap3A_1083, %swap3A_1084] {strides = array<i32>} : memref<64x32xf32, #tpu.memory_space<vmem>>, vector<1x16xf32>,
    %swap3A_1086 = vector.shape_cast %swap3A_1085 : vector<1x16xf32> to vector<16xf32>
    %swap3A_1087 = vector.shape_cast %mul3A_1081 : vector<16xf32> to vector<1x16xf32>
    tpu.vector_store %arg14[%swap3A_1083, %swap3A_1084], %swap3A_1087 {strides = array<i32>} : memref<64x32xf32, #tpu.memory_space<vmem>>, vector<1x16xf32>,
    %slice3A_1088 = vector.extract_strided_slice %select_n3A_937 {offsets = [3], sizes = [1], strides = [1]} : vector<16xf32> to vector<1xf32>
    %broadcast_in_dim3A_1089 = vector.shape_cast %slice3A_1088 : vector<1xf32> to vector<1xf32>
    %broadcast_in_dim3A_1090 = vector.broadcast %broadcast_in_dim3A_1089 : vector<1xf32> to vector<16xf32>
    %slice3A_1091 = vector.extract_strided_slice %select_n3A_939 {offsets = [3], sizes = [1], strides = [1]} : vector<16xf32> to vector<1xf32>
    %broadcast_in_dim3A_1092 = vector.shape_cast %slice3A_1091 : vector<1xf32> to vector<1xf32>
    %broadcast_in_dim3A_1093 = vector.broadcast %broadcast_in_dim3A_1092 : vector<1xf32> to vector<16xf32>
    %slice3A_1094 = vector.extract_strided_slice %select_n3A_940 {offsets = [3], sizes = [1], strides = [1]} : vector<16xf32> to vector<1xf32>
    %broadcast_in_dim3A_1095 = vector.shape_cast %slice3A_1094 : vector<1xf32> to vector<1xf32>
    %broadcast_in_dim3A_1096 = vector.broadcast %broadcast_in_dim3A_1095 : vector<1xf32> to vector<16xf32>
    %get3A_1097 = arith.constant 19 : i32
    %get3A_1098 = arith.index_cast %get3A_1097 : i32 to index
    %get3A_1099 = arith.constant 0 : index
    %get3A_1100 = tpu.vector_load %arg12[%get3A_1098, %get3A_1099] {strides = array<i32>} : memref<64x128xf32, #tpu.memory_space<vmem>>, vector<1x16xf32>,
    %get3A_1101 = vector.shape_cast %get3A_1100 : vector<1x16xf32> to vector<16xf32>
    %mul3A_1102 = arith.mulf %get3A_1101, %broadcast_in_dim3A_1096 : vector<16xf32>
    %add3A_1103 = arith.addf %mul3A_1102, %broadcast_in_dim3A_1090 : vector<16xf32>
    %swap3A_1104 = arith.constant 19 : i32
    %swap3A_1105 = arith.index_cast %swap3A_1104 : i32 to index
    %swap3A_1106 = arith.constant 0 : index
    %swap3A_1107 = tpu.vector_load %arg13[%swap3A_1105, %swap3A_1106] {strides = array<i32>} : memref<64x32xf32, #tpu.memory_space<vmem>>, vector<1x16xf32>,
    %swap3A_1108 = vector.shape_cast %swap3A_1107 : vector<1x16xf32> to vector<16xf32>
    %swap3A_1109 = vector.shape_cast %add3A_1103 : vector<16xf32> to vector<1x16xf32>
    tpu.vector_store %arg13[%swap3A_1105, %swap3A_1106], %swap3A_1109 {strides = array<i32>} : memref<64x32xf32, #tpu.memory_space<vmem>>, vector<1x16xf32>,
    %mul3A_1110 = arith.mulf %get3A_1101, %broadcast_in_dim3A_1093 : vector<16xf32>
    %swap3A_1111 = arith.constant 19 : i32
    %swap3A_1112 = arith.index_cast %swap3A_1111 : i32 to index
    %swap3A_1113 = arith.constant 0 : index
    %swap3A_1114 = tpu.vector_load %arg14[%swap3A_1112, %swap3A_1113] {strides = array<i32>} : memref<64x32xf32, #tpu.memory_space<vmem>>, vector<1x16xf32>,
    %swap3A_1115 = vector.shape_cast %swap3A_1114 : vector<1x16xf32> to vector<16xf32>
    %swap3A_1116 = vector.shape_cast %mul3A_1110 : vector<16xf32> to vector<1x16xf32>
    tpu.vector_store %arg14[%swap3A_1112, %swap3A_1113], %swap3A_1116 {strides = array<i32>} : memref<64x32xf32, #tpu.memory_space<vmem>>, vector<1x16xf32>,
    %get3A_1117 = arith.constant 19 : i32
    %get3A_1118 = arith.index_cast %get3A_1117 : i32 to index
    %get3A_1119 = arith.constant 16 : index
    %get3A_1120 = tpu.vector_load %arg12[%get3A_1118, %get3A_1119] {strides = array<i32>} : memref<64x128xf32, #tpu.memory_space<vmem>>, vector<1x16xf32>,
    %get3A_1121 = vector.shape_cast %get3A_1120 : vector<1x16xf32> to vector<16xf32>
    %mul3A_1122 = arith.mulf %get3A_1121, %broadcast_in_dim3A_1096 : vector<16xf32>
    %add3A_1123 = arith.addf %mul3A_1122, %broadcast_in_dim3A_1090 : vector<16xf32>
    %swap3A_1124 = arith.constant 19 : i32
    %swap3A_1125 = arith.index_cast %swap3A_1124 : i32 to index
    %swap3A_1126 = arith.constant 16 : index
    %swap3A_1127 = tpu.vector_load %arg13[%swap3A_1125, %swap3A_1126] {strides = array<i32>} : memref<64x32xf32, #tpu.memory_space<vmem>>, vector<1x16xf32>,
    %swap3A_1128 = vector.shape_cast %swap3A_1127 : vector<1x16xf32> to vector<16xf32>
    %swap3A_1129 = vector.shape_cast %add3A_1123 : vector<16xf32> to vector<1x16xf32>
    tpu.vector_store %arg13[%swap3A_1125, %swap3A_1126], %swap3A_1129 {strides = array<i32>} : memref<64x32xf32, #tpu.memory_space<vmem>>, vector<1x16xf32>,
    %mul3A_1130 = arith.mulf %get3A_1121, %broadcast_in_dim3A_1093 : vector<16xf32>
    %swap3A_1131 = arith.constant 19 : i32
    %swap3A_1132 = arith.index_cast %swap3A_1131 : i32 to index
    %swap3A_1133 = arith.constant 16 : index
    %swap3A_1134 = tpu.vector_load %arg14[%swap3A_1132, %swap3A_1133] {strides = array<i32>} : memref<64x32xf32, #tpu.memory_space<vmem>>, vector<1x16xf32>,
    %swap3A_1135 = vector.shape_cast %swap3A_1134 : vector<1x16xf32> to vector<16xf32>
    %swap3A_1136 = vector.shape_cast %mul3A_1130 : vector<16xf32> to vector<1x16xf32>
    tpu.vector_store %arg14[%swap3A_1132, %swap3A_1133], %swap3A_1136 {strides = array<i32>} : memref<64x32xf32, #tpu.memory_space<vmem>>, vector<1x16xf32>,
    %slice3A_1137 = vector.extract_strided_slice %select_n3A_937 {offsets = [4], sizes = [1], strides = [1]} : vector<16xf32> to vector<1xf32>
    %broadcast_in_dim3A_1138 = vector.shape_cast %slice3A_1137 : vector<1xf32> to vector<1xf32>
    %broadcast_in_dim3A_1139 = vector.broadcast %broadcast_in_dim3A_1138 : vector<1xf32> to vector<16xf32>
    %slice3A_1140 = vector.extract_strided_slice %select_n3A_939 {offsets = [4], sizes = [1], strides = [1]} : vector<16xf32> to vector<1xf32>
    %broadcast_in_dim3A_1141 = vector.shape_cast %slice3A_1140 : vector<1xf32> to vector<1xf32>
    %broadcast_in_dim3A_1142 = vector.broadcast %broadcast_in_dim3A_1141 : vector<1xf32> to vector<16xf32>
    %slice3A_1143 = vector.extract_strided_slice %select_n3A_940 {offsets = [4], sizes = [1], strides = [1]} : vector<16xf32> to vector<1xf32>
    %broadcast_in_dim3A_1144 = vector.shape_cast %slice3A_1143 : vector<1xf32> to vector<1xf32>
    %broadcast_in_dim3A_1145 = vector.broadcast %broadcast_in_dim3A_1144 : vector<1xf32> to vector<16xf32>
    %get3A_1146 = arith.constant 20 : i32
    %get3A_1147 = arith.index_cast %get3A_1146 : i32 to index
    %get3A_1148 = arith.constant 0 : index
    %get3A_1149 = tpu.vector_load %arg12[%get3A_1147, %get3A_1148] {strides = array<i32>} : memref<64x128xf32, #tpu.memory_space<vmem>>, vector<1x16xf32>,
    %get3A_1150 = vector.shape_cast %get3A_1149 : vector<1x16xf32> to vector<16xf32>
    %mul3A_1151 = arith.mulf %get3A_1150, %broadcast_in_dim3A_1145 : vector<16xf32>
    %add3A_1152 = arith.addf %mul3A_1151, %broadcast_in_dim3A_1139 : vector<16xf32>
    %swap3A_1153 = arith.constant 20 : i32
    %swap3A_1154 = arith.index_cast %swap3A_1153 : i32 to index
    %swap3A_1155 = arith.constant 0 : index
    %swap3A_1156 = tpu.vector_load %arg13[%swap3A_1154, %swap3A_1155] {strides = array<i32>} : memref<64x32xf32, #tpu.memory_space<vmem>>, vector<1x16xf32>,
    %swap3A_1157 = vector.shape_cast %swap3A_1156 : vector<1x16xf32> to vector<16xf32>
    %swap3A_1158 = vector.shape_cast %add3A_1152 : vector<16xf32> to vector<1x16xf32>
    tpu.vector_store %arg13[%swap3A_1154, %swap3A_1155], %swap3A_1158 {strides = array<i32>} : memref<64x32xf32, #tpu.memory_space<vmem>>, vector<1x16xf32>,
    %mul3A_1159 = arith.mulf %get3A_1150, %broadcast_in_dim3A_1142 : vector<16xf32>
    %swap3A_1160 = arith.constant 20 : i32
    %swap3A_1161 = arith.index_cast %swap3A_1160 : i32 to index
    %swap3A_1162 = arith.constant 0 : index
    %swap3A_1163 = tpu.vector_load %arg14[%swap3A_1161, %swap3A_1162] {strides = array<i32>} : memref<64x32xf32, #tpu.memory_space<vmem>>, vector<1x16xf32>,
    %swap3A_1164 = vector.shape_cast %swap3A_1163 : vector<1x16xf32> to vector<16xf32>
    %swap3A_1165 = vector.shape_cast %mul3A_1159 : vector<16xf32> to vector<1x16xf32>
    tpu.vector_store %arg14[%swap3A_1161, %swap3A_1162], %swap3A_1165 {strides = array<i32>} : memref<64x32xf32, #tpu.memory_space<vmem>>, vector<1x16xf32>,
    %get3A_1166 = arith.constant 20 : i32
    %get3A_1167 = arith.index_cast %get3A_1166 : i32 to index
    %get3A_1168 = arith.constant 16 : index
    %get3A_1169 = tpu.vector_load %arg12[%get3A_1167, %get3A_1168] {strides = array<i32>} : memref<64x128xf32, #tpu.memory_space<vmem>>, vector<1x16xf32>,
    %get3A_1170 = vector.shape_cast %get3A_1169 : vector<1x16xf32> to vector<16xf32>
    %mul3A_1171 = arith.mulf %get3A_1170, %broadcast_in_dim3A_1145 : vector<16xf32>
    %add3A_1172 = arith.addf %mul3A_1171, %broadcast_in_dim3A_1139 : vector<16xf32>
    %swap3A_1173 = arith.constant 20 : i32
    %swap3A_1174 = arith.index_cast %swap3A_1173 : i32 to index
    %swap3A_1175 = arith.constant 16 : index
    %swap3A_1176 = tpu.vector_load %arg13[%swap3A_1174, %swap3A_1175] {strides = array<i32>} : memref<64x32xf32, #tpu.memory_space<vmem>>, vector<1x16xf32>,
    %swap3A_1177 = vector.shape_cast %swap3A_1176 : vector<1x16xf32> to vector<16xf32>
    %swap3A_1178 = vector.shape_cast %add3A_1172 : vector<16xf32> to vector<1x16xf32>
    tpu.vector_store %arg13[%swap3A_1174, %swap3A_1175], %swap3A_1178 {strides = array<i32>} : memref<64x32xf32, #tpu.memory_space<vmem>>, vector<1x16xf32>,
    %mul3A_1179 = arith.mulf %get3A_1170, %broadcast_in_dim3A_1142 : vector<16xf32>
    %swap3A_1180 = arith.constant 20 : i32
    %swap3A_1181 = arith.index_cast %swap3A_1180 : i32 to index
    %swap3A_1182 = arith.constant 16 : index
    %swap3A_1183 = tpu.vector_load %arg14[%swap3A_1181, %swap3A_1182] {strides = array<i32>} : memref<64x32xf32, #tpu.memory_space<vmem>>, vector<1x16xf32>,
    %swap3A_1184 = vector.shape_cast %swap3A_1183 : vector<1x16xf32> to vector<16xf32>
    %swap3A_1185 = vector.shape_cast %mul3A_1179 : vector<16xf32> to vector<1x16xf32>
    tpu.vector_store %arg14[%swap3A_1181, %swap3A_1182], %swap3A_1185 {strides = array<i32>} : memref<64x32xf32, #tpu.memory_space<vmem>>, vector<1x16xf32>,
    %slice3A_1186 = vector.extract_strided_slice %select_n3A_937 {offsets = [5], sizes = [1], strides = [1]} : vector<16xf32> to vector<1xf32>
    %broadcast_in_dim3A_1187 = vector.shape_cast %slice3A_1186 : vector<1xf32> to vector<1xf32>
    %broadcast_in_dim3A_1188 = vector.broadcast %broadcast_in_dim3A_1187 : vector<1xf32> to vector<16xf32>
    %slice3A_1189 = vector.extract_strided_slice %select_n3A_939 {offsets = [5], sizes = [1], strides = [1]} : vector<16xf32> to vector<1xf32>
    %broadcast_in_dim3A_1190 = vector.shape_cast %slice3A_1189 : vector<1xf32> to vector<1xf32>
    %broadcast_in_dim3A_1191 = vector.broadcast %broadcast_in_dim3A_1190 : vector<1xf32> to vector<16xf32>
    %slice3A_1192 = vector.extract_strided_slice %select_n3A_940 {offsets = [5], sizes = [1], strides = [1]} : vector<16xf32> to vector<1xf32>
    %broadcast_in_dim3A_1193 = vector.shape_cast %slice3A_1192 : vector<1xf32> to vector<1xf32>
    %broadcast_in_dim3A_1194 = vector.broadcast %broadcast_in_dim3A_1193 : vector<1xf32> to vector<16xf32>
    %get3A_1195 = arith.constant 21 : i32
    %get3A_1196 = arith.index_cast %get3A_1195 : i32 to index
    %get3A_1197 = arith.constant 0 : index
    %get3A_1198 = tpu.vector_load %arg12[%get3A_1196, %get3A_1197] {strides = array<i32>} : memref<64x128xf32, #tpu.memory_space<vmem>>, vector<1x16xf32>,
    %get3A_1199 = vector.shape_cast %get3A_1198 : vector<1x16xf32> to vector<16xf32>
    %mul3A_1200 = arith.mulf %get3A_1199, %broadcast_in_dim3A_1194 : vector<16xf32>
    %add3A_1201 = arith.addf %mul3A_1200, %broadcast_in_dim3A_1188 : vector<16xf32>
    %swap3A_1202 = arith.constant 21 : i32
    %swap3A_1203 = arith.index_cast %swap3A_1202 : i32 to index
    %swap3A_1204 = arith.constant 0 : index
    %swap3A_1205 = tpu.vector_load %arg13[%swap3A_1203, %swap3A_1204] {strides = array<i32>} : memref<64x32xf32, #tpu.memory_space<vmem>>, vector<1x16xf32>,
    %swap3A_1206 = vector.shape_cast %swap3A_1205 : vector<1x16xf32> to vector<16xf32>
    %swap3A_1207 = vector.shape_cast %add3A_1201 : vector<16xf32> to vector<1x16xf32>
    tpu.vector_store %arg13[%swap3A_1203, %swap3A_1204], %swap3A_1207 {strides = array<i32>} : memref<64x32xf32, #tpu.memory_space<vmem>>, vector<1x16xf32>,
    %mul3A_1208 = arith.mulf %get3A_1199, %broadcast_in_dim3A_1191 : vector<16xf32>
    %swap3A_1209 = arith.constant 21 : i32
    %swap3A_1210 = arith.index_cast %swap3A_1209 : i32 to index
    %swap3A_1211 = arith.constant 0 : index
    %swap3A_1212 = tpu.vector_load %arg14[%swap3A_1210, %swap3A_1211] {strides = array<i32>} : memref<64x32xf32, #tpu.memory_space<vmem>>, vector<1x16xf32>,
    %swap3A_1213 = vector.shape_cast %swap3A_1212 : vector<1x16xf32> to vector<16xf32>
    %swap3A_1214 = vector.shape_cast %mul3A_1208 : vector<16xf32> to vector<1x16xf32>
    tpu.vector_store %arg14[%swap3A_1210, %swap3A_1211], %swap3A_1214 {strides = array<i32>} : memref<64x32xf32, #tpu.memory_space<vmem>>, vector<1x16xf32>,
    %get3A_1215 = arith.constant 21 : i32
    %get3A_1216 = arith.index_cast %get3A_1215 : i32 to index
    %get3A_1217 = arith.constant 16 : index
    %get3A_1218 = tpu.vector_load %arg12[%get3A_1216, %get3A_1217] {strides = array<i32>} : memref<64x128xf32, #tpu.memory_space<vmem>>, vector<1x16xf32>,
    %get3A_1219 = vector.shape_cast %get3A_1218 : vector<1x16xf32> to vector<16xf32>
    %mul3A_1220 = arith.mulf %get3A_1219, %broadcast_in_dim3A_1194 : vector<16xf32>
    %add3A_1221 = arith.addf %mul3A_1220, %broadcast_in_dim3A_1188 : vector<16xf32>
    %swap3A_1222 = arith.constant 21 : i32
    %swap3A_1223 = arith.index_cast %swap3A_1222 : i32 to index
    %swap3A_1224 = arith.constant 16 : index
    %swap3A_1225 = tpu.vector_load %arg13[%swap3A_1223, %swap3A_1224] {strides = array<i32>} : memref<64x32xf32, #tpu.memory_space<vmem>>, vector<1x16xf32>,
    %swap3A_1226 = vector.shape_cast %swap3A_1225 : vector<1x16xf32> to vector<16xf32>
    %swap3A_1227 = vector.shape_cast %add3A_1221 : vector<16xf32> to vector<1x16xf32>
    tpu.vector_store %arg13[%swap3A_1223, %swap3A_1224], %swap3A_1227 {strides = array<i32>} : memref<64x32xf32, #tpu.memory_space<vmem>>, vector<1x16xf32>,
    %mul3A_1228 = arith.mulf %get3A_1219, %broadcast_in_dim3A_1191 : vector<16xf32>
    %swap3A_1229 = arith.constant 21 : i32
    %swap3A_1230 = arith.index_cast %swap3A_1229 : i32 to index
    %swap3A_1231 = arith.constant 16 : index
    %swap3A_1232 = tpu.vector_load %arg14[%swap3A_1230, %swap3A_1231] {strides = array<i32>} : memref<64x32xf32, #tpu.memory_space<vmem>>, vector<1x16xf32>,
    %swap3A_1233 = vector.shape_cast %swap3A_1232 : vector<1x16xf32> to vector<16xf32>
    %swap3A_1234 = vector.shape_cast %mul3A_1228 : vector<16xf32> to vector<1x16xf32>
    tpu.vector_store %arg14[%swap3A_1230, %swap3A_1231], %swap3A_1234 {strides = array<i32>} : memref<64x32xf32, #tpu.memory_space<vmem>>, vector<1x16xf32>,
    %slice3A_1235 = vector.extract_strided_slice %select_n3A_937 {offsets = [6], sizes = [1], strides = [1]} : vector<16xf32> to vector<1xf32>
    %broadcast_in_dim3A_1236 = vector.shape_cast %slice3A_1235 : vector<1xf32> to vector<1xf32>
    %broadcast_in_dim3A_1237 = vector.broadcast %broadcast_in_dim3A_1236 : vector<1xf32> to vector<16xf32>
    %slice3A_1238 = vector.extract_strided_slice %select_n3A_939 {offsets = [6], sizes = [1], strides = [1]} : vector<16xf32> to vector<1xf32>
    %broadcast_in_dim3A_1239 = vector.shape_cast %slice3A_1238 : vector<1xf32> to vector<1xf32>
    %broadcast_in_dim3A_1240 = vector.broadcast %broadcast_in_dim3A_1239 : vector<1xf32> to vector<16xf32>
    %slice3A_1241 = vector.extract_strided_slice %select_n3A_940 {offsets = [6], sizes = [1], strides = [1]} : vector<16xf32> to vector<1xf32>
    %broadcast_in_dim3A_1242 = vector.shape_cast %slice3A_1241 : vector<1xf32> to vector<1xf32>
    %broadcast_in_dim3A_1243 = vector.broadcast %broadcast_in_dim3A_1242 : vector<1xf32> to vector<16xf32>
    %get3A_1244 = arith.constant 22 : i32
    %get3A_1245 = arith.index_cast %get3A_1244 : i32 to index
    %get3A_1246 = arith.constant 0 : index
    %get3A_1247 = tpu.vector_load %arg12[%get3A_1245, %get3A_1246] {strides = array<i32>} : memref<64x128xf32, #tpu.memory_space<vmem>>, vector<1x16xf32>,
    %get3A_1248 = vector.shape_cast %get3A_1247 : vector<1x16xf32> to vector<16xf32>
    %mul3A_1249 = arith.mulf %get3A_1248, %broadcast_in_dim3A_1243 : vector<16xf32>
    %add3A_1250 = arith.addf %mul3A_1249, %broadcast_in_dim3A_1237 : vector<16xf32>
    %swap3A_1251 = arith.constant 22 : i32
    %swap3A_1252 = arith.index_cast %swap3A_1251 : i32 to index
    %swap3A_1253 = arith.constant 0 : index
    %swap3A_1254 = tpu.vector_load %arg13[%swap3A_1252, %swap3A_1253] {strides = array<i32>} : memref<64x32xf32, #tpu.memory_space<vmem>>, vector<1x16xf32>,
    %swap3A_1255 = vector.shape_cast %swap3A_1254 : vector<1x16xf32> to vector<16xf32>
    %swap3A_1256 = vector.shape_cast %add3A_1250 : vector<16xf32> to vector<1x16xf32>
    tpu.vector_store %arg13[%swap3A_1252, %swap3A_1253], %swap3A_1256 {strides = array<i32>} : memref<64x32xf32, #tpu.memory_space<vmem>>, vector<1x16xf32>,
    %mul3A_1257 = arith.mulf %get3A_1248, %broadcast_in_dim3A_1240 : vector<16xf32>
    %swap3A_1258 = arith.constant 22 : i32
    %swap3A_1259 = arith.index_cast %swap3A_1258 : i32 to index
    %swap3A_1260 = arith.constant 0 : index
    %swap3A_1261 = tpu.vector_load %arg14[%swap3A_1259, %swap3A_1260] {strides = array<i32>} : memref<64x32xf32, #tpu.memory_space<vmem>>, vector<1x16xf32>,
    %swap3A_1262 = vector.shape_cast %swap3A_1261 : vector<1x16xf32> to vector<16xf32>
    %swap3A_1263 = vector.shape_cast %mul3A_1257 : vector<16xf32> to vector<1x16xf32>
    tpu.vector_store %arg14[%swap3A_1259, %swap3A_1260], %swap3A_1263 {strides = array<i32>} : memref<64x32xf32, #tpu.memory_space<vmem>>, vector<1x16xf32>,
    %get3A_1264 = arith.constant 22 : i32
    %get3A_1265 = arith.index_cast %get3A_1264 : i32 to index
    %get3A_1266 = arith.constant 16 : index
    %get3A_1267 = tpu.vector_load %arg12[%get3A_1265, %get3A_1266] {strides = array<i32>} : memref<64x128xf32, #tpu.memory_space<vmem>>, vector<1x16xf32>,
    %get3A_1268 = vector.shape_cast %get3A_1267 : vector<1x16xf32> to vector<16xf32>
    %mul3A_1269 = arith.mulf %get3A_1268, %broadcast_in_dim3A_1243 : vector<16xf32>
    %add3A_1270 = arith.addf %mul3A_1269, %broadcast_in_dim3A_1237 : vector<16xf32>
    %swap3A_1271 = arith.constant 22 : i32
    %swap3A_1272 = arith.index_cast %swap3A_1271 : i32 to index
    %swap3A_1273 = arith.constant 16 : index
    %swap3A_1274 = tpu.vector_load %arg13[%swap3A_1272, %swap3A_1273] {strides = array<i32>} : memref<64x32xf32, #tpu.memory_space<vmem>>, vector<1x16xf32>,
    %swap3A_1275 = vector.shape_cast %swap3A_1274 : vector<1x16xf32> to vector<16xf32>
    %swap3A_1276 = vector.shape_cast %add3A_1270 : vector<16xf32> to vector<1x16xf32>
    tpu.vector_store %arg13[%swap3A_1272, %swap3A_1273], %swap3A_1276 {strides = array<i32>} : memref<64x32xf32, #tpu.memory_space<vmem>>, vector<1x16xf32>,
    %mul3A_1277 = arith.mulf %get3A_1268, %broadcast_in_dim3A_1240 : vector<16xf32>
    %swap3A_1278 = arith.constant 22 : i32
    %swap3A_1279 = arith.index_cast %swap3A_1278 : i32 to index
    %swap3A_1280 = arith.constant 16 : index
    %swap3A_1281 = tpu.vector_load %arg14[%swap3A_1279, %swap3A_1280] {strides = array<i32>} : memref<64x32xf32, #tpu.memory_space<vmem>>, vector<1x16xf32>,
    %swap3A_1282 = vector.shape_cast %swap3A_1281 : vector<1x16xf32> to vector<16xf32>
    %swap3A_1283 = vector.shape_cast %mul3A_1277 : vector<16xf32> to vector<1x16xf32>
    tpu.vector_store %arg14[%swap3A_1279, %swap3A_1280], %swap3A_1283 {strides = array<i32>} : memref<64x32xf32, #tpu.memory_space<vmem>>, vector<1x16xf32>,
    %slice3A_1284 = vector.extract_strided_slice %select_n3A_937 {offsets = [7], sizes = [1], strides = [1]} : vector<16xf32> to vector<1xf32>
    %broadcast_in_dim3A_1285 = vector.shape_cast %slice3A_1284 : vector<1xf32> to vector<1xf32>
    %broadcast_in_dim3A_1286 = vector.broadcast %broadcast_in_dim3A_1285 : vector<1xf32> to vector<16xf32>
    %slice3A_1287 = vector.extract_strided_slice %select_n3A_939 {offsets = [7], sizes = [1], strides = [1]} : vector<16xf32> to vector<1xf32>
    %broadcast_in_dim3A_1288 = vector.shape_cast %slice3A_1287 : vector<1xf32> to vector<1xf32>
    %broadcast_in_dim3A_1289 = vector.broadcast %broadcast_in_dim3A_1288 : vector<1xf32> to vector<16xf32>
    %slice3A_1290 = vector.extract_strided_slice %select_n3A_940 {offsets = [7], sizes = [1], strides = [1]} : vector<16xf32> to vector<1xf32>
    %broadcast_in_dim3A_1291 = vector.shape_cast %slice3A_1290 : vector<1xf32> to vector<1xf32>
    %broadcast_in_dim3A_1292 = vector.broadcast %broadcast_in_dim3A_1291 : vector<1xf32> to vector<16xf32>
    %get3A_1293 = arith.constant 23 : i32
    %get3A_1294 = arith.index_cast %get3A_1293 : i32 to index
    %get3A_1295 = arith.constant 0 : index
    %get3A_1296 = tpu.vector_load %arg12[%get3A_1294, %get3A_1295] {strides = array<i32>} : memref<64x128xf32, #tpu.memory_space<vmem>>, vector<1x16xf32>,
    %get3A_1297 = vector.shape_cast %get3A_1296 : vector<1x16xf32> to vector<16xf32>
    %mul3A_1298 = arith.mulf %get3A_1297, %broadcast_in_dim3A_1292 : vector<16xf32>
    %add3A_1299 = arith.addf %mul3A_1298, %broadcast_in_dim3A_1286 : vector<16xf32>
    %swap3A_1300 = arith.constant 23 : i32
    %swap3A_1301 = arith.index_cast %swap3A_1300 : i32 to index
    %swap3A_1302 = arith.constant 0 : index
    %swap3A_1303 = tpu.vector_load %arg13[%swap3A_1301, %swap3A_1302] {strides = array<i32>} : memref<64x32xf32, #tpu.memory_space<vmem>>, vector<1x16xf32>,
    %swap3A_1304 = vector.shape_cast %swap3A_1303 : vector<1x16xf32> to vector<16xf32>
    %swap3A_1305 = vector.shape_cast %add3A_1299 : vector<16xf32> to vector<1x16xf32>
    tpu.vector_store %arg13[%swap3A_1301, %swap3A_1302], %swap3A_1305 {strides = array<i32>} : memref<64x32xf32, #tpu.memory_space<vmem>>, vector<1x16xf32>,
    %mul3A_1306 = arith.mulf %get3A_1297, %broadcast_in_dim3A_1289 : vector<16xf32>
    %swap3A_1307 = arith.constant 23 : i32
    %swap3A_1308 = arith.index_cast %swap3A_1307 : i32 to index
    %swap3A_1309 = arith.constant 0 : index
    %swap3A_1310 = tpu.vector_load %arg14[%swap3A_1308, %swap3A_1309] {strides = array<i32>} : memref<64x32xf32, #tpu.memory_space<vmem>>, vector<1x16xf32>,
    %swap3A_1311 = vector.shape_cast %swap3A_1310 : vector<1x16xf32> to vector<16xf32>
    %swap3A_1312 = vector.shape_cast %mul3A_1306 : vector<16xf32> to vector<1x16xf32>
    tpu.vector_store %arg14[%swap3A_1308, %swap3A_1309], %swap3A_1312 {strides = array<i32>} : memref<64x32xf32, #tpu.memory_space<vmem>>, vector<1x16xf32>,
    %get3A_1313 = arith.constant 23 : i32
    %get3A_1314 = arith.index_cast %get3A_1313 : i32 to index
    %get3A_1315 = arith.constant 16 : index
    %get3A_1316 = tpu.vector_load %arg12[%get3A_1314, %get3A_1315] {strides = array<i32>} : memref<64x128xf32, #tpu.memory_space<vmem>>, vector<1x16xf32>,
    %get3A_1317 = vector.shape_cast %get3A_1316 : vector<1x16xf32> to vector<16xf32>
    %mul3A_1318 = arith.mulf %get3A_1317, %broadcast_in_dim3A_1292 : vector<16xf32>
    %add3A_1319 = arith.addf %mul3A_1318, %broadcast_in_dim3A_1286 : vector<16xf32>
    %swap3A_1320 = arith.constant 23 : i32
    %swap3A_1321 = arith.index_cast %swap3A_1320 : i32 to index
    %swap3A_1322 = arith.constant 16 : index
    %swap3A_1323 = tpu.vector_load %arg13[%swap3A_1321, %swap3A_1322] {strides = array<i32>} : memref<64x32xf32, #tpu.memory_space<vmem>>, vector<1x16xf32>,
    %swap3A_1324 = vector.shape_cast %swap3A_1323 : vector<1x16xf32> to vector<16xf32>
    %swap3A_1325 = vector.shape_cast %add3A_1319 : vector<16xf32> to vector<1x16xf32>
    tpu.vector_store %arg13[%swap3A_1321, %swap3A_1322], %swap3A_1325 {strides = array<i32>} : memref<64x32xf32, #tpu.memory_space<vmem>>, vector<1x16xf32>,
    %mul3A_1326 = arith.mulf %get3A_1317, %broadcast_in_dim3A_1289 : vector<16xf32>
    %swap3A_1327 = arith.constant 23 : i32
    %swap3A_1328 = arith.index_cast %swap3A_1327 : i32 to index
    %swap3A_1329 = arith.constant 16 : index
    %swap3A_1330 = tpu.vector_load %arg14[%swap3A_1328, %swap3A_1329] {strides = array<i32>} : memref<64x32xf32, #tpu.memory_space<vmem>>, vector<1x16xf32>,
    %swap3A_1331 = vector.shape_cast %swap3A_1330 : vector<1x16xf32> to vector<16xf32>
    %swap3A_1332 = vector.shape_cast %mul3A_1326 : vector<16xf32> to vector<1x16xf32>
    tpu.vector_store %arg14[%swap3A_1328, %swap3A_1329], %swap3A_1332 {strides = array<i32>} : memref<64x32xf32, #tpu.memory_space<vmem>>, vector<1x16xf32>,
    %slice3A_1333 = vector.extract_strided_slice %select_n3A_937 {offsets = [8], sizes = [1], strides = [1]} : vector<16xf32> to vector<1xf32>
    %broadcast_in_dim3A_1334 = vector.shape_cast %slice3A_1333 : vector<1xf32> to vector<1xf32>
    %broadcast_in_dim3A_1335 = vector.broadcast %broadcast_in_dim3A_1334 : vector<1xf32> to vector<16xf32>
    %slice3A_1336 = vector.extract_strided_slice %select_n3A_939 {offsets = [8], sizes = [1], strides = [1]} : vector<16xf32> to vector<1xf32>
    %broadcast_in_dim3A_1337 = vector.shape_cast %slice3A_1336 : vector<1xf32> to vector<1xf32>
    %broadcast_in_dim3A_1338 = vector.broadcast %broadcast_in_dim3A_1337 : vector<1xf32> to vector<16xf32>
    %slice3A_1339 = vector.extract_strided_slice %select_n3A_940 {offsets = [8], sizes = [1], strides = [1]} : vector<16xf32> to vector<1xf32>
    %broadcast_in_dim3A_1340 = vector.shape_cast %slice3A_1339 : vector<1xf32> to vector<1xf32>
    %broadcast_in_dim3A_1341 = vector.broadcast %broadcast_in_dim3A_1340 : vector<1xf32> to vector<16xf32>
    %get3A_1342 = arith.constant 24 : i32
    %get3A_1343 = arith.index_cast %get3A_1342 : i32 to index
    %get3A_1344 = arith.constant 0 : index
    %get3A_1345 = tpu.vector_load %arg12[%get3A_1343, %get3A_1344] {strides = array<i32>} : memref<64x128xf32, #tpu.memory_space<vmem>>, vector<1x16xf32>,
    %get3A_1346 = vector.shape_cast %get3A_1345 : vector<1x16xf32> to vector<16xf32>
    %mul3A_1347 = arith.mulf %get3A_1346, %broadcast_in_dim3A_1341 : vector<16xf32>
    %add3A_1348 = arith.addf %mul3A_1347, %broadcast_in_dim3A_1335 : vector<16xf32>
    %swap3A_1349 = arith.constant 24 : i32
    %swap3A_1350 = arith.index_cast %swap3A_1349 : i32 to index
    %swap3A_1351 = arith.constant 0 : index
    %swap3A_1352 = tpu.vector_load %arg13[%swap3A_1350, %swap3A_1351] {strides = array<i32>} : memref<64x32xf32, #tpu.memory_space<vmem>>, vector<1x16xf32>,
    %swap3A_1353 = vector.shape_cast %swap3A_1352 : vector<1x16xf32> to vector<16xf32>
    %swap3A_1354 = vector.shape_cast %add3A_1348 : vector<16xf32> to vector<1x16xf32>
    tpu.vector_store %arg13[%swap3A_1350, %swap3A_1351], %swap3A_1354 {strides = array<i32>} : memref<64x32xf32, #tpu.memory_space<vmem>>, vector<1x16xf32>,
    %mul3A_1355 = arith.mulf %get3A_1346, %broadcast_in_dim3A_1338 : vector<16xf32>
    %swap3A_1356 = arith.constant 24 : i32
    %swap3A_1357 = arith.index_cast %swap3A_1356 : i32 to index
    %swap3A_1358 = arith.constant 0 : index
    %swap3A_1359 = tpu.vector_load %arg14[%swap3A_1357, %swap3A_1358] {strides = array<i32>} : memref<64x32xf32, #tpu.memory_space<vmem>>, vector<1x16xf32>,
    %swap3A_1360 = vector.shape_cast %swap3A_1359 : vector<1x16xf32> to vector<16xf32>
    %swap3A_1361 = vector.shape_cast %mul3A_1355 : vector<16xf32> to vector<1x16xf32>
    tpu.vector_store %arg14[%swap3A_1357, %swap3A_1358], %swap3A_1361 {strides = array<i32>} : memref<64x32xf32, #tpu.memory_space<vmem>>, vector<1x16xf32>,
    %get3A_1362 = arith.constant 24 : i32
    %get3A_1363 = arith.index_cast %get3A_1362 : i32 to index
    %get3A_1364 = arith.constant 16 : index
    %get3A_1365 = tpu.vector_load %arg12[%get3A_1363, %get3A_1364] {strides = array<i32>} : memref<64x128xf32, #tpu.memory_space<vmem>>, vector<1x16xf32>,
    %get3A_1366 = vector.shape_cast %get3A_1365 : vector<1x16xf32> to vector<16xf32>
    %mul3A_1367 = arith.mulf %get3A_1366, %broadcast_in_dim3A_1341 : vector<16xf32>
    %add3A_1368 = arith.addf %mul3A_1367, %broadcast_in_dim3A_1335 : vector<16xf32>
    %swap3A_1369 = arith.constant 24 : i32
    %swap3A_1370 = arith.index_cast %swap3A_1369 : i32 to index
    %swap3A_1371 = arith.constant 16 : index
    %swap3A_1372 = tpu.vector_load %arg13[%swap3A_1370, %swap3A_1371] {strides = array<i32>} : memref<64x32xf32, #tpu.memory_space<vmem>>, vector<1x16xf32>,
    %swap3A_1373 = vector.shape_cast %swap3A_1372 : vector<1x16xf32> to vector<16xf32>
    %swap3A_1374 = vector.shape_cast %add3A_1368 : vector<16xf32> to vector<1x16xf32>
    tpu.vector_store %arg13[%swap3A_1370, %swap3A_1371], %swap3A_1374 {strides = array<i32>} : memref<64x32xf32, #tpu.memory_space<vmem>>, vector<1x16xf32>,
    %mul3A_1375 = arith.mulf %get3A_1366, %broadcast_in_dim3A_1338 : vector<16xf32>
    %swap3A_1376 = arith.constant 24 : i32
    %swap3A_1377 = arith.index_cast %swap3A_1376 : i32 to index
    %swap3A_1378 = arith.constant 16 : index
    %swap3A_1379 = tpu.vector_load %arg14[%swap3A_1377, %swap3A_1378] {strides = array<i32>} : memref<64x32xf32, #tpu.memory_space<vmem>>, vector<1x16xf32>,
    %swap3A_1380 = vector.shape_cast %swap3A_1379 : vector<1x16xf32> to vector<16xf32>
    %swap3A_1381 = vector.shape_cast %mul3A_1375 : vector<16xf32> to vector<1x16xf32>
    tpu.vector_store %arg14[%swap3A_1377, %swap3A_1378], %swap3A_1381 {strides = array<i32>} : memref<64x32xf32, #tpu.memory_space<vmem>>, vector<1x16xf32>,
    %slice3A_1382 = vector.extract_strided_slice %select_n3A_937 {offsets = [9], sizes = [1], strides = [1]} : vector<16xf32> to vector<1xf32>
    %broadcast_in_dim3A_1383 = vector.shape_cast %slice3A_1382 : vector<1xf32> to vector<1xf32>
    %broadcast_in_dim3A_1384 = vector.broadcast %broadcast_in_dim3A_1383 : vector<1xf32> to vector<16xf32>
    %slice3A_1385 = vector.extract_strided_slice %select_n3A_939 {offsets = [9], sizes = [1], strides = [1]} : vector<16xf32> to vector<1xf32>
    %broadcast_in_dim3A_1386 = vector.shape_cast %slice3A_1385 : vector<1xf32> to vector<1xf32>
    %broadcast_in_dim3A_1387 = vector.broadcast %broadcast_in_dim3A_1386 : vector<1xf32> to vector<16xf32>
    %slice3A_1388 = vector.extract_strided_slice %select_n3A_940 {offsets = [9], sizes = [1], strides = [1]} : vector<16xf32> to vector<1xf32>
    %broadcast_in_dim3A_1389 = vector.shape_cast %slice3A_1388 : vector<1xf32> to vector<1xf32>
    %broadcast_in_dim3A_1390 = vector.broadcast %broadcast_in_dim3A_1389 : vector<1xf32> to vector<16xf32>
    %get3A_1391 = arith.constant 25 : i32
    %get3A_1392 = arith.index_cast %get3A_1391 : i32 to index
    %get3A_1393 = arith.constant 0 : index
    %get3A_1394 = tpu.vector_load %arg12[%get3A_1392, %get3A_1393] {strides = array<i32>} : memref<64x128xf32, #tpu.memory_space<vmem>>, vector<1x16xf32>,
    %get3A_1395 = vector.shape_cast %get3A_1394 : vector<1x16xf32> to vector<16xf32>
    %mul3A_1396 = arith.mulf %get3A_1395, %broadcast_in_dim3A_1390 : vector<16xf32>
    %add3A_1397 = arith.addf %mul3A_1396, %broadcast_in_dim3A_1384 : vector<16xf32>
    %swap3A_1398 = arith.constant 25 : i32
    %swap3A_1399 = arith.index_cast %swap3A_1398 : i32 to index
    %swap3A_1400 = arith.constant 0 : index
    %swap3A_1401 = tpu.vector_load %arg13[%swap3A_1399, %swap3A_1400] {strides = array<i32>} : memref<64x32xf32, #tpu.memory_space<vmem>>, vector<1x16xf32>,
    %swap3A_1402 = vector.shape_cast %swap3A_1401 : vector<1x16xf32> to vector<16xf32>
    %swap3A_1403 = vector.shape_cast %add3A_1397 : vector<16xf32> to vector<1x16xf32>
    tpu.vector_store %arg13[%swap3A_1399, %swap3A_1400], %swap3A_1403 {strides = array<i32>} : memref<64x32xf32, #tpu.memory_space<vmem>>, vector<1x16xf32>,
    %mul3A_1404 = arith.mulf %get3A_1395, %broadcast_in_dim3A_1387 : vector<16xf32>
    %swap3A_1405 = arith.constant 25 : i32
    %swap3A_1406 = arith.index_cast %swap3A_1405 : i32 to index
    %swap3A_1407 = arith.constant 0 : index
    %swap3A_1408 = tpu.vector_load %arg14[%swap3A_1406, %swap3A_1407] {strides = array<i32>} : memref<64x32xf32, #tpu.memory_space<vmem>>, vector<1x16xf32>,
    %swap3A_1409 = vector.shape_cast %swap3A_1408 : vector<1x16xf32> to vector<16xf32>
    %swap3A_1410 = vector.shape_cast %mul3A_1404 : vector<16xf32> to vector<1x16xf32>
    tpu.vector_store %arg14[%swap3A_1406, %swap3A_1407], %swap3A_1410 {strides = array<i32>} : memref<64x32xf32, #tpu.memory_space<vmem>>, vector<1x16xf32>,
    %get3A_1411 = arith.constant 25 : i32
    %get3A_1412 = arith.index_cast %get3A_1411 : i32 to index
    %get3A_1413 = arith.constant 16 : index
    %get3A_1414 = tpu.vector_load %arg12[%get3A_1412, %get3A_1413] {strides = array<i32>} : memref<64x128xf32, #tpu.memory_space<vmem>>, vector<1x16xf32>,
    %get3A_1415 = vector.shape_cast %get3A_1414 : vector<1x16xf32> to vector<16xf32>
    %mul3A_1416 = arith.mulf %get3A_1415, %broadcast_in_dim3A_1390 : vector<16xf32>
    %add3A_1417 = arith.addf %mul3A_1416, %broadcast_in_dim3A_1384 : vector<16xf32>
    %swap3A_1418 = arith.constant 25 : i32
    %swap3A_1419 = arith.index_cast %swap3A_1418 : i32 to index
    %swap3A_1420 = arith.constant 16 : index
    %swap3A_1421 = tpu.vector_load %arg13[%swap3A_1419, %swap3A_1420] {strides = array<i32>} : memref<64x32xf32, #tpu.memory_space<vmem>>, vector<1x16xf32>,
    %swap3A_1422 = vector.shape_cast %swap3A_1421 : vector<1x16xf32> to vector<16xf32>
    %swap3A_1423 = vector.shape_cast %add3A_1417 : vector<16xf32> to vector<1x16xf32>
    tpu.vector_store %arg13[%swap3A_1419, %swap3A_1420], %swap3A_1423 {strides = array<i32>} : memref<64x32xf32, #tpu.memory_space<vmem>>, vector<1x16xf32>,
    %mul3A_1424 = arith.mulf %get3A_1415, %broadcast_in_dim3A_1387 : vector<16xf32>
    %swap3A_1425 = arith.constant 25 : i32
    %swap3A_1426 = arith.index_cast %swap3A_1425 : i32 to index
    %swap3A_1427 = arith.constant 16 : index
    %swap3A_1428 = tpu.vector_load %arg14[%swap3A_1426, %swap3A_1427] {strides = array<i32>} : memref<64x32xf32, #tpu.memory_space<vmem>>, vector<1x16xf32>,
    %swap3A_1429 = vector.shape_cast %swap3A_1428 : vector<1x16xf32> to vector<16xf32>
    %swap3A_1430 = vector.shape_cast %mul3A_1424 : vector<16xf32> to vector<1x16xf32>
    tpu.vector_store %arg14[%swap3A_1426, %swap3A_1427], %swap3A_1430 {strides = array<i32>} : memref<64x32xf32, #tpu.memory_space<vmem>>, vector<1x16xf32>,
    %slice3A_1431 = vector.extract_strided_slice %select_n3A_937 {offsets = [10], sizes = [1], strides = [1]} : vector<16xf32> to vector<1xf32>
    %broadcast_in_dim3A_1432 = vector.shape_cast %slice3A_1431 : vector<1xf32> to vector<1xf32>
    %broadcast_in_dim3A_1433 = vector.broadcast %broadcast_in_dim3A_1432 : vector<1xf32> to vector<16xf32>
    %slice3A_1434 = vector.extract_strided_slice %select_n3A_939 {offsets = [10], sizes = [1], strides = [1]} : vector<16xf32> to vector<1xf32>
    %broadcast_in_dim3A_1435 = vector.shape_cast %slice3A_1434 : vector<1xf32> to vector<1xf32>
    %broadcast_in_dim3A_1436 = vector.broadcast %broadcast_in_dim3A_1435 : vector<1xf32> to vector<16xf32>
    %slice3A_1437 = vector.extract_strided_slice %select_n3A_940 {offsets = [10], sizes = [1], strides = [1]} : vector<16xf32> to vector<1xf32>
    %broadcast_in_dim3A_1438 = vector.shape_cast %slice3A_1437 : vector<1xf32> to vector<1xf32>
    %broadcast_in_dim3A_1439 = vector.broadcast %broadcast_in_dim3A_1438 : vector<1xf32> to vector<16xf32>
    %get3A_1440 = arith.constant 26 : i32
    %get3A_1441 = arith.index_cast %get3A_1440 : i32 to index
    %get3A_1442 = arith.constant 0 : index
    %get3A_1443 = tpu.vector_load %arg12[%get3A_1441, %get3A_1442] {strides = array<i32>} : memref<64x128xf32, #tpu.memory_space<vmem>>, vector<1x16xf32>,
    %get3A_1444 = vector.shape_cast %get3A_1443 : vector<1x16xf32> to vector<16xf32>
    %mul3A_1445 = arith.mulf %get3A_1444, %broadcast_in_dim3A_1439 : vector<16xf32>
    %add3A_1446 = arith.addf %mul3A_1445, %broadcast_in_dim3A_1433 : vector<16xf32>
    %swap3A_1447 = arith.constant 26 : i32
    %swap3A_1448 = arith.index_cast %swap3A_1447 : i32 to index
    %swap3A_1449 = arith.constant 0 : index
    %swap3A_1450 = tpu.vector_load %arg13[%swap3A_1448, %swap3A_1449] {strides = array<i32>} : memref<64x32xf32, #tpu.memory_space<vmem>>, vector<1x16xf32>,
    %swap3A_1451 = vector.shape_cast %swap3A_1450 : vector<1x16xf32> to vector<16xf32>
    %swap3A_1452 = vector.shape_cast %add3A_1446 : vector<16xf32> to vector<1x16xf32>
    tpu.vector_store %arg13[%swap3A_1448, %swap3A_1449], %swap3A_1452 {strides = array<i32>} : memref<64x32xf32, #tpu.memory_space<vmem>>, vector<1x16xf32>,
    %mul3A_1453 = arith.mulf %get3A_1444, %broadcast_in_dim3A_1436 : vector<16xf32>
    %swap3A_1454 = arith.constant 26 : i32
    %swap3A_1455 = arith.index_cast %swap3A_1454 : i32 to index
    %swap3A_1456 = arith.constant 0 : index
    %swap3A_1457 = tpu.vector_load %arg14[%swap3A_1455, %swap3A_1456] {strides = array<i32>} : memref<64x32xf32, #tpu.memory_space<vmem>>, vector<1x16xf32>,
    %swap3A_1458 = vector.shape_cast %swap3A_1457 : vector<1x16xf32> to vector<16xf32>
    %swap3A_1459 = vector.shape_cast %mul3A_1453 : vector<16xf32> to vector<1x16xf32>
    tpu.vector_store %arg14[%swap3A_1455, %swap3A_1456], %swap3A_1459 {strides = array<i32>} : memref<64x32xf32, #tpu.memory_space<vmem>>, vector<1x16xf32>,
    %get3A_1460 = arith.constant 26 : i32
    %get3A_1461 = arith.index_cast %get3A_1460 : i32 to index
    %get3A_1462 = arith.constant 16 : index
    %get3A_1463 = tpu.vector_load %arg12[%get3A_1461, %get3A_1462] {strides = array<i32>} : memref<64x128xf32, #tpu.memory_space<vmem>>, vector<1x16xf32>,
    %get3A_1464 = vector.shape_cast %get3A_1463 : vector<1x16xf32> to vector<16xf32>
    %mul3A_1465 = arith.mulf %get3A_1464, %broadcast_in_dim3A_1439 : vector<16xf32>
    %add3A_1466 = arith.addf %mul3A_1465, %broadcast_in_dim3A_1433 : vector<16xf32>
    %swap3A_1467 = arith.constant 26 : i32
    %swap3A_1468 = arith.index_cast %swap3A_1467 : i32 to index
    %swap3A_1469 = arith.constant 16 : index
    %swap3A_1470 = tpu.vector_load %arg13[%swap3A_1468, %swap3A_1469] {strides = array<i32>} : memref<64x32xf32, #tpu.memory_space<vmem>>, vector<1x16xf32>,
    %swap3A_1471 = vector.shape_cast %swap3A_1470 : vector<1x16xf32> to vector<16xf32>
    %swap3A_1472 = vector.shape_cast %add3A_1466 : vector<16xf32> to vector<1x16xf32>
    tpu.vector_store %arg13[%swap3A_1468, %swap3A_1469], %swap3A_1472 {strides = array<i32>} : memref<64x32xf32, #tpu.memory_space<vmem>>, vector<1x16xf32>,
    %mul3A_1473 = arith.mulf %get3A_1464, %broadcast_in_dim3A_1436 : vector<16xf32>
    %swap3A_1474 = arith.constant 26 : i32
    %swap3A_1475 = arith.index_cast %swap3A_1474 : i32 to index
    %swap3A_1476 = arith.constant 16 : index
    %swap3A_1477 = tpu.vector_load %arg14[%swap3A_1475, %swap3A_1476] {strides = array<i32>} : memref<64x32xf32, #tpu.memory_space<vmem>>, vector<1x16xf32>,
    %swap3A_1478 = vector.shape_cast %swap3A_1477 : vector<1x16xf32> to vector<16xf32>
    %swap3A_1479 = vector.shape_cast %mul3A_1473 : vector<16xf32> to vector<1x16xf32>
    tpu.vector_store %arg14[%swap3A_1475, %swap3A_1476], %swap3A_1479 {strides = array<i32>} : memref<64x32xf32, #tpu.memory_space<vmem>>, vector<1x16xf32>,
    %slice3A_1480 = vector.extract_strided_slice %select_n3A_937 {offsets = [11], sizes = [1], strides = [1]} : vector<16xf32> to vector<1xf32>
    %broadcast_in_dim3A_1481 = vector.shape_cast %slice3A_1480 : vector<1xf32> to vector<1xf32>
    %broadcast_in_dim3A_1482 = vector.broadcast %broadcast_in_dim3A_1481 : vector<1xf32> to vector<16xf32>
    %slice3A_1483 = vector.extract_strided_slice %select_n3A_939 {offsets = [11], sizes = [1], strides = [1]} : vector<16xf32> to vector<1xf32>
    %broadcast_in_dim3A_1484 = vector.shape_cast %slice3A_1483 : vector<1xf32> to vector<1xf32>
    %broadcast_in_dim3A_1485 = vector.broadcast %broadcast_in_dim3A_1484 : vector<1xf32> to vector<16xf32>
    %slice3A_1486 = vector.extract_strided_slice %select_n3A_940 {offsets = [11], sizes = [1], strides = [1]} : vector<16xf32> to vector<1xf32>
    %broadcast_in_dim3A_1487 = vector.shape_cast %slice3A_1486 : vector<1xf32> to vector<1xf32>
    %broadcast_in_dim3A_1488 = vector.broadcast %broadcast_in_dim3A_1487 : vector<1xf32> to vector<16xf32>
    %get3A_1489 = arith.constant 27 : i32
    %get3A_1490 = arith.index_cast %get3A_1489 : i32 to index
    %get3A_1491 = arith.constant 0 : index
    %get3A_1492 = tpu.vector_load %arg12[%get3A_1490, %get3A_1491] {strides = array<i32>} : memref<64x128xf32, #tpu.memory_space<vmem>>, vector<1x16xf32>,
    %get3A_1493 = vector.shape_cast %get3A_1492 : vector<1x16xf32> to vector<16xf32>
    %mul3A_1494 = arith.mulf %get3A_1493, %broadcast_in_dim3A_1488 : vector<16xf32>
    %add3A_1495 = arith.addf %mul3A_1494, %broadcast_in_dim3A_1482 : vector<16xf32>
    %swap3A_1496 = arith.constant 27 : i32
    %swap3A_1497 = arith.index_cast %swap3A_1496 : i32 to index
    %swap3A_1498 = arith.constant 0 : index
    %swap3A_1499 = tpu.vector_load %arg13[%swap3A_1497, %swap3A_1498] {strides = array<i32>} : memref<64x32xf32, #tpu.memory_space<vmem>>, vector<1x16xf32>,
    %swap3A_1500 = vector.shape_cast %swap3A_1499 : vector<1x16xf32> to vector<16xf32>
    %swap3A_1501 = vector.shape_cast %add3A_1495 : vector<16xf32> to vector<1x16xf32>
    tpu.vector_store %arg13[%swap3A_1497, %swap3A_1498], %swap3A_1501 {strides = array<i32>} : memref<64x32xf32, #tpu.memory_space<vmem>>, vector<1x16xf32>,
    %mul3A_1502 = arith.mulf %get3A_1493, %broadcast_in_dim3A_1485 : vector<16xf32>
    %swap3A_1503 = arith.constant 27 : i32
    %swap3A_1504 = arith.index_cast %swap3A_1503 : i32 to index
    %swap3A_1505 = arith.constant 0 : index
    %swap3A_1506 = tpu.vector_load %arg14[%swap3A_1504, %swap3A_1505] {strides = array<i32>} : memref<64x32xf32, #tpu.memory_space<vmem>>, vector<1x16xf32>,
    %swap3A_1507 = vector.shape_cast %swap3A_1506 : vector<1x16xf32> to vector<16xf32>
    %swap3A_1508 = vector.shape_cast %mul3A_1502 : vector<16xf32> to vector<1x16xf32>
    tpu.vector_store %arg14[%swap3A_1504, %swap3A_1505], %swap3A_1508 {strides = array<i32>} : memref<64x32xf32, #tpu.memory_space<vmem>>, vector<1x16xf32>,
    %get3A_1509 = arith.constant 27 : i32
    %get3A_1510 = arith.index_cast %get3A_1509 : i32 to index
    %get3A_1511 = arith.constant 16 : index
    %get3A_1512 = tpu.vector_load %arg12[%get3A_1510, %get3A_1511] {strides = array<i32>} : memref<64x128xf32, #tpu.memory_space<vmem>>, vector<1x16xf32>,
    %get3A_1513 = vector.shape_cast %get3A_1512 : vector<1x16xf32> to vector<16xf32>
    %mul3A_1514 = arith.mulf %get3A_1513, %broadcast_in_dim3A_1488 : vector<16xf32>
    %add3A_1515 = arith.addf %mul3A_1514, %broadcast_in_dim3A_1482 : vector<16xf32>
    %swap3A_1516 = arith.constant 27 : i32
    %swap3A_1517 = arith.index_cast %swap3A_1516 : i32 to index
    %swap3A_1518 = arith.constant 16 : index
    %swap3A_1519 = tpu.vector_load %arg13[%swap3A_1517, %swap3A_1518] {strides = array<i32>} : memref<64x32xf32, #tpu.memory_space<vmem>>, vector<1x16xf32>,
    %swap3A_1520 = vector.shape_cast %swap3A_1519 : vector<1x16xf32> to vector<16xf32>
    %swap3A_1521 = vector.shape_cast %add3A_1515 : vector<16xf32> to vector<1x16xf32>
    tpu.vector_store %arg13[%swap3A_1517, %swap3A_1518], %swap3A_1521 {strides = array<i32>} : memref<64x32xf32, #tpu.memory_space<vmem>>, vector<1x16xf32>,
    %mul3A_1522 = arith.mulf %get3A_1513, %broadcast_in_dim3A_1485 : vector<16xf32>
    %swap3A_1523 = arith.constant 27 : i32
    %swap3A_1524 = arith.index_cast %swap3A_1523 : i32 to index
    %swap3A_1525 = arith.constant 16 : index
    %swap3A_1526 = tpu.vector_load %arg14[%swap3A_1524, %swap3A_1525] {strides = array<i32>} : memref<64x32xf32, #tpu.memory_space<vmem>>, vector<1x16xf32>,
    %swap3A_1527 = vector.shape_cast %swap3A_1526 : vector<1x16xf32> to vector<16xf32>
    %swap3A_1528 = vector.shape_cast %mul3A_1522 : vector<16xf32> to vector<1x16xf32>
    tpu.vector_store %arg14[%swap3A_1524, %swap3A_1525], %swap3A_1528 {strides = array<i32>} : memref<64x32xf32, #tpu.memory_space<vmem>>, vector<1x16xf32>,
    %slice3A_1529 = vector.extract_strided_slice %select_n3A_937 {offsets = [12], sizes = [1], strides = [1]} : vector<16xf32> to vector<1xf32>
    %broadcast_in_dim3A_1530 = vector.shape_cast %slice3A_1529 : vector<1xf32> to vector<1xf32>
    %broadcast_in_dim3A_1531 = vector.broadcast %broadcast_in_dim3A_1530 : vector<1xf32> to vector<16xf32>
    %slice3A_1532 = vector.extract_strided_slice %select_n3A_939 {offsets = [12], sizes = [1], strides = [1]} : vector<16xf32> to vector<1xf32>
    %broadcast_in_dim3A_1533 = vector.shape_cast %slice3A_1532 : vector<1xf32> to vector<1xf32>
    %broadcast_in_dim3A_1534 = vector.broadcast %broadcast_in_dim3A_1533 : vector<1xf32> to vector<16xf32>
    %slice3A_1535 = vector.extract_strided_slice %select_n3A_940 {offsets = [12], sizes = [1], strides = [1]} : vector<16xf32> to vector<1xf32>
    %broadcast_in_dim3A_1536 = vector.shape_cast %slice3A_1535 : vector<1xf32> to vector<1xf32>
    %broadcast_in_dim3A_1537 = vector.broadcast %broadcast_in_dim3A_1536 : vector<1xf32> to vector<16xf32>
    %get3A_1538 = arith.constant 28 : i32
    %get3A_1539 = arith.index_cast %get3A_1538 : i32 to index
    %get3A_1540 = arith.constant 0 : index
    %get3A_1541 = tpu.vector_load %arg12[%get3A_1539, %get3A_1540] {strides = array<i32>} : memref<64x128xf32, #tpu.memory_space<vmem>>, vector<1x16xf32>,
    %get3A_1542 = vector.shape_cast %get3A_1541 : vector<1x16xf32> to vector<16xf32>
    %mul3A_1543 = arith.mulf %get3A_1542, %broadcast_in_dim3A_1537 : vector<16xf32>
    %add3A_1544 = arith.addf %mul3A_1543, %broadcast_in_dim3A_1531 : vector<16xf32>
    %swap3A_1545 = arith.constant 28 : i32
    %swap3A_1546 = arith.index_cast %swap3A_1545 : i32 to index
    %swap3A_1547 = arith.constant 0 : index
    %swap3A_1548 = tpu.vector_load %arg13[%swap3A_1546, %swap3A_1547] {strides = array<i32>} : memref<64x32xf32, #tpu.memory_space<vmem>>, vector<1x16xf32>,
    %swap3A_1549 = vector.shape_cast %swap3A_1548 : vector<1x16xf32> to vector<16xf32>
    %swap3A_1550 = vector.shape_cast %add3A_1544 : vector<16xf32> to vector<1x16xf32>
    tpu.vector_store %arg13[%swap3A_1546, %swap3A_1547], %swap3A_1550 {strides = array<i32>} : memref<64x32xf32, #tpu.memory_space<vmem>>, vector<1x16xf32>,
    %mul3A_1551 = arith.mulf %get3A_1542, %broadcast_in_dim3A_1534 : vector<16xf32>
    %swap3A_1552 = arith.constant 28 : i32
    %swap3A_1553 = arith.index_cast %swap3A_1552 : i32 to index
    %swap3A_1554 = arith.constant 0 : index
    %swap3A_1555 = tpu.vector_load %arg14[%swap3A_1553, %swap3A_1554] {strides = array<i32>} : memref<64x32xf32, #tpu.memory_space<vmem>>, vector<1x16xf32>,
    %swap3A_1556 = vector.shape_cast %swap3A_1555 : vector<1x16xf32> to vector<16xf32>
    %swap3A_1557 = vector.shape_cast %mul3A_1551 : vector<16xf32> to vector<1x16xf32>
    tpu.vector_store %arg14[%swap3A_1553, %swap3A_1554], %swap3A_1557 {strides = array<i32>} : memref<64x32xf32, #tpu.memory_space<vmem>>, vector<1x16xf32>,
    %get3A_1558 = arith.constant 28 : i32
    %get3A_1559 = arith.index_cast %get3A_1558 : i32 to index
    %get3A_1560 = arith.constant 16 : index
    %get3A_1561 = tpu.vector_load %arg12[%get3A_1559, %get3A_1560] {strides = array<i32>} : memref<64x128xf32, #tpu.memory_space<vmem>>, vector<1x16xf32>,
    %get3A_1562 = vector.shape_cast %get3A_1561 : vector<1x16xf32> to vector<16xf32>
    %mul3A_1563 = arith.mulf %get3A_1562, %broadcast_in_dim3A_1537 : vector<16xf32>
    %add3A_1564 = arith.addf %mul3A_1563, %broadcast_in_dim3A_1531 : vector<16xf32>
    %swap3A_1565 = arith.constant 28 : i32
    %swap3A_1566 = arith.index_cast %swap3A_1565 : i32 to index
    %swap3A_1567 = arith.constant 16 : index
    %swap3A_1568 = tpu.vector_load %arg13[%swap3A_1566, %swap3A_1567] {strides = array<i32>} : memref<64x32xf32, #tpu.memory_space<vmem>>, vector<1x16xf32>,
    %swap3A_1569 = vector.shape_cast %swap3A_1568 : vector<1x16xf32> to vector<16xf32>
    %swap3A_1570 = vector.shape_cast %add3A_1564 : vector<16xf32> to vector<1x16xf32>
    tpu.vector_store %arg13[%swap3A_1566, %swap3A_1567], %swap3A_1570 {strides = array<i32>} : memref<64x32xf32, #tpu.memory_space<vmem>>, vector<1x16xf32>,
    %mul3A_1571 = arith.mulf %get3A_1562, %broadcast_in_dim3A_1534 : vector<16xf32>
    %swap3A_1572 = arith.constant 28 : i32
    %swap3A_1573 = arith.index_cast %swap3A_1572 : i32 to index
    %swap3A_1574 = arith.constant 16 : index
    %swap3A_1575 = tpu.vector_load %arg14[%swap3A_1573, %swap3A_1574] {strides = array<i32>} : memref<64x32xf32, #tpu.memory_space<vmem>>, vector<1x16xf32>,
    %swap3A_1576 = vector.shape_cast %swap3A_1575 : vector<1x16xf32> to vector<16xf32>
    %swap3A_1577 = vector.shape_cast %mul3A_1571 : vector<16xf32> to vector<1x16xf32>
    tpu.vector_store %arg14[%swap3A_1573, %swap3A_1574], %swap3A_1577 {strides = array<i32>} : memref<64x32xf32, #tpu.memory_space<vmem>>, vector<1x16xf32>,
    %slice3A_1578 = vector.extract_strided_slice %select_n3A_937 {offsets = [13], sizes = [1], strides = [1]} : vector<16xf32> to vector<1xf32>
    %broadcast_in_dim3A_1579 = vector.shape_cast %slice3A_1578 : vector<1xf32> to vector<1xf32>
    %broadcast_in_dim3A_1580 = vector.broadcast %broadcast_in_dim3A_1579 : vector<1xf32> to vector<16xf32>
    %slice3A_1581 = vector.extract_strided_slice %select_n3A_939 {offsets = [13], sizes = [1], strides = [1]} : vector<16xf32> to vector<1xf32>
    %broadcast_in_dim3A_1582 = vector.shape_cast %slice3A_1581 : vector<1xf32> to vector<1xf32>
    %broadcast_in_dim3A_1583 = vector.broadcast %broadcast_in_dim3A_1582 : vector<1xf32> to vector<16xf32>
    %slice3A_1584 = vector.extract_strided_slice %select_n3A_940 {offsets = [13], sizes = [1], strides = [1]} : vector<16xf32> to vector<1xf32>
    %broadcast_in_dim3A_1585 = vector.shape_cast %slice3A_1584 : vector<1xf32> to vector<1xf32>
    %broadcast_in_dim3A_1586 = vector.broadcast %broadcast_in_dim3A_1585 : vector<1xf32> to vector<16xf32>
    %get3A_1587 = arith.constant 29 : i32
    %get3A_1588 = arith.index_cast %get3A_1587 : i32 to index
    %get3A_1589 = arith.constant 0 : index
    %get3A_1590 = tpu.vector_load %arg12[%get3A_1588, %get3A_1589] {strides = array<i32>} : memref<64x128xf32, #tpu.memory_space<vmem>>, vector<1x16xf32>,
    %get3A_1591 = vector.shape_cast %get3A_1590 : vector<1x16xf32> to vector<16xf32>
    %mul3A_1592 = arith.mulf %get3A_1591, %broadcast_in_dim3A_1586 : vector<16xf32>
    %add3A_1593 = arith.addf %mul3A_1592, %broadcast_in_dim3A_1580 : vector<16xf32>
    %swap3A_1594 = arith.constant 29 : i32
    %swap3A_1595 = arith.index_cast %swap3A_1594 : i32 to index
    %swap3A_1596 = arith.constant 0 : index
    %swap3A_1597 = tpu.vector_load %arg13[%swap3A_1595, %swap3A_1596] {strides = array<i32>} : memref<64x32xf32, #tpu.memory_space<vmem>>, vector<1x16xf32>,
    %swap3A_1598 = vector.shape_cast %swap3A_1597 : vector<1x16xf32> to vector<16xf32>
    %swap3A_1599 = vector.shape_cast %add3A_1593 : vector<16xf32> to vector<1x16xf32>
    tpu.vector_store %arg13[%swap3A_1595, %swap3A_1596], %swap3A_1599 {strides = array<i32>} : memref<64x32xf32, #tpu.memory_space<vmem>>, vector<1x16xf32>,
    %mul3A_1600 = arith.mulf %get3A_1591, %broadcast_in_dim3A_1583 : vector<16xf32>
    %swap3A_1601 = arith.constant 29 : i32
    %swap3A_1602 = arith.index_cast %swap3A_1601 : i32 to index
    %swap3A_1603 = arith.constant 0 : index
    %swap3A_1604 = tpu.vector_load %arg14[%swap3A_1602, %swap3A_1603] {strides = array<i32>} : memref<64x32xf32, #tpu.memory_space<vmem>>, vector<1x16xf32>,
    %swap3A_1605 = vector.shape_cast %swap3A_1604 : vector<1x16xf32> to vector<16xf32>
    %swap3A_1606 = vector.shape_cast %mul3A_1600 : vector<16xf32> to vector<1x16xf32>
    tpu.vector_store %arg14[%swap3A_1602, %swap3A_1603], %swap3A_1606 {strides = array<i32>} : memref<64x32xf32, #tpu.memory_space<vmem>>, vector<1x16xf32>,
    %get3A_1607 = arith.constant 29 : i32
    %get3A_1608 = arith.index_cast %get3A_1607 : i32 to index
    %get3A_1609 = arith.constant 16 : index
    %get3A_1610 = tpu.vector_load %arg12[%get3A_1608, %get3A_1609] {strides = array<i32>} : memref<64x128xf32, #tpu.memory_space<vmem>>, vector<1x16xf32>,
    %get3A_1611 = vector.shape_cast %get3A_1610 : vector<1x16xf32> to vector<16xf32>
    %mul3A_1612 = arith.mulf %get3A_1611, %broadcast_in_dim3A_1586 : vector<16xf32>
    %add3A_1613 = arith.addf %mul3A_1612, %broadcast_in_dim3A_1580 : vector<16xf32>
    %swap3A_1614 = arith.constant 29 : i32
    %swap3A_1615 = arith.index_cast %swap3A_1614 : i32 to index
    %swap3A_1616 = arith.constant 16 : index
    %swap3A_1617 = tpu.vector_load %arg13[%swap3A_1615, %swap3A_1616] {strides = array<i32>} : memref<64x32xf32, #tpu.memory_space<vmem>>, vector<1x16xf32>,
    %swap3A_1618 = vector.shape_cast %swap3A_1617 : vector<1x16xf32> to vector<16xf32>
    %swap3A_1619 = vector.shape_cast %add3A_1613 : vector<16xf32> to vector<1x16xf32>
    tpu.vector_store %arg13[%swap3A_1615, %swap3A_1616], %swap3A_1619 {strides = array<i32>} : memref<64x32xf32, #tpu.memory_space<vmem>>, vector<1x16xf32>,
    %mul3A_1620 = arith.mulf %get3A_1611, %broadcast_in_dim3A_1583 : vector<16xf32>
    %swap3A_1621 = arith.constant 29 : i32
    %swap3A_1622 = arith.index_cast %swap3A_1621 : i32 to index
    %swap3A_1623 = arith.constant 16 : index
    %swap3A_1624 = tpu.vector_load %arg14[%swap3A_1622, %swap3A_1623] {strides = array<i32>} : memref<64x32xf32, #tpu.memory_space<vmem>>, vector<1x16xf32>,
    %swap3A_1625 = vector.shape_cast %swap3A_1624 : vector<1x16xf32> to vector<16xf32>
    %swap3A_1626 = vector.shape_cast %mul3A_1620 : vector<16xf32> to vector<1x16xf32>
    tpu.vector_store %arg14[%swap3A_1622, %swap3A_1623], %swap3A_1626 {strides = array<i32>} : memref<64x32xf32, #tpu.memory_space<vmem>>, vector<1x16xf32>,
    %slice3A_1627 = vector.extract_strided_slice %select_n3A_937 {offsets = [14], sizes = [1], strides = [1]} : vector<16xf32> to vector<1xf32>
    %broadcast_in_dim3A_1628 = vector.shape_cast %slice3A_1627 : vector<1xf32> to vector<1xf32>
    %broadcast_in_dim3A_1629 = vector.broadcast %broadcast_in_dim3A_1628 : vector<1xf32> to vector<16xf32>
    %slice3A_1630 = vector.extract_strided_slice %select_n3A_939 {offsets = [14], sizes = [1], strides = [1]} : vector<16xf32> to vector<1xf32>
    %broadcast_in_dim3A_1631 = vector.shape_cast %slice3A_1630 : vector<1xf32> to vector<1xf32>
    %broadcast_in_dim3A_1632 = vector.broadcast %broadcast_in_dim3A_1631 : vector<1xf32> to vector<16xf32>
    %slice3A_1633 = vector.extract_strided_slice %select_n3A_940 {offsets = [14], sizes = [1], strides = [1]} : vector<16xf32> to vector<1xf32>
    %broadcast_in_dim3A_1634 = vector.shape_cast %slice3A_1633 : vector<1xf32> to vector<1xf32>
    %broadcast_in_dim3A_1635 = vector.broadcast %broadcast_in_dim3A_1634 : vector<1xf32> to vector<16xf32>
    %get3A_1636 = arith.constant 30 : i32
    %get3A_1637 = arith.index_cast %get3A_1636 : i32 to index
    %get3A_1638 = arith.constant 0 : index
    %get3A_1639 = tpu.vector_load %arg12[%get3A_1637, %get3A_1638] {strides = array<i32>} : memref<64x128xf32, #tpu.memory_space<vmem>>, vector<1x16xf32>,
    %get3A_1640 = vector.shape_cast %get3A_1639 : vector<1x16xf32> to vector<16xf32>
    %mul3A_1641 = arith.mulf %get3A_1640, %broadcast_in_dim3A_1635 : vector<16xf32>
    %add3A_1642 = arith.addf %mul3A_1641, %broadcast_in_dim3A_1629 : vector<16xf32>
    %swap3A_1643 = arith.constant 30 : i32
    %swap3A_1644 = arith.index_cast %swap3A_1643 : i32 to index
    %swap3A_1645 = arith.constant 0 : index
    %swap3A_1646 = tpu.vector_load %arg13[%swap3A_1644, %swap3A_1645] {strides = array<i32>} : memref<64x32xf32, #tpu.memory_space<vmem>>, vector<1x16xf32>,
    %swap3A_1647 = vector.shape_cast %swap3A_1646 : vector<1x16xf32> to vector<16xf32>
    %swap3A_1648 = vector.shape_cast %add3A_1642 : vector<16xf32> to vector<1x16xf32>
    tpu.vector_store %arg13[%swap3A_1644, %swap3A_1645], %swap3A_1648 {strides = array<i32>} : memref<64x32xf32, #tpu.memory_space<vmem>>, vector<1x16xf32>,
    %mul3A_1649 = arith.mulf %get3A_1640, %broadcast_in_dim3A_1632 : vector<16xf32>
    %swap3A_1650 = arith.constant 30 : i32
    %swap3A_1651 = arith.index_cast %swap3A_1650 : i32 to index
    %swap3A_1652 = arith.constant 0 : index
    %swap3A_1653 = tpu.vector_load %arg14[%swap3A_1651, %swap3A_1652] {strides = array<i32>} : memref<64x32xf32, #tpu.memory_space<vmem>>, vector<1x16xf32>,
    %swap3A_1654 = vector.shape_cast %swap3A_1653 : vector<1x16xf32> to vector<16xf32>
    %swap3A_1655 = vector.shape_cast %mul3A_1649 : vector<16xf32> to vector<1x16xf32>
    tpu.vector_store %arg14[%swap3A_1651, %swap3A_1652], %swap3A_1655 {strides = array<i32>} : memref<64x32xf32, #tpu.memory_space<vmem>>, vector<1x16xf32>,
    %get3A_1656 = arith.constant 30 : i32
    %get3A_1657 = arith.index_cast %get3A_1656 : i32 to index
    %get3A_1658 = arith.constant 16 : index
    %get3A_1659 = tpu.vector_load %arg12[%get3A_1657, %get3A_1658] {strides = array<i32>} : memref<64x128xf32, #tpu.memory_space<vmem>>, vector<1x16xf32>,
    %get3A_1660 = vector.shape_cast %get3A_1659 : vector<1x16xf32> to vector<16xf32>
    %mul3A_1661 = arith.mulf %get3A_1660, %broadcast_in_dim3A_1635 : vector<16xf32>
    %add3A_1662 = arith.addf %mul3A_1661, %broadcast_in_dim3A_1629 : vector<16xf32>
    %swap3A_1663 = arith.constant 30 : i32
    %swap3A_1664 = arith.index_cast %swap3A_1663 : i32 to index
    %swap3A_1665 = arith.constant 16 : index
    %swap3A_1666 = tpu.vector_load %arg13[%swap3A_1664, %swap3A_1665] {strides = array<i32>} : memref<64x32xf32, #tpu.memory_space<vmem>>, vector<1x16xf32>,
    %swap3A_1667 = vector.shape_cast %swap3A_1666 : vector<1x16xf32> to vector<16xf32>
    %swap3A_1668 = vector.shape_cast %add3A_1662 : vector<16xf32> to vector<1x16xf32>
    tpu.vector_store %arg13[%swap3A_1664, %swap3A_1665], %swap3A_1668 {strides = array<i32>} : memref<64x32xf32, #tpu.memory_space<vmem>>, vector<1x16xf32>,
    %mul3A_1669 = arith.mulf %get3A_1660, %broadcast_in_dim3A_1632 : vector<16xf32>
    %swap3A_1670 = arith.constant 30 : i32
    %swap3A_1671 = arith.index_cast %swap3A_1670 : i32 to index
    %swap3A_1672 = arith.constant 16 : index
    %swap3A_1673 = tpu.vector_load %arg14[%swap3A_1671, %swap3A_1672] {strides = array<i32>} : memref<64x32xf32, #tpu.memory_space<vmem>>, vector<1x16xf32>,
    %swap3A_1674 = vector.shape_cast %swap3A_1673 : vector<1x16xf32> to vector<16xf32>
    %swap3A_1675 = vector.shape_cast %mul3A_1669 : vector<16xf32> to vector<1x16xf32>
    tpu.vector_store %arg14[%swap3A_1671, %swap3A_1672], %swap3A_1675 {strides = array<i32>} : memref<64x32xf32, #tpu.memory_space<vmem>>, vector<1x16xf32>,
    %slice3A_1676 = vector.extract_strided_slice %select_n3A_937 {offsets = [15], sizes = [1], strides = [1]} : vector<16xf32> to vector<1xf32>
    %broadcast_in_dim3A_1677 = vector.shape_cast %slice3A_1676 : vector<1xf32> to vector<1xf32>
    %broadcast_in_dim3A_1678 = vector.broadcast %broadcast_in_dim3A_1677 : vector<1xf32> to vector<16xf32>
    %slice3A_1679 = vector.extract_strided_slice %select_n3A_939 {offsets = [15], sizes = [1], strides = [1]} : vector<16xf32> to vector<1xf32>
    %broadcast_in_dim3A_1680 = vector.shape_cast %slice3A_1679 : vector<1xf32> to vector<1xf32>
    %broadcast_in_dim3A_1681 = vector.broadcast %broadcast_in_dim3A_1680 : vector<1xf32> to vector<16xf32>
    %slice3A_1682 = vector.extract_strided_slice %select_n3A_940 {offsets = [15], sizes = [1], strides = [1]} : vector<16xf32> to vector<1xf32>
    %broadcast_in_dim3A_1683 = vector.shape_cast %slice3A_1682 : vector<1xf32> to vector<1xf32>
    %broadcast_in_dim3A_1684 = vector.broadcast %broadcast_in_dim3A_1683 : vector<1xf32> to vector<16xf32>
    %get3A_1685 = arith.constant 31 : i32
    %get3A_1686 = arith.index_cast %get3A_1685 : i32 to index
    %get3A_1687 = arith.constant 0 : index
    %get3A_1688 = tpu.vector_load %arg12[%get3A_1686, %get3A_1687] {strides = array<i32>} : memref<64x128xf32, #tpu.memory_space<vmem>>, vector<1x16xf32>,
    %get3A_1689 = vector.shape_cast %get3A_1688 : vector<1x16xf32> to vector<16xf32>
    %mul3A_1690 = arith.mulf %get3A_1689, %broadcast_in_dim3A_1684 : vector<16xf32>
    %add3A_1691 = arith.addf %mul3A_1690, %broadcast_in_dim3A_1678 : vector<16xf32>
    %swap3A_1692 = arith.constant 31 : i32
    %swap3A_1693 = arith.index_cast %swap3A_1692 : i32 to index
    %swap3A_1694 = arith.constant 0 : index
    %swap3A_1695 = tpu.vector_load %arg13[%swap3A_1693, %swap3A_1694] {strides = array<i32>} : memref<64x32xf32, #tpu.memory_space<vmem>>, vector<1x16xf32>,
    %swap3A_1696 = vector.shape_cast %swap3A_1695 : vector<1x16xf32> to vector<16xf32>
    %swap3A_1697 = vector.shape_cast %add3A_1691 : vector<16xf32> to vector<1x16xf32>
    tpu.vector_store %arg13[%swap3A_1693, %swap3A_1694], %swap3A_1697 {strides = array<i32>} : memref<64x32xf32, #tpu.memory_space<vmem>>, vector<1x16xf32>,
    %mul3A_1698 = arith.mulf %get3A_1689, %broadcast_in_dim3A_1681 : vector<16xf32>
    %swap3A_1699 = arith.constant 31 : i32
    %swap3A_1700 = arith.index_cast %swap3A_1699 : i32 to index
    %swap3A_1701 = arith.constant 0 : index
    %swap3A_1702 = tpu.vector_load %arg14[%swap3A_1700, %swap3A_1701] {strides = array<i32>} : memref<64x32xf32, #tpu.memory_space<vmem>>, vector<1x16xf32>,
    %swap3A_1703 = vector.shape_cast %swap3A_1702 : vector<1x16xf32> to vector<16xf32>
    %swap3A_1704 = vector.shape_cast %mul3A_1698 : vector<16xf32> to vector<1x16xf32>
    tpu.vector_store %arg14[%swap3A_1700, %swap3A_1701], %swap3A_1704 {strides = array<i32>} : memref<64x32xf32, #tpu.memory_space<vmem>>, vector<1x16xf32>,
    %get3A_1705 = arith.constant 31 : i32
    %get3A_1706 = arith.index_cast %get3A_1705 : i32 to index
    %get3A_1707 = arith.constant 16 : index
    %get3A_1708 = tpu.vector_load %arg12[%get3A_1706, %get3A_1707] {strides = array<i32>} : memref<64x128xf32, #tpu.memory_space<vmem>>, vector<1x16xf32>,
    %get3A_1709 = vector.shape_cast %get3A_1708 : vector<1x16xf32> to vector<16xf32>
    %mul3A_1710 = arith.mulf %get3A_1709, %broadcast_in_dim3A_1684 : vector<16xf32>
    %add3A_1711 = arith.addf %mul3A_1710, %broadcast_in_dim3A_1678 : vector<16xf32>
    %swap3A_1712 = arith.constant 31 : i32
    %swap3A_1713 = arith.index_cast %swap3A_1712 : i32 to index
    %swap3A_1714 = arith.constant 16 : index
    %swap3A_1715 = tpu.vector_load %arg13[%swap3A_1713, %swap3A_1714] {strides = array<i32>} : memref<64x32xf32, #tpu.memory_space<vmem>>, vector<1x16xf32>,
    %swap3A_1716 = vector.shape_cast %swap3A_1715 : vector<1x16xf32> to vector<16xf32>
    %swap3A_1717 = vector.shape_cast %add3A_1711 : vector<16xf32> to vector<1x16xf32>
    tpu.vector_store %arg13[%swap3A_1713, %swap3A_1714], %swap3A_1717 {strides = array<i32>} : memref<64x32xf32, #tpu.memory_space<vmem>>, vector<1x16xf32>,
    %mul3A_1718 = arith.mulf %get3A_1709, %broadcast_in_dim3A_1681 : vector<16xf32>
    %swap3A_1719 = arith.constant 31 : i32
    %swap3A_1720 = arith.index_cast %swap3A_1719 : i32 to index
    %swap3A_1721 = arith.constant 16 : index
    %swap3A_1722 = tpu.vector_load %arg14[%swap3A_1720, %swap3A_1721] {strides = array<i32>} : memref<64x32xf32, #tpu.memory_space<vmem>>, vector<1x16xf32>,
    %swap3A_1723 = vector.shape_cast %swap3A_1722 : vector<1x16xf32> to vector<16xf32>
    %swap3A_1724 = vector.shape_cast %mul3A_1718 : vector<16xf32> to vector<1x16xf32>
    tpu.vector_store %arg14[%swap3A_1720, %swap3A_1721], %swap3A_1724 {strides = array<i32>} : memref<64x32xf32, #tpu.memory_space<vmem>>, vector<1x16xf32>,
    %get3A_1725 = arith.constant 32 : index
    %get3A_1726 = tpu.vector_load %arg8[%get3A_1725] {strides = array<i32>} : memref<64xi32, #tpu.memory_space<vmem>>, vector<16xi32>,
    %get3A_1727 = vector.shape_cast %get3A_1726 : vector<16xi32> to vector<16xi32>
    %get3A_1728 = arith.constant 32 : index
    %get3A_1729 = tpu.vector_load %arg9[%get3A_1728] {strides = array<i32>} : memref<64xi32, #tpu.memory_space<vmem>>, vector<16xi32>,
    %get3A_1730 = vector.shape_cast %get3A_1729 : vector<16xi32> to vector<16xi32>
    %get3A_1731 = arith.constant 32 : index
    %get3A_1732 = tpu.vector_load %arg10[%get3A_1731] {strides = array<i32>} : memref<64xi32, #tpu.memory_space<vmem>>, vector<16xi32>,
    %get3A_1733 = vector.shape_cast %get3A_1732 : vector<16xi32> to vector<16xi32>
    %ge3A_1734 = arith.constant 2 : i32
    %ge3A_1735 = vector.broadcast %ge3A_1734 : i32 to vector<16xi32>
    %ge3A_1736 = arith.cmpi sge, %get3A_1727, %ge3A_1735 : vector<16xi32>
    %le3A_1737 = arith.constant 5 : i32
    %le3A_1738 = vector.broadcast %le3A_1737 : i32 to vector<16xi32>
    %le3A_1739 = arith.cmpi sle, %get3A_1727, %le3A_1738 : vector<16xi32>
    %and3A_1740 = arith.andi %ge3A_1736, %le3A_1739 : vector<16xi1>
    %lt3A_1741 = arith.constant 10 : i32
    %lt3A_1742 = vector.broadcast %lt3A_1741 : i32 to vector<16xi32>
    %lt3A_1743 = arith.cmpi slt, %get3A_1730, %lt3A_1742 : vector<16xi32>
    %and3A_1744 = arith.andi %and3A_1740, %lt3A_1743 : vector<16xi1>
    %eq3A_1745 = arith.constant 0 : i32
    %eq3A_1746 = vector.broadcast %eq3A_1745 : i32 to vector<16xi32>
    %eq3A_1747 = arith.cmpi eq, %get3A_1733, %eq3A_1746 : vector<16xi32>
    %and3A_1748 = arith.andi %and3A_1744, %eq3A_1747 : vector<16xi1>
    %eq3A_1749 = arith.constant 1 : i32
    %eq3A_1750 = vector.broadcast %eq3A_1749 : i32 to vector<16xi32>
    %eq3A_1751 = arith.cmpi eq, %get3A_1733, %eq3A_1750 : vector<16xi32>
    %and3A_1752 = arith.andi %and3A_1744, %eq3A_1751 : vector<16xi1>
    %ge3A_1753 = arith.constant 2 : i32
    %ge3A_1754 = vector.broadcast %ge3A_1753 : i32 to vector<16xi32>
    %ge3A_1755 = arith.cmpi sge, %get3A_1733, %ge3A_1754 : vector<16xi32>
    %and3A_1756 = arith.andi %and3A_1744, %ge3A_1755 : vector<16xi1>
    %select_n3A_1757 = arith.select %and3A_1756, %broadcast_in_dim3A_85, %broadcast_in_dim3A_83 : vector<16xi1>, vector<16xf32>
    %select_n3A_1758 = arith.select %and3A_1752, %broadcast_in_dim3A_83, %select_n3A_1757 : vector<16xi1>, vector<16xf32>
    %select_n3A_1759 = arith.select %and3A_1748, %broadcast_in_dim3A_87, %select_n3A_1758 : vector<16xi1>, vector<16xf32>
    %select_n3A_1760 = arith.select %and3A_1756, %broadcast_in_dim3A_85, %broadcast_in_dim3A_87 : vector<16xi1>, vector<16xf32>
    %select_n3A_1761 = arith.select %and3A_1752, %broadcast_in_dim3A_83, %select_n3A_1760 : vector<16xi1>, vector<16xf32>
    %select_n3A_1762 = arith.select %and3A_1748, %broadcast_in_dim3A_83, %broadcast_in_dim3A_87 : vector<16xi1>, vector<16xf32>
    %slice3A_1763 = vector.extract_strided_slice %select_n3A_1759 {offsets = [0], sizes = [1], strides = [1]} : vector<16xf32> to vector<1xf32>
    %broadcast_in_dim3A_1764 = vector.shape_cast %slice3A_1763 : vector<1xf32> to vector<1xf32>
    %broadcast_in_dim3A_1765 = vector.broadcast %broadcast_in_dim3A_1764 : vector<1xf32> to vector<16xf32>
    %slice3A_1766 = vector.extract_strided_slice %select_n3A_1761 {offsets = [0], sizes = [1], strides = [1]} : vector<16xf32> to vector<1xf32>
    %broadcast_in_dim3A_1767 = vector.shape_cast %slice3A_1766 : vector<1xf32> to vector<1xf32>
    %broadcast_in_dim3A_1768 = vector.broadcast %broadcast_in_dim3A_1767 : vector<1xf32> to vector<16xf32>
    %slice3A_1769 = vector.extract_strided_slice %select_n3A_1762 {offsets = [0], sizes = [1], strides = [1]} : vector<16xf32> to vector<1xf32>
    %broadcast_in_dim3A_1770 = vector.shape_cast %slice3A_1769 : vector<1xf32> to vector<1xf32>
    %broadcast_in_dim3A_1771 = vector.broadcast %broadcast_in_dim3A_1770 : vector<1xf32> to vector<16xf32>
    %get3A_1772 = arith.constant 32 : i32
    %get3A_1773 = arith.index_cast %get3A_1772 : i32 to index
    %get3A_1774 = arith.constant 0 : index
    %get3A_1775 = tpu.vector_load %arg12[%get3A_1773, %get3A_1774] {strides = array<i32>} : memref<64x128xf32, #tpu.memory_space<vmem>>, vector<1x16xf32>,
    %get3A_1776 = vector.shape_cast %get3A_1775 : vector<1x16xf32> to vector<16xf32>
    %mul3A_1777 = arith.mulf %get3A_1776, %broadcast_in_dim3A_1771 : vector<16xf32>
    %add3A_1778 = arith.addf %mul3A_1777, %broadcast_in_dim3A_1765 : vector<16xf32>
    %swap3A_1779 = arith.constant 32 : i32
    %swap3A_1780 = arith.index_cast %swap3A_1779 : i32 to index
    %swap3A_1781 = arith.constant 0 : index
    %swap3A_1782 = tpu.vector_load %arg13[%swap3A_1780, %swap3A_1781] {strides = array<i32>} : memref<64x32xf32, #tpu.memory_space<vmem>>, vector<1x16xf32>,
    %swap3A_1783 = vector.shape_cast %swap3A_1782 : vector<1x16xf32> to vector<16xf32>
    %swap3A_1784 = vector.shape_cast %add3A_1778 : vector<16xf32> to vector<1x16xf32>
    tpu.vector_store %arg13[%swap3A_1780, %swap3A_1781], %swap3A_1784 {strides = array<i32>} : memref<64x32xf32, #tpu.memory_space<vmem>>, vector<1x16xf32>,
    %mul3A_1785 = arith.mulf %get3A_1776, %broadcast_in_dim3A_1768 : vector<16xf32>
    %swap3A_1786 = arith.constant 32 : i32
    %swap3A_1787 = arith.index_cast %swap3A_1786 : i32 to index
    %swap3A_1788 = arith.constant 0 : index
    %swap3A_1789 = tpu.vector_load %arg14[%swap3A_1787, %swap3A_1788] {strides = array<i32>} : memref<64x32xf32, #tpu.memory_space<vmem>>, vector<1x16xf32>,
    %swap3A_1790 = vector.shape_cast %swap3A_1789 : vector<1x16xf32> to vector<16xf32>
    %swap3A_1791 = vector.shape_cast %mul3A_1785 : vector<16xf32> to vector<1x16xf32>
    tpu.vector_store %arg14[%swap3A_1787, %swap3A_1788], %swap3A_1791 {strides = array<i32>} : memref<64x32xf32, #tpu.memory_space<vmem>>, vector<1x16xf32>,
    %get3A_1792 = arith.constant 32 : i32
    %get3A_1793 = arith.index_cast %get3A_1792 : i32 to index
    %get3A_1794 = arith.constant 16 : index
    %get3A_1795 = tpu.vector_load %arg12[%get3A_1793, %get3A_1794] {strides = array<i32>} : memref<64x128xf32, #tpu.memory_space<vmem>>, vector<1x16xf32>,
    %get3A_1796 = vector.shape_cast %get3A_1795 : vector<1x16xf32> to vector<16xf32>
    %mul3A_1797 = arith.mulf %get3A_1796, %broadcast_in_dim3A_1771 : vector<16xf32>
    %add3A_1798 = arith.addf %mul3A_1797, %broadcast_in_dim3A_1765 : vector<16xf32>
    %swap3A_1799 = arith.constant 32 : i32
    %swap3A_1800 = arith.index_cast %swap3A_1799 : i32 to index
    %swap3A_1801 = arith.constant 16 : index
    %swap3A_1802 = tpu.vector_load %arg13[%swap3A_1800, %swap3A_1801] {strides = array<i32>} : memref<64x32xf32, #tpu.memory_space<vmem>>, vector<1x16xf32>,
    %swap3A_1803 = vector.shape_cast %swap3A_1802 : vector<1x16xf32> to vector<16xf32>
    %swap3A_1804 = vector.shape_cast %add3A_1798 : vector<16xf32> to vector<1x16xf32>
    tpu.vector_store %arg13[%swap3A_1800, %swap3A_1801], %swap3A_1804 {strides = array<i32>} : memref<64x32xf32, #tpu.memory_space<vmem>>, vector<1x16xf32>,
    %mul3A_1805 = arith.mulf %get3A_1796, %broadcast_in_dim3A_1768 : vector<16xf32>
    %swap3A_1806 = arith.constant 32 : i32
    %swap3A_1807 = arith.index_cast %swap3A_1806 : i32 to index
    %swap3A_1808 = arith.constant 16 : index
    %swap3A_1809 = tpu.vector_load %arg14[%swap3A_1807, %swap3A_1808] {strides = array<i32>} : memref<64x32xf32, #tpu.memory_space<vmem>>, vector<1x16xf32>,
    %swap3A_1810 = vector.shape_cast %swap3A_1809 : vector<1x16xf32> to vector<16xf32>
    %swap3A_1811 = vector.shape_cast %mul3A_1805 : vector<16xf32> to vector<1x16xf32>
    tpu.vector_store %arg14[%swap3A_1807, %swap3A_1808], %swap3A_1811 {strides = array<i32>} : memref<64x32xf32, #tpu.memory_space<vmem>>, vector<1x16xf32>,
    %slice3A_1812 = vector.extract_strided_slice %select_n3A_1759 {offsets = [1], sizes = [1], strides = [1]} : vector<16xf32> to vector<1xf32>
    %broadcast_in_dim3A_1813 = vector.shape_cast %slice3A_1812 : vector<1xf32> to vector<1xf32>
    %broadcast_in_dim3A_1814 = vector.broadcast %broadcast_in_dim3A_1813 : vector<1xf32> to vector<16xf32>
    %slice3A_1815 = vector.extract_strided_slice %select_n3A_1761 {offsets = [1], sizes = [1], strides = [1]} : vector<16xf32> to vector<1xf32>
    %broadcast_in_dim3A_1816 = vector.shape_cast %slice3A_1815 : vector<1xf32> to vector<1xf32>
    %broadcast_in_dim3A_1817 = vector.broadcast %broadcast_in_dim3A_1816 : vector<1xf32> to vector<16xf32>
    %slice3A_1818 = vector.extract_strided_slice %select_n3A_1762 {offsets = [1], sizes = [1], strides = [1]} : vector<16xf32> to vector<1xf32>
    %broadcast_in_dim3A_1819 = vector.shape_cast %slice3A_1818 : vector<1xf32> to vector<1xf32>
    %broadcast_in_dim3A_1820 = vector.broadcast %broadcast_in_dim3A_1819 : vector<1xf32> to vector<16xf32>
    %get3A_1821 = arith.constant 33 : i32
    %get3A_1822 = arith.index_cast %get3A_1821 : i32 to index
    %get3A_1823 = arith.constant 0 : index
    %get3A_1824 = tpu.vector_load %arg12[%get3A_1822, %get3A_1823] {strides = array<i32>} : memref<64x128xf32, #tpu.memory_space<vmem>>, vector<1x16xf32>,
    %get3A_1825 = vector.shape_cast %get3A_1824 : vector<1x16xf32> to vector<16xf32>
    %mul3A_1826 = arith.mulf %get3A_1825, %broadcast_in_dim3A_1820 : vector<16xf32>
    %add3A_1827 = arith.addf %mul3A_1826, %broadcast_in_dim3A_1814 : vector<16xf32>
    %swap3A_1828 = arith.constant 33 : i32
    %swap3A_1829 = arith.index_cast %swap3A_1828 : i32 to index
    %swap3A_1830 = arith.constant 0 : index
    %swap3A_1831 = tpu.vector_load %arg13[%swap3A_1829, %swap3A_1830] {strides = array<i32>} : memref<64x32xf32, #tpu.memory_space<vmem>>, vector<1x16xf32>,
    %swap3A_1832 = vector.shape_cast %swap3A_1831 : vector<1x16xf32> to vector<16xf32>
    %swap3A_1833 = vector.shape_cast %add3A_1827 : vector<16xf32> to vector<1x16xf32>
    tpu.vector_store %arg13[%swap3A_1829, %swap3A_1830], %swap3A_1833 {strides = array<i32>} : memref<64x32xf32, #tpu.memory_space<vmem>>, vector<1x16xf32>,
    %mul3A_1834 = arith.mulf %get3A_1825, %broadcast_in_dim3A_1817 : vector<16xf32>
    %swap3A_1835 = arith.constant 33 : i32
    %swap3A_1836 = arith.index_cast %swap3A_1835 : i32 to index
    %swap3A_1837 = arith.constant 0 : index
    %swap3A_1838 = tpu.vector_load %arg14[%swap3A_1836, %swap3A_1837] {strides = array<i32>} : memref<64x32xf32, #tpu.memory_space<vmem>>, vector<1x16xf32>,
    %swap3A_1839 = vector.shape_cast %swap3A_1838 : vector<1x16xf32> to vector<16xf32>
    %swap3A_1840 = vector.shape_cast %mul3A_1834 : vector<16xf32> to vector<1x16xf32>
    tpu.vector_store %arg14[%swap3A_1836, %swap3A_1837], %swap3A_1840 {strides = array<i32>} : memref<64x32xf32, #tpu.memory_space<vmem>>, vector<1x16xf32>,
    %get3A_1841 = arith.constant 33 : i32
    %get3A_1842 = arith.index_cast %get3A_1841 : i32 to index
    %get3A_1843 = arith.constant 16 : index
    %get3A_1844 = tpu.vector_load %arg12[%get3A_1842, %get3A_1843] {strides = array<i32>} : memref<64x128xf32, #tpu.memory_space<vmem>>, vector<1x16xf32>,
    %get3A_1845 = vector.shape_cast %get3A_1844 : vector<1x16xf32> to vector<16xf32>
    %mul3A_1846 = arith.mulf %get3A_1845, %broadcast_in_dim3A_1820 : vector<16xf32>
    %add3A_1847 = arith.addf %mul3A_1846, %broadcast_in_dim3A_1814 : vector<16xf32>
    %swap3A_1848 = arith.constant 33 : i32
    %swap3A_1849 = arith.index_cast %swap3A_1848 : i32 to index
    %swap3A_1850 = arith.constant 16 : index
    %swap3A_1851 = tpu.vector_load %arg13[%swap3A_1849, %swap3A_1850] {strides = array<i32>} : memref<64x32xf32, #tpu.memory_space<vmem>>, vector<1x16xf32>,
    %swap3A_1852 = vector.shape_cast %swap3A_1851 : vector<1x16xf32> to vector<16xf32>
    %swap3A_1853 = vector.shape_cast %add3A_1847 : vector<16xf32> to vector<1x16xf32>
    tpu.vector_store %arg13[%swap3A_1849, %swap3A_1850], %swap3A_1853 {strides = array<i32>} : memref<64x32xf32, #tpu.memory_space<vmem>>, vector<1x16xf32>,
    %mul3A_1854 = arith.mulf %get3A_1845, %broadcast_in_dim3A_1817 : vector<16xf32>
    %swap3A_1855 = arith.constant 33 : i32
    %swap3A_1856 = arith.index_cast %swap3A_1855 : i32 to index
    %swap3A_1857 = arith.constant 16 : index
    %swap3A_1858 = tpu.vector_load %arg14[%swap3A_1856, %swap3A_1857] {strides = array<i32>} : memref<64x32xf32, #tpu.memory_space<vmem>>, vector<1x16xf32>,
    %swap3A_1859 = vector.shape_cast %swap3A_1858 : vector<1x16xf32> to vector<16xf32>
    %swap3A_1860 = vector.shape_cast %mul3A_1854 : vector<16xf32> to vector<1x16xf32>
    tpu.vector_store %arg14[%swap3A_1856, %swap3A_1857], %swap3A_1860 {strides = array<i32>} : memref<64x32xf32, #tpu.memory_space<vmem>>, vector<1x16xf32>,
    %slice3A_1861 = vector.extract_strided_slice %select_n3A_1759 {offsets = [2], sizes = [1], strides = [1]} : vector<16xf32> to vector<1xf32>
    %broadcast_in_dim3A_1862 = vector.shape_cast %slice3A_1861 : vector<1xf32> to vector<1xf32>
    %broadcast_in_dim3A_1863 = vector.broadcast %broadcast_in_dim3A_1862 : vector<1xf32> to vector<16xf32>
    %slice3A_1864 = vector.extract_strided_slice %select_n3A_1761 {offsets = [2], sizes = [1], strides = [1]} : vector<16xf32> to vector<1xf32>
    %broadcast_in_dim3A_1865 = vector.shape_cast %slice3A_1864 : vector<1xf32> to vector<1xf32>
    %broadcast_in_dim3A_1866 = vector.broadcast %broadcast_in_dim3A_1865 : vector<1xf32> to vector<16xf32>
    %slice3A_1867 = vector.extract_strided_slice %select_n3A_1762 {offsets = [2], sizes = [1], strides = [1]} : vector<16xf32> to vector<1xf32>
    %broadcast_in_dim3A_1868 = vector.shape_cast %slice3A_1867 : vector<1xf32> to vector<1xf32>
    %broadcast_in_dim3A_1869 = vector.broadcast %broadcast_in_dim3A_1868 : vector<1xf32> to vector<16xf32>
    %get3A_1870 = arith.constant 34 : i32
    %get3A_1871 = arith.index_cast %get3A_1870 : i32 to index
    %get3A_1872 = arith.constant 0 : index
    %get3A_1873 = tpu.vector_load %arg12[%get3A_1871, %get3A_1872] {strides = array<i32>} : memref<64x128xf32, #tpu.memory_space<vmem>>, vector<1x16xf32>,
    %get3A_1874 = vector.shape_cast %get3A_1873 : vector<1x16xf32> to vector<16xf32>
    %mul3A_1875 = arith.mulf %get3A_1874, %broadcast_in_dim3A_1869 : vector<16xf32>
    %add3A_1876 = arith.addf %mul3A_1875, %broadcast_in_dim3A_1863 : vector<16xf32>
    %swap3A_1877 = arith.constant 34 : i32
    %swap3A_1878 = arith.index_cast %swap3A_1877 : i32 to index
    %swap3A_1879 = arith.constant 0 : index
    %swap3A_1880 = tpu.vector_load %arg13[%swap3A_1878, %swap3A_1879] {strides = array<i32>} : memref<64x32xf32, #tpu.memory_space<vmem>>, vector<1x16xf32>,
    %swap3A_1881 = vector.shape_cast %swap3A_1880 : vector<1x16xf32> to vector<16xf32>
    %swap3A_1882 = vector.shape_cast %add3A_1876 : vector<16xf32> to vector<1x16xf32>
    tpu.vector_store %arg13[%swap3A_1878, %swap3A_1879], %swap3A_1882 {strides = array<i32>} : memref<64x32xf32, #tpu.memory_space<vmem>>, vector<1x16xf32>,
    %mul3A_1883 = arith.mulf %get3A_1874, %broadcast_in_dim3A_1866 : vector<16xf32>
    %swap3A_1884 = arith.constant 34 : i32
    %swap3A_1885 = arith.index_cast %swap3A_1884 : i32 to index
    %swap3A_1886 = arith.constant 0 : index
    %swap3A_1887 = tpu.vector_load %arg14[%swap3A_1885, %swap3A_1886] {strides = array<i32>} : memref<64x32xf32, #tpu.memory_space<vmem>>, vector<1x16xf32>,
    %swap3A_1888 = vector.shape_cast %swap3A_1887 : vector<1x16xf32> to vector<16xf32>
    %swap3A_1889 = vector.shape_cast %mul3A_1883 : vector<16xf32> to vector<1x16xf32>
    tpu.vector_store %arg14[%swap3A_1885, %swap3A_1886], %swap3A_1889 {strides = array<i32>} : memref<64x32xf32, #tpu.memory_space<vmem>>, vector<1x16xf32>,
    %get3A_1890 = arith.constant 34 : i32
    %get3A_1891 = arith.index_cast %get3A_1890 : i32 to index
    %get3A_1892 = arith.constant 16 : index
    %get3A_1893 = tpu.vector_load %arg12[%get3A_1891, %get3A_1892] {strides = array<i32>} : memref<64x128xf32, #tpu.memory_space<vmem>>, vector<1x16xf32>,
    %get3A_1894 = vector.shape_cast %get3A_1893 : vector<1x16xf32> to vector<16xf32>
    %mul3A_1895 = arith.mulf %get3A_1894, %broadcast_in_dim3A_1869 : vector<16xf32>
    %add3A_1896 = arith.addf %mul3A_1895, %broadcast_in_dim3A_1863 : vector<16xf32>
    %swap3A_1897 = arith.constant 34 : i32
    %swap3A_1898 = arith.index_cast %swap3A_1897 : i32 to index
    %swap3A_1899 = arith.constant 16 : index
    %swap3A_1900 = tpu.vector_load %arg13[%swap3A_1898, %swap3A_1899] {strides = array<i32>} : memref<64x32xf32, #tpu.memory_space<vmem>>, vector<1x16xf32>,
    %swap3A_1901 = vector.shape_cast %swap3A_1900 : vector<1x16xf32> to vector<16xf32>
    %swap3A_1902 = vector.shape_cast %add3A_1896 : vector<16xf32> to vector<1x16xf32>
    tpu.vector_store %arg13[%swap3A_1898, %swap3A_1899], %swap3A_1902 {strides = array<i32>} : memref<64x32xf32, #tpu.memory_space<vmem>>, vector<1x16xf32>,
    %mul3A_1903 = arith.mulf %get3A_1894, %broadcast_in_dim3A_1866 : vector<16xf32>
    %swap3A_1904 = arith.constant 34 : i32
    %swap3A_1905 = arith.index_cast %swap3A_1904 : i32 to index
    %swap3A_1906 = arith.constant 16 : index
    %swap3A_1907 = tpu.vector_load %arg14[%swap3A_1905, %swap3A_1906] {strides = array<i32>} : memref<64x32xf32, #tpu.memory_space<vmem>>, vector<1x16xf32>,
    %swap3A_1908 = vector.shape_cast %swap3A_1907 : vector<1x16xf32> to vector<16xf32>
    %swap3A_1909 = vector.shape_cast %mul3A_1903 : vector<16xf32> to vector<1x16xf32>
    tpu.vector_store %arg14[%swap3A_1905, %swap3A_1906], %swap3A_1909 {strides = array<i32>} : memref<64x32xf32, #tpu.memory_space<vmem>>, vector<1x16xf32>,
    %slice3A_1910 = vector.extract_strided_slice %select_n3A_1759 {offsets = [3], sizes = [1], strides = [1]} : vector<16xf32> to vector<1xf32>
    %broadcast_in_dim3A_1911 = vector.shape_cast %slice3A_1910 : vector<1xf32> to vector<1xf32>
    %broadcast_in_dim3A_1912 = vector.broadcast %broadcast_in_dim3A_1911 : vector<1xf32> to vector<16xf32>
    %slice3A_1913 = vector.extract_strided_slice %select_n3A_1761 {offsets = [3], sizes = [1], strides = [1]} : vector<16xf32> to vector<1xf32>
    %broadcast_in_dim3A_1914 = vector.shape_cast %slice3A_1913 : vector<1xf32> to vector<1xf32>
    %broadcast_in_dim3A_1915 = vector.broadcast %broadcast_in_dim3A_1914 : vector<1xf32> to vector<16xf32>
    %slice3A_1916 = vector.extract_strided_slice %select_n3A_1762 {offsets = [3], sizes = [1], strides = [1]} : vector<16xf32> to vector<1xf32>
    %broadcast_in_dim3A_1917 = vector.shape_cast %slice3A_1916 : vector<1xf32> to vector<1xf32>
    %broadcast_in_dim3A_1918 = vector.broadcast %broadcast_in_dim3A_1917 : vector<1xf32> to vector<16xf32>
    %get3A_1919 = arith.constant 35 : i32
    %get3A_1920 = arith.index_cast %get3A_1919 : i32 to index
    %get3A_1921 = arith.constant 0 : index
    %get3A_1922 = tpu.vector_load %arg12[%get3A_1920, %get3A_1921] {strides = array<i32>} : memref<64x128xf32, #tpu.memory_space<vmem>>, vector<1x16xf32>,
    %get3A_1923 = vector.shape_cast %get3A_1922 : vector<1x16xf32> to vector<16xf32>
    %mul3A_1924 = arith.mulf %get3A_1923, %broadcast_in_dim3A_1918 : vector<16xf32>
    %add3A_1925 = arith.addf %mul3A_1924, %broadcast_in_dim3A_1912 : vector<16xf32>
    %swap3A_1926 = arith.constant 35 : i32
    %swap3A_1927 = arith.index_cast %swap3A_1926 : i32 to index
    %swap3A_1928 = arith.constant 0 : index
    %swap3A_1929 = tpu.vector_load %arg13[%swap3A_1927, %swap3A_1928] {strides = array<i32>} : memref<64x32xf32, #tpu.memory_space<vmem>>, vector<1x16xf32>,
    %swap3A_1930 = vector.shape_cast %swap3A_1929 : vector<1x16xf32> to vector<16xf32>
    %swap3A_1931 = vector.shape_cast %add3A_1925 : vector<16xf32> to vector<1x16xf32>
    tpu.vector_store %arg13[%swap3A_1927, %swap3A_1928], %swap3A_1931 {strides = array<i32>} : memref<64x32xf32, #tpu.memory_space<vmem>>, vector<1x16xf32>,
    %mul3A_1932 = arith.mulf %get3A_1923, %broadcast_in_dim3A_1915 : vector<16xf32>
    %swap3A_1933 = arith.constant 35 : i32
    %swap3A_1934 = arith.index_cast %swap3A_1933 : i32 to index
    %swap3A_1935 = arith.constant 0 : index
    %swap3A_1936 = tpu.vector_load %arg14[%swap3A_1934, %swap3A_1935] {strides = array<i32>} : memref<64x32xf32, #tpu.memory_space<vmem>>, vector<1x16xf32>,
    %swap3A_1937 = vector.shape_cast %swap3A_1936 : vector<1x16xf32> to vector<16xf32>
    %swap3A_1938 = vector.shape_cast %mul3A_1932 : vector<16xf32> to vector<1x16xf32>
    tpu.vector_store %arg14[%swap3A_1934, %swap3A_1935], %swap3A_1938 {strides = array<i32>} : memref<64x32xf32, #tpu.memory_space<vmem>>, vector<1x16xf32>,
    %get3A_1939 = arith.constant 35 : i32
    %get3A_1940 = arith.index_cast %get3A_1939 : i32 to index
    %get3A_1941 = arith.constant 16 : index
    %get3A_1942 = tpu.vector_load %arg12[%get3A_1940, %get3A_1941] {strides = array<i32>} : memref<64x128xf32, #tpu.memory_space<vmem>>, vector<1x16xf32>,
    %get3A_1943 = vector.shape_cast %get3A_1942 : vector<1x16xf32> to vector<16xf32>
    %mul3A_1944 = arith.mulf %get3A_1943, %broadcast_in_dim3A_1918 : vector<16xf32>
    %add3A_1945 = arith.addf %mul3A_1944, %broadcast_in_dim3A_1912 : vector<16xf32>
    %swap3A_1946 = arith.constant 35 : i32
    %swap3A_1947 = arith.index_cast %swap3A_1946 : i32 to index
    %swap3A_1948 = arith.constant 16 : index
    %swap3A_1949 = tpu.vector_load %arg13[%swap3A_1947, %swap3A_1948] {strides = array<i32>} : memref<64x32xf32, #tpu.memory_space<vmem>>, vector<1x16xf32>,
    %swap3A_1950 = vector.shape_cast %swap3A_1949 : vector<1x16xf32> to vector<16xf32>
    %swap3A_1951 = vector.shape_cast %add3A_1945 : vector<16xf32> to vector<1x16xf32>
    tpu.vector_store %arg13[%swap3A_1947, %swap3A_1948], %swap3A_1951 {strides = array<i32>} : memref<64x32xf32, #tpu.memory_space<vmem>>, vector<1x16xf32>,
    %mul3A_1952 = arith.mulf %get3A_1943, %broadcast_in_dim3A_1915 : vector<16xf32>
    %swap3A_1953 = arith.constant 35 : i32
    %swap3A_1954 = arith.index_cast %swap3A_1953 : i32 to index
    %swap3A_1955 = arith.constant 16 : index
    %swap3A_1956 = tpu.vector_load %arg14[%swap3A_1954, %swap3A_1955] {strides = array<i32>} : memref<64x32xf32, #tpu.memory_space<vmem>>, vector<1x16xf32>,
    %swap3A_1957 = vector.shape_cast %swap3A_1956 : vector<1x16xf32> to vector<16xf32>
    %swap3A_1958 = vector.shape_cast %mul3A_1952 : vector<16xf32> to vector<1x16xf32>
    tpu.vector_store %arg14[%swap3A_1954, %swap3A_1955], %swap3A_1958 {strides = array<i32>} : memref<64x32xf32, #tpu.memory_space<vmem>>, vector<1x16xf32>,
    %slice3A_1959 = vector.extract_strided_slice %select_n3A_1759 {offsets = [4], sizes = [1], strides = [1]} : vector<16xf32> to vector<1xf32>
    %broadcast_in_dim3A_1960 = vector.shape_cast %slice3A_1959 : vector<1xf32> to vector<1xf32>
    %broadcast_in_dim3A_1961 = vector.broadcast %broadcast_in_dim3A_1960 : vector<1xf32> to vector<16xf32>
    %slice3A_1962 = vector.extract_strided_slice %select_n3A_1761 {offsets = [4], sizes = [1], strides = [1]} : vector<16xf32> to vector<1xf32>
    %broadcast_in_dim3A_1963 = vector.shape_cast %slice3A_1962 : vector<1xf32> to vector<1xf32>
    %broadcast_in_dim3A_1964 = vector.broadcast %broadcast_in_dim3A_1963 : vector<1xf32> to vector<16xf32>
    %slice3A_1965 = vector.extract_strided_slice %select_n3A_1762 {offsets = [4], sizes = [1], strides = [1]} : vector<16xf32> to vector<1xf32>
    %broadcast_in_dim3A_1966 = vector.shape_cast %slice3A_1965 : vector<1xf32> to vector<1xf32>
    %broadcast_in_dim3A_1967 = vector.broadcast %broadcast_in_dim3A_1966 : vector<1xf32> to vector<16xf32>
    %get3A_1968 = arith.constant 36 : i32
    %get3A_1969 = arith.index_cast %get3A_1968 : i32 to index
    %get3A_1970 = arith.constant 0 : index
    %get3A_1971 = tpu.vector_load %arg12[%get3A_1969, %get3A_1970] {strides = array<i32>} : memref<64x128xf32, #tpu.memory_space<vmem>>, vector<1x16xf32>,
    %get3A_1972 = vector.shape_cast %get3A_1971 : vector<1x16xf32> to vector<16xf32>
    %mul3A_1973 = arith.mulf %get3A_1972, %broadcast_in_dim3A_1967 : vector<16xf32>
    %add3A_1974 = arith.addf %mul3A_1973, %broadcast_in_dim3A_1961 : vector<16xf32>
    %swap3A_1975 = arith.constant 36 : i32
    %swap3A_1976 = arith.index_cast %swap3A_1975 : i32 to index
    %swap3A_1977 = arith.constant 0 : index
    %swap3A_1978 = tpu.vector_load %arg13[%swap3A_1976, %swap3A_1977] {strides = array<i32>} : memref<64x32xf32, #tpu.memory_space<vmem>>, vector<1x16xf32>,
    %swap3A_1979 = vector.shape_cast %swap3A_1978 : vector<1x16xf32> to vector<16xf32>
    %swap3A_1980 = vector.shape_cast %add3A_1974 : vector<16xf32> to vector<1x16xf32>
    tpu.vector_store %arg13[%swap3A_1976, %swap3A_1977], %swap3A_1980 {strides = array<i32>} : memref<64x32xf32, #tpu.memory_space<vmem>>, vector<1x16xf32>,
    %mul3A_1981 = arith.mulf %get3A_1972, %broadcast_in_dim3A_1964 : vector<16xf32>
    %swap3A_1982 = arith.constant 36 : i32
    %swap3A_1983 = arith.index_cast %swap3A_1982 : i32 to index
    %swap3A_1984 = arith.constant 0 : index
    %swap3A_1985 = tpu.vector_load %arg14[%swap3A_1983, %swap3A_1984] {strides = array<i32>} : memref<64x32xf32, #tpu.memory_space<vmem>>, vector<1x16xf32>,
    %swap3A_1986 = vector.shape_cast %swap3A_1985 : vector<1x16xf32> to vector<16xf32>
    %swap3A_1987 = vector.shape_cast %mul3A_1981 : vector<16xf32> to vector<1x16xf32>
    tpu.vector_store %arg14[%swap3A_1983, %swap3A_1984], %swap3A_1987 {strides = array<i32>} : memref<64x32xf32, #tpu.memory_space<vmem>>, vector<1x16xf32>,
    %get3A_1988 = arith.constant 36 : i32
    %get3A_1989 = arith.index_cast %get3A_1988 : i32 to index
    %get3A_1990 = arith.constant 16 : index
    %get3A_1991 = tpu.vector_load %arg12[%get3A_1989, %get3A_1990] {strides = array<i32>} : memref<64x128xf32, #tpu.memory_space<vmem>>, vector<1x16xf32>,
    %get3A_1992 = vector.shape_cast %get3A_1991 : vector<1x16xf32> to vector<16xf32>
    %mul3A_1993 = arith.mulf %get3A_1992, %broadcast_in_dim3A_1967 : vector<16xf32>
    %add3A_1994 = arith.addf %mul3A_1993, %broadcast_in_dim3A_1961 : vector<16xf32>
    %swap3A_1995 = arith.constant 36 : i32
    %swap3A_1996 = arith.index_cast %swap3A_1995 : i32 to index
    %swap3A_1997 = arith.constant 16 : index
    %swap3A_1998 = tpu.vector_load %arg13[%swap3A_1996, %swap3A_1997] {strides = array<i32>} : memref<64x32xf32, #tpu.memory_space<vmem>>, vector<1x16xf32>,
    %swap3A_1999 = vector.shape_cast %swap3A_1998 : vector<1x16xf32> to vector<16xf32>
    %swap3A_2000 = vector.shape_cast %add3A_1994 : vector<16xf32> to vector<1x16xf32>
    tpu.vector_store %arg13[%swap3A_1996, %swap3A_1997], %swap3A_2000 {strides = array<i32>} : memref<64x32xf32, #tpu.memory_space<vmem>>, vector<1x16xf32>,
    %mul3A_2001 = arith.mulf %get3A_1992, %broadcast_in_dim3A_1964 : vector<16xf32>
    %swap3A_2002 = arith.constant 36 : i32
    %swap3A_2003 = arith.index_cast %swap3A_2002 : i32 to index
    %swap3A_2004 = arith.constant 16 : index
    %swap3A_2005 = tpu.vector_load %arg14[%swap3A_2003, %swap3A_2004] {strides = array<i32>} : memref<64x32xf32, #tpu.memory_space<vmem>>, vector<1x16xf32>,
    %swap3A_2006 = vector.shape_cast %swap3A_2005 : vector<1x16xf32> to vector<16xf32>
    %swap3A_2007 = vector.shape_cast %mul3A_2001 : vector<16xf32> to vector<1x16xf32>
    tpu.vector_store %arg14[%swap3A_2003, %swap3A_2004], %swap3A_2007 {strides = array<i32>} : memref<64x32xf32, #tpu.memory_space<vmem>>, vector<1x16xf32>,
    %slice3A_2008 = vector.extract_strided_slice %select_n3A_1759 {offsets = [5], sizes = [1], strides = [1]} : vector<16xf32> to vector<1xf32>
    %broadcast_in_dim3A_2009 = vector.shape_cast %slice3A_2008 : vector<1xf32> to vector<1xf32>
    %broadcast_in_dim3A_2010 = vector.broadcast %broadcast_in_dim3A_2009 : vector<1xf32> to vector<16xf32>
    %slice3A_2011 = vector.extract_strided_slice %select_n3A_1761 {offsets = [5], sizes = [1], strides = [1]} : vector<16xf32> to vector<1xf32>
    %broadcast_in_dim3A_2012 = vector.shape_cast %slice3A_2011 : vector<1xf32> to vector<1xf32>
    %broadcast_in_dim3A_2013 = vector.broadcast %broadcast_in_dim3A_2012 : vector<1xf32> to vector<16xf32>
    %slice3A_2014 = vector.extract_strided_slice %select_n3A_1762 {offsets = [5], sizes = [1], strides = [1]} : vector<16xf32> to vector<1xf32>
    %broadcast_in_dim3A_2015 = vector.shape_cast %slice3A_2014 : vector<1xf32> to vector<1xf32>
    %broadcast_in_dim3A_2016 = vector.broadcast %broadcast_in_dim3A_2015 : vector<1xf32> to vector<16xf32>
    %get3A_2017 = arith.constant 37 : i32
    %get3A_2018 = arith.index_cast %get3A_2017 : i32 to index
    %get3A_2019 = arith.constant 0 : index
    %get3A_2020 = tpu.vector_load %arg12[%get3A_2018, %get3A_2019] {strides = array<i32>} : memref<64x128xf32, #tpu.memory_space<vmem>>, vector<1x16xf32>,
    %get3A_2021 = vector.shape_cast %get3A_2020 : vector<1x16xf32> to vector<16xf32>
    %mul3A_2022 = arith.mulf %get3A_2021, %broadcast_in_dim3A_2016 : vector<16xf32>
    %add3A_2023 = arith.addf %mul3A_2022, %broadcast_in_dim3A_2010 : vector<16xf32>
    %swap3A_2024 = arith.constant 37 : i32
    %swap3A_2025 = arith.index_cast %swap3A_2024 : i32 to index
    %swap3A_2026 = arith.constant 0 : index
    %swap3A_2027 = tpu.vector_load %arg13[%swap3A_2025, %swap3A_2026] {strides = array<i32>} : memref<64x32xf32, #tpu.memory_space<vmem>>, vector<1x16xf32>,
    %swap3A_2028 = vector.shape_cast %swap3A_2027 : vector<1x16xf32> to vector<16xf32>
    %swap3A_2029 = vector.shape_cast %add3A_2023 : vector<16xf32> to vector<1x16xf32>
    tpu.vector_store %arg13[%swap3A_2025, %swap3A_2026], %swap3A_2029 {strides = array<i32>} : memref<64x32xf32, #tpu.memory_space<vmem>>, vector<1x16xf32>,
    %mul3A_2030 = arith.mulf %get3A_2021, %broadcast_in_dim3A_2013 : vector<16xf32>
    %swap3A_2031 = arith.constant 37 : i32
    %swap3A_2032 = arith.index_cast %swap3A_2031 : i32 to index
    %swap3A_2033 = arith.constant 0 : index
    %swap3A_2034 = tpu.vector_load %arg14[%swap3A_2032, %swap3A_2033] {strides = array<i32>} : memref<64x32xf32, #tpu.memory_space<vmem>>, vector<1x16xf32>,
    %swap3A_2035 = vector.shape_cast %swap3A_2034 : vector<1x16xf32> to vector<16xf32>
    %swap3A_2036 = vector.shape_cast %mul3A_2030 : vector<16xf32> to vector<1x16xf32>
    tpu.vector_store %arg14[%swap3A_2032, %swap3A_2033], %swap3A_2036 {strides = array<i32>} : memref<64x32xf32, #tpu.memory_space<vmem>>, vector<1x16xf32>,
    %get3A_2037 = arith.constant 37 : i32
    %get3A_2038 = arith.index_cast %get3A_2037 : i32 to index
    %get3A_2039 = arith.constant 16 : index
    %get3A_2040 = tpu.vector_load %arg12[%get3A_2038, %get3A_2039] {strides = array<i32>} : memref<64x128xf32, #tpu.memory_space<vmem>>, vector<1x16xf32>,
    %get3A_2041 = vector.shape_cast %get3A_2040 : vector<1x16xf32> to vector<16xf32>
    %mul3A_2042 = arith.mulf %get3A_2041, %broadcast_in_dim3A_2016 : vector<16xf32>
    %add3A_2043 = arith.addf %mul3A_2042, %broadcast_in_dim3A_2010 : vector<16xf32>
    %swap3A_2044 = arith.constant 37 : i32
    %swap3A_2045 = arith.index_cast %swap3A_2044 : i32 to index
    %swap3A_2046 = arith.constant 16 : index
    %swap3A_2047 = tpu.vector_load %arg13[%swap3A_2045, %swap3A_2046] {strides = array<i32>} : memref<64x32xf32, #tpu.memory_space<vmem>>, vector<1x16xf32>,
    %swap3A_2048 = vector.shape_cast %swap3A_2047 : vector<1x16xf32> to vector<16xf32>
    %swap3A_2049 = vector.shape_cast %add3A_2043 : vector<16xf32> to vector<1x16xf32>
    tpu.vector_store %arg13[%swap3A_2045, %swap3A_2046], %swap3A_2049 {strides = array<i32>} : memref<64x32xf32, #tpu.memory_space<vmem>>, vector<1x16xf32>,
    %mul3A_2050 = arith.mulf %get3A_2041, %broadcast_in_dim3A_2013 : vector<16xf32>
    %swap3A_2051 = arith.constant 37 : i32
    %swap3A_2052 = arith.index_cast %swap3A_2051 : i32 to index
    %swap3A_2053 = arith.constant 16 : index
    %swap3A_2054 = tpu.vector_load %arg14[%swap3A_2052, %swap3A_2053] {strides = array<i32>} : memref<64x32xf32, #tpu.memory_space<vmem>>, vector<1x16xf32>,
    %swap3A_2055 = vector.shape_cast %swap3A_2054 : vector<1x16xf32> to vector<16xf32>
    %swap3A_2056 = vector.shape_cast %mul3A_2050 : vector<16xf32> to vector<1x16xf32>
    tpu.vector_store %arg14[%swap3A_2052, %swap3A_2053], %swap3A_2056 {strides = array<i32>} : memref<64x32xf32, #tpu.memory_space<vmem>>, vector<1x16xf32>,
    %slice3A_2057 = vector.extract_strided_slice %select_n3A_1759 {offsets = [6], sizes = [1], strides = [1]} : vector<16xf32> to vector<1xf32>
    %broadcast_in_dim3A_2058 = vector.shape_cast %slice3A_2057 : vector<1xf32> to vector<1xf32>
    %broadcast_in_dim3A_2059 = vector.broadcast %broadcast_in_dim3A_2058 : vector<1xf32> to vector<16xf32>
    %slice3A_2060 = vector.extract_strided_slice %select_n3A_1761 {offsets = [6], sizes = [1], strides = [1]} : vector<16xf32> to vector<1xf32>
    %broadcast_in_dim3A_2061 = vector.shape_cast %slice3A_2060 : vector<1xf32> to vector<1xf32>
    %broadcast_in_dim3A_2062 = vector.broadcast %broadcast_in_dim3A_2061 : vector<1xf32> to vector<16xf32>
    %slice3A_2063 = vector.extract_strided_slice %select_n3A_1762 {offsets = [6], sizes = [1], strides = [1]} : vector<16xf32> to vector<1xf32>
    %broadcast_in_dim3A_2064 = vector.shape_cast %slice3A_2063 : vector<1xf32> to vector<1xf32>
    %broadcast_in_dim3A_2065 = vector.broadcast %broadcast_in_dim3A_2064 : vector<1xf32> to vector<16xf32>
    %get3A_2066 = arith.constant 38 : i32
    %get3A_2067 = arith.index_cast %get3A_2066 : i32 to index
    %get3A_2068 = arith.constant 0 : index
    %get3A_2069 = tpu.vector_load %arg12[%get3A_2067, %get3A_2068] {strides = array<i32>} : memref<64x128xf32, #tpu.memory_space<vmem>>, vector<1x16xf32>,
    %get3A_2070 = vector.shape_cast %get3A_2069 : vector<1x16xf32> to vector<16xf32>
    %mul3A_2071 = arith.mulf %get3A_2070, %broadcast_in_dim3A_2065 : vector<16xf32>
    %add3A_2072 = arith.addf %mul3A_2071, %broadcast_in_dim3A_2059 : vector<16xf32>
    %swap3A_2073 = arith.constant 38 : i32
    %swap3A_2074 = arith.index_cast %swap3A_2073 : i32 to index
    %swap3A_2075 = arith.constant 0 : index
    %swap3A_2076 = tpu.vector_load %arg13[%swap3A_2074, %swap3A_2075] {strides = array<i32>} : memref<64x32xf32, #tpu.memory_space<vmem>>, vector<1x16xf32>,
    %swap3A_2077 = vector.shape_cast %swap3A_2076 : vector<1x16xf32> to vector<16xf32>
    %swap3A_2078 = vector.shape_cast %add3A_2072 : vector<16xf32> to vector<1x16xf32>
    tpu.vector_store %arg13[%swap3A_2074, %swap3A_2075], %swap3A_2078 {strides = array<i32>} : memref<64x32xf32, #tpu.memory_space<vmem>>, vector<1x16xf32>,
    %mul3A_2079 = arith.mulf %get3A_2070, %broadcast_in_dim3A_2062 : vector<16xf32>
    %swap3A_2080 = arith.constant 38 : i32
    %swap3A_2081 = arith.index_cast %swap3A_2080 : i32 to index
    %swap3A_2082 = arith.constant 0 : index
    %swap3A_2083 = tpu.vector_load %arg14[%swap3A_2081, %swap3A_2082] {strides = array<i32>} : memref<64x32xf32, #tpu.memory_space<vmem>>, vector<1x16xf32>,
    %swap3A_2084 = vector.shape_cast %swap3A_2083 : vector<1x16xf32> to vector<16xf32>
    %swap3A_2085 = vector.shape_cast %mul3A_2079 : vector<16xf32> to vector<1x16xf32>
    tpu.vector_store %arg14[%swap3A_2081, %swap3A_2082], %swap3A_2085 {strides = array<i32>} : memref<64x32xf32, #tpu.memory_space<vmem>>, vector<1x16xf32>,
    %get3A_2086 = arith.constant 38 : i32
    %get3A_2087 = arith.index_cast %get3A_2086 : i32 to index
    %get3A_2088 = arith.constant 16 : index
    %get3A_2089 = tpu.vector_load %arg12[%get3A_2087, %get3A_2088] {strides = array<i32>} : memref<64x128xf32, #tpu.memory_space<vmem>>, vector<1x16xf32>,
    %get3A_2090 = vector.shape_cast %get3A_2089 : vector<1x16xf32> to vector<16xf32>
    %mul3A_2091 = arith.mulf %get3A_2090, %broadcast_in_dim3A_2065 : vector<16xf32>
    %add3A_2092 = arith.addf %mul3A_2091, %broadcast_in_dim3A_2059 : vector<16xf32>
    %swap3A_2093 = arith.constant 38 : i32
    %swap3A_2094 = arith.index_cast %swap3A_2093 : i32 to index
    %swap3A_2095 = arith.constant 16 : index
    %swap3A_2096 = tpu.vector_load %arg13[%swap3A_2094, %swap3A_2095] {strides = array<i32>} : memref<64x32xf32, #tpu.memory_space<vmem>>, vector<1x16xf32>,
    %swap3A_2097 = vector.shape_cast %swap3A_2096 : vector<1x16xf32> to vector<16xf32>
    %swap3A_2098 = vector.shape_cast %add3A_2092 : vector<16xf32> to vector<1x16xf32>
    tpu.vector_store %arg13[%swap3A_2094, %swap3A_2095], %swap3A_2098 {strides = array<i32>} : memref<64x32xf32, #tpu.memory_space<vmem>>, vector<1x16xf32>,
    %mul3A_2099 = arith.mulf %get3A_2090, %broadcast_in_dim3A_2062 : vector<16xf32>
    %swap3A_2100 = arith.constant 38 : i32
    %swap3A_2101 = arith.index_cast %swap3A_2100 : i32 to index
    %swap3A_2102 = arith.constant 16 : index
    %swap3A_2103 = tpu.vector_load %arg14[%swap3A_2101, %swap3A_2102] {strides = array<i32>} : memref<64x32xf32, #tpu.memory_space<vmem>>, vector<1x16xf32>,
    %swap3A_2104 = vector.shape_cast %swap3A_2103 : vector<1x16xf32> to vector<16xf32>
    %swap3A_2105 = vector.shape_cast %mul3A_2099 : vector<16xf32> to vector<1x16xf32>
    tpu.vector_store %arg14[%swap3A_2101, %swap3A_2102], %swap3A_2105 {strides = array<i32>} : memref<64x32xf32, #tpu.memory_space<vmem>>, vector<1x16xf32>,
    %slice3A_2106 = vector.extract_strided_slice %select_n3A_1759 {offsets = [7], sizes = [1], strides = [1]} : vector<16xf32> to vector<1xf32>
    %broadcast_in_dim3A_2107 = vector.shape_cast %slice3A_2106 : vector<1xf32> to vector<1xf32>
    %broadcast_in_dim3A_2108 = vector.broadcast %broadcast_in_dim3A_2107 : vector<1xf32> to vector<16xf32>
    %slice3A_2109 = vector.extract_strided_slice %select_n3A_1761 {offsets = [7], sizes = [1], strides = [1]} : vector<16xf32> to vector<1xf32>
    %broadcast_in_dim3A_2110 = vector.shape_cast %slice3A_2109 : vector<1xf32> to vector<1xf32>
    %broadcast_in_dim3A_2111 = vector.broadcast %broadcast_in_dim3A_2110 : vector<1xf32> to vector<16xf32>
    %slice3A_2112 = vector.extract_strided_slice %select_n3A_1762 {offsets = [7], sizes = [1], strides = [1]} : vector<16xf32> to vector<1xf32>
    %broadcast_in_dim3A_2113 = vector.shape_cast %slice3A_2112 : vector<1xf32> to vector<1xf32>
    %broadcast_in_dim3A_2114 = vector.broadcast %broadcast_in_dim3A_2113 : vector<1xf32> to vector<16xf32>
    %get3A_2115 = arith.constant 39 : i32
    %get3A_2116 = arith.index_cast %get3A_2115 : i32 to index
    %get3A_2117 = arith.constant 0 : index
    %get3A_2118 = tpu.vector_load %arg12[%get3A_2116, %get3A_2117] {strides = array<i32>} : memref<64x128xf32, #tpu.memory_space<vmem>>, vector<1x16xf32>,
    %get3A_2119 = vector.shape_cast %get3A_2118 : vector<1x16xf32> to vector<16xf32>
    %mul3A_2120 = arith.mulf %get3A_2119, %broadcast_in_dim3A_2114 : vector<16xf32>
    %add3A_2121 = arith.addf %mul3A_2120, %broadcast_in_dim3A_2108 : vector<16xf32>
    %swap3A_2122 = arith.constant 39 : i32
    %swap3A_2123 = arith.index_cast %swap3A_2122 : i32 to index
    %swap3A_2124 = arith.constant 0 : index
    %swap3A_2125 = tpu.vector_load %arg13[%swap3A_2123, %swap3A_2124] {strides = array<i32>} : memref<64x32xf32, #tpu.memory_space<vmem>>, vector<1x16xf32>,
    %swap3A_2126 = vector.shape_cast %swap3A_2125 : vector<1x16xf32> to vector<16xf32>
    %swap3A_2127 = vector.shape_cast %add3A_2121 : vector<16xf32> to vector<1x16xf32>
    tpu.vector_store %arg13[%swap3A_2123, %swap3A_2124], %swap3A_2127 {strides = array<i32>} : memref<64x32xf32, #tpu.memory_space<vmem>>, vector<1x16xf32>,
    %mul3A_2128 = arith.mulf %get3A_2119, %broadcast_in_dim3A_2111 : vector<16xf32>
    %swap3A_2129 = arith.constant 39 : i32
    %swap3A_2130 = arith.index_cast %swap3A_2129 : i32 to index
    %swap3A_2131 = arith.constant 0 : index
    %swap3A_2132 = tpu.vector_load %arg14[%swap3A_2130, %swap3A_2131] {strides = array<i32>} : memref<64x32xf32, #tpu.memory_space<vmem>>, vector<1x16xf32>,
    %swap3A_2133 = vector.shape_cast %swap3A_2132 : vector<1x16xf32> to vector<16xf32>
    %swap3A_2134 = vector.shape_cast %mul3A_2128 : vector<16xf32> to vector<1x16xf32>
    tpu.vector_store %arg14[%swap3A_2130, %swap3A_2131], %swap3A_2134 {strides = array<i32>} : memref<64x32xf32, #tpu.memory_space<vmem>>, vector<1x16xf32>,
    %get3A_2135 = arith.constant 39 : i32
    %get3A_2136 = arith.index_cast %get3A_2135 : i32 to index
    %get3A_2137 = arith.constant 16 : index
    %get3A_2138 = tpu.vector_load %arg12[%get3A_2136, %get3A_2137] {strides = array<i32>} : memref<64x128xf32, #tpu.memory_space<vmem>>, vector<1x16xf32>,
    %get3A_2139 = vector.shape_cast %get3A_2138 : vector<1x16xf32> to vector<16xf32>
    %mul3A_2140 = arith.mulf %get3A_2139, %broadcast_in_dim3A_2114 : vector<16xf32>
    %add3A_2141 = arith.addf %mul3A_2140, %broadcast_in_dim3A_2108 : vector<16xf32>
    %swap3A_2142 = arith.constant 39 : i32
    %swap3A_2143 = arith.index_cast %swap3A_2142 : i32 to index
    %swap3A_2144 = arith.constant 16 : index
    %swap3A_2145 = tpu.vector_load %arg13[%swap3A_2143, %swap3A_2144] {strides = array<i32>} : memref<64x32xf32, #tpu.memory_space<vmem>>, vector<1x16xf32>,
    %swap3A_2146 = vector.shape_cast %swap3A_2145 : vector<1x16xf32> to vector<16xf32>
    %swap3A_2147 = vector.shape_cast %add3A_2141 : vector<16xf32> to vector<1x16xf32>
    tpu.vector_store %arg13[%swap3A_2143, %swap3A_2144], %swap3A_2147 {strides = array<i32>} : memref<64x32xf32, #tpu.memory_space<vmem>>, vector<1x16xf32>,
    %mul3A_2148 = arith.mulf %get3A_2139, %broadcast_in_dim3A_2111 : vector<16xf32>
    %swap3A_2149 = arith.constant 39 : i32
    %swap3A_2150 = arith.index_cast %swap3A_2149 : i32 to index
    %swap3A_2151 = arith.constant 16 : index
    %swap3A_2152 = tpu.vector_load %arg14[%swap3A_2150, %swap3A_2151] {strides = array<i32>} : memref<64x32xf32, #tpu.memory_space<vmem>>, vector<1x16xf32>,
    %swap3A_2153 = vector.shape_cast %swap3A_2152 : vector<1x16xf32> to vector<16xf32>
    %swap3A_2154 = vector.shape_cast %mul3A_2148 : vector<16xf32> to vector<1x16xf32>
    tpu.vector_store %arg14[%swap3A_2150, %swap3A_2151], %swap3A_2154 {strides = array<i32>} : memref<64x32xf32, #tpu.memory_space<vmem>>, vector<1x16xf32>,
    %slice3A_2155 = vector.extract_strided_slice %select_n3A_1759 {offsets = [8], sizes = [1], strides = [1]} : vector<16xf32> to vector<1xf32>
    %broadcast_in_dim3A_2156 = vector.shape_cast %slice3A_2155 : vector<1xf32> to vector<1xf32>
    %broadcast_in_dim3A_2157 = vector.broadcast %broadcast_in_dim3A_2156 : vector<1xf32> to vector<16xf32>
    %slice3A_2158 = vector.extract_strided_slice %select_n3A_1761 {offsets = [8], sizes = [1], strides = [1]} : vector<16xf32> to vector<1xf32>
    %broadcast_in_dim3A_2159 = vector.shape_cast %slice3A_2158 : vector<1xf32> to vector<1xf32>
    %broadcast_in_dim3A_2160 = vector.broadcast %broadcast_in_dim3A_2159 : vector<1xf32> to vector<16xf32>
    %slice3A_2161 = vector.extract_strided_slice %select_n3A_1762 {offsets = [8], sizes = [1], strides = [1]} : vector<16xf32> to vector<1xf32>
    %broadcast_in_dim3A_2162 = vector.shape_cast %slice3A_2161 : vector<1xf32> to vector<1xf32>
    %broadcast_in_dim3A_2163 = vector.broadcast %broadcast_in_dim3A_2162 : vector<1xf32> to vector<16xf32>
    %get3A_2164 = arith.constant 40 : i32
    %get3A_2165 = arith.index_cast %get3A_2164 : i32 to index
    %get3A_2166 = arith.constant 0 : index
    %get3A_2167 = tpu.vector_load %arg12[%get3A_2165, %get3A_2166] {strides = array<i32>} : memref<64x128xf32, #tpu.memory_space<vmem>>, vector<1x16xf32>,
    %get3A_2168 = vector.shape_cast %get3A_2167 : vector<1x16xf32> to vector<16xf32>
    %mul3A_2169 = arith.mulf %get3A_2168, %broadcast_in_dim3A_2163 : vector<16xf32>
    %add3A_2170 = arith.addf %mul3A_2169, %broadcast_in_dim3A_2157 : vector<16xf32>
    %swap3A_2171 = arith.constant 40 : i32
    %swap3A_2172 = arith.index_cast %swap3A_2171 : i32 to index
    %swap3A_2173 = arith.constant 0 : index
    %swap3A_2174 = tpu.vector_load %arg13[%swap3A_2172, %swap3A_2173] {strides = array<i32>} : memref<64x32xf32, #tpu.memory_space<vmem>>, vector<1x16xf32>,
    %swap3A_2175 = vector.shape_cast %swap3A_2174 : vector<1x16xf32> to vector<16xf32>
    %swap3A_2176 = vector.shape_cast %add3A_2170 : vector<16xf32> to vector<1x16xf32>
    tpu.vector_store %arg13[%swap3A_2172, %swap3A_2173], %swap3A_2176 {strides = array<i32>} : memref<64x32xf32, #tpu.memory_space<vmem>>, vector<1x16xf32>,
    %mul3A_2177 = arith.mulf %get3A_2168, %broadcast_in_dim3A_2160 : vector<16xf32>
    %swap3A_2178 = arith.constant 40 : i32
    %swap3A_2179 = arith.index_cast %swap3A_2178 : i32 to index
    %swap3A_2180 = arith.constant 0 : index
    %swap3A_2181 = tpu.vector_load %arg14[%swap3A_2179, %swap3A_2180] {strides = array<i32>} : memref<64x32xf32, #tpu.memory_space<vmem>>, vector<1x16xf32>,
    %swap3A_2182 = vector.shape_cast %swap3A_2181 : vector<1x16xf32> to vector<16xf32>
    %swap3A_2183 = vector.shape_cast %mul3A_2177 : vector<16xf32> to vector<1x16xf32>
    tpu.vector_store %arg14[%swap3A_2179, %swap3A_2180], %swap3A_2183 {strides = array<i32>} : memref<64x32xf32, #tpu.memory_space<vmem>>, vector<1x16xf32>,
    %get3A_2184 = arith.constant 40 : i32
    %get3A_2185 = arith.index_cast %get3A_2184 : i32 to index
    %get3A_2186 = arith.constant 16 : index
    %get3A_2187 = tpu.vector_load %arg12[%get3A_2185, %get3A_2186] {strides = array<i32>} : memref<64x128xf32, #tpu.memory_space<vmem>>, vector<1x16xf32>,
    %get3A_2188 = vector.shape_cast %get3A_2187 : vector<1x16xf32> to vector<16xf32>
    %mul3A_2189 = arith.mulf %get3A_2188, %broadcast_in_dim3A_2163 : vector<16xf32>
    %add3A_2190 = arith.addf %mul3A_2189, %broadcast_in_dim3A_2157 : vector<16xf32>
    %swap3A_2191 = arith.constant 40 : i32
    %swap3A_2192 = arith.index_cast %swap3A_2191 : i32 to index
    %swap3A_2193 = arith.constant 16 : index
    %swap3A_2194 = tpu.vector_load %arg13[%swap3A_2192, %swap3A_2193] {strides = array<i32>} : memref<64x32xf32, #tpu.memory_space<vmem>>, vector<1x16xf32>,
    %swap3A_2195 = vector.shape_cast %swap3A_2194 : vector<1x16xf32> to vector<16xf32>
    %swap3A_2196 = vector.shape_cast %add3A_2190 : vector<16xf32> to vector<1x16xf32>
    tpu.vector_store %arg13[%swap3A_2192, %swap3A_2193], %swap3A_2196 {strides = array<i32>} : memref<64x32xf32, #tpu.memory_space<vmem>>, vector<1x16xf32>,
    %mul3A_2197 = arith.mulf %get3A_2188, %broadcast_in_dim3A_2160 : vector<16xf32>
    %swap3A_2198 = arith.constant 40 : i32
    %swap3A_2199 = arith.index_cast %swap3A_2198 : i32 to index
    %swap3A_2200 = arith.constant 16 : index
    %swap3A_2201 = tpu.vector_load %arg14[%swap3A_2199, %swap3A_2200] {strides = array<i32>} : memref<64x32xf32, #tpu.memory_space<vmem>>, vector<1x16xf32>,
    %swap3A_2202 = vector.shape_cast %swap3A_2201 : vector<1x16xf32> to vector<16xf32>
    %swap3A_2203 = vector.shape_cast %mul3A_2197 : vector<16xf32> to vector<1x16xf32>
    tpu.vector_store %arg14[%swap3A_2199, %swap3A_2200], %swap3A_2203 {strides = array<i32>} : memref<64x32xf32, #tpu.memory_space<vmem>>, vector<1x16xf32>,
    %slice3A_2204 = vector.extract_strided_slice %select_n3A_1759 {offsets = [9], sizes = [1], strides = [1]} : vector<16xf32> to vector<1xf32>
    %broadcast_in_dim3A_2205 = vector.shape_cast %slice3A_2204 : vector<1xf32> to vector<1xf32>
    %broadcast_in_dim3A_2206 = vector.broadcast %broadcast_in_dim3A_2205 : vector<1xf32> to vector<16xf32>
    %slice3A_2207 = vector.extract_strided_slice %select_n3A_1761 {offsets = [9], sizes = [1], strides = [1]} : vector<16xf32> to vector<1xf32>
    %broadcast_in_dim3A_2208 = vector.shape_cast %slice3A_2207 : vector<1xf32> to vector<1xf32>
    %broadcast_in_dim3A_2209 = vector.broadcast %broadcast_in_dim3A_2208 : vector<1xf32> to vector<16xf32>
    %slice3A_2210 = vector.extract_strided_slice %select_n3A_1762 {offsets = [9], sizes = [1], strides = [1]} : vector<16xf32> to vector<1xf32>
    %broadcast_in_dim3A_2211 = vector.shape_cast %slice3A_2210 : vector<1xf32> to vector<1xf32>
    %broadcast_in_dim3A_2212 = vector.broadcast %broadcast_in_dim3A_2211 : vector<1xf32> to vector<16xf32>
    %get3A_2213 = arith.constant 41 : i32
    %get3A_2214 = arith.index_cast %get3A_2213 : i32 to index
    %get3A_2215 = arith.constant 0 : index
    %get3A_2216 = tpu.vector_load %arg12[%get3A_2214, %get3A_2215] {strides = array<i32>} : memref<64x128xf32, #tpu.memory_space<vmem>>, vector<1x16xf32>,
    %get3A_2217 = vector.shape_cast %get3A_2216 : vector<1x16xf32> to vector<16xf32>
    %mul3A_2218 = arith.mulf %get3A_2217, %broadcast_in_dim3A_2212 : vector<16xf32>
    %add3A_2219 = arith.addf %mul3A_2218, %broadcast_in_dim3A_2206 : vector<16xf32>
    %swap3A_2220 = arith.constant 41 : i32
    %swap3A_2221 = arith.index_cast %swap3A_2220 : i32 to index
    %swap3A_2222 = arith.constant 0 : index
    %swap3A_2223 = tpu.vector_load %arg13[%swap3A_2221, %swap3A_2222] {strides = array<i32>} : memref<64x32xf32, #tpu.memory_space<vmem>>, vector<1x16xf32>,
    %swap3A_2224 = vector.shape_cast %swap3A_2223 : vector<1x16xf32> to vector<16xf32>
    %swap3A_2225 = vector.shape_cast %add3A_2219 : vector<16xf32> to vector<1x16xf32>
    tpu.vector_store %arg13[%swap3A_2221, %swap3A_2222], %swap3A_2225 {strides = array<i32>} : memref<64x32xf32, #tpu.memory_space<vmem>>, vector<1x16xf32>,
    %mul3A_2226 = arith.mulf %get3A_2217, %broadcast_in_dim3A_2209 : vector<16xf32>
    %swap3A_2227 = arith.constant 41 : i32
    %swap3A_2228 = arith.index_cast %swap3A_2227 : i32 to index
    %swap3A_2229 = arith.constant 0 : index
    %swap3A_2230 = tpu.vector_load %arg14[%swap3A_2228, %swap3A_2229] {strides = array<i32>} : memref<64x32xf32, #tpu.memory_space<vmem>>, vector<1x16xf32>,
    %swap3A_2231 = vector.shape_cast %swap3A_2230 : vector<1x16xf32> to vector<16xf32>
    %swap3A_2232 = vector.shape_cast %mul3A_2226 : vector<16xf32> to vector<1x16xf32>
    tpu.vector_store %arg14[%swap3A_2228, %swap3A_2229], %swap3A_2232 {strides = array<i32>} : memref<64x32xf32, #tpu.memory_space<vmem>>, vector<1x16xf32>,
    %get3A_2233 = arith.constant 41 : i32
    %get3A_2234 = arith.index_cast %get3A_2233 : i32 to index
    %get3A_2235 = arith.constant 16 : index
    %get3A_2236 = tpu.vector_load %arg12[%get3A_2234, %get3A_2235] {strides = array<i32>} : memref<64x128xf32, #tpu.memory_space<vmem>>, vector<1x16xf32>,
    %get3A_2237 = vector.shape_cast %get3A_2236 : vector<1x16xf32> to vector<16xf32>
    %mul3A_2238 = arith.mulf %get3A_2237, %broadcast_in_dim3A_2212 : vector<16xf32>
    %add3A_2239 = arith.addf %mul3A_2238, %broadcast_in_dim3A_2206 : vector<16xf32>
    %swap3A_2240 = arith.constant 41 : i32
    %swap3A_2241 = arith.index_cast %swap3A_2240 : i32 to index
    %swap3A_2242 = arith.constant 16 : index
    %swap3A_2243 = tpu.vector_load %arg13[%swap3A_2241, %swap3A_2242] {strides = array<i32>} : memref<64x32xf32, #tpu.memory_space<vmem>>, vector<1x16xf32>,
    %swap3A_2244 = vector.shape_cast %swap3A_2243 : vector<1x16xf32> to vector<16xf32>
    %swap3A_2245 = vector.shape_cast %add3A_2239 : vector<16xf32> to vector<1x16xf32>
    tpu.vector_store %arg13[%swap3A_2241, %swap3A_2242], %swap3A_2245 {strides = array<i32>} : memref<64x32xf32, #tpu.memory_space<vmem>>, vector<1x16xf32>,
    %mul3A_2246 = arith.mulf %get3A_2237, %broadcast_in_dim3A_2209 : vector<16xf32>
    %swap3A_2247 = arith.constant 41 : i32
    %swap3A_2248 = arith.index_cast %swap3A_2247 : i32 to index
    %swap3A_2249 = arith.constant 16 : index
    %swap3A_2250 = tpu.vector_load %arg14[%swap3A_2248, %swap3A_2249] {strides = array<i32>} : memref<64x32xf32, #tpu.memory_space<vmem>>, vector<1x16xf32>,
    %swap3A_2251 = vector.shape_cast %swap3A_2250 : vector<1x16xf32> to vector<16xf32>
    %swap3A_2252 = vector.shape_cast %mul3A_2246 : vector<16xf32> to vector<1x16xf32>
    tpu.vector_store %arg14[%swap3A_2248, %swap3A_2249], %swap3A_2252 {strides = array<i32>} : memref<64x32xf32, #tpu.memory_space<vmem>>, vector<1x16xf32>,
    %slice3A_2253 = vector.extract_strided_slice %select_n3A_1759 {offsets = [10], sizes = [1], strides = [1]} : vector<16xf32> to vector<1xf32>
    %broadcast_in_dim3A_2254 = vector.shape_cast %slice3A_2253 : vector<1xf32> to vector<1xf32>
    %broadcast_in_dim3A_2255 = vector.broadcast %broadcast_in_dim3A_2254 : vector<1xf32> to vector<16xf32>
    %slice3A_2256 = vector.extract_strided_slice %select_n3A_1761 {offsets = [10], sizes = [1], strides = [1]} : vector<16xf32> to vector<1xf32>
    %broadcast_in_dim3A_2257 = vector.shape_cast %slice3A_2256 : vector<1xf32> to vector<1xf32>
    %broadcast_in_dim3A_2258 = vector.broadcast %broadcast_in_dim3A_2257 : vector<1xf32> to vector<16xf32>
    %slice3A_2259 = vector.extract_strided_slice %select_n3A_1762 {offsets = [10], sizes = [1], strides = [1]} : vector<16xf32> to vector<1xf32>
    %broadcast_in_dim3A_2260 = vector.shape_cast %slice3A_2259 : vector<1xf32> to vector<1xf32>
    %broadcast_in_dim3A_2261 = vector.broadcast %broadcast_in_dim3A_2260 : vector<1xf32> to vector<16xf32>
    %get3A_2262 = arith.constant 42 : i32
    %get3A_2263 = arith.index_cast %get3A_2262 : i32 to index
    %get3A_2264 = arith.constant 0 : index
    %get3A_2265 = tpu.vector_load %arg12[%get3A_2263, %get3A_2264] {strides = array<i32>} : memref<64x128xf32, #tpu.memory_space<vmem>>, vector<1x16xf32>,
    %get3A_2266 = vector.shape_cast %get3A_2265 : vector<1x16xf32> to vector<16xf32>
    %mul3A_2267 = arith.mulf %get3A_2266, %broadcast_in_dim3A_2261 : vector<16xf32>
    %add3A_2268 = arith.addf %mul3A_2267, %broadcast_in_dim3A_2255 : vector<16xf32>
    %swap3A_2269 = arith.constant 42 : i32
    %swap3A_2270 = arith.index_cast %swap3A_2269 : i32 to index
    %swap3A_2271 = arith.constant 0 : index
    %swap3A_2272 = tpu.vector_load %arg13[%swap3A_2270, %swap3A_2271] {strides = array<i32>} : memref<64x32xf32, #tpu.memory_space<vmem>>, vector<1x16xf32>,
    %swap3A_2273 = vector.shape_cast %swap3A_2272 : vector<1x16xf32> to vector<16xf32>
    %swap3A_2274 = vector.shape_cast %add3A_2268 : vector<16xf32> to vector<1x16xf32>
    tpu.vector_store %arg13[%swap3A_2270, %swap3A_2271], %swap3A_2274 {strides = array<i32>} : memref<64x32xf32, #tpu.memory_space<vmem>>, vector<1x16xf32>,
    %mul3A_2275 = arith.mulf %get3A_2266, %broadcast_in_dim3A_2258 : vector<16xf32>
    %swap3A_2276 = arith.constant 42 : i32
    %swap3A_2277 = arith.index_cast %swap3A_2276 : i32 to index
    %swap3A_2278 = arith.constant 0 : index
    %swap3A_2279 = tpu.vector_load %arg14[%swap3A_2277, %swap3A_2278] {strides = array<i32>} : memref<64x32xf32, #tpu.memory_space<vmem>>, vector<1x16xf32>,
    %swap3A_2280 = vector.shape_cast %swap3A_2279 : vector<1x16xf32> to vector<16xf32>
    %swap3A_2281 = vector.shape_cast %mul3A_2275 : vector<16xf32> to vector<1x16xf32>
    tpu.vector_store %arg14[%swap3A_2277, %swap3A_2278], %swap3A_2281 {strides = array<i32>} : memref<64x32xf32, #tpu.memory_space<vmem>>, vector<1x16xf32>,
    %get3A_2282 = arith.constant 42 : i32
    %get3A_2283 = arith.index_cast %get3A_2282 : i32 to index
    %get3A_2284 = arith.constant 16 : index
    %get3A_2285 = tpu.vector_load %arg12[%get3A_2283, %get3A_2284] {strides = array<i32>} : memref<64x128xf32, #tpu.memory_space<vmem>>, vector<1x16xf32>,
    %get3A_2286 = vector.shape_cast %get3A_2285 : vector<1x16xf32> to vector<16xf32>
    %mul3A_2287 = arith.mulf %get3A_2286, %broadcast_in_dim3A_2261 : vector<16xf32>
    %add3A_2288 = arith.addf %mul3A_2287, %broadcast_in_dim3A_2255 : vector<16xf32>
    %swap3A_2289 = arith.constant 42 : i32
    %swap3A_2290 = arith.index_cast %swap3A_2289 : i32 to index
    %swap3A_2291 = arith.constant 16 : index
    %swap3A_2292 = tpu.vector_load %arg13[%swap3A_2290, %swap3A_2291] {strides = array<i32>} : memref<64x32xf32, #tpu.memory_space<vmem>>, vector<1x16xf32>,
    %swap3A_2293 = vector.shape_cast %swap3A_2292 : vector<1x16xf32> to vector<16xf32>
    %swap3A_2294 = vector.shape_cast %add3A_2288 : vector<16xf32> to vector<1x16xf32>
    tpu.vector_store %arg13[%swap3A_2290, %swap3A_2291], %swap3A_2294 {strides = array<i32>} : memref<64x32xf32, #tpu.memory_space<vmem>>, vector<1x16xf32>,
    %mul3A_2295 = arith.mulf %get3A_2286, %broadcast_in_dim3A_2258 : vector<16xf32>
    %swap3A_2296 = arith.constant 42 : i32
    %swap3A_2297 = arith.index_cast %swap3A_2296 : i32 to index
    %swap3A_2298 = arith.constant 16 : index
    %swap3A_2299 = tpu.vector_load %arg14[%swap3A_2297, %swap3A_2298] {strides = array<i32>} : memref<64x32xf32, #tpu.memory_space<vmem>>, vector<1x16xf32>,
    %swap3A_2300 = vector.shape_cast %swap3A_2299 : vector<1x16xf32> to vector<16xf32>
    %swap3A_2301 = vector.shape_cast %mul3A_2295 : vector<16xf32> to vector<1x16xf32>
    tpu.vector_store %arg14[%swap3A_2297, %swap3A_2298], %swap3A_2301 {strides = array<i32>} : memref<64x32xf32, #tpu.memory_space<vmem>>, vector<1x16xf32>,
    %slice3A_2302 = vector.extract_strided_slice %select_n3A_1759 {offsets = [11], sizes = [1], strides = [1]} : vector<16xf32> to vector<1xf32>
    %broadcast_in_dim3A_2303 = vector.shape_cast %slice3A_2302 : vector<1xf32> to vector<1xf32>
    %broadcast_in_dim3A_2304 = vector.broadcast %broadcast_in_dim3A_2303 : vector<1xf32> to vector<16xf32>
    %slice3A_2305 = vector.extract_strided_slice %select_n3A_1761 {offsets = [11], sizes = [1], strides = [1]} : vector<16xf32> to vector<1xf32>
    %broadcast_in_dim3A_2306 = vector.shape_cast %slice3A_2305 : vector<1xf32> to vector<1xf32>
    %broadcast_in_dim3A_2307 = vector.broadcast %broadcast_in_dim3A_2306 : vector<1xf32> to vector<16xf32>
    %slice3A_2308 = vector.extract_strided_slice %select_n3A_1762 {offsets = [11], sizes = [1], strides = [1]} : vector<16xf32> to vector<1xf32>
    %broadcast_in_dim3A_2309 = vector.shape_cast %slice3A_2308 : vector<1xf32> to vector<1xf32>
    %broadcast_in_dim3A_2310 = vector.broadcast %broadcast_in_dim3A_2309 : vector<1xf32> to vector<16xf32>
    %get3A_2311 = arith.constant 43 : i32
    %get3A_2312 = arith.index_cast %get3A_2311 : i32 to index
    %get3A_2313 = arith.constant 0 : index
    %get3A_2314 = tpu.vector_load %arg12[%get3A_2312, %get3A_2313] {strides = array<i32>} : memref<64x128xf32, #tpu.memory_space<vmem>>, vector<1x16xf32>,
    %get3A_2315 = vector.shape_cast %get3A_2314 : vector<1x16xf32> to vector<16xf32>
    %mul3A_2316 = arith.mulf %get3A_2315, %broadcast_in_dim3A_2310 : vector<16xf32>
    %add3A_2317 = arith.addf %mul3A_2316, %broadcast_in_dim3A_2304 : vector<16xf32>
    %swap3A_2318 = arith.constant 43 : i32
    %swap3A_2319 = arith.index_cast %swap3A_2318 : i32 to index
    %swap3A_2320 = arith.constant 0 : index
    %swap3A_2321 = tpu.vector_load %arg13[%swap3A_2319, %swap3A_2320] {strides = array<i32>} : memref<64x32xf32, #tpu.memory_space<vmem>>, vector<1x16xf32>,
    %swap3A_2322 = vector.shape_cast %swap3A_2321 : vector<1x16xf32> to vector<16xf32>
    %swap3A_2323 = vector.shape_cast %add3A_2317 : vector<16xf32> to vector<1x16xf32>
    tpu.vector_store %arg13[%swap3A_2319, %swap3A_2320], %swap3A_2323 {strides = array<i32>} : memref<64x32xf32, #tpu.memory_space<vmem>>, vector<1x16xf32>,
    %mul3A_2324 = arith.mulf %get3A_2315, %broadcast_in_dim3A_2307 : vector<16xf32>
    %swap3A_2325 = arith.constant 43 : i32
    %swap3A_2326 = arith.index_cast %swap3A_2325 : i32 to index
    %swap3A_2327 = arith.constant 0 : index
    %swap3A_2328 = tpu.vector_load %arg14[%swap3A_2326, %swap3A_2327] {strides = array<i32>} : memref<64x32xf32, #tpu.memory_space<vmem>>, vector<1x16xf32>,
    %swap3A_2329 = vector.shape_cast %swap3A_2328 : vector<1x16xf32> to vector<16xf32>
    %swap3A_2330 = vector.shape_cast %mul3A_2324 : vector<16xf32> to vector<1x16xf32>
    tpu.vector_store %arg14[%swap3A_2326, %swap3A_2327], %swap3A_2330 {strides = array<i32>} : memref<64x32xf32, #tpu.memory_space<vmem>>, vector<1x16xf32>,
    %get3A_2331 = arith.constant 43 : i32
    %get3A_2332 = arith.index_cast %get3A_2331 : i32 to index
    %get3A_2333 = arith.constant 16 : index
    %get3A_2334 = tpu.vector_load %arg12[%get3A_2332, %get3A_2333] {strides = array<i32>} : memref<64x128xf32, #tpu.memory_space<vmem>>, vector<1x16xf32>,
    %get3A_2335 = vector.shape_cast %get3A_2334 : vector<1x16xf32> to vector<16xf32>
    %mul3A_2336 = arith.mulf %get3A_2335, %broadcast_in_dim3A_2310 : vector<16xf32>
    %add3A_2337 = arith.addf %mul3A_2336, %broadcast_in_dim3A_2304 : vector<16xf32>
    %swap3A_2338 = arith.constant 43 : i32
    %swap3A_2339 = arith.index_cast %swap3A_2338 : i32 to index
    %swap3A_2340 = arith.constant 16 : index
    %swap3A_2341 = tpu.vector_load %arg13[%swap3A_2339, %swap3A_2340] {strides = array<i32>} : memref<64x32xf32, #tpu.memory_space<vmem>>, vector<1x16xf32>,
    %swap3A_2342 = vector.shape_cast %swap3A_2341 : vector<1x16xf32> to vector<16xf32>
    %swap3A_2343 = vector.shape_cast %add3A_2337 : vector<16xf32> to vector<1x16xf32>
    tpu.vector_store %arg13[%swap3A_2339, %swap3A_2340], %swap3A_2343 {strides = array<i32>} : memref<64x32xf32, #tpu.memory_space<vmem>>, vector<1x16xf32>,
    %mul3A_2344 = arith.mulf %get3A_2335, %broadcast_in_dim3A_2307 : vector<16xf32>
    %swap3A_2345 = arith.constant 43 : i32
    %swap3A_2346 = arith.index_cast %swap3A_2345 : i32 to index
    %swap3A_2347 = arith.constant 16 : index
    %swap3A_2348 = tpu.vector_load %arg14[%swap3A_2346, %swap3A_2347] {strides = array<i32>} : memref<64x32xf32, #tpu.memory_space<vmem>>, vector<1x16xf32>,
    %swap3A_2349 = vector.shape_cast %swap3A_2348 : vector<1x16xf32> to vector<16xf32>
    %swap3A_2350 = vector.shape_cast %mul3A_2344 : vector<16xf32> to vector<1x16xf32>
    tpu.vector_store %arg14[%swap3A_2346, %swap3A_2347], %swap3A_2350 {strides = array<i32>} : memref<64x32xf32, #tpu.memory_space<vmem>>, vector<1x16xf32>,
    %slice3A_2351 = vector.extract_strided_slice %select_n3A_1759 {offsets = [12], sizes = [1], strides = [1]} : vector<16xf32> to vector<1xf32>
    %broadcast_in_dim3A_2352 = vector.shape_cast %slice3A_2351 : vector<1xf32> to vector<1xf32>
    %broadcast_in_dim3A_2353 = vector.broadcast %broadcast_in_dim3A_2352 : vector<1xf32> to vector<16xf32>
    %slice3A_2354 = vector.extract_strided_slice %select_n3A_1761 {offsets = [12], sizes = [1], strides = [1]} : vector<16xf32> to vector<1xf32>
    %broadcast_in_dim3A_2355 = vector.shape_cast %slice3A_2354 : vector<1xf32> to vector<1xf32>
    %broadcast_in_dim3A_2356 = vector.broadcast %broadcast_in_dim3A_2355 : vector<1xf32> to vector<16xf32>
    %slice3A_2357 = vector.extract_strided_slice %select_n3A_1762 {offsets = [12], sizes = [1], strides = [1]} : vector<16xf32> to vector<1xf32>
    %broadcast_in_dim3A_2358 = vector.shape_cast %slice3A_2357 : vector<1xf32> to vector<1xf32>
    %broadcast_in_dim3A_2359 = vector.broadcast %broadcast_in_dim3A_2358 : vector<1xf32> to vector<16xf32>
    %get3A_2360 = arith.constant 44 : i32
    %get3A_2361 = arith.index_cast %get3A_2360 : i32 to index
    %get3A_2362 = arith.constant 0 : index
    %get3A_2363 = tpu.vector_load %arg12[%get3A_2361, %get3A_2362] {strides = array<i32>} : memref<64x128xf32, #tpu.memory_space<vmem>>, vector<1x16xf32>,
    %get3A_2364 = vector.shape_cast %get3A_2363 : vector<1x16xf32> to vector<16xf32>
    %mul3A_2365 = arith.mulf %get3A_2364, %broadcast_in_dim3A_2359 : vector<16xf32>
    %add3A_2366 = arith.addf %mul3A_2365, %broadcast_in_dim3A_2353 : vector<16xf32>
    %swap3A_2367 = arith.constant 44 : i32
    %swap3A_2368 = arith.index_cast %swap3A_2367 : i32 to index
    %swap3A_2369 = arith.constant 0 : index
    %swap3A_2370 = tpu.vector_load %arg13[%swap3A_2368, %swap3A_2369] {strides = array<i32>} : memref<64x32xf32, #tpu.memory_space<vmem>>, vector<1x16xf32>,
    %swap3A_2371 = vector.shape_cast %swap3A_2370 : vector<1x16xf32> to vector<16xf32>
    %swap3A_2372 = vector.shape_cast %add3A_2366 : vector<16xf32> to vector<1x16xf32>
    tpu.vector_store %arg13[%swap3A_2368, %swap3A_2369], %swap3A_2372 {strides = array<i32>} : memref<64x32xf32, #tpu.memory_space<vmem>>, vector<1x16xf32>,
    %mul3A_2373 = arith.mulf %get3A_2364, %broadcast_in_dim3A_2356 : vector<16xf32>
    %swap3A_2374 = arith.constant 44 : i32
    %swap3A_2375 = arith.index_cast %swap3A_2374 : i32 to index
    %swap3A_2376 = arith.constant 0 : index
    %swap3A_2377 = tpu.vector_load %arg14[%swap3A_2375, %swap3A_2376] {strides = array<i32>} : memref<64x32xf32, #tpu.memory_space<vmem>>, vector<1x16xf32>,
    %swap3A_2378 = vector.shape_cast %swap3A_2377 : vector<1x16xf32> to vector<16xf32>
    %swap3A_2379 = vector.shape_cast %mul3A_2373 : vector<16xf32> to vector<1x16xf32>
    tpu.vector_store %arg14[%swap3A_2375, %swap3A_2376], %swap3A_2379 {strides = array<i32>} : memref<64x32xf32, #tpu.memory_space<vmem>>, vector<1x16xf32>,
    %get3A_2380 = arith.constant 44 : i32
    %get3A_2381 = arith.index_cast %get3A_2380 : i32 to index
    %get3A_2382 = arith.constant 16 : index
    %get3A_2383 = tpu.vector_load %arg12[%get3A_2381, %get3A_2382] {strides = array<i32>} : memref<64x128xf32, #tpu.memory_space<vmem>>, vector<1x16xf32>,
    %get3A_2384 = vector.shape_cast %get3A_2383 : vector<1x16xf32> to vector<16xf32>
    %mul3A_2385 = arith.mulf %get3A_2384, %broadcast_in_dim3A_2359 : vector<16xf32>
    %add3A_2386 = arith.addf %mul3A_2385, %broadcast_in_dim3A_2353 : vector<16xf32>
    %swap3A_2387 = arith.constant 44 : i32
    %swap3A_2388 = arith.index_cast %swap3A_2387 : i32 to index
    %swap3A_2389 = arith.constant 16 : index
    %swap3A_2390 = tpu.vector_load %arg13[%swap3A_2388, %swap3A_2389] {strides = array<i32>} : memref<64x32xf32, #tpu.memory_space<vmem>>, vector<1x16xf32>,
    %swap3A_2391 = vector.shape_cast %swap3A_2390 : vector<1x16xf32> to vector<16xf32>
    %swap3A_2392 = vector.shape_cast %add3A_2386 : vector<16xf32> to vector<1x16xf32>
    tpu.vector_store %arg13[%swap3A_2388, %swap3A_2389], %swap3A_2392 {strides = array<i32>} : memref<64x32xf32, #tpu.memory_space<vmem>>, vector<1x16xf32>,
    %mul3A_2393 = arith.mulf %get3A_2384, %broadcast_in_dim3A_2356 : vector<16xf32>
    %swap3A_2394 = arith.constant 44 : i32
    %swap3A_2395 = arith.index_cast %swap3A_2394 : i32 to index
    %swap3A_2396 = arith.constant 16 : index
    %swap3A_2397 = tpu.vector_load %arg14[%swap3A_2395, %swap3A_2396] {strides = array<i32>} : memref<64x32xf32, #tpu.memory_space<vmem>>, vector<1x16xf32>,
    %swap3A_2398 = vector.shape_cast %swap3A_2397 : vector<1x16xf32> to vector<16xf32>
    %swap3A_2399 = vector.shape_cast %mul3A_2393 : vector<16xf32> to vector<1x16xf32>
    tpu.vector_store %arg14[%swap3A_2395, %swap3A_2396], %swap3A_2399 {strides = array<i32>} : memref<64x32xf32, #tpu.memory_space<vmem>>, vector<1x16xf32>,
    %slice3A_2400 = vector.extract_strided_slice %select_n3A_1759 {offsets = [13], sizes = [1], strides = [1]} : vector<16xf32> to vector<1xf32>
    %broadcast_in_dim3A_2401 = vector.shape_cast %slice3A_2400 : vector<1xf32> to vector<1xf32>
    %broadcast_in_dim3A_2402 = vector.broadcast %broadcast_in_dim3A_2401 : vector<1xf32> to vector<16xf32>
    %slice3A_2403 = vector.extract_strided_slice %select_n3A_1761 {offsets = [13], sizes = [1], strides = [1]} : vector<16xf32> to vector<1xf32>
    %broadcast_in_dim3A_2404 = vector.shape_cast %slice3A_2403 : vector<1xf32> to vector<1xf32>
    %broadcast_in_dim3A_2405 = vector.broadcast %broadcast_in_dim3A_2404 : vector<1xf32> to vector<16xf32>
    %slice3A_2406 = vector.extract_strided_slice %select_n3A_1762 {offsets = [13], sizes = [1], strides = [1]} : vector<16xf32> to vector<1xf32>
    %broadcast_in_dim3A_2407 = vector.shape_cast %slice3A_2406 : vector<1xf32> to vector<1xf32>
    %broadcast_in_dim3A_2408 = vector.broadcast %broadcast_in_dim3A_2407 : vector<1xf32> to vector<16xf32>
    %get3A_2409 = arith.constant 45 : i32
    %get3A_2410 = arith.index_cast %get3A_2409 : i32 to index
    %get3A_2411 = arith.constant 0 : index
    %get3A_2412 = tpu.vector_load %arg12[%get3A_2410, %get3A_2411] {strides = array<i32>} : memref<64x128xf32, #tpu.memory_space<vmem>>, vector<1x16xf32>,
    %get3A_2413 = vector.shape_cast %get3A_2412 : vector<1x16xf32> to vector<16xf32>
    %mul3A_2414 = arith.mulf %get3A_2413, %broadcast_in_dim3A_2408 : vector<16xf32>
    %add3A_2415 = arith.addf %mul3A_2414, %broadcast_in_dim3A_2402 : vector<16xf32>
    %swap3A_2416 = arith.constant 45 : i32
    %swap3A_2417 = arith.index_cast %swap3A_2416 : i32 to index
    %swap3A_2418 = arith.constant 0 : index
    %swap3A_2419 = tpu.vector_load %arg13[%swap3A_2417, %swap3A_2418] {strides = array<i32>} : memref<64x32xf32, #tpu.memory_space<vmem>>, vector<1x16xf32>,
    %swap3A_2420 = vector.shape_cast %swap3A_2419 : vector<1x16xf32> to vector<16xf32>
    %swap3A_2421 = vector.shape_cast %add3A_2415 : vector<16xf32> to vector<1x16xf32>
    tpu.vector_store %arg13[%swap3A_2417, %swap3A_2418], %swap3A_2421 {strides = array<i32>} : memref<64x32xf32, #tpu.memory_space<vmem>>, vector<1x16xf32>,
    %mul3A_2422 = arith.mulf %get3A_2413, %broadcast_in_dim3A_2405 : vector<16xf32>
    %swap3A_2423 = arith.constant 45 : i32
    %swap3A_2424 = arith.index_cast %swap3A_2423 : i32 to index
    %swap3A_2425 = arith.constant 0 : index
    %swap3A_2426 = tpu.vector_load %arg14[%swap3A_2424, %swap3A_2425] {strides = array<i32>} : memref<64x32xf32, #tpu.memory_space<vmem>>, vector<1x16xf32>,
    %swap3A_2427 = vector.shape_cast %swap3A_2426 : vector<1x16xf32> to vector<16xf32>
    %swap3A_2428 = vector.shape_cast %mul3A_2422 : vector<16xf32> to vector<1x16xf32>
    tpu.vector_store %arg14[%swap3A_2424, %swap3A_2425], %swap3A_2428 {strides = array<i32>} : memref<64x32xf32, #tpu.memory_space<vmem>>, vector<1x16xf32>,
    %get3A_2429 = arith.constant 45 : i32
    %get3A_2430 = arith.index_cast %get3A_2429 : i32 to index
    %get3A_2431 = arith.constant 16 : index
    %get3A_2432 = tpu.vector_load %arg12[%get3A_2430, %get3A_2431] {strides = array<i32>} : memref<64x128xf32, #tpu.memory_space<vmem>>, vector<1x16xf32>,
    %get3A_2433 = vector.shape_cast %get3A_2432 : vector<1x16xf32> to vector<16xf32>
    %mul3A_2434 = arith.mulf %get3A_2433, %broadcast_in_dim3A_2408 : vector<16xf32>
    %add3A_2435 = arith.addf %mul3A_2434, %broadcast_in_dim3A_2402 : vector<16xf32>
    %swap3A_2436 = arith.constant 45 : i32
    %swap3A_2437 = arith.index_cast %swap3A_2436 : i32 to index
    %swap3A_2438 = arith.constant 16 : index
    %swap3A_2439 = tpu.vector_load %arg13[%swap3A_2437, %swap3A_2438] {strides = array<i32>} : memref<64x32xf32, #tpu.memory_space<vmem>>, vector<1x16xf32>,
    %swap3A_2440 = vector.shape_cast %swap3A_2439 : vector<1x16xf32> to vector<16xf32>
    %swap3A_2441 = vector.shape_cast %add3A_2435 : vector<16xf32> to vector<1x16xf32>
    tpu.vector_store %arg13[%swap3A_2437, %swap3A_2438], %swap3A_2441 {strides = array<i32>} : memref<64x32xf32, #tpu.memory_space<vmem>>, vector<1x16xf32>,
    %mul3A_2442 = arith.mulf %get3A_2433, %broadcast_in_dim3A_2405 : vector<16xf32>
    %swap3A_2443 = arith.constant 45 : i32
    %swap3A_2444 = arith.index_cast %swap3A_2443 : i32 to index
    %swap3A_2445 = arith.constant 16 : index
    %swap3A_2446 = tpu.vector_load %arg14[%swap3A_2444, %swap3A_2445] {strides = array<i32>} : memref<64x32xf32, #tpu.memory_space<vmem>>, vector<1x16xf32>,
    %swap3A_2447 = vector.shape_cast %swap3A_2446 : vector<1x16xf32> to vector<16xf32>
    %swap3A_2448 = vector.shape_cast %mul3A_2442 : vector<16xf32> to vector<1x16xf32>
    tpu.vector_store %arg14[%swap3A_2444, %swap3A_2445], %swap3A_2448 {strides = array<i32>} : memref<64x32xf32, #tpu.memory_space<vmem>>, vector<1x16xf32>,
    %slice3A_2449 = vector.extract_strided_slice %select_n3A_1759 {offsets = [14], sizes = [1], strides = [1]} : vector<16xf32> to vector<1xf32>
    %broadcast_in_dim3A_2450 = vector.shape_cast %slice3A_2449 : vector<1xf32> to vector<1xf32>
    %broadcast_in_dim3A_2451 = vector.broadcast %broadcast_in_dim3A_2450 : vector<1xf32> to vector<16xf32>
    %slice3A_2452 = vector.extract_strided_slice %select_n3A_1761 {offsets = [14], sizes = [1], strides = [1]} : vector<16xf32> to vector<1xf32>
    %broadcast_in_dim3A_2453 = vector.shape_cast %slice3A_2452 : vector<1xf32> to vector<1xf32>
    %broadcast_in_dim3A_2454 = vector.broadcast %broadcast_in_dim3A_2453 : vector<1xf32> to vector<16xf32>
    %slice3A_2455 = vector.extract_strided_slice %select_n3A_1762 {offsets = [14], sizes = [1], strides = [1]} : vector<16xf32> to vector<1xf32>
    %broadcast_in_dim3A_2456 = vector.shape_cast %slice3A_2455 : vector<1xf32> to vector<1xf32>
    %broadcast_in_dim3A_2457 = vector.broadcast %broadcast_in_dim3A_2456 : vector<1xf32> to vector<16xf32>
    %get3A_2458 = arith.constant 46 : i32
    %get3A_2459 = arith.index_cast %get3A_2458 : i32 to index
    %get3A_2460 = arith.constant 0 : index
    %get3A_2461 = tpu.vector_load %arg12[%get3A_2459, %get3A_2460] {strides = array<i32>} : memref<64x128xf32, #tpu.memory_space<vmem>>, vector<1x16xf32>,
    %get3A_2462 = vector.shape_cast %get3A_2461 : vector<1x16xf32> to vector<16xf32>
    %mul3A_2463 = arith.mulf %get3A_2462, %broadcast_in_dim3A_2457 : vector<16xf32>
    %add3A_2464 = arith.addf %mul3A_2463, %broadcast_in_dim3A_2451 : vector<16xf32>
    %swap3A_2465 = arith.constant 46 : i32
    %swap3A_2466 = arith.index_cast %swap3A_2465 : i32 to index
    %swap3A_2467 = arith.constant 0 : index
    %swap3A_2468 = tpu.vector_load %arg13[%swap3A_2466, %swap3A_2467] {strides = array<i32>} : memref<64x32xf32, #tpu.memory_space<vmem>>, vector<1x16xf32>,
    %swap3A_2469 = vector.shape_cast %swap3A_2468 : vector<1x16xf32> to vector<16xf32>
    %swap3A_2470 = vector.shape_cast %add3A_2464 : vector<16xf32> to vector<1x16xf32>
    tpu.vector_store %arg13[%swap3A_2466, %swap3A_2467], %swap3A_2470 {strides = array<i32>} : memref<64x32xf32, #tpu.memory_space<vmem>>, vector<1x16xf32>,
    %mul3A_2471 = arith.mulf %get3A_2462, %broadcast_in_dim3A_2454 : vector<16xf32>
    %swap3A_2472 = arith.constant 46 : i32
    %swap3A_2473 = arith.index_cast %swap3A_2472 : i32 to index
    %swap3A_2474 = arith.constant 0 : index
    %swap3A_2475 = tpu.vector_load %arg14[%swap3A_2473, %swap3A_2474] {strides = array<i32>} : memref<64x32xf32, #tpu.memory_space<vmem>>, vector<1x16xf32>,
    %swap3A_2476 = vector.shape_cast %swap3A_2475 : vector<1x16xf32> to vector<16xf32>
    %swap3A_2477 = vector.shape_cast %mul3A_2471 : vector<16xf32> to vector<1x16xf32>
    tpu.vector_store %arg14[%swap3A_2473, %swap3A_2474], %swap3A_2477 {strides = array<i32>} : memref<64x32xf32, #tpu.memory_space<vmem>>, vector<1x16xf32>,
    %get3A_2478 = arith.constant 46 : i32
    %get3A_2479 = arith.index_cast %get3A_2478 : i32 to index
    %get3A_2480 = arith.constant 16 : index
    %get3A_2481 = tpu.vector_load %arg12[%get3A_2479, %get3A_2480] {strides = array<i32>} : memref<64x128xf32, #tpu.memory_space<vmem>>, vector<1x16xf32>,
    %get3A_2482 = vector.shape_cast %get3A_2481 : vector<1x16xf32> to vector<16xf32>
    %mul3A_2483 = arith.mulf %get3A_2482, %broadcast_in_dim3A_2457 : vector<16xf32>
    %add3A_2484 = arith.addf %mul3A_2483, %broadcast_in_dim3A_2451 : vector<16xf32>
    %swap3A_2485 = arith.constant 46 : i32
    %swap3A_2486 = arith.index_cast %swap3A_2485 : i32 to index
    %swap3A_2487 = arith.constant 16 : index
    %swap3A_2488 = tpu.vector_load %arg13[%swap3A_2486, %swap3A_2487] {strides = array<i32>} : memref<64x32xf32, #tpu.memory_space<vmem>>, vector<1x16xf32>,
    %swap3A_2489 = vector.shape_cast %swap3A_2488 : vector<1x16xf32> to vector<16xf32>
    %swap3A_2490 = vector.shape_cast %add3A_2484 : vector<16xf32> to vector<1x16xf32>
    tpu.vector_store %arg13[%swap3A_2486, %swap3A_2487], %swap3A_2490 {strides = array<i32>} : memref<64x32xf32, #tpu.memory_space<vmem>>, vector<1x16xf32>,
    %mul3A_2491 = arith.mulf %get3A_2482, %broadcast_in_dim3A_2454 : vector<16xf32>
    %swap3A_2492 = arith.constant 46 : i32
    %swap3A_2493 = arith.index_cast %swap3A_2492 : i32 to index
    %swap3A_2494 = arith.constant 16 : index
    %swap3A_2495 = tpu.vector_load %arg14[%swap3A_2493, %swap3A_2494] {strides = array<i32>} : memref<64x32xf32, #tpu.memory_space<vmem>>, vector<1x16xf32>,
    %swap3A_2496 = vector.shape_cast %swap3A_2495 : vector<1x16xf32> to vector<16xf32>
    %swap3A_2497 = vector.shape_cast %mul3A_2491 : vector<16xf32> to vector<1x16xf32>
    tpu.vector_store %arg14[%swap3A_2493, %swap3A_2494], %swap3A_2497 {strides = array<i32>} : memref<64x32xf32, #tpu.memory_space<vmem>>, vector<1x16xf32>,
    %slice3A_2498 = vector.extract_strided_slice %select_n3A_1759 {offsets = [15], sizes = [1], strides = [1]} : vector<16xf32> to vector<1xf32>
    %broadcast_in_dim3A_2499 = vector.shape_cast %slice3A_2498 : vector<1xf32> to vector<1xf32>
    %broadcast_in_dim3A_2500 = vector.broadcast %broadcast_in_dim3A_2499 : vector<1xf32> to vector<16xf32>
    %slice3A_2501 = vector.extract_strided_slice %select_n3A_1761 {offsets = [15], sizes = [1], strides = [1]} : vector<16xf32> to vector<1xf32>
    %broadcast_in_dim3A_2502 = vector.shape_cast %slice3A_2501 : vector<1xf32> to vector<1xf32>
    %broadcast_in_dim3A_2503 = vector.broadcast %broadcast_in_dim3A_2502 : vector<1xf32> to vector<16xf32>
    %slice3A_2504 = vector.extract_strided_slice %select_n3A_1762 {offsets = [15], sizes = [1], strides = [1]} : vector<16xf32> to vector<1xf32>
    %broadcast_in_dim3A_2505 = vector.shape_cast %slice3A_2504 : vector<1xf32> to vector<1xf32>
    %broadcast_in_dim3A_2506 = vector.broadcast %broadcast_in_dim3A_2505 : vector<1xf32> to vector<16xf32>
    %get3A_2507 = arith.constant 47 : i32
    %get3A_2508 = arith.index_cast %get3A_2507 : i32 to index
    %get3A_2509 = arith.constant 0 : index
    %get3A_2510 = tpu.vector_load %arg12[%get3A_2508, %get3A_2509] {strides = array<i32>} : memref<64x128xf32, #tpu.memory_space<vmem>>, vector<1x16xf32>,
    %get3A_2511 = vector.shape_cast %get3A_2510 : vector<1x16xf32> to vector<16xf32>
    %mul3A_2512 = arith.mulf %get3A_2511, %broadcast_in_dim3A_2506 : vector<16xf32>
    %add3A_2513 = arith.addf %mul3A_2512, %broadcast_in_dim3A_2500 : vector<16xf32>
    %swap3A_2514 = arith.constant 47 : i32
    %swap3A_2515 = arith.index_cast %swap3A_2514 : i32 to index
    %swap3A_2516 = arith.constant 0 : index
    %swap3A_2517 = tpu.vector_load %arg13[%swap3A_2515, %swap3A_2516] {strides = array<i32>} : memref<64x32xf32, #tpu.memory_space<vmem>>, vector<1x16xf32>,
    %swap3A_2518 = vector.shape_cast %swap3A_2517 : vector<1x16xf32> to vector<16xf32>
    %swap3A_2519 = vector.shape_cast %add3A_2513 : vector<16xf32> to vector<1x16xf32>
    tpu.vector_store %arg13[%swap3A_2515, %swap3A_2516], %swap3A_2519 {strides = array<i32>} : memref<64x32xf32, #tpu.memory_space<vmem>>, vector<1x16xf32>,
    %mul3A_2520 = arith.mulf %get3A_2511, %broadcast_in_dim3A_2503 : vector<16xf32>
    %swap3A_2521 = arith.constant 47 : i32
    %swap3A_2522 = arith.index_cast %swap3A_2521 : i32 to index
    %swap3A_2523 = arith.constant 0 : index
    %swap3A_2524 = tpu.vector_load %arg14[%swap3A_2522, %swap3A_2523] {strides = array<i32>} : memref<64x32xf32, #tpu.memory_space<vmem>>, vector<1x16xf32>,
    %swap3A_2525 = vector.shape_cast %swap3A_2524 : vector<1x16xf32> to vector<16xf32>
    %swap3A_2526 = vector.shape_cast %mul3A_2520 : vector<16xf32> to vector<1x16xf32>
    tpu.vector_store %arg14[%swap3A_2522, %swap3A_2523], %swap3A_2526 {strides = array<i32>} : memref<64x32xf32, #tpu.memory_space<vmem>>, vector<1x16xf32>,
    %get3A_2527 = arith.constant 47 : i32
    %get3A_2528 = arith.index_cast %get3A_2527 : i32 to index
    %get3A_2529 = arith.constant 16 : index
    %get3A_2530 = tpu.vector_load %arg12[%get3A_2528, %get3A_2529] {strides = array<i32>} : memref<64x128xf32, #tpu.memory_space<vmem>>, vector<1x16xf32>,
    %get3A_2531 = vector.shape_cast %get3A_2530 : vector<1x16xf32> to vector<16xf32>
    %mul3A_2532 = arith.mulf %get3A_2531, %broadcast_in_dim3A_2506 : vector<16xf32>
    %add3A_2533 = arith.addf %mul3A_2532, %broadcast_in_dim3A_2500 : vector<16xf32>
    %swap3A_2534 = arith.constant 47 : i32
    %swap3A_2535 = arith.index_cast %swap3A_2534 : i32 to index
    %swap3A_2536 = arith.constant 16 : index
    %swap3A_2537 = tpu.vector_load %arg13[%swap3A_2535, %swap3A_2536] {strides = array<i32>} : memref<64x32xf32, #tpu.memory_space<vmem>>, vector<1x16xf32>,
    %swap3A_2538 = vector.shape_cast %swap3A_2537 : vector<1x16xf32> to vector<16xf32>
    %swap3A_2539 = vector.shape_cast %add3A_2533 : vector<16xf32> to vector<1x16xf32>
    tpu.vector_store %arg13[%swap3A_2535, %swap3A_2536], %swap3A_2539 {strides = array<i32>} : memref<64x32xf32, #tpu.memory_space<vmem>>, vector<1x16xf32>,
    %mul3A_2540 = arith.mulf %get3A_2531, %broadcast_in_dim3A_2503 : vector<16xf32>
    %swap3A_2541 = arith.constant 47 : i32
    %swap3A_2542 = arith.index_cast %swap3A_2541 : i32 to index
    %swap3A_2543 = arith.constant 16 : index
    %swap3A_2544 = tpu.vector_load %arg14[%swap3A_2542, %swap3A_2543] {strides = array<i32>} : memref<64x32xf32, #tpu.memory_space<vmem>>, vector<1x16xf32>,
    %swap3A_2545 = vector.shape_cast %swap3A_2544 : vector<1x16xf32> to vector<16xf32>
    %swap3A_2546 = vector.shape_cast %mul3A_2540 : vector<16xf32> to vector<1x16xf32>
    tpu.vector_store %arg14[%swap3A_2542, %swap3A_2543], %swap3A_2546 {strides = array<i32>} : memref<64x32xf32, #tpu.memory_space<vmem>>, vector<1x16xf32>,
    %get3A_2547 = arith.constant 48 : index
    %get3A_2548 = tpu.vector_load %arg8[%get3A_2547] {strides = array<i32>} : memref<64xi32, #tpu.memory_space<vmem>>, vector<16xi32>,
    %get3A_2549 = vector.shape_cast %get3A_2548 : vector<16xi32> to vector<16xi32>
    %get3A_2550 = arith.constant 48 : index
    %get3A_2551 = tpu.vector_load %arg9[%get3A_2550] {strides = array<i32>} : memref<64xi32, #tpu.memory_space<vmem>>, vector<16xi32>,
    %get3A_2552 = vector.shape_cast %get3A_2551 : vector<16xi32> to vector<16xi32>
    %get3A_2553 = arith.constant 48 : index
    %get3A_2554 = tpu.vector_load %arg10[%get3A_2553] {strides = array<i32>} : memref<64xi32, #tpu.memory_space<vmem>>, vector<16xi32>,
    %get3A_2555 = vector.shape_cast %get3A_2554 : vector<16xi32> to vector<16xi32>
    %ge3A_2556 = arith.constant 2 : i32
    %ge3A_2557 = vector.broadcast %ge3A_2556 : i32 to vector<16xi32>
    %ge3A_2558 = arith.cmpi sge, %get3A_2549, %ge3A_2557 : vector<16xi32>
    %le3A_2559 = arith.constant 5 : i32
    %le3A_2560 = vector.broadcast %le3A_2559 : i32 to vector<16xi32>
    %le3A_2561 = arith.cmpi sle, %get3A_2549, %le3A_2560 : vector<16xi32>
    %and3A_2562 = arith.andi %ge3A_2558, %le3A_2561 : vector<16xi1>
    %lt3A_2563 = arith.constant 10 : i32
    %lt3A_2564 = vector.broadcast %lt3A_2563 : i32 to vector<16xi32>
    %lt3A_2565 = arith.cmpi slt, %get3A_2552, %lt3A_2564 : vector<16xi32>
    %and3A_2566 = arith.andi %and3A_2562, %lt3A_2565 : vector<16xi1>
    %eq3A_2567 = arith.constant 0 : i32
    %eq3A_2568 = vector.broadcast %eq3A_2567 : i32 to vector<16xi32>
    %eq3A_2569 = arith.cmpi eq, %get3A_2555, %eq3A_2568 : vector<16xi32>
    %and3A_2570 = arith.andi %and3A_2566, %eq3A_2569 : vector<16xi1>
    %eq3A_2571 = arith.constant 1 : i32
    %eq3A_2572 = vector.broadcast %eq3A_2571 : i32 to vector<16xi32>
    %eq3A_2573 = arith.cmpi eq, %get3A_2555, %eq3A_2572 : vector<16xi32>
    %and3A_2574 = arith.andi %and3A_2566, %eq3A_2573 : vector<16xi1>
    %ge3A_2575 = arith.constant 2 : i32
    %ge3A_2576 = vector.broadcast %ge3A_2575 : i32 to vector<16xi32>
    %ge3A_2577 = arith.cmpi sge, %get3A_2555, %ge3A_2576 : vector<16xi32>
    %and3A_2578 = arith.andi %and3A_2566, %ge3A_2577 : vector<16xi1>
    %select_n3A_2579 = arith.select %and3A_2578, %broadcast_in_dim3A_85, %broadcast_in_dim3A_83 : vector<16xi1>, vector<16xf32>
    %select_n3A_2580 = arith.select %and3A_2574, %broadcast_in_dim3A_83, %select_n3A_2579 : vector<16xi1>, vector<16xf32>
    %select_n3A_2581 = arith.select %and3A_2570, %broadcast_in_dim3A_87, %select_n3A_2580 : vector<16xi1>, vector<16xf32>
    %select_n3A_2582 = arith.select %and3A_2578, %broadcast_in_dim3A_85, %broadcast_in_dim3A_87 : vector<16xi1>, vector<16xf32>
    %select_n3A_2583 = arith.select %and3A_2574, %broadcast_in_dim3A_83, %select_n3A_2582 : vector<16xi1>, vector<16xf32>
    %select_n3A_2584 = arith.select %and3A_2570, %broadcast_in_dim3A_83, %broadcast_in_dim3A_87 : vector<16xi1>, vector<16xf32>
    %slice3A_2585 = vector.extract_strided_slice %select_n3A_2581 {offsets = [0], sizes = [1], strides = [1]} : vector<16xf32> to vector<1xf32>
    %broadcast_in_dim3A_2586 = vector.shape_cast %slice3A_2585 : vector<1xf32> to vector<1xf32>
    %broadcast_in_dim3A_2587 = vector.broadcast %broadcast_in_dim3A_2586 : vector<1xf32> to vector<16xf32>
    %slice3A_2588 = vector.extract_strided_slice %select_n3A_2583 {offsets = [0], sizes = [1], strides = [1]} : vector<16xf32> to vector<1xf32>
    %broadcast_in_dim3A_2589 = vector.shape_cast %slice3A_2588 : vector<1xf32> to vector<1xf32>
    %broadcast_in_dim3A_2590 = vector.broadcast %broadcast_in_dim3A_2589 : vector<1xf32> to vector<16xf32>
    %slice3A_2591 = vector.extract_strided_slice %select_n3A_2584 {offsets = [0], sizes = [1], strides = [1]} : vector<16xf32> to vector<1xf32>
    %broadcast_in_dim3A_2592 = vector.shape_cast %slice3A_2591 : vector<1xf32> to vector<1xf32>
    %broadcast_in_dim3A_2593 = vector.broadcast %broadcast_in_dim3A_2592 : vector<1xf32> to vector<16xf32>
    %get3A_2594 = arith.constant 48 : i32
    %get3A_2595 = arith.index_cast %get3A_2594 : i32 to index
    %get3A_2596 = arith.constant 0 : index
    %get3A_2597 = tpu.vector_load %arg12[%get3A_2595, %get3A_2596] {strides = array<i32>} : memref<64x128xf32, #tpu.memory_space<vmem>>, vector<1x16xf32>,
    %get3A_2598 = vector.shape_cast %get3A_2597 : vector<1x16xf32> to vector<16xf32>
    %mul3A_2599 = arith.mulf %get3A_2598, %broadcast_in_dim3A_2593 : vector<16xf32>
    %add3A_2600 = arith.addf %mul3A_2599, %broadcast_in_dim3A_2587 : vector<16xf32>
    %swap3A_2601 = arith.constant 48 : i32
    %swap3A_2602 = arith.index_cast %swap3A_2601 : i32 to index
    %swap3A_2603 = arith.constant 0 : index
    %swap3A_2604 = tpu.vector_load %arg13[%swap3A_2602, %swap3A_2603] {strides = array<i32>} : memref<64x32xf32, #tpu.memory_space<vmem>>, vector<1x16xf32>,
    %swap3A_2605 = vector.shape_cast %swap3A_2604 : vector<1x16xf32> to vector<16xf32>
    %swap3A_2606 = vector.shape_cast %add3A_2600 : vector<16xf32> to vector<1x16xf32>
    tpu.vector_store %arg13[%swap3A_2602, %swap3A_2603], %swap3A_2606 {strides = array<i32>} : memref<64x32xf32, #tpu.memory_space<vmem>>, vector<1x16xf32>,
    %mul3A_2607 = arith.mulf %get3A_2598, %broadcast_in_dim3A_2590 : vector<16xf32>
    %swap3A_2608 = arith.constant 48 : i32
    %swap3A_2609 = arith.index_cast %swap3A_2608 : i32 to index
    %swap3A_2610 = arith.constant 0 : index
    %swap3A_2611 = tpu.vector_load %arg14[%swap3A_2609, %swap3A_2610] {strides = array<i32>} : memref<64x32xf32, #tpu.memory_space<vmem>>, vector<1x16xf32>,
    %swap3A_2612 = vector.shape_cast %swap3A_2611 : vector<1x16xf32> to vector<16xf32>
    %swap3A_2613 = vector.shape_cast %mul3A_2607 : vector<16xf32> to vector<1x16xf32>
    tpu.vector_store %arg14[%swap3A_2609, %swap3A_2610], %swap3A_2613 {strides = array<i32>} : memref<64x32xf32, #tpu.memory_space<vmem>>, vector<1x16xf32>,
    %get3A_2614 = arith.constant 48 : i32
    %get3A_2615 = arith.index_cast %get3A_2614 : i32 to index
    %get3A_2616 = arith.constant 16 : index
    %get3A_2617 = tpu.vector_load %arg12[%get3A_2615, %get3A_2616] {strides = array<i32>} : memref<64x128xf32, #tpu.memory_space<vmem>>, vector<1x16xf32>,
    %get3A_2618 = vector.shape_cast %get3A_2617 : vector<1x16xf32> to vector<16xf32>
    %mul3A_2619 = arith.mulf %get3A_2618, %broadcast_in_dim3A_2593 : vector<16xf32>
    %add3A_2620 = arith.addf %mul3A_2619, %broadcast_in_dim3A_2587 : vector<16xf32>
    %swap3A_2621 = arith.constant 48 : i32
    %swap3A_2622 = arith.index_cast %swap3A_2621 : i32 to index
    %swap3A_2623 = arith.constant 16 : index
    %swap3A_2624 = tpu.vector_load %arg13[%swap3A_2622, %swap3A_2623] {strides = array<i32>} : memref<64x32xf32, #tpu.memory_space<vmem>>, vector<1x16xf32>,
    %swap3A_2625 = vector.shape_cast %swap3A_2624 : vector<1x16xf32> to vector<16xf32>
    %swap3A_2626 = vector.shape_cast %add3A_2620 : vector<16xf32> to vector<1x16xf32>
    tpu.vector_store %arg13[%swap3A_2622, %swap3A_2623], %swap3A_2626 {strides = array<i32>} : memref<64x32xf32, #tpu.memory_space<vmem>>, vector<1x16xf32>,
    %mul3A_2627 = arith.mulf %get3A_2618, %broadcast_in_dim3A_2590 : vector<16xf32>
    %swap3A_2628 = arith.constant 48 : i32
    %swap3A_2629 = arith.index_cast %swap3A_2628 : i32 to index
    %swap3A_2630 = arith.constant 16 : index
    %swap3A_2631 = tpu.vector_load %arg14[%swap3A_2629, %swap3A_2630] {strides = array<i32>} : memref<64x32xf32, #tpu.memory_space<vmem>>, vector<1x16xf32>,
    %swap3A_2632 = vector.shape_cast %swap3A_2631 : vector<1x16xf32> to vector<16xf32>
    %swap3A_2633 = vector.shape_cast %mul3A_2627 : vector<16xf32> to vector<1x16xf32>
    tpu.vector_store %arg14[%swap3A_2629, %swap3A_2630], %swap3A_2633 {strides = array<i32>} : memref<64x32xf32, #tpu.memory_space<vmem>>, vector<1x16xf32>,
    %slice3A_2634 = vector.extract_strided_slice %select_n3A_2581 {offsets = [1], sizes = [1], strides = [1]} : vector<16xf32> to vector<1xf32>
    %broadcast_in_dim3A_2635 = vector.shape_cast %slice3A_2634 : vector<1xf32> to vector<1xf32>
    %broadcast_in_dim3A_2636 = vector.broadcast %broadcast_in_dim3A_2635 : vector<1xf32> to vector<16xf32>
    %slice3A_2637 = vector.extract_strided_slice %select_n3A_2583 {offsets = [1], sizes = [1], strides = [1]} : vector<16xf32> to vector<1xf32>
    %broadcast_in_dim3A_2638 = vector.shape_cast %slice3A_2637 : vector<1xf32> to vector<1xf32>
    %broadcast_in_dim3A_2639 = vector.broadcast %broadcast_in_dim3A_2638 : vector<1xf32> to vector<16xf32>
    %slice3A_2640 = vector.extract_strided_slice %select_n3A_2584 {offsets = [1], sizes = [1], strides = [1]} : vector<16xf32> to vector<1xf32>
    %broadcast_in_dim3A_2641 = vector.shape_cast %slice3A_2640 : vector<1xf32> to vector<1xf32>
    %broadcast_in_dim3A_2642 = vector.broadcast %broadcast_in_dim3A_2641 : vector<1xf32> to vector<16xf32>
    %get3A_2643 = arith.constant 49 : i32
    %get3A_2644 = arith.index_cast %get3A_2643 : i32 to index
    %get3A_2645 = arith.constant 0 : index
    %get3A_2646 = tpu.vector_load %arg12[%get3A_2644, %get3A_2645] {strides = array<i32>} : memref<64x128xf32, #tpu.memory_space<vmem>>, vector<1x16xf32>,
    %get3A_2647 = vector.shape_cast %get3A_2646 : vector<1x16xf32> to vector<16xf32>
    %mul3A_2648 = arith.mulf %get3A_2647, %broadcast_in_dim3A_2642 : vector<16xf32>
    %add3A_2649 = arith.addf %mul3A_2648, %broadcast_in_dim3A_2636 : vector<16xf32>
    %swap3A_2650 = arith.constant 49 : i32
    %swap3A_2651 = arith.index_cast %swap3A_2650 : i32 to index
    %swap3A_2652 = arith.constant 0 : index
    %swap3A_2653 = tpu.vector_load %arg13[%swap3A_2651, %swap3A_2652] {strides = array<i32>} : memref<64x32xf32, #tpu.memory_space<vmem>>, vector<1x16xf32>,
    %swap3A_2654 = vector.shape_cast %swap3A_2653 : vector<1x16xf32> to vector<16xf32>
    %swap3A_2655 = vector.shape_cast %add3A_2649 : vector<16xf32> to vector<1x16xf32>
    tpu.vector_store %arg13[%swap3A_2651, %swap3A_2652], %swap3A_2655 {strides = array<i32>} : memref<64x32xf32, #tpu.memory_space<vmem>>, vector<1x16xf32>,
    %mul3A_2656 = arith.mulf %get3A_2647, %broadcast_in_dim3A_2639 : vector<16xf32>
    %swap3A_2657 = arith.constant 49 : i32
    %swap3A_2658 = arith.index_cast %swap3A_2657 : i32 to index
    %swap3A_2659 = arith.constant 0 : index
    %swap3A_2660 = tpu.vector_load %arg14[%swap3A_2658, %swap3A_2659] {strides = array<i32>} : memref<64x32xf32, #tpu.memory_space<vmem>>, vector<1x16xf32>,
    %swap3A_2661 = vector.shape_cast %swap3A_2660 : vector<1x16xf32> to vector<16xf32>
    %swap3A_2662 = vector.shape_cast %mul3A_2656 : vector<16xf32> to vector<1x16xf32>
    tpu.vector_store %arg14[%swap3A_2658, %swap3A_2659], %swap3A_2662 {strides = array<i32>} : memref<64x32xf32, #tpu.memory_space<vmem>>, vector<1x16xf32>,
    %get3A_2663 = arith.constant 49 : i32
    %get3A_2664 = arith.index_cast %get3A_2663 : i32 to index
    %get3A_2665 = arith.constant 16 : index
    %get3A_2666 = tpu.vector_load %arg12[%get3A_2664, %get3A_2665] {strides = array<i32>} : memref<64x128xf32, #tpu.memory_space<vmem>>, vector<1x16xf32>,
    %get3A_2667 = vector.shape_cast %get3A_2666 : vector<1x16xf32> to vector<16xf32>
    %mul3A_2668 = arith.mulf %get3A_2667, %broadcast_in_dim3A_2642 : vector<16xf32>
    %add3A_2669 = arith.addf %mul3A_2668, %broadcast_in_dim3A_2636 : vector<16xf32>
    %swap3A_2670 = arith.constant 49 : i32
    %swap3A_2671 = arith.index_cast %swap3A_2670 : i32 to index
    %swap3A_2672 = arith.constant 16 : index
    %swap3A_2673 = tpu.vector_load %arg13[%swap3A_2671, %swap3A_2672] {strides = array<i32>} : memref<64x32xf32, #tpu.memory_space<vmem>>, vector<1x16xf32>,
    %swap3A_2674 = vector.shape_cast %swap3A_2673 : vector<1x16xf32> to vector<16xf32>
    %swap3A_2675 = vector.shape_cast %add3A_2669 : vector<16xf32> to vector<1x16xf32>
    tpu.vector_store %arg13[%swap3A_2671, %swap3A_2672], %swap3A_2675 {strides = array<i32>} : memref<64x32xf32, #tpu.memory_space<vmem>>, vector<1x16xf32>,
    %mul3A_2676 = arith.mulf %get3A_2667, %broadcast_in_dim3A_2639 : vector<16xf32>
    %swap3A_2677 = arith.constant 49 : i32
    %swap3A_2678 = arith.index_cast %swap3A_2677 : i32 to index
    %swap3A_2679 = arith.constant 16 : index
    %swap3A_2680 = tpu.vector_load %arg14[%swap3A_2678, %swap3A_2679] {strides = array<i32>} : memref<64x32xf32, #tpu.memory_space<vmem>>, vector<1x16xf32>,
    %swap3A_2681 = vector.shape_cast %swap3A_2680 : vector<1x16xf32> to vector<16xf32>
    %swap3A_2682 = vector.shape_cast %mul3A_2676 : vector<16xf32> to vector<1x16xf32>
    tpu.vector_store %arg14[%swap3A_2678, %swap3A_2679], %swap3A_2682 {strides = array<i32>} : memref<64x32xf32, #tpu.memory_space<vmem>>, vector<1x16xf32>,
    %slice3A_2683 = vector.extract_strided_slice %select_n3A_2581 {offsets = [2], sizes = [1], strides = [1]} : vector<16xf32> to vector<1xf32>
    %broadcast_in_dim3A_2684 = vector.shape_cast %slice3A_2683 : vector<1xf32> to vector<1xf32>
    %broadcast_in_dim3A_2685 = vector.broadcast %broadcast_in_dim3A_2684 : vector<1xf32> to vector<16xf32>
    %slice3A_2686 = vector.extract_strided_slice %select_n3A_2583 {offsets = [2], sizes = [1], strides = [1]} : vector<16xf32> to vector<1xf32>
    %broadcast_in_dim3A_2687 = vector.shape_cast %slice3A_2686 : vector<1xf32> to vector<1xf32>
    %broadcast_in_dim3A_2688 = vector.broadcast %broadcast_in_dim3A_2687 : vector<1xf32> to vector<16xf32>
    %slice3A_2689 = vector.extract_strided_slice %select_n3A_2584 {offsets = [2], sizes = [1], strides = [1]} : vector<16xf32> to vector<1xf32>
    %broadcast_in_dim3A_2690 = vector.shape_cast %slice3A_2689 : vector<1xf32> to vector<1xf32>
    %broadcast_in_dim3A_2691 = vector.broadcast %broadcast_in_dim3A_2690 : vector<1xf32> to vector<16xf32>
    %get3A_2692 = arith.constant 50 : i32
    %get3A_2693 = arith.index_cast %get3A_2692 : i32 to index
    %get3A_2694 = arith.constant 0 : index
    %get3A_2695 = tpu.vector_load %arg12[%get3A_2693, %get3A_2694] {strides = array<i32>} : memref<64x128xf32, #tpu.memory_space<vmem>>, vector<1x16xf32>,
    %get3A_2696 = vector.shape_cast %get3A_2695 : vector<1x16xf32> to vector<16xf32>
    %mul3A_2697 = arith.mulf %get3A_2696, %broadcast_in_dim3A_2691 : vector<16xf32>
    %add3A_2698 = arith.addf %mul3A_2697, %broadcast_in_dim3A_2685 : vector<16xf32>
    %swap3A_2699 = arith.constant 50 : i32
    %swap3A_2700 = arith.index_cast %swap3A_2699 : i32 to index
    %swap3A_2701 = arith.constant 0 : index
    %swap3A_2702 = tpu.vector_load %arg13[%swap3A_2700, %swap3A_2701] {strides = array<i32>} : memref<64x32xf32, #tpu.memory_space<vmem>>, vector<1x16xf32>,
    %swap3A_2703 = vector.shape_cast %swap3A_2702 : vector<1x16xf32> to vector<16xf32>
    %swap3A_2704 = vector.shape_cast %add3A_2698 : vector<16xf32> to vector<1x16xf32>
    tpu.vector_store %arg13[%swap3A_2700, %swap3A_2701], %swap3A_2704 {strides = array<i32>} : memref<64x32xf32, #tpu.memory_space<vmem>>, vector<1x16xf32>,
    %mul3A_2705 = arith.mulf %get3A_2696, %broadcast_in_dim3A_2688 : vector<16xf32>
    %swap3A_2706 = arith.constant 50 : i32
    %swap3A_2707 = arith.index_cast %swap3A_2706 : i32 to index
    %swap3A_2708 = arith.constant 0 : index
    %swap3A_2709 = tpu.vector_load %arg14[%swap3A_2707, %swap3A_2708] {strides = array<i32>} : memref<64x32xf32, #tpu.memory_space<vmem>>, vector<1x16xf32>,
    %swap3A_2710 = vector.shape_cast %swap3A_2709 : vector<1x16xf32> to vector<16xf32>
    %swap3A_2711 = vector.shape_cast %mul3A_2705 : vector<16xf32> to vector<1x16xf32>
    tpu.vector_store %arg14[%swap3A_2707, %swap3A_2708], %swap3A_2711 {strides = array<i32>} : memref<64x32xf32, #tpu.memory_space<vmem>>, vector<1x16xf32>,
    %get3A_2712 = arith.constant 50 : i32
    %get3A_2713 = arith.index_cast %get3A_2712 : i32 to index
    %get3A_2714 = arith.constant 16 : index
    %get3A_2715 = tpu.vector_load %arg12[%get3A_2713, %get3A_2714] {strides = array<i32>} : memref<64x128xf32, #tpu.memory_space<vmem>>, vector<1x16xf32>,
    %get3A_2716 = vector.shape_cast %get3A_2715 : vector<1x16xf32> to vector<16xf32>
    %mul3A_2717 = arith.mulf %get3A_2716, %broadcast_in_dim3A_2691 : vector<16xf32>
    %add3A_2718 = arith.addf %mul3A_2717, %broadcast_in_dim3A_2685 : vector<16xf32>
    %swap3A_2719 = arith.constant 50 : i32
    %swap3A_2720 = arith.index_cast %swap3A_2719 : i32 to index
    %swap3A_2721 = arith.constant 16 : index
    %swap3A_2722 = tpu.vector_load %arg13[%swap3A_2720, %swap3A_2721] {strides = array<i32>} : memref<64x32xf32, #tpu.memory_space<vmem>>, vector<1x16xf32>,
    %swap3A_2723 = vector.shape_cast %swap3A_2722 : vector<1x16xf32> to vector<16xf32>
    %swap3A_2724 = vector.shape_cast %add3A_2718 : vector<16xf32> to vector<1x16xf32>
    tpu.vector_store %arg13[%swap3A_2720, %swap3A_2721], %swap3A_2724 {strides = array<i32>} : memref<64x32xf32, #tpu.memory_space<vmem>>, vector<1x16xf32>,
    %mul3A_2725 = arith.mulf %get3A_2716, %broadcast_in_dim3A_2688 : vector<16xf32>
    %swap3A_2726 = arith.constant 50 : i32
    %swap3A_2727 = arith.index_cast %swap3A_2726 : i32 to index
    %swap3A_2728 = arith.constant 16 : index
    %swap3A_2729 = tpu.vector_load %arg14[%swap3A_2727, %swap3A_2728] {strides = array<i32>} : memref<64x32xf32, #tpu.memory_space<vmem>>, vector<1x16xf32>,
    %swap3A_2730 = vector.shape_cast %swap3A_2729 : vector<1x16xf32> to vector<16xf32>
    %swap3A_2731 = vector.shape_cast %mul3A_2725 : vector<16xf32> to vector<1x16xf32>
    tpu.vector_store %arg14[%swap3A_2727, %swap3A_2728], %swap3A_2731 {strides = array<i32>} : memref<64x32xf32, #tpu.memory_space<vmem>>, vector<1x16xf32>,
    %slice3A_2732 = vector.extract_strided_slice %select_n3A_2581 {offsets = [3], sizes = [1], strides = [1]} : vector<16xf32> to vector<1xf32>
    %broadcast_in_dim3A_2733 = vector.shape_cast %slice3A_2732 : vector<1xf32> to vector<1xf32>
    %broadcast_in_dim3A_2734 = vector.broadcast %broadcast_in_dim3A_2733 : vector<1xf32> to vector<16xf32>
    %slice3A_2735 = vector.extract_strided_slice %select_n3A_2583 {offsets = [3], sizes = [1], strides = [1]} : vector<16xf32> to vector<1xf32>
    %broadcast_in_dim3A_2736 = vector.shape_cast %slice3A_2735 : vector<1xf32> to vector<1xf32>
    %broadcast_in_dim3A_2737 = vector.broadcast %broadcast_in_dim3A_2736 : vector<1xf32> to vector<16xf32>
    %slice3A_2738 = vector.extract_strided_slice %select_n3A_2584 {offsets = [3], sizes = [1], strides = [1]} : vector<16xf32> to vector<1xf32>
    %broadcast_in_dim3A_2739 = vector.shape_cast %slice3A_2738 : vector<1xf32> to vector<1xf32>
    %broadcast_in_dim3A_2740 = vector.broadcast %broadcast_in_dim3A_2739 : vector<1xf32> to vector<16xf32>
    %get3A_2741 = arith.constant 51 : i32
    %get3A_2742 = arith.index_cast %get3A_2741 : i32 to index
    %get3A_2743 = arith.constant 0 : index
    %get3A_2744 = tpu.vector_load %arg12[%get3A_2742, %get3A_2743] {strides = array<i32>} : memref<64x128xf32, #tpu.memory_space<vmem>>, vector<1x16xf32>,
    %get3A_2745 = vector.shape_cast %get3A_2744 : vector<1x16xf32> to vector<16xf32>
    %mul3A_2746 = arith.mulf %get3A_2745, %broadcast_in_dim3A_2740 : vector<16xf32>
    %add3A_2747 = arith.addf %mul3A_2746, %broadcast_in_dim3A_2734 : vector<16xf32>
    %swap3A_2748 = arith.constant 51 : i32
    %swap3A_2749 = arith.index_cast %swap3A_2748 : i32 to index
    %swap3A_2750 = arith.constant 0 : index
    %swap3A_2751 = tpu.vector_load %arg13[%swap3A_2749, %swap3A_2750] {strides = array<i32>} : memref<64x32xf32, #tpu.memory_space<vmem>>, vector<1x16xf32>,
    %swap3A_2752 = vector.shape_cast %swap3A_2751 : vector<1x16xf32> to vector<16xf32>
    %swap3A_2753 = vector.shape_cast %add3A_2747 : vector<16xf32> to vector<1x16xf32>
    tpu.vector_store %arg13[%swap3A_2749, %swap3A_2750], %swap3A_2753 {strides = array<i32>} : memref<64x32xf32, #tpu.memory_space<vmem>>, vector<1x16xf32>,
    %mul3A_2754 = arith.mulf %get3A_2745, %broadcast_in_dim3A_2737 : vector<16xf32>
    %swap3A_2755 = arith.constant 51 : i32
    %swap3A_2756 = arith.index_cast %swap3A_2755 : i32 to index
    %swap3A_2757 = arith.constant 0 : index
    %swap3A_2758 = tpu.vector_load %arg14[%swap3A_2756, %swap3A_2757] {strides = array<i32>} : memref<64x32xf32, #tpu.memory_space<vmem>>, vector<1x16xf32>,
    %swap3A_2759 = vector.shape_cast %swap3A_2758 : vector<1x16xf32> to vector<16xf32>
    %swap3A_2760 = vector.shape_cast %mul3A_2754 : vector<16xf32> to vector<1x16xf32>
    tpu.vector_store %arg14[%swap3A_2756, %swap3A_2757], %swap3A_2760 {strides = array<i32>} : memref<64x32xf32, #tpu.memory_space<vmem>>, vector<1x16xf32>,
    %get3A_2761 = arith.constant 51 : i32
    %get3A_2762 = arith.index_cast %get3A_2761 : i32 to index
    %get3A_2763 = arith.constant 16 : index
    %get3A_2764 = tpu.vector_load %arg12[%get3A_2762, %get3A_2763] {strides = array<i32>} : memref<64x128xf32, #tpu.memory_space<vmem>>, vector<1x16xf32>,
    %get3A_2765 = vector.shape_cast %get3A_2764 : vector<1x16xf32> to vector<16xf32>
    %mul3A_2766 = arith.mulf %get3A_2765, %broadcast_in_dim3A_2740 : vector<16xf32>
    %add3A_2767 = arith.addf %mul3A_2766, %broadcast_in_dim3A_2734 : vector<16xf32>
    %swap3A_2768 = arith.constant 51 : i32
    %swap3A_2769 = arith.index_cast %swap3A_2768 : i32 to index
    %swap3A_2770 = arith.constant 16 : index
    %swap3A_2771 = tpu.vector_load %arg13[%swap3A_2769, %swap3A_2770] {strides = array<i32>} : memref<64x32xf32, #tpu.memory_space<vmem>>, vector<1x16xf32>,
    %swap3A_2772 = vector.shape_cast %swap3A_2771 : vector<1x16xf32> to vector<16xf32>
    %swap3A_2773 = vector.shape_cast %add3A_2767 : vector<16xf32> to vector<1x16xf32>
    tpu.vector_store %arg13[%swap3A_2769, %swap3A_2770], %swap3A_2773 {strides = array<i32>} : memref<64x32xf32, #tpu.memory_space<vmem>>, vector<1x16xf32>,
    %mul3A_2774 = arith.mulf %get3A_2765, %broadcast_in_dim3A_2737 : vector<16xf32>
    %swap3A_2775 = arith.constant 51 : i32
    %swap3A_2776 = arith.index_cast %swap3A_2775 : i32 to index
    %swap3A_2777 = arith.constant 16 : index
    %swap3A_2778 = tpu.vector_load %arg14[%swap3A_2776, %swap3A_2777] {strides = array<i32>} : memref<64x32xf32, #tpu.memory_space<vmem>>, vector<1x16xf32>,
    %swap3A_2779 = vector.shape_cast %swap3A_2778 : vector<1x16xf32> to vector<16xf32>
    %swap3A_2780 = vector.shape_cast %mul3A_2774 : vector<16xf32> to vector<1x16xf32>
    tpu.vector_store %arg14[%swap3A_2776, %swap3A_2777], %swap3A_2780 {strides = array<i32>} : memref<64x32xf32, #tpu.memory_space<vmem>>, vector<1x16xf32>,
    %slice3A_2781 = vector.extract_strided_slice %select_n3A_2581 {offsets = [4], sizes = [1], strides = [1]} : vector<16xf32> to vector<1xf32>
    %broadcast_in_dim3A_2782 = vector.shape_cast %slice3A_2781 : vector<1xf32> to vector<1xf32>
    %broadcast_in_dim3A_2783 = vector.broadcast %broadcast_in_dim3A_2782 : vector<1xf32> to vector<16xf32>
    %slice3A_2784 = vector.extract_strided_slice %select_n3A_2583 {offsets = [4], sizes = [1], strides = [1]} : vector<16xf32> to vector<1xf32>
    %broadcast_in_dim3A_2785 = vector.shape_cast %slice3A_2784 : vector<1xf32> to vector<1xf32>
    %broadcast_in_dim3A_2786 = vector.broadcast %broadcast_in_dim3A_2785 : vector<1xf32> to vector<16xf32>
    %slice3A_2787 = vector.extract_strided_slice %select_n3A_2584 {offsets = [4], sizes = [1], strides = [1]} : vector<16xf32> to vector<1xf32>
    %broadcast_in_dim3A_2788 = vector.shape_cast %slice3A_2787 : vector<1xf32> to vector<1xf32>
    %broadcast_in_dim3A_2789 = vector.broadcast %broadcast_in_dim3A_2788 : vector<1xf32> to vector<16xf32>
    %get3A_2790 = arith.constant 52 : i32
    %get3A_2791 = arith.index_cast %get3A_2790 : i32 to index
    %get3A_2792 = arith.constant 0 : index
    %get3A_2793 = tpu.vector_load %arg12[%get3A_2791, %get3A_2792] {strides = array<i32>} : memref<64x128xf32, #tpu.memory_space<vmem>>, vector<1x16xf32>,
    %get3A_2794 = vector.shape_cast %get3A_2793 : vector<1x16xf32> to vector<16xf32>
    %mul3A_2795 = arith.mulf %get3A_2794, %broadcast_in_dim3A_2789 : vector<16xf32>
    %add3A_2796 = arith.addf %mul3A_2795, %broadcast_in_dim3A_2783 : vector<16xf32>
    %swap3A_2797 = arith.constant 52 : i32
    %swap3A_2798 = arith.index_cast %swap3A_2797 : i32 to index
    %swap3A_2799 = arith.constant 0 : index
    %swap3A_2800 = tpu.vector_load %arg13[%swap3A_2798, %swap3A_2799] {strides = array<i32>} : memref<64x32xf32, #tpu.memory_space<vmem>>, vector<1x16xf32>,
    %swap3A_2801 = vector.shape_cast %swap3A_2800 : vector<1x16xf32> to vector<16xf32>
    %swap3A_2802 = vector.shape_cast %add3A_2796 : vector<16xf32> to vector<1x16xf32>
    tpu.vector_store %arg13[%swap3A_2798, %swap3A_2799], %swap3A_2802 {strides = array<i32>} : memref<64x32xf32, #tpu.memory_space<vmem>>, vector<1x16xf32>,
    %mul3A_2803 = arith.mulf %get3A_2794, %broadcast_in_dim3A_2786 : vector<16xf32>
    %swap3A_2804 = arith.constant 52 : i32
    %swap3A_2805 = arith.index_cast %swap3A_2804 : i32 to index
    %swap3A_2806 = arith.constant 0 : index
    %swap3A_2807 = tpu.vector_load %arg14[%swap3A_2805, %swap3A_2806] {strides = array<i32>} : memref<64x32xf32, #tpu.memory_space<vmem>>, vector<1x16xf32>,
    %swap3A_2808 = vector.shape_cast %swap3A_2807 : vector<1x16xf32> to vector<16xf32>
    %swap3A_2809 = vector.shape_cast %mul3A_2803 : vector<16xf32> to vector<1x16xf32>
    tpu.vector_store %arg14[%swap3A_2805, %swap3A_2806], %swap3A_2809 {strides = array<i32>} : memref<64x32xf32, #tpu.memory_space<vmem>>, vector<1x16xf32>,
    %get3A_2810 = arith.constant 52 : i32
    %get3A_2811 = arith.index_cast %get3A_2810 : i32 to index
    %get3A_2812 = arith.constant 16 : index
    %get3A_2813 = tpu.vector_load %arg12[%get3A_2811, %get3A_2812] {strides = array<i32>} : memref<64x128xf32, #tpu.memory_space<vmem>>, vector<1x16xf32>,
    %get3A_2814 = vector.shape_cast %get3A_2813 : vector<1x16xf32> to vector<16xf32>
    %mul3A_2815 = arith.mulf %get3A_2814, %broadcast_in_dim3A_2789 : vector<16xf32>
    %add3A_2816 = arith.addf %mul3A_2815, %broadcast_in_dim3A_2783 : vector<16xf32>
    %swap3A_2817 = arith.constant 52 : i32
    %swap3A_2818 = arith.index_cast %swap3A_2817 : i32 to index
    %swap3A_2819 = arith.constant 16 : index
    %swap3A_2820 = tpu.vector_load %arg13[%swap3A_2818, %swap3A_2819] {strides = array<i32>} : memref<64x32xf32, #tpu.memory_space<vmem>>, vector<1x16xf32>,
    %swap3A_2821 = vector.shape_cast %swap3A_2820 : vector<1x16xf32> to vector<16xf32>
    %swap3A_2822 = vector.shape_cast %add3A_2816 : vector<16xf32> to vector<1x16xf32>
    tpu.vector_store %arg13[%swap3A_2818, %swap3A_2819], %swap3A_2822 {strides = array<i32>} : memref<64x32xf32, #tpu.memory_space<vmem>>, vector<1x16xf32>,
    %mul3A_2823 = arith.mulf %get3A_2814, %broadcast_in_dim3A_2786 : vector<16xf32>
    %swap3A_2824 = arith.constant 52 : i32
    %swap3A_2825 = arith.index_cast %swap3A_2824 : i32 to index
    %swap3A_2826 = arith.constant 16 : index
    %swap3A_2827 = tpu.vector_load %arg14[%swap3A_2825, %swap3A_2826] {strides = array<i32>} : memref<64x32xf32, #tpu.memory_space<vmem>>, vector<1x16xf32>,
    %swap3A_2828 = vector.shape_cast %swap3A_2827 : vector<1x16xf32> to vector<16xf32>
    %swap3A_2829 = vector.shape_cast %mul3A_2823 : vector<16xf32> to vector<1x16xf32>
    tpu.vector_store %arg14[%swap3A_2825, %swap3A_2826], %swap3A_2829 {strides = array<i32>} : memref<64x32xf32, #tpu.memory_space<vmem>>, vector<1x16xf32>,
    %slice3A_2830 = vector.extract_strided_slice %select_n3A_2581 {offsets = [5], sizes = [1], strides = [1]} : vector<16xf32> to vector<1xf32>
    %broadcast_in_dim3A_2831 = vector.shape_cast %slice3A_2830 : vector<1xf32> to vector<1xf32>
    %broadcast_in_dim3A_2832 = vector.broadcast %broadcast_in_dim3A_2831 : vector<1xf32> to vector<16xf32>
    %slice3A_2833 = vector.extract_strided_slice %select_n3A_2583 {offsets = [5], sizes = [1], strides = [1]} : vector<16xf32> to vector<1xf32>
    %broadcast_in_dim3A_2834 = vector.shape_cast %slice3A_2833 : vector<1xf32> to vector<1xf32>
    %broadcast_in_dim3A_2835 = vector.broadcast %broadcast_in_dim3A_2834 : vector<1xf32> to vector<16xf32>
    %slice3A_2836 = vector.extract_strided_slice %select_n3A_2584 {offsets = [5], sizes = [1], strides = [1]} : vector<16xf32> to vector<1xf32>
    %broadcast_in_dim3A_2837 = vector.shape_cast %slice3A_2836 : vector<1xf32> to vector<1xf32>
    %broadcast_in_dim3A_2838 = vector.broadcast %broadcast_in_dim3A_2837 : vector<1xf32> to vector<16xf32>
    %get3A_2839 = arith.constant 53 : i32
    %get3A_2840 = arith.index_cast %get3A_2839 : i32 to index
    %get3A_2841 = arith.constant 0 : index
    %get3A_2842 = tpu.vector_load %arg12[%get3A_2840, %get3A_2841] {strides = array<i32>} : memref<64x128xf32, #tpu.memory_space<vmem>>, vector<1x16xf32>,
    %get3A_2843 = vector.shape_cast %get3A_2842 : vector<1x16xf32> to vector<16xf32>
    %mul3A_2844 = arith.mulf %get3A_2843, %broadcast_in_dim3A_2838 : vector<16xf32>
    %add3A_2845 = arith.addf %mul3A_2844, %broadcast_in_dim3A_2832 : vector<16xf32>
    %swap3A_2846 = arith.constant 53 : i32
    %swap3A_2847 = arith.index_cast %swap3A_2846 : i32 to index
    %swap3A_2848 = arith.constant 0 : index
    %swap3A_2849 = tpu.vector_load %arg13[%swap3A_2847, %swap3A_2848] {strides = array<i32>} : memref<64x32xf32, #tpu.memory_space<vmem>>, vector<1x16xf32>,
    %swap3A_2850 = vector.shape_cast %swap3A_2849 : vector<1x16xf32> to vector<16xf32>
    %swap3A_2851 = vector.shape_cast %add3A_2845 : vector<16xf32> to vector<1x16xf32>
    tpu.vector_store %arg13[%swap3A_2847, %swap3A_2848], %swap3A_2851 {strides = array<i32>} : memref<64x32xf32, #tpu.memory_space<vmem>>, vector<1x16xf32>,
    %mul3A_2852 = arith.mulf %get3A_2843, %broadcast_in_dim3A_2835 : vector<16xf32>
    %swap3A_2853 = arith.constant 53 : i32
    %swap3A_2854 = arith.index_cast %swap3A_2853 : i32 to index
    %swap3A_2855 = arith.constant 0 : index
    %swap3A_2856 = tpu.vector_load %arg14[%swap3A_2854, %swap3A_2855] {strides = array<i32>} : memref<64x32xf32, #tpu.memory_space<vmem>>, vector<1x16xf32>,
    %swap3A_2857 = vector.shape_cast %swap3A_2856 : vector<1x16xf32> to vector<16xf32>
    %swap3A_2858 = vector.shape_cast %mul3A_2852 : vector<16xf32> to vector<1x16xf32>
    tpu.vector_store %arg14[%swap3A_2854, %swap3A_2855], %swap3A_2858 {strides = array<i32>} : memref<64x32xf32, #tpu.memory_space<vmem>>, vector<1x16xf32>,
    %get3A_2859 = arith.constant 53 : i32
    %get3A_2860 = arith.index_cast %get3A_2859 : i32 to index
    %get3A_2861 = arith.constant 16 : index
    %get3A_2862 = tpu.vector_load %arg12[%get3A_2860, %get3A_2861] {strides = array<i32>} : memref<64x128xf32, #tpu.memory_space<vmem>>, vector<1x16xf32>,
    %get3A_2863 = vector.shape_cast %get3A_2862 : vector<1x16xf32> to vector<16xf32>
    %mul3A_2864 = arith.mulf %get3A_2863, %broadcast_in_dim3A_2838 : vector<16xf32>
    %add3A_2865 = arith.addf %mul3A_2864, %broadcast_in_dim3A_2832 : vector<16xf32>
    %swap3A_2866 = arith.constant 53 : i32
    %swap3A_2867 = arith.index_cast %swap3A_2866 : i32 to index
    %swap3A_2868 = arith.constant 16 : index
    %swap3A_2869 = tpu.vector_load %arg13[%swap3A_2867, %swap3A_2868] {strides = array<i32>} : memref<64x32xf32, #tpu.memory_space<vmem>>, vector<1x16xf32>,
    %swap3A_2870 = vector.shape_cast %swap3A_2869 : vector<1x16xf32> to vector<16xf32>
    %swap3A_2871 = vector.shape_cast %add3A_2865 : vector<16xf32> to vector<1x16xf32>
    tpu.vector_store %arg13[%swap3A_2867, %swap3A_2868], %swap3A_2871 {strides = array<i32>} : memref<64x32xf32, #tpu.memory_space<vmem>>, vector<1x16xf32>,
    %mul3A_2872 = arith.mulf %get3A_2863, %broadcast_in_dim3A_2835 : vector<16xf32>
    %swap3A_2873 = arith.constant 53 : i32
    %swap3A_2874 = arith.index_cast %swap3A_2873 : i32 to index
    %swap3A_2875 = arith.constant 16 : index
    %swap3A_2876 = tpu.vector_load %arg14[%swap3A_2874, %swap3A_2875] {strides = array<i32>} : memref<64x32xf32, #tpu.memory_space<vmem>>, vector<1x16xf32>,
    %swap3A_2877 = vector.shape_cast %swap3A_2876 : vector<1x16xf32> to vector<16xf32>
    %swap3A_2878 = vector.shape_cast %mul3A_2872 : vector<16xf32> to vector<1x16xf32>
    tpu.vector_store %arg14[%swap3A_2874, %swap3A_2875], %swap3A_2878 {strides = array<i32>} : memref<64x32xf32, #tpu.memory_space<vmem>>, vector<1x16xf32>,
    %slice3A_2879 = vector.extract_strided_slice %select_n3A_2581 {offsets = [6], sizes = [1], strides = [1]} : vector<16xf32> to vector<1xf32>
    %broadcast_in_dim3A_2880 = vector.shape_cast %slice3A_2879 : vector<1xf32> to vector<1xf32>
    %broadcast_in_dim3A_2881 = vector.broadcast %broadcast_in_dim3A_2880 : vector<1xf32> to vector<16xf32>
    %slice3A_2882 = vector.extract_strided_slice %select_n3A_2583 {offsets = [6], sizes = [1], strides = [1]} : vector<16xf32> to vector<1xf32>
    %broadcast_in_dim3A_2883 = vector.shape_cast %slice3A_2882 : vector<1xf32> to vector<1xf32>
    %broadcast_in_dim3A_2884 = vector.broadcast %broadcast_in_dim3A_2883 : vector<1xf32> to vector<16xf32>
    %slice3A_2885 = vector.extract_strided_slice %select_n3A_2584 {offsets = [6], sizes = [1], strides = [1]} : vector<16xf32> to vector<1xf32>
    %broadcast_in_dim3A_2886 = vector.shape_cast %slice3A_2885 : vector<1xf32> to vector<1xf32>
    %broadcast_in_dim3A_2887 = vector.broadcast %broadcast_in_dim3A_2886 : vector<1xf32> to vector<16xf32>
    %get3A_2888 = arith.constant 54 : i32
    %get3A_2889 = arith.index_cast %get3A_2888 : i32 to index
    %get3A_2890 = arith.constant 0 : index
    %get3A_2891 = tpu.vector_load %arg12[%get3A_2889, %get3A_2890] {strides = array<i32>} : memref<64x128xf32, #tpu.memory_space<vmem>>, vector<1x16xf32>,
    %get3A_2892 = vector.shape_cast %get3A_2891 : vector<1x16xf32> to vector<16xf32>
    %mul3A_2893 = arith.mulf %get3A_2892, %broadcast_in_dim3A_2887 : vector<16xf32>
    %add3A_2894 = arith.addf %mul3A_2893, %broadcast_in_dim3A_2881 : vector<16xf32>
    %swap3A_2895 = arith.constant 54 : i32
    %swap3A_2896 = arith.index_cast %swap3A_2895 : i32 to index
    %swap3A_2897 = arith.constant 0 : index
    %swap3A_2898 = tpu.vector_load %arg13[%swap3A_2896, %swap3A_2897] {strides = array<i32>} : memref<64x32xf32, #tpu.memory_space<vmem>>, vector<1x16xf32>,
    %swap3A_2899 = vector.shape_cast %swap3A_2898 : vector<1x16xf32> to vector<16xf32>
    %swap3A_2900 = vector.shape_cast %add3A_2894 : vector<16xf32> to vector<1x16xf32>
    tpu.vector_store %arg13[%swap3A_2896, %swap3A_2897], %swap3A_2900 {strides = array<i32>} : memref<64x32xf32, #tpu.memory_space<vmem>>, vector<1x16xf32>,
    %mul3A_2901 = arith.mulf %get3A_2892, %broadcast_in_dim3A_2884 : vector<16xf32>
    %swap3A_2902 = arith.constant 54 : i32
    %swap3A_2903 = arith.index_cast %swap3A_2902 : i32 to index
    %swap3A_2904 = arith.constant 0 : index
    %swap3A_2905 = tpu.vector_load %arg14[%swap3A_2903, %swap3A_2904] {strides = array<i32>} : memref<64x32xf32, #tpu.memory_space<vmem>>, vector<1x16xf32>,
    %swap3A_2906 = vector.shape_cast %swap3A_2905 : vector<1x16xf32> to vector<16xf32>
    %swap3A_2907 = vector.shape_cast %mul3A_2901 : vector<16xf32> to vector<1x16xf32>
    tpu.vector_store %arg14[%swap3A_2903, %swap3A_2904], %swap3A_2907 {strides = array<i32>} : memref<64x32xf32, #tpu.memory_space<vmem>>, vector<1x16xf32>,
    %get3A_2908 = arith.constant 54 : i32
    %get3A_2909 = arith.index_cast %get3A_2908 : i32 to index
    %get3A_2910 = arith.constant 16 : index
    %get3A_2911 = tpu.vector_load %arg12[%get3A_2909, %get3A_2910] {strides = array<i32>} : memref<64x128xf32, #tpu.memory_space<vmem>>, vector<1x16xf32>,
    %get3A_2912 = vector.shape_cast %get3A_2911 : vector<1x16xf32> to vector<16xf32>
    %mul3A_2913 = arith.mulf %get3A_2912, %broadcast_in_dim3A_2887 : vector<16xf32>
    %add3A_2914 = arith.addf %mul3A_2913, %broadcast_in_dim3A_2881 : vector<16xf32>
    %swap3A_2915 = arith.constant 54 : i32
    %swap3A_2916 = arith.index_cast %swap3A_2915 : i32 to index
    %swap3A_2917 = arith.constant 16 : index
    %swap3A_2918 = tpu.vector_load %arg13[%swap3A_2916, %swap3A_2917] {strides = array<i32>} : memref<64x32xf32, #tpu.memory_space<vmem>>, vector<1x16xf32>,
    %swap3A_2919 = vector.shape_cast %swap3A_2918 : vector<1x16xf32> to vector<16xf32>
    %swap3A_2920 = vector.shape_cast %add3A_2914 : vector<16xf32> to vector<1x16xf32>
    tpu.vector_store %arg13[%swap3A_2916, %swap3A_2917], %swap3A_2920 {strides = array<i32>} : memref<64x32xf32, #tpu.memory_space<vmem>>, vector<1x16xf32>,
    %mul3A_2921 = arith.mulf %get3A_2912, %broadcast_in_dim3A_2884 : vector<16xf32>
    %swap3A_2922 = arith.constant 54 : i32
    %swap3A_2923 = arith.index_cast %swap3A_2922 : i32 to index
    %swap3A_2924 = arith.constant 16 : index
    %swap3A_2925 = tpu.vector_load %arg14[%swap3A_2923, %swap3A_2924] {strides = array<i32>} : memref<64x32xf32, #tpu.memory_space<vmem>>, vector<1x16xf32>,
    %swap3A_2926 = vector.shape_cast %swap3A_2925 : vector<1x16xf32> to vector<16xf32>
    %swap3A_2927 = vector.shape_cast %mul3A_2921 : vector<16xf32> to vector<1x16xf32>
    tpu.vector_store %arg14[%swap3A_2923, %swap3A_2924], %swap3A_2927 {strides = array<i32>} : memref<64x32xf32, #tpu.memory_space<vmem>>, vector<1x16xf32>,
    %slice3A_2928 = vector.extract_strided_slice %select_n3A_2581 {offsets = [7], sizes = [1], strides = [1]} : vector<16xf32> to vector<1xf32>
    %broadcast_in_dim3A_2929 = vector.shape_cast %slice3A_2928 : vector<1xf32> to vector<1xf32>
    %broadcast_in_dim3A_2930 = vector.broadcast %broadcast_in_dim3A_2929 : vector<1xf32> to vector<16xf32>
    %slice3A_2931 = vector.extract_strided_slice %select_n3A_2583 {offsets = [7], sizes = [1], strides = [1]} : vector<16xf32> to vector<1xf32>
    %broadcast_in_dim3A_2932 = vector.shape_cast %slice3A_2931 : vector<1xf32> to vector<1xf32>
    %broadcast_in_dim3A_2933 = vector.broadcast %broadcast_in_dim3A_2932 : vector<1xf32> to vector<16xf32>
    %slice3A_2934 = vector.extract_strided_slice %select_n3A_2584 {offsets = [7], sizes = [1], strides = [1]} : vector<16xf32> to vector<1xf32>
    %broadcast_in_dim3A_2935 = vector.shape_cast %slice3A_2934 : vector<1xf32> to vector<1xf32>
    %broadcast_in_dim3A_2936 = vector.broadcast %broadcast_in_dim3A_2935 : vector<1xf32> to vector<16xf32>
    %get3A_2937 = arith.constant 55 : i32
    %get3A_2938 = arith.index_cast %get3A_2937 : i32 to index
    %get3A_2939 = arith.constant 0 : index
    %get3A_2940 = tpu.vector_load %arg12[%get3A_2938, %get3A_2939] {strides = array<i32>} : memref<64x128xf32, #tpu.memory_space<vmem>>, vector<1x16xf32>,
    %get3A_2941 = vector.shape_cast %get3A_2940 : vector<1x16xf32> to vector<16xf32>
    %mul3A_2942 = arith.mulf %get3A_2941, %broadcast_in_dim3A_2936 : vector<16xf32>
    %add3A_2943 = arith.addf %mul3A_2942, %broadcast_in_dim3A_2930 : vector<16xf32>
    %swap3A_2944 = arith.constant 55 : i32
    %swap3A_2945 = arith.index_cast %swap3A_2944 : i32 to index
    %swap3A_2946 = arith.constant 0 : index
    %swap3A_2947 = tpu.vector_load %arg13[%swap3A_2945, %swap3A_2946] {strides = array<i32>} : memref<64x32xf32, #tpu.memory_space<vmem>>, vector<1x16xf32>,
    %swap3A_2948 = vector.shape_cast %swap3A_2947 : vector<1x16xf32> to vector<16xf32>
    %swap3A_2949 = vector.shape_cast %add3A_2943 : vector<16xf32> to vector<1x16xf32>
    tpu.vector_store %arg13[%swap3A_2945, %swap3A_2946], %swap3A_2949 {strides = array<i32>} : memref<64x32xf32, #tpu.memory_space<vmem>>, vector<1x16xf32>,
    %mul3A_2950 = arith.mulf %get3A_2941, %broadcast_in_dim3A_2933 : vector<16xf32>
    %swap3A_2951 = arith.constant 55 : i32
    %swap3A_2952 = arith.index_cast %swap3A_2951 : i32 to index
    %swap3A_2953 = arith.constant 0 : index
    %swap3A_2954 = tpu.vector_load %arg14[%swap3A_2952, %swap3A_2953] {strides = array<i32>} : memref<64x32xf32, #tpu.memory_space<vmem>>, vector<1x16xf32>,
    %swap3A_2955 = vector.shape_cast %swap3A_2954 : vector<1x16xf32> to vector<16xf32>
    %swap3A_2956 = vector.shape_cast %mul3A_2950 : vector<16xf32> to vector<1x16xf32>
    tpu.vector_store %arg14[%swap3A_2952, %swap3A_2953], %swap3A_2956 {strides = array<i32>} : memref<64x32xf32, #tpu.memory_space<vmem>>, vector<1x16xf32>,
    %get3A_2957 = arith.constant 55 : i32
    %get3A_2958 = arith.index_cast %get3A_2957 : i32 to index
    %get3A_2959 = arith.constant 16 : index
    %get3A_2960 = tpu.vector_load %arg12[%get3A_2958, %get3A_2959] {strides = array<i32>} : memref<64x128xf32, #tpu.memory_space<vmem>>, vector<1x16xf32>,
    %get3A_2961 = vector.shape_cast %get3A_2960 : vector<1x16xf32> to vector<16xf32>
    %mul3A_2962 = arith.mulf %get3A_2961, %broadcast_in_dim3A_2936 : vector<16xf32>
    %add3A_2963 = arith.addf %mul3A_2962, %broadcast_in_dim3A_2930 : vector<16xf32>
    %swap3A_2964 = arith.constant 55 : i32
    %swap3A_2965 = arith.index_cast %swap3A_2964 : i32 to index
    %swap3A_2966 = arith.constant 16 : index
    %swap3A_2967 = tpu.vector_load %arg13[%swap3A_2965, %swap3A_2966] {strides = array<i32>} : memref<64x32xf32, #tpu.memory_space<vmem>>, vector<1x16xf32>,
    %swap3A_2968 = vector.shape_cast %swap3A_2967 : vector<1x16xf32> to vector<16xf32>
    %swap3A_2969 = vector.shape_cast %add3A_2963 : vector<16xf32> to vector<1x16xf32>
    tpu.vector_store %arg13[%swap3A_2965, %swap3A_2966], %swap3A_2969 {strides = array<i32>} : memref<64x32xf32, #tpu.memory_space<vmem>>, vector<1x16xf32>,
    %mul3A_2970 = arith.mulf %get3A_2961, %broadcast_in_dim3A_2933 : vector<16xf32>
    %swap3A_2971 = arith.constant 55 : i32
    %swap3A_2972 = arith.index_cast %swap3A_2971 : i32 to index
    %swap3A_2973 = arith.constant 16 : index
    %swap3A_2974 = tpu.vector_load %arg14[%swap3A_2972, %swap3A_2973] {strides = array<i32>} : memref<64x32xf32, #tpu.memory_space<vmem>>, vector<1x16xf32>,
    %swap3A_2975 = vector.shape_cast %swap3A_2974 : vector<1x16xf32> to vector<16xf32>
    %swap3A_2976 = vector.shape_cast %mul3A_2970 : vector<16xf32> to vector<1x16xf32>
    tpu.vector_store %arg14[%swap3A_2972, %swap3A_2973], %swap3A_2976 {strides = array<i32>} : memref<64x32xf32, #tpu.memory_space<vmem>>, vector<1x16xf32>,
    %slice3A_2977 = vector.extract_strided_slice %select_n3A_2581 {offsets = [8], sizes = [1], strides = [1]} : vector<16xf32> to vector<1xf32>
    %broadcast_in_dim3A_2978 = vector.shape_cast %slice3A_2977 : vector<1xf32> to vector<1xf32>
    %broadcast_in_dim3A_2979 = vector.broadcast %broadcast_in_dim3A_2978 : vector<1xf32> to vector<16xf32>
    %slice3A_2980 = vector.extract_strided_slice %select_n3A_2583 {offsets = [8], sizes = [1], strides = [1]} : vector<16xf32> to vector<1xf32>
    %broadcast_in_dim3A_2981 = vector.shape_cast %slice3A_2980 : vector<1xf32> to vector<1xf32>
    %broadcast_in_dim3A_2982 = vector.broadcast %broadcast_in_dim3A_2981 : vector<1xf32> to vector<16xf32>
    %slice3A_2983 = vector.extract_strided_slice %select_n3A_2584 {offsets = [8], sizes = [1], strides = [1]} : vector<16xf32> to vector<1xf32>
    %broadcast_in_dim3A_2984 = vector.shape_cast %slice3A_2983 : vector<1xf32> to vector<1xf32>
    %broadcast_in_dim3A_2985 = vector.broadcast %broadcast_in_dim3A_2984 : vector<1xf32> to vector<16xf32>
    %get3A_2986 = arith.constant 56 : i32
    %get3A_2987 = arith.index_cast %get3A_2986 : i32 to index
    %get3A_2988 = arith.constant 0 : index
    %get3A_2989 = tpu.vector_load %arg12[%get3A_2987, %get3A_2988] {strides = array<i32>} : memref<64x128xf32, #tpu.memory_space<vmem>>, vector<1x16xf32>,
    %get3A_2990 = vector.shape_cast %get3A_2989 : vector<1x16xf32> to vector<16xf32>
    %mul3A_2991 = arith.mulf %get3A_2990, %broadcast_in_dim3A_2985 : vector<16xf32>
    %add3A_2992 = arith.addf %mul3A_2991, %broadcast_in_dim3A_2979 : vector<16xf32>
    %swap3A_2993 = arith.constant 56 : i32
    %swap3A_2994 = arith.index_cast %swap3A_2993 : i32 to index
    %swap3A_2995 = arith.constant 0 : index
    %swap3A_2996 = tpu.vector_load %arg13[%swap3A_2994, %swap3A_2995] {strides = array<i32>} : memref<64x32xf32, #tpu.memory_space<vmem>>, vector<1x16xf32>,
    %swap3A_2997 = vector.shape_cast %swap3A_2996 : vector<1x16xf32> to vector<16xf32>
    %swap3A_2998 = vector.shape_cast %add3A_2992 : vector<16xf32> to vector<1x16xf32>
    tpu.vector_store %arg13[%swap3A_2994, %swap3A_2995], %swap3A_2998 {strides = array<i32>} : memref<64x32xf32, #tpu.memory_space<vmem>>, vector<1x16xf32>,
    %mul3A_2999 = arith.mulf %get3A_2990, %broadcast_in_dim3A_2982 : vector<16xf32>
    %swap3A_3000 = arith.constant 56 : i32
    %swap3A_3001 = arith.index_cast %swap3A_3000 : i32 to index
    %swap3A_3002 = arith.constant 0 : index
    %swap3A_3003 = tpu.vector_load %arg14[%swap3A_3001, %swap3A_3002] {strides = array<i32>} : memref<64x32xf32, #tpu.memory_space<vmem>>, vector<1x16xf32>,
    %swap3A_3004 = vector.shape_cast %swap3A_3003 : vector<1x16xf32> to vector<16xf32>
    %swap3A_3005 = vector.shape_cast %mul3A_2999 : vector<16xf32> to vector<1x16xf32>
    tpu.vector_store %arg14[%swap3A_3001, %swap3A_3002], %swap3A_3005 {strides = array<i32>} : memref<64x32xf32, #tpu.memory_space<vmem>>, vector<1x16xf32>,
    %get3A_3006 = arith.constant 56 : i32
    %get3A_3007 = arith.index_cast %get3A_3006 : i32 to index
    %get3A_3008 = arith.constant 16 : index
    %get3A_3009 = tpu.vector_load %arg12[%get3A_3007, %get3A_3008] {strides = array<i32>} : memref<64x128xf32, #tpu.memory_space<vmem>>, vector<1x16xf32>,
    %get3A_3010 = vector.shape_cast %get3A_3009 : vector<1x16xf32> to vector<16xf32>
    %mul3A_3011 = arith.mulf %get3A_3010, %broadcast_in_dim3A_2985 : vector<16xf32>
    %add3A_3012 = arith.addf %mul3A_3011, %broadcast_in_dim3A_2979 : vector<16xf32>
    %swap3A_3013 = arith.constant 56 : i32
    %swap3A_3014 = arith.index_cast %swap3A_3013 : i32 to index
    %swap3A_3015 = arith.constant 16 : index
    %swap3A_3016 = tpu.vector_load %arg13[%swap3A_3014, %swap3A_3015] {strides = array<i32>} : memref<64x32xf32, #tpu.memory_space<vmem>>, vector<1x16xf32>,
    %swap3A_3017 = vector.shape_cast %swap3A_3016 : vector<1x16xf32> to vector<16xf32>
    %swap3A_3018 = vector.shape_cast %add3A_3012 : vector<16xf32> to vector<1x16xf32>
    tpu.vector_store %arg13[%swap3A_3014, %swap3A_3015], %swap3A_3018 {strides = array<i32>} : memref<64x32xf32, #tpu.memory_space<vmem>>, vector<1x16xf32>,
    %mul3A_3019 = arith.mulf %get3A_3010, %broadcast_in_dim3A_2982 : vector<16xf32>
    %swap3A_3020 = arith.constant 56 : i32
    %swap3A_3021 = arith.index_cast %swap3A_3020 : i32 to index
    %swap3A_3022 = arith.constant 16 : index
    %swap3A_3023 = tpu.vector_load %arg14[%swap3A_3021, %swap3A_3022] {strides = array<i32>} : memref<64x32xf32, #tpu.memory_space<vmem>>, vector<1x16xf32>,
    %swap3A_3024 = vector.shape_cast %swap3A_3023 : vector<1x16xf32> to vector<16xf32>
    %swap3A_3025 = vector.shape_cast %mul3A_3019 : vector<16xf32> to vector<1x16xf32>
    tpu.vector_store %arg14[%swap3A_3021, %swap3A_3022], %swap3A_3025 {strides = array<i32>} : memref<64x32xf32, #tpu.memory_space<vmem>>, vector<1x16xf32>,
    %slice3A_3026 = vector.extract_strided_slice %select_n3A_2581 {offsets = [9], sizes = [1], strides = [1]} : vector<16xf32> to vector<1xf32>
    %broadcast_in_dim3A_3027 = vector.shape_cast %slice3A_3026 : vector<1xf32> to vector<1xf32>
    %broadcast_in_dim3A_3028 = vector.broadcast %broadcast_in_dim3A_3027 : vector<1xf32> to vector<16xf32>
    %slice3A_3029 = vector.extract_strided_slice %select_n3A_2583 {offsets = [9], sizes = [1], strides = [1]} : vector<16xf32> to vector<1xf32>
    %broadcast_in_dim3A_3030 = vector.shape_cast %slice3A_3029 : vector<1xf32> to vector<1xf32>
    %broadcast_in_dim3A_3031 = vector.broadcast %broadcast_in_dim3A_3030 : vector<1xf32> to vector<16xf32>
    %slice3A_3032 = vector.extract_strided_slice %select_n3A_2584 {offsets = [9], sizes = [1], strides = [1]} : vector<16xf32> to vector<1xf32>
    %broadcast_in_dim3A_3033 = vector.shape_cast %slice3A_3032 : vector<1xf32> to vector<1xf32>
    %broadcast_in_dim3A_3034 = vector.broadcast %broadcast_in_dim3A_3033 : vector<1xf32> to vector<16xf32>
    %get3A_3035 = arith.constant 57 : i32
    %get3A_3036 = arith.index_cast %get3A_3035 : i32 to index
    %get3A_3037 = arith.constant 0 : index
    %get3A_3038 = tpu.vector_load %arg12[%get3A_3036, %get3A_3037] {strides = array<i32>} : memref<64x128xf32, #tpu.memory_space<vmem>>, vector<1x16xf32>,
    %get3A_3039 = vector.shape_cast %get3A_3038 : vector<1x16xf32> to vector<16xf32>
    %mul3A_3040 = arith.mulf %get3A_3039, %broadcast_in_dim3A_3034 : vector<16xf32>
    %add3A_3041 = arith.addf %mul3A_3040, %broadcast_in_dim3A_3028 : vector<16xf32>
    %swap3A_3042 = arith.constant 57 : i32
    %swap3A_3043 = arith.index_cast %swap3A_3042 : i32 to index
    %swap3A_3044 = arith.constant 0 : index
    %swap3A_3045 = tpu.vector_load %arg13[%swap3A_3043, %swap3A_3044] {strides = array<i32>} : memref<64x32xf32, #tpu.memory_space<vmem>>, vector<1x16xf32>,
    %swap3A_3046 = vector.shape_cast %swap3A_3045 : vector<1x16xf32> to vector<16xf32>
    %swap3A_3047 = vector.shape_cast %add3A_3041 : vector<16xf32> to vector<1x16xf32>
    tpu.vector_store %arg13[%swap3A_3043, %swap3A_3044], %swap3A_3047 {strides = array<i32>} : memref<64x32xf32, #tpu.memory_space<vmem>>, vector<1x16xf32>,
    %mul3A_3048 = arith.mulf %get3A_3039, %broadcast_in_dim3A_3031 : vector<16xf32>
    %swap3A_3049 = arith.constant 57 : i32
    %swap3A_3050 = arith.index_cast %swap3A_3049 : i32 to index
    %swap3A_3051 = arith.constant 0 : index
    %swap3A_3052 = tpu.vector_load %arg14[%swap3A_3050, %swap3A_3051] {strides = array<i32>} : memref<64x32xf32, #tpu.memory_space<vmem>>, vector<1x16xf32>,
    %swap3A_3053 = vector.shape_cast %swap3A_3052 : vector<1x16xf32> to vector<16xf32>
    %swap3A_3054 = vector.shape_cast %mul3A_3048 : vector<16xf32> to vector<1x16xf32>
    tpu.vector_store %arg14[%swap3A_3050, %swap3A_3051], %swap3A_3054 {strides = array<i32>} : memref<64x32xf32, #tpu.memory_space<vmem>>, vector<1x16xf32>,
    %get3A_3055 = arith.constant 57 : i32
    %get3A_3056 = arith.index_cast %get3A_3055 : i32 to index
    %get3A_3057 = arith.constant 16 : index
    %get3A_3058 = tpu.vector_load %arg12[%get3A_3056, %get3A_3057] {strides = array<i32>} : memref<64x128xf32, #tpu.memory_space<vmem>>, vector<1x16xf32>,
    %get3A_3059 = vector.shape_cast %get3A_3058 : vector<1x16xf32> to vector<16xf32>
    %mul3A_3060 = arith.mulf %get3A_3059, %broadcast_in_dim3A_3034 : vector<16xf32>
    %add3A_3061 = arith.addf %mul3A_3060, %broadcast_in_dim3A_3028 : vector<16xf32>
    %swap3A_3062 = arith.constant 57 : i32
    %swap3A_3063 = arith.index_cast %swap3A_3062 : i32 to index
    %swap3A_3064 = arith.constant 16 : index
    %swap3A_3065 = tpu.vector_load %arg13[%swap3A_3063, %swap3A_3064] {strides = array<i32>} : memref<64x32xf32, #tpu.memory_space<vmem>>, vector<1x16xf32>,
    %swap3A_3066 = vector.shape_cast %swap3A_3065 : vector<1x16xf32> to vector<16xf32>
    %swap3A_3067 = vector.shape_cast %add3A_3061 : vector<16xf32> to vector<1x16xf32>
    tpu.vector_store %arg13[%swap3A_3063, %swap3A_3064], %swap3A_3067 {strides = array<i32>} : memref<64x32xf32, #tpu.memory_space<vmem>>, vector<1x16xf32>,
    %mul3A_3068 = arith.mulf %get3A_3059, %broadcast_in_dim3A_3031 : vector<16xf32>
    %swap3A_3069 = arith.constant 57 : i32
    %swap3A_3070 = arith.index_cast %swap3A_3069 : i32 to index
    %swap3A_3071 = arith.constant 16 : index
    %swap3A_3072 = tpu.vector_load %arg14[%swap3A_3070, %swap3A_3071] {strides = array<i32>} : memref<64x32xf32, #tpu.memory_space<vmem>>, vector<1x16xf32>,
    %swap3A_3073 = vector.shape_cast %swap3A_3072 : vector<1x16xf32> to vector<16xf32>
    %swap3A_3074 = vector.shape_cast %mul3A_3068 : vector<16xf32> to vector<1x16xf32>
    tpu.vector_store %arg14[%swap3A_3070, %swap3A_3071], %swap3A_3074 {strides = array<i32>} : memref<64x32xf32, #tpu.memory_space<vmem>>, vector<1x16xf32>,
    %slice3A_3075 = vector.extract_strided_slice %select_n3A_2581 {offsets = [10], sizes = [1], strides = [1]} : vector<16xf32> to vector<1xf32>
    %broadcast_in_dim3A_3076 = vector.shape_cast %slice3A_3075 : vector<1xf32> to vector<1xf32>
    %broadcast_in_dim3A_3077 = vector.broadcast %broadcast_in_dim3A_3076 : vector<1xf32> to vector<16xf32>
    %slice3A_3078 = vector.extract_strided_slice %select_n3A_2583 {offsets = [10], sizes = [1], strides = [1]} : vector<16xf32> to vector<1xf32>
    %broadcast_in_dim3A_3079 = vector.shape_cast %slice3A_3078 : vector<1xf32> to vector<1xf32>
    %broadcast_in_dim3A_3080 = vector.broadcast %broadcast_in_dim3A_3079 : vector<1xf32> to vector<16xf32>
    %slice3A_3081 = vector.extract_strided_slice %select_n3A_2584 {offsets = [10], sizes = [1], strides = [1]} : vector<16xf32> to vector<1xf32>
    %broadcast_in_dim3A_3082 = vector.shape_cast %slice3A_3081 : vector<1xf32> to vector<1xf32>
    %broadcast_in_dim3A_3083 = vector.broadcast %broadcast_in_dim3A_3082 : vector<1xf32> to vector<16xf32>
    %get3A_3084 = arith.constant 58 : i32
    %get3A_3085 = arith.index_cast %get3A_3084 : i32 to index
    %get3A_3086 = arith.constant 0 : index
    %get3A_3087 = tpu.vector_load %arg12[%get3A_3085, %get3A_3086] {strides = array<i32>} : memref<64x128xf32, #tpu.memory_space<vmem>>, vector<1x16xf32>,
    %get3A_3088 = vector.shape_cast %get3A_3087 : vector<1x16xf32> to vector<16xf32>
    %mul3A_3089 = arith.mulf %get3A_3088, %broadcast_in_dim3A_3083 : vector<16xf32>
    %add3A_3090 = arith.addf %mul3A_3089, %broadcast_in_dim3A_3077 : vector<16xf32>
    %swap3A_3091 = arith.constant 58 : i32
    %swap3A_3092 = arith.index_cast %swap3A_3091 : i32 to index
    %swap3A_3093 = arith.constant 0 : index
    %swap3A_3094 = tpu.vector_load %arg13[%swap3A_3092, %swap3A_3093] {strides = array<i32>} : memref<64x32xf32, #tpu.memory_space<vmem>>, vector<1x16xf32>,
    %swap3A_3095 = vector.shape_cast %swap3A_3094 : vector<1x16xf32> to vector<16xf32>
    %swap3A_3096 = vector.shape_cast %add3A_3090 : vector<16xf32> to vector<1x16xf32>
    tpu.vector_store %arg13[%swap3A_3092, %swap3A_3093], %swap3A_3096 {strides = array<i32>} : memref<64x32xf32, #tpu.memory_space<vmem>>, vector<1x16xf32>,
    %mul3A_3097 = arith.mulf %get3A_3088, %broadcast_in_dim3A_3080 : vector<16xf32>
    %swap3A_3098 = arith.constant 58 : i32
    %swap3A_3099 = arith.index_cast %swap3A_3098 : i32 to index
    %swap3A_3100 = arith.constant 0 : index
    %swap3A_3101 = tpu.vector_load %arg14[%swap3A_3099, %swap3A_3100] {strides = array<i32>} : memref<64x32xf32, #tpu.memory_space<vmem>>, vector<1x16xf32>,
    %swap3A_3102 = vector.shape_cast %swap3A_3101 : vector<1x16xf32> to vector<16xf32>
    %swap3A_3103 = vector.shape_cast %mul3A_3097 : vector<16xf32> to vector<1x16xf32>
    tpu.vector_store %arg14[%swap3A_3099, %swap3A_3100], %swap3A_3103 {strides = array<i32>} : memref<64x32xf32, #tpu.memory_space<vmem>>, vector<1x16xf32>,
    %get3A_3104 = arith.constant 58 : i32
    %get3A_3105 = arith.index_cast %get3A_3104 : i32 to index
    %get3A_3106 = arith.constant 16 : index
    %get3A_3107 = tpu.vector_load %arg12[%get3A_3105, %get3A_3106] {strides = array<i32>} : memref<64x128xf32, #tpu.memory_space<vmem>>, vector<1x16xf32>,
    %get3A_3108 = vector.shape_cast %get3A_3107 : vector<1x16xf32> to vector<16xf32>
    %mul3A_3109 = arith.mulf %get3A_3108, %broadcast_in_dim3A_3083 : vector<16xf32>
    %add3A_3110 = arith.addf %mul3A_3109, %broadcast_in_dim3A_3077 : vector<16xf32>
    %swap3A_3111 = arith.constant 58 : i32
    %swap3A_3112 = arith.index_cast %swap3A_3111 : i32 to index
    %swap3A_3113 = arith.constant 16 : index
    %swap3A_3114 = tpu.vector_load %arg13[%swap3A_3112, %swap3A_3113] {strides = array<i32>} : memref<64x32xf32, #tpu.memory_space<vmem>>, vector<1x16xf32>,
    %swap3A_3115 = vector.shape_cast %swap3A_3114 : vector<1x16xf32> to vector<16xf32>
    %swap3A_3116 = vector.shape_cast %add3A_3110 : vector<16xf32> to vector<1x16xf32>
    tpu.vector_store %arg13[%swap3A_3112, %swap3A_3113], %swap3A_3116 {strides = array<i32>} : memref<64x32xf32, #tpu.memory_space<vmem>>, vector<1x16xf32>,
    %mul3A_3117 = arith.mulf %get3A_3108, %broadcast_in_dim3A_3080 : vector<16xf32>
    %swap3A_3118 = arith.constant 58 : i32
    %swap3A_3119 = arith.index_cast %swap3A_3118 : i32 to index
    %swap3A_3120 = arith.constant 16 : index
    %swap3A_3121 = tpu.vector_load %arg14[%swap3A_3119, %swap3A_3120] {strides = array<i32>} : memref<64x32xf32, #tpu.memory_space<vmem>>, vector<1x16xf32>,
    %swap3A_3122 = vector.shape_cast %swap3A_3121 : vector<1x16xf32> to vector<16xf32>
    %swap3A_3123 = vector.shape_cast %mul3A_3117 : vector<16xf32> to vector<1x16xf32>
    tpu.vector_store %arg14[%swap3A_3119, %swap3A_3120], %swap3A_3123 {strides = array<i32>} : memref<64x32xf32, #tpu.memory_space<vmem>>, vector<1x16xf32>,
    %slice3A_3124 = vector.extract_strided_slice %select_n3A_2581 {offsets = [11], sizes = [1], strides = [1]} : vector<16xf32> to vector<1xf32>
    %broadcast_in_dim3A_3125 = vector.shape_cast %slice3A_3124 : vector<1xf32> to vector<1xf32>
    %broadcast_in_dim3A_3126 = vector.broadcast %broadcast_in_dim3A_3125 : vector<1xf32> to vector<16xf32>
    %slice3A_3127 = vector.extract_strided_slice %select_n3A_2583 {offsets = [11], sizes = [1], strides = [1]} : vector<16xf32> to vector<1xf32>
    %broadcast_in_dim3A_3128 = vector.shape_cast %slice3A_3127 : vector<1xf32> to vector<1xf32>
    %broadcast_in_dim3A_3129 = vector.broadcast %broadcast_in_dim3A_3128 : vector<1xf32> to vector<16xf32>
    %slice3A_3130 = vector.extract_strided_slice %select_n3A_2584 {offsets = [11], sizes = [1], strides = [1]} : vector<16xf32> to vector<1xf32>
    %broadcast_in_dim3A_3131 = vector.shape_cast %slice3A_3130 : vector<1xf32> to vector<1xf32>
    %broadcast_in_dim3A_3132 = vector.broadcast %broadcast_in_dim3A_3131 : vector<1xf32> to vector<16xf32>
    %get3A_3133 = arith.constant 59 : i32
    %get3A_3134 = arith.index_cast %get3A_3133 : i32 to index
    %get3A_3135 = arith.constant 0 : index
    %get3A_3136 = tpu.vector_load %arg12[%get3A_3134, %get3A_3135] {strides = array<i32>} : memref<64x128xf32, #tpu.memory_space<vmem>>, vector<1x16xf32>,
    %get3A_3137 = vector.shape_cast %get3A_3136 : vector<1x16xf32> to vector<16xf32>
    %mul3A_3138 = arith.mulf %get3A_3137, %broadcast_in_dim3A_3132 : vector<16xf32>
    %add3A_3139 = arith.addf %mul3A_3138, %broadcast_in_dim3A_3126 : vector<16xf32>
    %swap3A_3140 = arith.constant 59 : i32
    %swap3A_3141 = arith.index_cast %swap3A_3140 : i32 to index
    %swap3A_3142 = arith.constant 0 : index
    %swap3A_3143 = tpu.vector_load %arg13[%swap3A_3141, %swap3A_3142] {strides = array<i32>} : memref<64x32xf32, #tpu.memory_space<vmem>>, vector<1x16xf32>,
    %swap3A_3144 = vector.shape_cast %swap3A_3143 : vector<1x16xf32> to vector<16xf32>
    %swap3A_3145 = vector.shape_cast %add3A_3139 : vector<16xf32> to vector<1x16xf32>
    tpu.vector_store %arg13[%swap3A_3141, %swap3A_3142], %swap3A_3145 {strides = array<i32>} : memref<64x32xf32, #tpu.memory_space<vmem>>, vector<1x16xf32>,
    %mul3A_3146 = arith.mulf %get3A_3137, %broadcast_in_dim3A_3129 : vector<16xf32>
    %swap3A_3147 = arith.constant 59 : i32
    %swap3A_3148 = arith.index_cast %swap3A_3147 : i32 to index
    %swap3A_3149 = arith.constant 0 : index
    %swap3A_3150 = tpu.vector_load %arg14[%swap3A_3148, %swap3A_3149] {strides = array<i32>} : memref<64x32xf32, #tpu.memory_space<vmem>>, vector<1x16xf32>,
    %swap3A_3151 = vector.shape_cast %swap3A_3150 : vector<1x16xf32> to vector<16xf32>
    %swap3A_3152 = vector.shape_cast %mul3A_3146 : vector<16xf32> to vector<1x16xf32>
    tpu.vector_store %arg14[%swap3A_3148, %swap3A_3149], %swap3A_3152 {strides = array<i32>} : memref<64x32xf32, #tpu.memory_space<vmem>>, vector<1x16xf32>,
    %get3A_3153 = arith.constant 59 : i32
    %get3A_3154 = arith.index_cast %get3A_3153 : i32 to index
    %get3A_3155 = arith.constant 16 : index
    %get3A_3156 = tpu.vector_load %arg12[%get3A_3154, %get3A_3155] {strides = array<i32>} : memref<64x128xf32, #tpu.memory_space<vmem>>, vector<1x16xf32>,
    %get3A_3157 = vector.shape_cast %get3A_3156 : vector<1x16xf32> to vector<16xf32>
    %mul3A_3158 = arith.mulf %get3A_3157, %broadcast_in_dim3A_3132 : vector<16xf32>
    %add3A_3159 = arith.addf %mul3A_3158, %broadcast_in_dim3A_3126 : vector<16xf32>
    %swap3A_3160 = arith.constant 59 : i32
    %swap3A_3161 = arith.index_cast %swap3A_3160 : i32 to index
    %swap3A_3162 = arith.constant 16 : index
    %swap3A_3163 = tpu.vector_load %arg13[%swap3A_3161, %swap3A_3162] {strides = array<i32>} : memref<64x32xf32, #tpu.memory_space<vmem>>, vector<1x16xf32>,
    %swap3A_3164 = vector.shape_cast %swap3A_3163 : vector<1x16xf32> to vector<16xf32>
    %swap3A_3165 = vector.shape_cast %add3A_3159 : vector<16xf32> to vector<1x16xf32>
    tpu.vector_store %arg13[%swap3A_3161, %swap3A_3162], %swap3A_3165 {strides = array<i32>} : memref<64x32xf32, #tpu.memory_space<vmem>>, vector<1x16xf32>,
    %mul3A_3166 = arith.mulf %get3A_3157, %broadcast_in_dim3A_3129 : vector<16xf32>
    %swap3A_3167 = arith.constant 59 : i32
    %swap3A_3168 = arith.index_cast %swap3A_3167 : i32 to index
    %swap3A_3169 = arith.constant 16 : index
    %swap3A_3170 = tpu.vector_load %arg14[%swap3A_3168, %swap3A_3169] {strides = array<i32>} : memref<64x32xf32, #tpu.memory_space<vmem>>, vector<1x16xf32>,
    %swap3A_3171 = vector.shape_cast %swap3A_3170 : vector<1x16xf32> to vector<16xf32>
    %swap3A_3172 = vector.shape_cast %mul3A_3166 : vector<16xf32> to vector<1x16xf32>
    tpu.vector_store %arg14[%swap3A_3168, %swap3A_3169], %swap3A_3172 {strides = array<i32>} : memref<64x32xf32, #tpu.memory_space<vmem>>, vector<1x16xf32>,
    %slice3A_3173 = vector.extract_strided_slice %select_n3A_2581 {offsets = [12], sizes = [1], strides = [1]} : vector<16xf32> to vector<1xf32>
    %broadcast_in_dim3A_3174 = vector.shape_cast %slice3A_3173 : vector<1xf32> to vector<1xf32>
    %broadcast_in_dim3A_3175 = vector.broadcast %broadcast_in_dim3A_3174 : vector<1xf32> to vector<16xf32>
    %slice3A_3176 = vector.extract_strided_slice %select_n3A_2583 {offsets = [12], sizes = [1], strides = [1]} : vector<16xf32> to vector<1xf32>
    %broadcast_in_dim3A_3177 = vector.shape_cast %slice3A_3176 : vector<1xf32> to vector<1xf32>
    %broadcast_in_dim3A_3178 = vector.broadcast %broadcast_in_dim3A_3177 : vector<1xf32> to vector<16xf32>
    %slice3A_3179 = vector.extract_strided_slice %select_n3A_2584 {offsets = [12], sizes = [1], strides = [1]} : vector<16xf32> to vector<1xf32>
    %broadcast_in_dim3A_3180 = vector.shape_cast %slice3A_3179 : vector<1xf32> to vector<1xf32>
    %broadcast_in_dim3A_3181 = vector.broadcast %broadcast_in_dim3A_3180 : vector<1xf32> to vector<16xf32>
    %get3A_3182 = arith.constant 60 : i32
    %get3A_3183 = arith.index_cast %get3A_3182 : i32 to index
    %get3A_3184 = arith.constant 0 : index
    %get3A_3185 = tpu.vector_load %arg12[%get3A_3183, %get3A_3184] {strides = array<i32>} : memref<64x128xf32, #tpu.memory_space<vmem>>, vector<1x16xf32>,
    %get3A_3186 = vector.shape_cast %get3A_3185 : vector<1x16xf32> to vector<16xf32>
    %mul3A_3187 = arith.mulf %get3A_3186, %broadcast_in_dim3A_3181 : vector<16xf32>
    %add3A_3188 = arith.addf %mul3A_3187, %broadcast_in_dim3A_3175 : vector<16xf32>
    %swap3A_3189 = arith.constant 60 : i32
    %swap3A_3190 = arith.index_cast %swap3A_3189 : i32 to index
    %swap3A_3191 = arith.constant 0 : index
    %swap3A_3192 = tpu.vector_load %arg13[%swap3A_3190, %swap3A_3191] {strides = array<i32>} : memref<64x32xf32, #tpu.memory_space<vmem>>, vector<1x16xf32>,
    %swap3A_3193 = vector.shape_cast %swap3A_3192 : vector<1x16xf32> to vector<16xf32>
    %swap3A_3194 = vector.shape_cast %add3A_3188 : vector<16xf32> to vector<1x16xf32>
    tpu.vector_store %arg13[%swap3A_3190, %swap3A_3191], %swap3A_3194 {strides = array<i32>} : memref<64x32xf32, #tpu.memory_space<vmem>>, vector<1x16xf32>,
    %mul3A_3195 = arith.mulf %get3A_3186, %broadcast_in_dim3A_3178 : vector<16xf32>
    %swap3A_3196 = arith.constant 60 : i32
    %swap3A_3197 = arith.index_cast %swap3A_3196 : i32 to index
    %swap3A_3198 = arith.constant 0 : index
    %swap3A_3199 = tpu.vector_load %arg14[%swap3A_3197, %swap3A_3198] {strides = array<i32>} : memref<64x32xf32, #tpu.memory_space<vmem>>, vector<1x16xf32>,
    %swap3A_3200 = vector.shape_cast %swap3A_3199 : vector<1x16xf32> to vector<16xf32>
    %swap3A_3201 = vector.shape_cast %mul3A_3195 : vector<16xf32> to vector<1x16xf32>
    tpu.vector_store %arg14[%swap3A_3197, %swap3A_3198], %swap3A_3201 {strides = array<i32>} : memref<64x32xf32, #tpu.memory_space<vmem>>, vector<1x16xf32>,
    %get3A_3202 = arith.constant 60 : i32
    %get3A_3203 = arith.index_cast %get3A_3202 : i32 to index
    %get3A_3204 = arith.constant 16 : index
    %get3A_3205 = tpu.vector_load %arg12[%get3A_3203, %get3A_3204] {strides = array<i32>} : memref<64x128xf32, #tpu.memory_space<vmem>>, vector<1x16xf32>,
    %get3A_3206 = vector.shape_cast %get3A_3205 : vector<1x16xf32> to vector<16xf32>
    %mul3A_3207 = arith.mulf %get3A_3206, %broadcast_in_dim3A_3181 : vector<16xf32>
    %add3A_3208 = arith.addf %mul3A_3207, %broadcast_in_dim3A_3175 : vector<16xf32>
    %swap3A_3209 = arith.constant 60 : i32
    %swap3A_3210 = arith.index_cast %swap3A_3209 : i32 to index
    %swap3A_3211 = arith.constant 16 : index
    %swap3A_3212 = tpu.vector_load %arg13[%swap3A_3210, %swap3A_3211] {strides = array<i32>} : memref<64x32xf32, #tpu.memory_space<vmem>>, vector<1x16xf32>,
    %swap3A_3213 = vector.shape_cast %swap3A_3212 : vector<1x16xf32> to vector<16xf32>
    %swap3A_3214 = vector.shape_cast %add3A_3208 : vector<16xf32> to vector<1x16xf32>
    tpu.vector_store %arg13[%swap3A_3210, %swap3A_3211], %swap3A_3214 {strides = array<i32>} : memref<64x32xf32, #tpu.memory_space<vmem>>, vector<1x16xf32>,
    %mul3A_3215 = arith.mulf %get3A_3206, %broadcast_in_dim3A_3178 : vector<16xf32>
    %swap3A_3216 = arith.constant 60 : i32
    %swap3A_3217 = arith.index_cast %swap3A_3216 : i32 to index
    %swap3A_3218 = arith.constant 16 : index
    %swap3A_3219 = tpu.vector_load %arg14[%swap3A_3217, %swap3A_3218] {strides = array<i32>} : memref<64x32xf32, #tpu.memory_space<vmem>>, vector<1x16xf32>,
    %swap3A_3220 = vector.shape_cast %swap3A_3219 : vector<1x16xf32> to vector<16xf32>
    %swap3A_3221 = vector.shape_cast %mul3A_3215 : vector<16xf32> to vector<1x16xf32>
    tpu.vector_store %arg14[%swap3A_3217, %swap3A_3218], %swap3A_3221 {strides = array<i32>} : memref<64x32xf32, #tpu.memory_space<vmem>>, vector<1x16xf32>,
    %slice3A_3222 = vector.extract_strided_slice %select_n3A_2581 {offsets = [13], sizes = [1], strides = [1]} : vector<16xf32> to vector<1xf32>
    %broadcast_in_dim3A_3223 = vector.shape_cast %slice3A_3222 : vector<1xf32> to vector<1xf32>
    %broadcast_in_dim3A_3224 = vector.broadcast %broadcast_in_dim3A_3223 : vector<1xf32> to vector<16xf32>
    %slice3A_3225 = vector.extract_strided_slice %select_n3A_2583 {offsets = [13], sizes = [1], strides = [1]} : vector<16xf32> to vector<1xf32>
    %broadcast_in_dim3A_3226 = vector.shape_cast %slice3A_3225 : vector<1xf32> to vector<1xf32>
    %broadcast_in_dim3A_3227 = vector.broadcast %broadcast_in_dim3A_3226 : vector<1xf32> to vector<16xf32>
    %slice3A_3228 = vector.extract_strided_slice %select_n3A_2584 {offsets = [13], sizes = [1], strides = [1]} : vector<16xf32> to vector<1xf32>
    %broadcast_in_dim3A_3229 = vector.shape_cast %slice3A_3228 : vector<1xf32> to vector<1xf32>
    %broadcast_in_dim3A_3230 = vector.broadcast %broadcast_in_dim3A_3229 : vector<1xf32> to vector<16xf32>
    %get3A_3231 = arith.constant 61 : i32
    %get3A_3232 = arith.index_cast %get3A_3231 : i32 to index
    %get3A_3233 = arith.constant 0 : index
    %get3A_3234 = tpu.vector_load %arg12[%get3A_3232, %get3A_3233] {strides = array<i32>} : memref<64x128xf32, #tpu.memory_space<vmem>>, vector<1x16xf32>,
    %get3A_3235 = vector.shape_cast %get3A_3234 : vector<1x16xf32> to vector<16xf32>
    %mul3A_3236 = arith.mulf %get3A_3235, %broadcast_in_dim3A_3230 : vector<16xf32>
    %add3A_3237 = arith.addf %mul3A_3236, %broadcast_in_dim3A_3224 : vector<16xf32>
    %swap3A_3238 = arith.constant 61 : i32
    %swap3A_3239 = arith.index_cast %swap3A_3238 : i32 to index
    %swap3A_3240 = arith.constant 0 : index
    %swap3A_3241 = tpu.vector_load %arg13[%swap3A_3239, %swap3A_3240] {strides = array<i32>} : memref<64x32xf32, #tpu.memory_space<vmem>>, vector<1x16xf32>,
    %swap3A_3242 = vector.shape_cast %swap3A_3241 : vector<1x16xf32> to vector<16xf32>
    %swap3A_3243 = vector.shape_cast %add3A_3237 : vector<16xf32> to vector<1x16xf32>
    tpu.vector_store %arg13[%swap3A_3239, %swap3A_3240], %swap3A_3243 {strides = array<i32>} : memref<64x32xf32, #tpu.memory_space<vmem>>, vector<1x16xf32>,
    %mul3A_3244 = arith.mulf %get3A_3235, %broadcast_in_dim3A_3227 : vector<16xf32>
    %swap3A_3245 = arith.constant 61 : i32
    %swap3A_3246 = arith.index_cast %swap3A_3245 : i32 to index
    %swap3A_3247 = arith.constant 0 : index
    %swap3A_3248 = tpu.vector_load %arg14[%swap3A_3246, %swap3A_3247] {strides = array<i32>} : memref<64x32xf32, #tpu.memory_space<vmem>>, vector<1x16xf32>,
    %swap3A_3249 = vector.shape_cast %swap3A_3248 : vector<1x16xf32> to vector<16xf32>
    %swap3A_3250 = vector.shape_cast %mul3A_3244 : vector<16xf32> to vector<1x16xf32>
    tpu.vector_store %arg14[%swap3A_3246, %swap3A_3247], %swap3A_3250 {strides = array<i32>} : memref<64x32xf32, #tpu.memory_space<vmem>>, vector<1x16xf32>,
    %get3A_3251 = arith.constant 61 : i32
    %get3A_3252 = arith.index_cast %get3A_3251 : i32 to index
    %get3A_3253 = arith.constant 16 : index
    %get3A_3254 = tpu.vector_load %arg12[%get3A_3252, %get3A_3253] {strides = array<i32>} : memref<64x128xf32, #tpu.memory_space<vmem>>, vector<1x16xf32>,
    %get3A_3255 = vector.shape_cast %get3A_3254 : vector<1x16xf32> to vector<16xf32>
    %mul3A_3256 = arith.mulf %get3A_3255, %broadcast_in_dim3A_3230 : vector<16xf32>
    %add3A_3257 = arith.addf %mul3A_3256, %broadcast_in_dim3A_3224 : vector<16xf32>
    %swap3A_3258 = arith.constant 61 : i32
    %swap3A_3259 = arith.index_cast %swap3A_3258 : i32 to index
    %swap3A_3260 = arith.constant 16 : index
    %swap3A_3261 = tpu.vector_load %arg13[%swap3A_3259, %swap3A_3260] {strides = array<i32>} : memref<64x32xf32, #tpu.memory_space<vmem>>, vector<1x16xf32>,
    %swap3A_3262 = vector.shape_cast %swap3A_3261 : vector<1x16xf32> to vector<16xf32>
    %swap3A_3263 = vector.shape_cast %add3A_3257 : vector<16xf32> to vector<1x16xf32>
    tpu.vector_store %arg13[%swap3A_3259, %swap3A_3260], %swap3A_3263 {strides = array<i32>} : memref<64x32xf32, #tpu.memory_space<vmem>>, vector<1x16xf32>,
    %mul3A_3264 = arith.mulf %get3A_3255, %broadcast_in_dim3A_3227 : vector<16xf32>
    %swap3A_3265 = arith.constant 61 : i32
    %swap3A_3266 = arith.index_cast %swap3A_3265 : i32 to index
    %swap3A_3267 = arith.constant 16 : index
    %swap3A_3268 = tpu.vector_load %arg14[%swap3A_3266, %swap3A_3267] {strides = array<i32>} : memref<64x32xf32, #tpu.memory_space<vmem>>, vector<1x16xf32>,
    %swap3A_3269 = vector.shape_cast %swap3A_3268 : vector<1x16xf32> to vector<16xf32>
    %swap3A_3270 = vector.shape_cast %mul3A_3264 : vector<16xf32> to vector<1x16xf32>
    tpu.vector_store %arg14[%swap3A_3266, %swap3A_3267], %swap3A_3270 {strides = array<i32>} : memref<64x32xf32, #tpu.memory_space<vmem>>, vector<1x16xf32>,
    %slice3A_3271 = vector.extract_strided_slice %select_n3A_2581 {offsets = [14], sizes = [1], strides = [1]} : vector<16xf32> to vector<1xf32>
    %broadcast_in_dim3A_3272 = vector.shape_cast %slice3A_3271 : vector<1xf32> to vector<1xf32>
    %broadcast_in_dim3A_3273 = vector.broadcast %broadcast_in_dim3A_3272 : vector<1xf32> to vector<16xf32>
    %slice3A_3274 = vector.extract_strided_slice %select_n3A_2583 {offsets = [14], sizes = [1], strides = [1]} : vector<16xf32> to vector<1xf32>
    %broadcast_in_dim3A_3275 = vector.shape_cast %slice3A_3274 : vector<1xf32> to vector<1xf32>
    %broadcast_in_dim3A_3276 = vector.broadcast %broadcast_in_dim3A_3275 : vector<1xf32> to vector<16xf32>
    %slice3A_3277 = vector.extract_strided_slice %select_n3A_2584 {offsets = [14], sizes = [1], strides = [1]} : vector<16xf32> to vector<1xf32>
    %broadcast_in_dim3A_3278 = vector.shape_cast %slice3A_3277 : vector<1xf32> to vector<1xf32>
    %broadcast_in_dim3A_3279 = vector.broadcast %broadcast_in_dim3A_3278 : vector<1xf32> to vector<16xf32>
    %get3A_3280 = arith.constant 62 : i32
    %get3A_3281 = arith.index_cast %get3A_3280 : i32 to index
    %get3A_3282 = arith.constant 0 : index
    %get3A_3283 = tpu.vector_load %arg12[%get3A_3281, %get3A_3282] {strides = array<i32>} : memref<64x128xf32, #tpu.memory_space<vmem>>, vector<1x16xf32>,
    %get3A_3284 = vector.shape_cast %get3A_3283 : vector<1x16xf32> to vector<16xf32>
    %mul3A_3285 = arith.mulf %get3A_3284, %broadcast_in_dim3A_3279 : vector<16xf32>
    %add3A_3286 = arith.addf %mul3A_3285, %broadcast_in_dim3A_3273 : vector<16xf32>
    %swap3A_3287 = arith.constant 62 : i32
    %swap3A_3288 = arith.index_cast %swap3A_3287 : i32 to index
    %swap3A_3289 = arith.constant 0 : index
    %swap3A_3290 = tpu.vector_load %arg13[%swap3A_3288, %swap3A_3289] {strides = array<i32>} : memref<64x32xf32, #tpu.memory_space<vmem>>, vector<1x16xf32>,
    %swap3A_3291 = vector.shape_cast %swap3A_3290 : vector<1x16xf32> to vector<16xf32>
    %swap3A_3292 = vector.shape_cast %add3A_3286 : vector<16xf32> to vector<1x16xf32>
    tpu.vector_store %arg13[%swap3A_3288, %swap3A_3289], %swap3A_3292 {strides = array<i32>} : memref<64x32xf32, #tpu.memory_space<vmem>>, vector<1x16xf32>,
    %mul3A_3293 = arith.mulf %get3A_3284, %broadcast_in_dim3A_3276 : vector<16xf32>
    %swap3A_3294 = arith.constant 62 : i32
    %swap3A_3295 = arith.index_cast %swap3A_3294 : i32 to index
    %swap3A_3296 = arith.constant 0 : index
    %swap3A_3297 = tpu.vector_load %arg14[%swap3A_3295, %swap3A_3296] {strides = array<i32>} : memref<64x32xf32, #tpu.memory_space<vmem>>, vector<1x16xf32>,
    %swap3A_3298 = vector.shape_cast %swap3A_3297 : vector<1x16xf32> to vector<16xf32>
    %swap3A_3299 = vector.shape_cast %mul3A_3293 : vector<16xf32> to vector<1x16xf32>
    tpu.vector_store %arg14[%swap3A_3295, %swap3A_3296], %swap3A_3299 {strides = array<i32>} : memref<64x32xf32, #tpu.memory_space<vmem>>, vector<1x16xf32>,
    %get3A_3300 = arith.constant 62 : i32
    %get3A_3301 = arith.index_cast %get3A_3300 : i32 to index
    %get3A_3302 = arith.constant 16 : index
    %get3A_3303 = tpu.vector_load %arg12[%get3A_3301, %get3A_3302] {strides = array<i32>} : memref<64x128xf32, #tpu.memory_space<vmem>>, vector<1x16xf32>,
    %get3A_3304 = vector.shape_cast %get3A_3303 : vector<1x16xf32> to vector<16xf32>
    %mul3A_3305 = arith.mulf %get3A_3304, %broadcast_in_dim3A_3279 : vector<16xf32>
    %add3A_3306 = arith.addf %mul3A_3305, %broadcast_in_dim3A_3273 : vector<16xf32>
    %swap3A_3307 = arith.constant 62 : i32
    %swap3A_3308 = arith.index_cast %swap3A_3307 : i32 to index
    %swap3A_3309 = arith.constant 16 : index
    %swap3A_3310 = tpu.vector_load %arg13[%swap3A_3308, %swap3A_3309] {strides = array<i32>} : memref<64x32xf32, #tpu.memory_space<vmem>>, vector<1x16xf32>,
    %swap3A_3311 = vector.shape_cast %swap3A_3310 : vector<1x16xf32> to vector<16xf32>
    %swap3A_3312 = vector.shape_cast %add3A_3306 : vector<16xf32> to vector<1x16xf32>
    tpu.vector_store %arg13[%swap3A_3308, %swap3A_3309], %swap3A_3312 {strides = array<i32>} : memref<64x32xf32, #tpu.memory_space<vmem>>, vector<1x16xf32>,
    %mul3A_3313 = arith.mulf %get3A_3304, %broadcast_in_dim3A_3276 : vector<16xf32>
    %swap3A_3314 = arith.constant 62 : i32
    %swap3A_3315 = arith.index_cast %swap3A_3314 : i32 to index
    %swap3A_3316 = arith.constant 16 : index
    %swap3A_3317 = tpu.vector_load %arg14[%swap3A_3315, %swap3A_3316] {strides = array<i32>} : memref<64x32xf32, #tpu.memory_space<vmem>>, vector<1x16xf32>,
    %swap3A_3318 = vector.shape_cast %swap3A_3317 : vector<1x16xf32> to vector<16xf32>
    %swap3A_3319 = vector.shape_cast %mul3A_3313 : vector<16xf32> to vector<1x16xf32>
    tpu.vector_store %arg14[%swap3A_3315, %swap3A_3316], %swap3A_3319 {strides = array<i32>} : memref<64x32xf32, #tpu.memory_space<vmem>>, vector<1x16xf32>,
    %slice3A_3320 = vector.extract_strided_slice %select_n3A_2581 {offsets = [15], sizes = [1], strides = [1]} : vector<16xf32> to vector<1xf32>
    %broadcast_in_dim3A_3321 = vector.shape_cast %slice3A_3320 : vector<1xf32> to vector<1xf32>
    %broadcast_in_dim3A_3322 = vector.broadcast %broadcast_in_dim3A_3321 : vector<1xf32> to vector<16xf32>
    %slice3A_3323 = vector.extract_strided_slice %select_n3A_2583 {offsets = [15], sizes = [1], strides = [1]} : vector<16xf32> to vector<1xf32>
    %broadcast_in_dim3A_3324 = vector.shape_cast %slice3A_3323 : vector<1xf32> to vector<1xf32>
    %broadcast_in_dim3A_3325 = vector.broadcast %broadcast_in_dim3A_3324 : vector<1xf32> to vector<16xf32>
    %slice3A_3326 = vector.extract_strided_slice %select_n3A_2584 {offsets = [15], sizes = [1], strides = [1]} : vector<16xf32> to vector<1xf32>
    %broadcast_in_dim3A_3327 = vector.shape_cast %slice3A_3326 : vector<1xf32> to vector<1xf32>
    %broadcast_in_dim3A_3328 = vector.broadcast %broadcast_in_dim3A_3327 : vector<1xf32> to vector<16xf32>
    %get3A_3329 = arith.constant 63 : i32
    %get3A_3330 = arith.index_cast %get3A_3329 : i32 to index
    %get3A_3331 = arith.constant 0 : index
    %get3A_3332 = tpu.vector_load %arg12[%get3A_3330, %get3A_3331] {strides = array<i32>} : memref<64x128xf32, #tpu.memory_space<vmem>>, vector<1x16xf32>,
    %get3A_3333 = vector.shape_cast %get3A_3332 : vector<1x16xf32> to vector<16xf32>
    %mul3A_3334 = arith.mulf %get3A_3333, %broadcast_in_dim3A_3328 : vector<16xf32>
    %add3A_3335 = arith.addf %mul3A_3334, %broadcast_in_dim3A_3322 : vector<16xf32>
    %swap3A_3336 = arith.constant 63 : i32
    %swap3A_3337 = arith.index_cast %swap3A_3336 : i32 to index
    %swap3A_3338 = arith.constant 0 : index
    %swap3A_3339 = tpu.vector_load %arg13[%swap3A_3337, %swap3A_3338] {strides = array<i32>} : memref<64x32xf32, #tpu.memory_space<vmem>>, vector<1x16xf32>,
    %swap3A_3340 = vector.shape_cast %swap3A_3339 : vector<1x16xf32> to vector<16xf32>
    %swap3A_3341 = vector.shape_cast %add3A_3335 : vector<16xf32> to vector<1x16xf32>
    tpu.vector_store %arg13[%swap3A_3337, %swap3A_3338], %swap3A_3341 {strides = array<i32>} : memref<64x32xf32, #tpu.memory_space<vmem>>, vector<1x16xf32>,
    %mul3A_3342 = arith.mulf %get3A_3333, %broadcast_in_dim3A_3325 : vector<16xf32>
    %swap3A_3343 = arith.constant 63 : i32
    %swap3A_3344 = arith.index_cast %swap3A_3343 : i32 to index
    %swap3A_3345 = arith.constant 0 : index
    %swap3A_3346 = tpu.vector_load %arg14[%swap3A_3344, %swap3A_3345] {strides = array<i32>} : memref<64x32xf32, #tpu.memory_space<vmem>>, vector<1x16xf32>,
    %swap3A_3347 = vector.shape_cast %swap3A_3346 : vector<1x16xf32> to vector<16xf32>
    %swap3A_3348 = vector.shape_cast %mul3A_3342 : vector<16xf32> to vector<1x16xf32>
    tpu.vector_store %arg14[%swap3A_3344, %swap3A_3345], %swap3A_3348 {strides = array<i32>} : memref<64x32xf32, #tpu.memory_space<vmem>>, vector<1x16xf32>,
    %get3A_3349 = arith.constant 63 : i32
    %get3A_3350 = arith.index_cast %get3A_3349 : i32 to index
    %get3A_3351 = arith.constant 16 : index
    %get3A_3352 = tpu.vector_load %arg12[%get3A_3350, %get3A_3351] {strides = array<i32>} : memref<64x128xf32, #tpu.memory_space<vmem>>, vector<1x16xf32>,
    %get3A_3353 = vector.shape_cast %get3A_3352 : vector<1x16xf32> to vector<16xf32>
    %mul3A_3354 = arith.mulf %get3A_3353, %broadcast_in_dim3A_3328 : vector<16xf32>
    %add3A_3355 = arith.addf %mul3A_3354, %broadcast_in_dim3A_3322 : vector<16xf32>
    %swap3A_3356 = arith.constant 63 : i32
    %swap3A_3357 = arith.index_cast %swap3A_3356 : i32 to index
    %swap3A_3358 = arith.constant 16 : index
    %swap3A_3359 = tpu.vector_load %arg13[%swap3A_3357, %swap3A_3358] {strides = array<i32>} : memref<64x32xf32, #tpu.memory_space<vmem>>, vector<1x16xf32>,
    %swap3A_3360 = vector.shape_cast %swap3A_3359 : vector<1x16xf32> to vector<16xf32>
    %swap3A_3361 = vector.shape_cast %add3A_3355 : vector<16xf32> to vector<1x16xf32>
    tpu.vector_store %arg13[%swap3A_3357, %swap3A_3358], %swap3A_3361 {strides = array<i32>} : memref<64x32xf32, #tpu.memory_space<vmem>>, vector<1x16xf32>,
    %mul3A_3362 = arith.mulf %get3A_3353, %broadcast_in_dim3A_3325 : vector<16xf32>
    %swap3A_3363 = arith.constant 63 : i32
    %swap3A_3364 = arith.index_cast %swap3A_3363 : i32 to index
    %swap3A_3365 = arith.constant 16 : index
    %swap3A_3366 = tpu.vector_load %arg14[%swap3A_3364, %swap3A_3365] {strides = array<i32>} : memref<64x32xf32, #tpu.memory_space<vmem>>, vector<1x16xf32>,
    %swap3A_3367 = vector.shape_cast %swap3A_3366 : vector<1x16xf32> to vector<16xf32>
    %swap3A_3368 = vector.shape_cast %mul3A_3362 : vector<16xf32> to vector<1x16xf32>
    tpu.vector_store %arg14[%swap3A_3364, %swap3A_3365], %swap3A_3368 {strides = array<i32>} : memref<64x32xf32, #tpu.memory_space<vmem>>, vector<1x16xf32>,
    %scan3A = arith.constant 0 : i32
    %scan3A_3369 = arith.constant 0 : i32
    %scan3A_3370 = arith.constant 10 : i32
    %scan3A_3371 = arith.addi %scan3A_3369, %scan3A_3370 : i32
    %scan3A_3372 = arith.constant 1 : i32
    scf.for %scan3A_3374 = %scan3A_3369 to %scan3A_3371 step %scan3A_3372  : i32 {
      %mul3A_3375 = arith.constant 512 : i32
      %mul3A_3376 = arith.muli %add3A, %mul3A_3375 : i32
      %mul3A_3377 = arith.constant 48 : i32
      %mul3A_3378 = arith.muli %scan3A_3374, %mul3A_3377 : i32
      %add3A_3379 = arith.addi %mul3A_3376, %mul3A_3378 : i32
      "tpu.region"() ({
        %run_scoped3A = tpu.sem_alloc : memref<!tpu.dma_semaphore, #tpu.memory_space<semaphore_mem>>
        %dma_start3A_3386 = arith.constant 0 : i32
        %dma_start3A_3387 = tpu.memref_slice %arg2[%add3A_3379, %dma_start3A_3386] : memref<16384x2048xf32, #tpu.memory_space<hbm>> -> memref<48x2048xf32, #tpu.memory_space<hbm>>
        %dma_start3A_3388 = arith.constant 0 : i32
        %dma_start3A_3389 = tpu.memref_slice %arg2[%add3A_3379, %dma_start3A_3388] : memref<16384x2048xf32, #tpu.memory_space<hbm>> -> memref<48x2048xf32, #tpu.memory_space<hbm>>
        tpu.enqueue_dma source(%dma_start3A_3389 : memref<48x2048xf32, #tpu.memory_space<hbm>>) target(%arg15 : memref<48x2048xf32, #tpu.memory_space<vmem>>) target_semaphore(%run_scoped3A : memref<!tpu.dma_semaphore, #tpu.memory_space<semaphore_mem>>)
        %dma_wait3A_3390 = arith.constant 0 : i32
        %dma_wait3A_3391 = tpu.memref_slice %arg2[%add3A_3379, %dma_wait3A_3390] : memref<16384x2048xf32, #tpu.memory_space<hbm>> -> memref<48x2048xf32, #tpu.memory_space<hbm>>
        %dma_wait3A_3392 = arith.constant 0 : i32
        %dma_wait3A_3393 = tpu.memref_slice %arg2[%add3A_3379, %dma_wait3A_3392] : memref<16384x2048xf32, #tpu.memory_space<hbm>> -> memref<48x2048xf32, #tpu.memory_space<hbm>>
        tpu.wait_dma2 semaphore(%run_scoped3A : memref<!tpu.dma_semaphore, #tpu.memory_space<semaphore_mem>>) src(%dma_wait3A_3393 : memref<48x2048xf32, #tpu.memory_space<hbm>>) dst(%arg15 : memref<48x2048xf32, #tpu.memory_space<vmem>>)
        tpu.yield
      }) : () -> ()
      %scan3A_3380 = arith.constant 0 : i32
      %scan3A_3381 = arith.constant 0 : i32
      %scan3A_3382 = arith.constant 64 : i32
      %scan3A_3383 = arith.addi %scan3A_3381, %scan3A_3382 : i32
      %scan3A_3384 = arith.constant 2 : i32
      scf.for %scan3A_3386 = %scan3A_3381 to %scan3A_3383 step %scan3A_3384  : i32 {
        %mul3A_3387 = arith.constant 32 : i32
        %mul3A_3388 = arith.muli %scan3A_3386, %mul3A_3387 : i32
        %add3A_3389 = arith.constant 0 : i32
        %add3A_3390 = arith.addi %mul3A_3388, %add3A_3389 : i32
        %get3A_3391 = arith.index_cast %scan3A_3386 : i32 to index
        %get3A_3392 = arith.constant 0 : index
        %get3A_3393 = tpu.vector_load %arg13[%get3A_3391, %get3A_3392] {strides = array<i32>} : memref<64x32xf32, #tpu.memory_space<vmem>>, vector<1x16xf32>,
        %get3A_3394 = vector.shape_cast %get3A_3393 : vector<1x16xf32> to vector<16xf32>
        %get3A_3395 = arith.index_cast %scan3A_3386 : i32 to index
        %get3A_3396 = arith.constant 0 : index
        %get3A_3397 = tpu.vector_load %arg14[%get3A_3395, %get3A_3396] {strides = array<i32>} : memref<64x32xf32, #tpu.memory_space<vmem>>, vector<1x16xf32>,
        %get3A_3398 = vector.shape_cast %get3A_3397 : vector<1x16xf32> to vector<16xf32>
        %scan3A_3399 = arith.constant 0 : i32
        %scan3A_3400 = arith.constant 0 : i32
        %scan3A_3401 = arith.constant 48 : i32
        %scan3A_3402 = arith.addi %scan3A_3400, %scan3A_3401 : i32
        %scan3A_3403 = arith.constant 16 : i32
        scf.for %scan3A_3461 = %scan3A_3400 to %scan3A_3402 step %scan3A_3403  : i32 {
          %get3A_3462 = arith.index_cast %scan3A_3461 : i32 to index
          %get3A_3463 = arith.index_cast %add3A_3390 : i32 to index
          %get3A_3464 = tpu.vector_load %arg15[%get3A_3462, %get3A_3463] {strides = array<i32>} : memref<48x2048xf32, #tpu.memory_space<vmem>>, vector<1x16xf32>,
          %get3A_3465 = vector.shape_cast %get3A_3464 : vector<1x16xf32> to vector<16xf32>
          %mul3A_3466 = arith.mulf %get3A_3465, %get3A_3394 : vector<16xf32>
          %add3A_3467 = arith.addf %mul3A_3466, %get3A_3398 : vector<16xf32>
          %swap3A_3468 = arith.index_cast %scan3A_3461 : i32 to index
          %swap3A_3469 = arith.index_cast %add3A_3390 : i32 to index
          %swap3A_3470 = tpu.vector_load %arg15[%swap3A_3468, %swap3A_3469] {strides = array<i32>} : memref<48x2048xf32, #tpu.memory_space<vmem>>, vector<1x16xf32>,
          %swap3A_3471 = vector.shape_cast %swap3A_3470 : vector<1x16xf32> to vector<16xf32>
          %swap3A_3472 = vector.shape_cast %add3A_3467 : vector<16xf32> to vector<1x16xf32>
          tpu.vector_store %arg15[%swap3A_3468, %swap3A_3469], %swap3A_3472 {strides = array<i32>} : memref<48x2048xf32, #tpu.memory_space<vmem>>, vector<1x16xf32>,
          %scan3A_3473 = arith.constant 1 : i32
          %scan3A_3474 = arith.addi %scan3A_3461, %scan3A_3473 : i32
          %get3A_3475 = arith.index_cast %scan3A_3474 : i32 to index
          %get3A_3476 = arith.index_cast %add3A_3390 : i32 to index
          %get3A_3477 = tpu.vector_load %arg15[%get3A_3475, %get3A_3476] {strides = array<i32>} : memref<48x2048xf32, #tpu.memory_space<vmem>>, vector<1x16xf32>,
          %get3A_3478 = vector.shape_cast %get3A_3477 : vector<1x16xf32> to vector<16xf32>
          %mul3A_3479 = arith.mulf %get3A_3478, %get3A_3394 : vector<16xf32>
          %add3A_3480 = arith.addf %mul3A_3479, %get3A_3398 : vector<16xf32>
          %swap3A_3481 = arith.index_cast %scan3A_3474 : i32 to index
          %swap3A_3482 = arith.index_cast %add3A_3390 : i32 to index
          %swap3A_3483 = tpu.vector_load %arg15[%swap3A_3481, %swap3A_3482] {strides = array<i32>} : memref<48x2048xf32, #tpu.memory_space<vmem>>, vector<1x16xf32>,
          %swap3A_3484 = vector.shape_cast %swap3A_3483 : vector<1x16xf32> to vector<16xf32>
          %swap3A_3485 = vector.shape_cast %add3A_3480 : vector<16xf32> to vector<1x16xf32>
          tpu.vector_store %arg15[%swap3A_3481, %swap3A_3482], %swap3A_3485 {strides = array<i32>} : memref<48x2048xf32, #tpu.memory_space<vmem>>, vector<1x16xf32>,
          %scan3A_3486 = arith.constant 2 : i32
          %scan3A_3487 = arith.addi %scan3A_3461, %scan3A_3486 : i32
          %get3A_3488 = arith.index_cast %scan3A_3487 : i32 to index
          %get3A_3489 = arith.index_cast %add3A_3390 : i32 to index
          %get3A_3490 = tpu.vector_load %arg15[%get3A_3488, %get3A_3489] {strides = array<i32>} : memref<48x2048xf32, #tpu.memory_space<vmem>>, vector<1x16xf32>,
          %get3A_3491 = vector.shape_cast %get3A_3490 : vector<1x16xf32> to vector<16xf32>
          %mul3A_3492 = arith.mulf %get3A_3491, %get3A_3394 : vector<16xf32>
          %add3A_3493 = arith.addf %mul3A_3492, %get3A_3398 : vector<16xf32>
          %swap3A_3494 = arith.index_cast %scan3A_3487 : i32 to index
          %swap3A_3495 = arith.index_cast %add3A_3390 : i32 to index
          %swap3A_3496 = tpu.vector_load %arg15[%swap3A_3494, %swap3A_3495] {strides = array<i32>} : memref<48x2048xf32, #tpu.memory_space<vmem>>, vector<1x16xf32>,
          %swap3A_3497 = vector.shape_cast %swap3A_3496 : vector<1x16xf32> to vector<16xf32>
          %swap3A_3498 = vector.shape_cast %add3A_3493 : vector<16xf32> to vector<1x16xf32>
          tpu.vector_store %arg15[%swap3A_3494, %swap3A_3495], %swap3A_3498 {strides = array<i32>} : memref<48x2048xf32, #tpu.memory_space<vmem>>, vector<1x16xf32>,
          %scan3A_3499 = arith.constant 3 : i32
          %scan3A_3500 = arith.addi %scan3A_3461, %scan3A_3499 : i32
          %get3A_3501 = arith.index_cast %scan3A_3500 : i32 to index
          %get3A_3502 = arith.index_cast %add3A_3390 : i32 to index
          %get3A_3503 = tpu.vector_load %arg15[%get3A_3501, %get3A_3502] {strides = array<i32>} : memref<48x2048xf32, #tpu.memory_space<vmem>>, vector<1x16xf32>,
          %get3A_3504 = vector.shape_cast %get3A_3503 : vector<1x16xf32> to vector<16xf32>
          %mul3A_3505 = arith.mulf %get3A_3504, %get3A_3394 : vector<16xf32>
          %add3A_3506 = arith.addf %mul3A_3505, %get3A_3398 : vector<16xf32>
          %swap3A_3507 = arith.index_cast %scan3A_3500 : i32 to index
          %swap3A_3508 = arith.index_cast %add3A_3390 : i32 to index
          %swap3A_3509 = tpu.vector_load %arg15[%swap3A_3507, %swap3A_3508] {strides = array<i32>} : memref<48x2048xf32, #tpu.memory_space<vmem>>, vector<1x16xf32>,
          %swap3A_3510 = vector.shape_cast %swap3A_3509 : vector<1x16xf32> to vector<16xf32>
          %swap3A_3511 = vector.shape_cast %add3A_3506 : vector<16xf32> to vector<1x16xf32>
          tpu.vector_store %arg15[%swap3A_3507, %swap3A_3508], %swap3A_3511 {strides = array<i32>} : memref<48x2048xf32, #tpu.memory_space<vmem>>, vector<1x16xf32>,
          %scan3A_3512 = arith.constant 4 : i32
          %scan3A_3513 = arith.addi %scan3A_3461, %scan3A_3512 : i32
          %get3A_3514 = arith.index_cast %scan3A_3513 : i32 to index
          %get3A_3515 = arith.index_cast %add3A_3390 : i32 to index
          %get3A_3516 = tpu.vector_load %arg15[%get3A_3514, %get3A_3515] {strides = array<i32>} : memref<48x2048xf32, #tpu.memory_space<vmem>>, vector<1x16xf32>,
          %get3A_3517 = vector.shape_cast %get3A_3516 : vector<1x16xf32> to vector<16xf32>
          %mul3A_3518 = arith.mulf %get3A_3517, %get3A_3394 : vector<16xf32>
          %add3A_3519 = arith.addf %mul3A_3518, %get3A_3398 : vector<16xf32>
          %swap3A_3520 = arith.index_cast %scan3A_3513 : i32 to index
          %swap3A_3521 = arith.index_cast %add3A_3390 : i32 to index
          %swap3A_3522 = tpu.vector_load %arg15[%swap3A_3520, %swap3A_3521] {strides = array<i32>} : memref<48x2048xf32, #tpu.memory_space<vmem>>, vector<1x16xf32>,
          %swap3A_3523 = vector.shape_cast %swap3A_3522 : vector<1x16xf32> to vector<16xf32>
          %swap3A_3524 = vector.shape_cast %add3A_3519 : vector<16xf32> to vector<1x16xf32>
          tpu.vector_store %arg15[%swap3A_3520, %swap3A_3521], %swap3A_3524 {strides = array<i32>} : memref<48x2048xf32, #tpu.memory_space<vmem>>, vector<1x16xf32>,
          %scan3A_3525 = arith.constant 5 : i32
          %scan3A_3526 = arith.addi %scan3A_3461, %scan3A_3525 : i32
          %get3A_3527 = arith.index_cast %scan3A_3526 : i32 to index
          %get3A_3528 = arith.index_cast %add3A_3390 : i32 to index
          %get3A_3529 = tpu.vector_load %arg15[%get3A_3527, %get3A_3528] {strides = array<i32>} : memref<48x2048xf32, #tpu.memory_space<vmem>>, vector<1x16xf32>,
          %get3A_3530 = vector.shape_cast %get3A_3529 : vector<1x16xf32> to vector<16xf32>
          %mul3A_3531 = arith.mulf %get3A_3530, %get3A_3394 : vector<16xf32>
          %add3A_3532 = arith.addf %mul3A_3531, %get3A_3398 : vector<16xf32>
          %swap3A_3533 = arith.index_cast %scan3A_3526 : i32 to index
          %swap3A_3534 = arith.index_cast %add3A_3390 : i32 to index
          %swap3A_3535 = tpu.vector_load %arg15[%swap3A_3533, %swap3A_3534] {strides = array<i32>} : memref<48x2048xf32, #tpu.memory_space<vmem>>, vector<1x16xf32>,
          %swap3A_3536 = vector.shape_cast %swap3A_3535 : vector<1x16xf32> to vector<16xf32>
          %swap3A_3537 = vector.shape_cast %add3A_3532 : vector<16xf32> to vector<1x16xf32>
          tpu.vector_store %arg15[%swap3A_3533, %swap3A_3534], %swap3A_3537 {strides = array<i32>} : memref<48x2048xf32, #tpu.memory_space<vmem>>, vector<1x16xf32>,
          %scan3A_3538 = arith.constant 6 : i32
          %scan3A_3539 = arith.addi %scan3A_3461, %scan3A_3538 : i32
          %get3A_3540 = arith.index_cast %scan3A_3539 : i32 to index
          %get3A_3541 = arith.index_cast %add3A_3390 : i32 to index
          %get3A_3542 = tpu.vector_load %arg15[%get3A_3540, %get3A_3541] {strides = array<i32>} : memref<48x2048xf32, #tpu.memory_space<vmem>>, vector<1x16xf32>,
          %get3A_3543 = vector.shape_cast %get3A_3542 : vector<1x16xf32> to vector<16xf32>
          %mul3A_3544 = arith.mulf %get3A_3543, %get3A_3394 : vector<16xf32>
          %add3A_3545 = arith.addf %mul3A_3544, %get3A_3398 : vector<16xf32>
          %swap3A_3546 = arith.index_cast %scan3A_3539 : i32 to index
          %swap3A_3547 = arith.index_cast %add3A_3390 : i32 to index
          %swap3A_3548 = tpu.vector_load %arg15[%swap3A_3546, %swap3A_3547] {strides = array<i32>} : memref<48x2048xf32, #tpu.memory_space<vmem>>, vector<1x16xf32>,
          %swap3A_3549 = vector.shape_cast %swap3A_3548 : vector<1x16xf32> to vector<16xf32>
          %swap3A_3550 = vector.shape_cast %add3A_3545 : vector<16xf32> to vector<1x16xf32>
          tpu.vector_store %arg15[%swap3A_3546, %swap3A_3547], %swap3A_3550 {strides = array<i32>} : memref<48x2048xf32, #tpu.memory_space<vmem>>, vector<1x16xf32>,
          %scan3A_3551 = arith.constant 7 : i32
          %scan3A_3552 = arith.addi %scan3A_3461, %scan3A_3551 : i32
          %get3A_3553 = arith.index_cast %scan3A_3552 : i32 to index
          %get3A_3554 = arith.index_cast %add3A_3390 : i32 to index
          %get3A_3555 = tpu.vector_load %arg15[%get3A_3553, %get3A_3554] {strides = array<i32>} : memref<48x2048xf32, #tpu.memory_space<vmem>>, vector<1x16xf32>,
          %get3A_3556 = vector.shape_cast %get3A_3555 : vector<1x16xf32> to vector<16xf32>
          %mul3A_3557 = arith.mulf %get3A_3556, %get3A_3394 : vector<16xf32>
          %add3A_3558 = arith.addf %mul3A_3557, %get3A_3398 : vector<16xf32>
          %swap3A_3559 = arith.index_cast %scan3A_3552 : i32 to index
          %swap3A_3560 = arith.index_cast %add3A_3390 : i32 to index
          %swap3A_3561 = tpu.vector_load %arg15[%swap3A_3559, %swap3A_3560] {strides = array<i32>} : memref<48x2048xf32, #tpu.memory_space<vmem>>, vector<1x16xf32>,
          %swap3A_3562 = vector.shape_cast %swap3A_3561 : vector<1x16xf32> to vector<16xf32>
          %swap3A_3563 = vector.shape_cast %add3A_3558 : vector<16xf32> to vector<1x16xf32>
          tpu.vector_store %arg15[%swap3A_3559, %swap3A_3560], %swap3A_3563 {strides = array<i32>} : memref<48x2048xf32, #tpu.memory_space<vmem>>, vector<1x16xf32>,
          %scan3A_3564 = arith.constant 8 : i32
          %scan3A_3565 = arith.addi %scan3A_3461, %scan3A_3564 : i32
          %get3A_3566 = arith.index_cast %scan3A_3565 : i32 to index
          %get3A_3567 = arith.index_cast %add3A_3390 : i32 to index
          %get3A_3568 = tpu.vector_load %arg15[%get3A_3566, %get3A_3567] {strides = array<i32>} : memref<48x2048xf32, #tpu.memory_space<vmem>>, vector<1x16xf32>,
          %get3A_3569 = vector.shape_cast %get3A_3568 : vector<1x16xf32> to vector<16xf32>
          %mul3A_3570 = arith.mulf %get3A_3569, %get3A_3394 : vector<16xf32>
          %add3A_3571 = arith.addf %mul3A_3570, %get3A_3398 : vector<16xf32>
          %swap3A_3572 = arith.index_cast %scan3A_3565 : i32 to index
          %swap3A_3573 = arith.index_cast %add3A_3390 : i32 to index
          %swap3A_3574 = tpu.vector_load %arg15[%swap3A_3572, %swap3A_3573] {strides = array<i32>} : memref<48x2048xf32, #tpu.memory_space<vmem>>, vector<1x16xf32>,
          %swap3A_3575 = vector.shape_cast %swap3A_3574 : vector<1x16xf32> to vector<16xf32>
          %swap3A_3576 = vector.shape_cast %add3A_3571 : vector<16xf32> to vector<1x16xf32>
          tpu.vector_store %arg15[%swap3A_3572, %swap3A_3573], %swap3A_3576 {strides = array<i32>} : memref<48x2048xf32, #tpu.memory_space<vmem>>, vector<1x16xf32>,
          %scan3A_3577 = arith.constant 9 : i32
          %scan3A_3578 = arith.addi %scan3A_3461, %scan3A_3577 : i32
          %get3A_3579 = arith.index_cast %scan3A_3578 : i32 to index
          %get3A_3580 = arith.index_cast %add3A_3390 : i32 to index
          %get3A_3581 = tpu.vector_load %arg15[%get3A_3579, %get3A_3580] {strides = array<i32>} : memref<48x2048xf32, #tpu.memory_space<vmem>>, vector<1x16xf32>,
          %get3A_3582 = vector.shape_cast %get3A_3581 : vector<1x16xf32> to vector<16xf32>
          %mul3A_3583 = arith.mulf %get3A_3582, %get3A_3394 : vector<16xf32>
          %add3A_3584 = arith.addf %mul3A_3583, %get3A_3398 : vector<16xf32>
          %swap3A_3585 = arith.index_cast %scan3A_3578 : i32 to index
          %swap3A_3586 = arith.index_cast %add3A_3390 : i32 to index
          %swap3A_3587 = tpu.vector_load %arg15[%swap3A_3585, %swap3A_3586] {strides = array<i32>} : memref<48x2048xf32, #tpu.memory_space<vmem>>, vector<1x16xf32>,
          %swap3A_3588 = vector.shape_cast %swap3A_3587 : vector<1x16xf32> to vector<16xf32>
          %swap3A_3589 = vector.shape_cast %add3A_3584 : vector<16xf32> to vector<1x16xf32>
          tpu.vector_store %arg15[%swap3A_3585, %swap3A_3586], %swap3A_3589 {strides = array<i32>} : memref<48x2048xf32, #tpu.memory_space<vmem>>, vector<1x16xf32>,
          %scan3A_3590 = arith.constant 10 : i32
          %scan3A_3591 = arith.addi %scan3A_3461, %scan3A_3590 : i32
          %get3A_3592 = arith.index_cast %scan3A_3591 : i32 to index
          %get3A_3593 = arith.index_cast %add3A_3390 : i32 to index
          %get3A_3594 = tpu.vector_load %arg15[%get3A_3592, %get3A_3593] {strides = array<i32>} : memref<48x2048xf32, #tpu.memory_space<vmem>>, vector<1x16xf32>,
          %get3A_3595 = vector.shape_cast %get3A_3594 : vector<1x16xf32> to vector<16xf32>
          %mul3A_3596 = arith.mulf %get3A_3595, %get3A_3394 : vector<16xf32>
          %add3A_3597 = arith.addf %mul3A_3596, %get3A_3398 : vector<16xf32>
          %swap3A_3598 = arith.index_cast %scan3A_3591 : i32 to index
          %swap3A_3599 = arith.index_cast %add3A_3390 : i32 to index
          %swap3A_3600 = tpu.vector_load %arg15[%swap3A_3598, %swap3A_3599] {strides = array<i32>} : memref<48x2048xf32, #tpu.memory_space<vmem>>, vector<1x16xf32>,
          %swap3A_3601 = vector.shape_cast %swap3A_3600 : vector<1x16xf32> to vector<16xf32>
          %swap3A_3602 = vector.shape_cast %add3A_3597 : vector<16xf32> to vector<1x16xf32>
          tpu.vector_store %arg15[%swap3A_3598, %swap3A_3599], %swap3A_3602 {strides = array<i32>} : memref<48x2048xf32, #tpu.memory_space<vmem>>, vector<1x16xf32>,
          %scan3A_3603 = arith.constant 11 : i32
          %scan3A_3604 = arith.addi %scan3A_3461, %scan3A_3603 : i32
          %get3A_3605 = arith.index_cast %scan3A_3604 : i32 to index
          %get3A_3606 = arith.index_cast %add3A_3390 : i32 to index
          %get3A_3607 = tpu.vector_load %arg15[%get3A_3605, %get3A_3606] {strides = array<i32>} : memref<48x2048xf32, #tpu.memory_space<vmem>>, vector<1x16xf32>,
          %get3A_3608 = vector.shape_cast %get3A_3607 : vector<1x16xf32> to vector<16xf32>
          %mul3A_3609 = arith.mulf %get3A_3608, %get3A_3394 : vector<16xf32>
          %add3A_3610 = arith.addf %mul3A_3609, %get3A_3398 : vector<16xf32>
          %swap3A_3611 = arith.index_cast %scan3A_3604 : i32 to index
          %swap3A_3612 = arith.index_cast %add3A_3390 : i32 to index
          %swap3A_3613 = tpu.vector_load %arg15[%swap3A_3611, %swap3A_3612] {strides = array<i32>} : memref<48x2048xf32, #tpu.memory_space<vmem>>, vector<1x16xf32>,
          %swap3A_3614 = vector.shape_cast %swap3A_3613 : vector<1x16xf32> to vector<16xf32>
          %swap3A_3615 = vector.shape_cast %add3A_3610 : vector<16xf32> to vector<1x16xf32>
          tpu.vector_store %arg15[%swap3A_3611, %swap3A_3612], %swap3A_3615 {strides = array<i32>} : memref<48x2048xf32, #tpu.memory_space<vmem>>, vector<1x16xf32>,
          %scan3A_3616 = arith.constant 12 : i32
          %scan3A_3617 = arith.addi %scan3A_3461, %scan3A_3616 : i32
          %get3A_3618 = arith.index_cast %scan3A_3617 : i32 to index
          %get3A_3619 = arith.index_cast %add3A_3390 : i32 to index
          %get3A_3620 = tpu.vector_load %arg15[%get3A_3618, %get3A_3619] {strides = array<i32>} : memref<48x2048xf32, #tpu.memory_space<vmem>>, vector<1x16xf32>,
          %get3A_3621 = vector.shape_cast %get3A_3620 : vector<1x16xf32> to vector<16xf32>
          %mul3A_3622 = arith.mulf %get3A_3621, %get3A_3394 : vector<16xf32>
          %add3A_3623 = arith.addf %mul3A_3622, %get3A_3398 : vector<16xf32>
          %swap3A_3624 = arith.index_cast %scan3A_3617 : i32 to index
          %swap3A_3625 = arith.index_cast %add3A_3390 : i32 to index
          %swap3A_3626 = tpu.vector_load %arg15[%swap3A_3624, %swap3A_3625] {strides = array<i32>} : memref<48x2048xf32, #tpu.memory_space<vmem>>, vector<1x16xf32>,
          %swap3A_3627 = vector.shape_cast %swap3A_3626 : vector<1x16xf32> to vector<16xf32>
          %swap3A_3628 = vector.shape_cast %add3A_3623 : vector<16xf32> to vector<1x16xf32>
          tpu.vector_store %arg15[%swap3A_3624, %swap3A_3625], %swap3A_3628 {strides = array<i32>} : memref<48x2048xf32, #tpu.memory_space<vmem>>, vector<1x16xf32>,
          %scan3A_3629 = arith.constant 13 : i32
          %scan3A_3630 = arith.addi %scan3A_3461, %scan3A_3629 : i32
          %get3A_3631 = arith.index_cast %scan3A_3630 : i32 to index
          %get3A_3632 = arith.index_cast %add3A_3390 : i32 to index
          %get3A_3633 = tpu.vector_load %arg15[%get3A_3631, %get3A_3632] {strides = array<i32>} : memref<48x2048xf32, #tpu.memory_space<vmem>>, vector<1x16xf32>,
          %get3A_3634 = vector.shape_cast %get3A_3633 : vector<1x16xf32> to vector<16xf32>
          %mul3A_3635 = arith.mulf %get3A_3634, %get3A_3394 : vector<16xf32>
          %add3A_3636 = arith.addf %mul3A_3635, %get3A_3398 : vector<16xf32>
          %swap3A_3637 = arith.index_cast %scan3A_3630 : i32 to index
          %swap3A_3638 = arith.index_cast %add3A_3390 : i32 to index
          %swap3A_3639 = tpu.vector_load %arg15[%swap3A_3637, %swap3A_3638] {strides = array<i32>} : memref<48x2048xf32, #tpu.memory_space<vmem>>, vector<1x16xf32>,
          %swap3A_3640 = vector.shape_cast %swap3A_3639 : vector<1x16xf32> to vector<16xf32>
          %swap3A_3641 = vector.shape_cast %add3A_3636 : vector<16xf32> to vector<1x16xf32>
          tpu.vector_store %arg15[%swap3A_3637, %swap3A_3638], %swap3A_3641 {strides = array<i32>} : memref<48x2048xf32, #tpu.memory_space<vmem>>, vector<1x16xf32>,
          %scan3A_3642 = arith.constant 14 : i32
          %scan3A_3643 = arith.addi %scan3A_3461, %scan3A_3642 : i32
          %get3A_3644 = arith.index_cast %scan3A_3643 : i32 to index
          %get3A_3645 = arith.index_cast %add3A_3390 : i32 to index
          %get3A_3646 = tpu.vector_load %arg15[%get3A_3644, %get3A_3645] {strides = array<i32>} : memref<48x2048xf32, #tpu.memory_space<vmem>>, vector<1x16xf32>,
          %get3A_3647 = vector.shape_cast %get3A_3646 : vector<1x16xf32> to vector<16xf32>
          %mul3A_3648 = arith.mulf %get3A_3647, %get3A_3394 : vector<16xf32>
          %add3A_3649 = arith.addf %mul3A_3648, %get3A_3398 : vector<16xf32>
          %swap3A_3650 = arith.index_cast %scan3A_3643 : i32 to index
          %swap3A_3651 = arith.index_cast %add3A_3390 : i32 to index
          %swap3A_3652 = tpu.vector_load %arg15[%swap3A_3650, %swap3A_3651] {strides = array<i32>} : memref<48x2048xf32, #tpu.memory_space<vmem>>, vector<1x16xf32>,
          %swap3A_3653 = vector.shape_cast %swap3A_3652 : vector<1x16xf32> to vector<16xf32>
          %swap3A_3654 = vector.shape_cast %add3A_3649 : vector<16xf32> to vector<1x16xf32>
          tpu.vector_store %arg15[%swap3A_3650, %swap3A_3651], %swap3A_3654 {strides = array<i32>} : memref<48x2048xf32, #tpu.memory_space<vmem>>, vector<1x16xf32>,
          %scan3A_3655 = arith.constant 15 : i32
          %scan3A_3656 = arith.addi %scan3A_3461, %scan3A_3655 : i32
          %get3A_3657 = arith.index_cast %scan3A_3656 : i32 to index
          %get3A_3658 = arith.index_cast %add3A_3390 : i32 to index
          %get3A_3659 = tpu.vector_load %arg15[%get3A_3657, %get3A_3658] {strides = array<i32>} : memref<48x2048xf32, #tpu.memory_space<vmem>>, vector<1x16xf32>,
          %get3A_3660 = vector.shape_cast %get3A_3659 : vector<1x16xf32> to vector<16xf32>
          %mul3A_3661 = arith.mulf %get3A_3660, %get3A_3394 : vector<16xf32>
          %add3A_3662 = arith.addf %mul3A_3661, %get3A_3398 : vector<16xf32>
          %swap3A_3663 = arith.index_cast %scan3A_3656 : i32 to index
          %swap3A_3664 = arith.index_cast %add3A_3390 : i32 to index
          %swap3A_3665 = tpu.vector_load %arg15[%swap3A_3663, %swap3A_3664] {strides = array<i32>} : memref<48x2048xf32, #tpu.memory_space<vmem>>, vector<1x16xf32>,
          %swap3A_3666 = vector.shape_cast %swap3A_3665 : vector<1x16xf32> to vector<16xf32>
          %swap3A_3667 = vector.shape_cast %add3A_3662 : vector<16xf32> to vector<1x16xf32>
          tpu.vector_store %arg15[%swap3A_3663, %swap3A_3664], %swap3A_3667 {strides = array<i32>} : memref<48x2048xf32, #tpu.memory_space<vmem>>, vector<1x16xf32>,
        }
        %scan3A_3404 = arith.constant 48 : i32
        %mul3A_3405 = arith.constant 32 : i32
        %mul3A_3406 = arith.muli %scan3A_3386, %mul3A_3405 : i32
        %add3A_3407 = arith.constant 16 : i32
        %add3A_3408 = arith.addi %mul3A_3406, %add3A_3407 : i32
        %get3A_3409 = arith.index_cast %scan3A_3386 : i32 to index
        %get3A_3410 = arith.constant 16 : index
        %get3A_3411 = tpu.vector_load %arg13[%get3A_3409, %get3A_3410] {strides = array<i32>} : memref<64x32xf32, #tpu.memory_space<vmem>>, vector<1x16xf32>,
        %get3A_3412 = vector.shape_cast %get3A_3411 : vector<1x16xf32> to vector<16xf32>
        %get3A_3413 = arith.index_cast %scan3A_3386 : i32 to index
        %get3A_3414 = arith.constant 16 : index
        %get3A_3415 = tpu.vector_load %arg14[%get3A_3413, %get3A_3414] {strides = array<i32>} : memref<64x32xf32, #tpu.memory_space<vmem>>, vector<1x16xf32>,
        %get3A_3416 = vector.shape_cast %get3A_3415 : vector<1x16xf32> to vector<16xf32>
        %scan3A_3417 = arith.constant 0 : i32
        %scan3A_3418 = arith.constant 0 : i32
        %scan3A_3419 = arith.constant 48 : i32
        %scan3A_3420 = arith.addi %scan3A_3418, %scan3A_3419 : i32
        %scan3A_3421 = arith.constant 16 : i32
        scf.for %scan3A_3461 = %scan3A_3418 to %scan3A_3420 step %scan3A_3421  : i32 {
          %get3A_3462 = arith.index_cast %scan3A_3461 : i32 to index
          %get3A_3463 = arith.index_cast %add3A_3408 : i32 to index
          %get3A_3464 = tpu.vector_load %arg15[%get3A_3462, %get3A_3463] {strides = array<i32>} : memref<48x2048xf32, #tpu.memory_space<vmem>>, vector<1x16xf32>,
          %get3A_3465 = vector.shape_cast %get3A_3464 : vector<1x16xf32> to vector<16xf32>
          %mul3A_3466 = arith.mulf %get3A_3465, %get3A_3412 : vector<16xf32>
          %add3A_3467 = arith.addf %mul3A_3466, %get3A_3416 : vector<16xf32>
          %swap3A_3468 = arith.index_cast %scan3A_3461 : i32 to index
          %swap3A_3469 = arith.index_cast %add3A_3408 : i32 to index
          %swap3A_3470 = tpu.vector_load %arg15[%swap3A_3468, %swap3A_3469] {strides = array<i32>} : memref<48x2048xf32, #tpu.memory_space<vmem>>, vector<1x16xf32>,
          %swap3A_3471 = vector.shape_cast %swap3A_3470 : vector<1x16xf32> to vector<16xf32>
          %swap3A_3472 = vector.shape_cast %add3A_3467 : vector<16xf32> to vector<1x16xf32>
          tpu.vector_store %arg15[%swap3A_3468, %swap3A_3469], %swap3A_3472 {strides = array<i32>} : memref<48x2048xf32, #tpu.memory_space<vmem>>, vector<1x16xf32>,
          %scan3A_3473 = arith.constant 1 : i32
          %scan3A_3474 = arith.addi %scan3A_3461, %scan3A_3473 : i32
          %get3A_3475 = arith.index_cast %scan3A_3474 : i32 to index
          %get3A_3476 = arith.index_cast %add3A_3408 : i32 to index
          %get3A_3477 = tpu.vector_load %arg15[%get3A_3475, %get3A_3476] {strides = array<i32>} : memref<48x2048xf32, #tpu.memory_space<vmem>>, vector<1x16xf32>,
          %get3A_3478 = vector.shape_cast %get3A_3477 : vector<1x16xf32> to vector<16xf32>
          %mul3A_3479 = arith.mulf %get3A_3478, %get3A_3412 : vector<16xf32>
          %add3A_3480 = arith.addf %mul3A_3479, %get3A_3416 : vector<16xf32>
          %swap3A_3481 = arith.index_cast %scan3A_3474 : i32 to index
          %swap3A_3482 = arith.index_cast %add3A_3408 : i32 to index
          %swap3A_3483 = tpu.vector_load %arg15[%swap3A_3481, %swap3A_3482] {strides = array<i32>} : memref<48x2048xf32, #tpu.memory_space<vmem>>, vector<1x16xf32>,
          %swap3A_3484 = vector.shape_cast %swap3A_3483 : vector<1x16xf32> to vector<16xf32>
          %swap3A_3485 = vector.shape_cast %add3A_3480 : vector<16xf32> to vector<1x16xf32>
          tpu.vector_store %arg15[%swap3A_3481, %swap3A_3482], %swap3A_3485 {strides = array<i32>} : memref<48x2048xf32, #tpu.memory_space<vmem>>, vector<1x16xf32>,
          %scan3A_3486 = arith.constant 2 : i32
          %scan3A_3487 = arith.addi %scan3A_3461, %scan3A_3486 : i32
          %get3A_3488 = arith.index_cast %scan3A_3487 : i32 to index
          %get3A_3489 = arith.index_cast %add3A_3408 : i32 to index
          %get3A_3490 = tpu.vector_load %arg15[%get3A_3488, %get3A_3489] {strides = array<i32>} : memref<48x2048xf32, #tpu.memory_space<vmem>>, vector<1x16xf32>,
          %get3A_3491 = vector.shape_cast %get3A_3490 : vector<1x16xf32> to vector<16xf32>
          %mul3A_3492 = arith.mulf %get3A_3491, %get3A_3412 : vector<16xf32>
          %add3A_3493 = arith.addf %mul3A_3492, %get3A_3416 : vector<16xf32>
          %swap3A_3494 = arith.index_cast %scan3A_3487 : i32 to index
          %swap3A_3495 = arith.index_cast %add3A_3408 : i32 to index
          %swap3A_3496 = tpu.vector_load %arg15[%swap3A_3494, %swap3A_3495] {strides = array<i32>} : memref<48x2048xf32, #tpu.memory_space<vmem>>, vector<1x16xf32>,
          %swap3A_3497 = vector.shape_cast %swap3A_3496 : vector<1x16xf32> to vector<16xf32>
          %swap3A_3498 = vector.shape_cast %add3A_3493 : vector<16xf32> to vector<1x16xf32>
          tpu.vector_store %arg15[%swap3A_3494, %swap3A_3495], %swap3A_3498 {strides = array<i32>} : memref<48x2048xf32, #tpu.memory_space<vmem>>, vector<1x16xf32>,
          %scan3A_3499 = arith.constant 3 : i32
          %scan3A_3500 = arith.addi %scan3A_3461, %scan3A_3499 : i32
          %get3A_3501 = arith.index_cast %scan3A_3500 : i32 to index
          %get3A_3502 = arith.index_cast %add3A_3408 : i32 to index
          %get3A_3503 = tpu.vector_load %arg15[%get3A_3501, %get3A_3502] {strides = array<i32>} : memref<48x2048xf32, #tpu.memory_space<vmem>>, vector<1x16xf32>,
          %get3A_3504 = vector.shape_cast %get3A_3503 : vector<1x16xf32> to vector<16xf32>
          %mul3A_3505 = arith.mulf %get3A_3504, %get3A_3412 : vector<16xf32>
          %add3A_3506 = arith.addf %mul3A_3505, %get3A_3416 : vector<16xf32>
          %swap3A_3507 = arith.index_cast %scan3A_3500 : i32 to index
          %swap3A_3508 = arith.index_cast %add3A_3408 : i32 to index
          %swap3A_3509 = tpu.vector_load %arg15[%swap3A_3507, %swap3A_3508] {strides = array<i32>} : memref<48x2048xf32, #tpu.memory_space<vmem>>, vector<1x16xf32>,
          %swap3A_3510 = vector.shape_cast %swap3A_3509 : vector<1x16xf32> to vector<16xf32>
          %swap3A_3511 = vector.shape_cast %add3A_3506 : vector<16xf32> to vector<1x16xf32>
          tpu.vector_store %arg15[%swap3A_3507, %swap3A_3508], %swap3A_3511 {strides = array<i32>} : memref<48x2048xf32, #tpu.memory_space<vmem>>, vector<1x16xf32>,
          %scan3A_3512 = arith.constant 4 : i32
          %scan3A_3513 = arith.addi %scan3A_3461, %scan3A_3512 : i32
          %get3A_3514 = arith.index_cast %scan3A_3513 : i32 to index
          %get3A_3515 = arith.index_cast %add3A_3408 : i32 to index
          %get3A_3516 = tpu.vector_load %arg15[%get3A_3514, %get3A_3515] {strides = array<i32>} : memref<48x2048xf32, #tpu.memory_space<vmem>>, vector<1x16xf32>,
          %get3A_3517 = vector.shape_cast %get3A_3516 : vector<1x16xf32> to vector<16xf32>
          %mul3A_3518 = arith.mulf %get3A_3517, %get3A_3412 : vector<16xf32>
          %add3A_3519 = arith.addf %mul3A_3518, %get3A_3416 : vector<16xf32>
          %swap3A_3520 = arith.index_cast %scan3A_3513 : i32 to index
          %swap3A_3521 = arith.index_cast %add3A_3408 : i32 to index
          %swap3A_3522 = tpu.vector_load %arg15[%swap3A_3520, %swap3A_3521] {strides = array<i32>} : memref<48x2048xf32, #tpu.memory_space<vmem>>, vector<1x16xf32>,
          %swap3A_3523 = vector.shape_cast %swap3A_3522 : vector<1x16xf32> to vector<16xf32>
          %swap3A_3524 = vector.shape_cast %add3A_3519 : vector<16xf32> to vector<1x16xf32>
          tpu.vector_store %arg15[%swap3A_3520, %swap3A_3521], %swap3A_3524 {strides = array<i32>} : memref<48x2048xf32, #tpu.memory_space<vmem>>, vector<1x16xf32>,
          %scan3A_3525 = arith.constant 5 : i32
          %scan3A_3526 = arith.addi %scan3A_3461, %scan3A_3525 : i32
          %get3A_3527 = arith.index_cast %scan3A_3526 : i32 to index
          %get3A_3528 = arith.index_cast %add3A_3408 : i32 to index
          %get3A_3529 = tpu.vector_load %arg15[%get3A_3527, %get3A_3528] {strides = array<i32>} : memref<48x2048xf32, #tpu.memory_space<vmem>>, vector<1x16xf32>,
          %get3A_3530 = vector.shape_cast %get3A_3529 : vector<1x16xf32> to vector<16xf32>
          %mul3A_3531 = arith.mulf %get3A_3530, %get3A_3412 : vector<16xf32>
          %add3A_3532 = arith.addf %mul3A_3531, %get3A_3416 : vector<16xf32>
          %swap3A_3533 = arith.index_cast %scan3A_3526 : i32 to index
          %swap3A_3534 = arith.index_cast %add3A_3408 : i32 to index
          %swap3A_3535 = tpu.vector_load %arg15[%swap3A_3533, %swap3A_3534] {strides = array<i32>} : memref<48x2048xf32, #tpu.memory_space<vmem>>, vector<1x16xf32>,
          %swap3A_3536 = vector.shape_cast %swap3A_3535 : vector<1x16xf32> to vector<16xf32>
          %swap3A_3537 = vector.shape_cast %add3A_3532 : vector<16xf32> to vector<1x16xf32>
          tpu.vector_store %arg15[%swap3A_3533, %swap3A_3534], %swap3A_3537 {strides = array<i32>} : memref<48x2048xf32, #tpu.memory_space<vmem>>, vector<1x16xf32>,
          %scan3A_3538 = arith.constant 6 : i32
          %scan3A_3539 = arith.addi %scan3A_3461, %scan3A_3538 : i32
          %get3A_3540 = arith.index_cast %scan3A_3539 : i32 to index
          %get3A_3541 = arith.index_cast %add3A_3408 : i32 to index
          %get3A_3542 = tpu.vector_load %arg15[%get3A_3540, %get3A_3541] {strides = array<i32>} : memref<48x2048xf32, #tpu.memory_space<vmem>>, vector<1x16xf32>,
          %get3A_3543 = vector.shape_cast %get3A_3542 : vector<1x16xf32> to vector<16xf32>
          %mul3A_3544 = arith.mulf %get3A_3543, %get3A_3412 : vector<16xf32>
          %add3A_3545 = arith.addf %mul3A_3544, %get3A_3416 : vector<16xf32>
          %swap3A_3546 = arith.index_cast %scan3A_3539 : i32 to index
          %swap3A_3547 = arith.index_cast %add3A_3408 : i32 to index
          %swap3A_3548 = tpu.vector_load %arg15[%swap3A_3546, %swap3A_3547] {strides = array<i32>} : memref<48x2048xf32, #tpu.memory_space<vmem>>, vector<1x16xf32>,
          %swap3A_3549 = vector.shape_cast %swap3A_3548 : vector<1x16xf32> to vector<16xf32>
          %swap3A_3550 = vector.shape_cast %add3A_3545 : vector<16xf32> to vector<1x16xf32>
          tpu.vector_store %arg15[%swap3A_3546, %swap3A_3547], %swap3A_3550 {strides = array<i32>} : memref<48x2048xf32, #tpu.memory_space<vmem>>, vector<1x16xf32>,
          %scan3A_3551 = arith.constant 7 : i32
          %scan3A_3552 = arith.addi %scan3A_3461, %scan3A_3551 : i32
          %get3A_3553 = arith.index_cast %scan3A_3552 : i32 to index
          %get3A_3554 = arith.index_cast %add3A_3408 : i32 to index
          %get3A_3555 = tpu.vector_load %arg15[%get3A_3553, %get3A_3554] {strides = array<i32>} : memref<48x2048xf32, #tpu.memory_space<vmem>>, vector<1x16xf32>,
          %get3A_3556 = vector.shape_cast %get3A_3555 : vector<1x16xf32> to vector<16xf32>
          %mul3A_3557 = arith.mulf %get3A_3556, %get3A_3412 : vector<16xf32>
          %add3A_3558 = arith.addf %mul3A_3557, %get3A_3416 : vector<16xf32>
          %swap3A_3559 = arith.index_cast %scan3A_3552 : i32 to index
          %swap3A_3560 = arith.index_cast %add3A_3408 : i32 to index
          %swap3A_3561 = tpu.vector_load %arg15[%swap3A_3559, %swap3A_3560] {strides = array<i32>} : memref<48x2048xf32, #tpu.memory_space<vmem>>, vector<1x16xf32>,
          %swap3A_3562 = vector.shape_cast %swap3A_3561 : vector<1x16xf32> to vector<16xf32>
          %swap3A_3563 = vector.shape_cast %add3A_3558 : vector<16xf32> to vector<1x16xf32>
          tpu.vector_store %arg15[%swap3A_3559, %swap3A_3560], %swap3A_3563 {strides = array<i32>} : memref<48x2048xf32, #tpu.memory_space<vmem>>, vector<1x16xf32>,
          %scan3A_3564 = arith.constant 8 : i32
          %scan3A_3565 = arith.addi %scan3A_3461, %scan3A_3564 : i32
          %get3A_3566 = arith.index_cast %scan3A_3565 : i32 to index
          %get3A_3567 = arith.index_cast %add3A_3408 : i32 to index
          %get3A_3568 = tpu.vector_load %arg15[%get3A_3566, %get3A_3567] {strides = array<i32>} : memref<48x2048xf32, #tpu.memory_space<vmem>>, vector<1x16xf32>,
          %get3A_3569 = vector.shape_cast %get3A_3568 : vector<1x16xf32> to vector<16xf32>
          %mul3A_3570 = arith.mulf %get3A_3569, %get3A_3412 : vector<16xf32>
          %add3A_3571 = arith.addf %mul3A_3570, %get3A_3416 : vector<16xf32>
          %swap3A_3572 = arith.index_cast %scan3A_3565 : i32 to index
          %swap3A_3573 = arith.index_cast %add3A_3408 : i32 to index
          %swap3A_3574 = tpu.vector_load %arg15[%swap3A_3572, %swap3A_3573] {strides = array<i32>} : memref<48x2048xf32, #tpu.memory_space<vmem>>, vector<1x16xf32>,
          %swap3A_3575 = vector.shape_cast %swap3A_3574 : vector<1x16xf32> to vector<16xf32>
          %swap3A_3576 = vector.shape_cast %add3A_3571 : vector<16xf32> to vector<1x16xf32>
          tpu.vector_store %arg15[%swap3A_3572, %swap3A_3573], %swap3A_3576 {strides = array<i32>} : memref<48x2048xf32, #tpu.memory_space<vmem>>, vector<1x16xf32>,
          %scan3A_3577 = arith.constant 9 : i32
          %scan3A_3578 = arith.addi %scan3A_3461, %scan3A_3577 : i32
          %get3A_3579 = arith.index_cast %scan3A_3578 : i32 to index
          %get3A_3580 = arith.index_cast %add3A_3408 : i32 to index
          %get3A_3581 = tpu.vector_load %arg15[%get3A_3579, %get3A_3580] {strides = array<i32>} : memref<48x2048xf32, #tpu.memory_space<vmem>>, vector<1x16xf32>,
          %get3A_3582 = vector.shape_cast %get3A_3581 : vector<1x16xf32> to vector<16xf32>
          %mul3A_3583 = arith.mulf %get3A_3582, %get3A_3412 : vector<16xf32>
          %add3A_3584 = arith.addf %mul3A_3583, %get3A_3416 : vector<16xf32>
          %swap3A_3585 = arith.index_cast %scan3A_3578 : i32 to index
          %swap3A_3586 = arith.index_cast %add3A_3408 : i32 to index
          %swap3A_3587 = tpu.vector_load %arg15[%swap3A_3585, %swap3A_3586] {strides = array<i32>} : memref<48x2048xf32, #tpu.memory_space<vmem>>, vector<1x16xf32>,
          %swap3A_3588 = vector.shape_cast %swap3A_3587 : vector<1x16xf32> to vector<16xf32>
          %swap3A_3589 = vector.shape_cast %add3A_3584 : vector<16xf32> to vector<1x16xf32>
          tpu.vector_store %arg15[%swap3A_3585, %swap3A_3586], %swap3A_3589 {strides = array<i32>} : memref<48x2048xf32, #tpu.memory_space<vmem>>, vector<1x16xf32>,
          %scan3A_3590 = arith.constant 10 : i32
          %scan3A_3591 = arith.addi %scan3A_3461, %scan3A_3590 : i32
          %get3A_3592 = arith.index_cast %scan3A_3591 : i32 to index
          %get3A_3593 = arith.index_cast %add3A_3408 : i32 to index
          %get3A_3594 = tpu.vector_load %arg15[%get3A_3592, %get3A_3593] {strides = array<i32>} : memref<48x2048xf32, #tpu.memory_space<vmem>>, vector<1x16xf32>,
          %get3A_3595 = vector.shape_cast %get3A_3594 : vector<1x16xf32> to vector<16xf32>
          %mul3A_3596 = arith.mulf %get3A_3595, %get3A_3412 : vector<16xf32>
          %add3A_3597 = arith.addf %mul3A_3596, %get3A_3416 : vector<16xf32>
          %swap3A_3598 = arith.index_cast %scan3A_3591 : i32 to index
          %swap3A_3599 = arith.index_cast %add3A_3408 : i32 to index
          %swap3A_3600 = tpu.vector_load %arg15[%swap3A_3598, %swap3A_3599] {strides = array<i32>} : memref<48x2048xf32, #tpu.memory_space<vmem>>, vector<1x16xf32>,
          %swap3A_3601 = vector.shape_cast %swap3A_3600 : vector<1x16xf32> to vector<16xf32>
          %swap3A_3602 = vector.shape_cast %add3A_3597 : vector<16xf32> to vector<1x16xf32>
          tpu.vector_store %arg15[%swap3A_3598, %swap3A_3599], %swap3A_3602 {strides = array<i32>} : memref<48x2048xf32, #tpu.memory_space<vmem>>, vector<1x16xf32>,
          %scan3A_3603 = arith.constant 11 : i32
          %scan3A_3604 = arith.addi %scan3A_3461, %scan3A_3603 : i32
          %get3A_3605 = arith.index_cast %scan3A_3604 : i32 to index
          %get3A_3606 = arith.index_cast %add3A_3408 : i32 to index
          %get3A_3607 = tpu.vector_load %arg15[%get3A_3605, %get3A_3606] {strides = array<i32>} : memref<48x2048xf32, #tpu.memory_space<vmem>>, vector<1x16xf32>,
          %get3A_3608 = vector.shape_cast %get3A_3607 : vector<1x16xf32> to vector<16xf32>
          %mul3A_3609 = arith.mulf %get3A_3608, %get3A_3412 : vector<16xf32>
          %add3A_3610 = arith.addf %mul3A_3609, %get3A_3416 : vector<16xf32>
          %swap3A_3611 = arith.index_cast %scan3A_3604 : i32 to index
          %swap3A_3612 = arith.index_cast %add3A_3408 : i32 to index
          %swap3A_3613 = tpu.vector_load %arg15[%swap3A_3611, %swap3A_3612] {strides = array<i32>} : memref<48x2048xf32, #tpu.memory_space<vmem>>, vector<1x16xf32>,
          %swap3A_3614 = vector.shape_cast %swap3A_3613 : vector<1x16xf32> to vector<16xf32>
          %swap3A_3615 = vector.shape_cast %add3A_3610 : vector<16xf32> to vector<1x16xf32>
          tpu.vector_store %arg15[%swap3A_3611, %swap3A_3612], %swap3A_3615 {strides = array<i32>} : memref<48x2048xf32, #tpu.memory_space<vmem>>, vector<1x16xf32>,
          %scan3A_3616 = arith.constant 12 : i32
          %scan3A_3617 = arith.addi %scan3A_3461, %scan3A_3616 : i32
          %get3A_3618 = arith.index_cast %scan3A_3617 : i32 to index
          %get3A_3619 = arith.index_cast %add3A_3408 : i32 to index
          %get3A_3620 = tpu.vector_load %arg15[%get3A_3618, %get3A_3619] {strides = array<i32>} : memref<48x2048xf32, #tpu.memory_space<vmem>>, vector<1x16xf32>,
          %get3A_3621 = vector.shape_cast %get3A_3620 : vector<1x16xf32> to vector<16xf32>
          %mul3A_3622 = arith.mulf %get3A_3621, %get3A_3412 : vector<16xf32>
          %add3A_3623 = arith.addf %mul3A_3622, %get3A_3416 : vector<16xf32>
          %swap3A_3624 = arith.index_cast %scan3A_3617 : i32 to index
          %swap3A_3625 = arith.index_cast %add3A_3408 : i32 to index
          %swap3A_3626 = tpu.vector_load %arg15[%swap3A_3624, %swap3A_3625] {strides = array<i32>} : memref<48x2048xf32, #tpu.memory_space<vmem>>, vector<1x16xf32>,
          %swap3A_3627 = vector.shape_cast %swap3A_3626 : vector<1x16xf32> to vector<16xf32>
          %swap3A_3628 = vector.shape_cast %add3A_3623 : vector<16xf32> to vector<1x16xf32>
          tpu.vector_store %arg15[%swap3A_3624, %swap3A_3625], %swap3A_3628 {strides = array<i32>} : memref<48x2048xf32, #tpu.memory_space<vmem>>, vector<1x16xf32>,
          %scan3A_3629 = arith.constant 13 : i32
          %scan3A_3630 = arith.addi %scan3A_3461, %scan3A_3629 : i32
          %get3A_3631 = arith.index_cast %scan3A_3630 : i32 to index
          %get3A_3632 = arith.index_cast %add3A_3408 : i32 to index
          %get3A_3633 = tpu.vector_load %arg15[%get3A_3631, %get3A_3632] {strides = array<i32>} : memref<48x2048xf32, #tpu.memory_space<vmem>>, vector<1x16xf32>,
          %get3A_3634 = vector.shape_cast %get3A_3633 : vector<1x16xf32> to vector<16xf32>
          %mul3A_3635 = arith.mulf %get3A_3634, %get3A_3412 : vector<16xf32>
          %add3A_3636 = arith.addf %mul3A_3635, %get3A_3416 : vector<16xf32>
          %swap3A_3637 = arith.index_cast %scan3A_3630 : i32 to index
          %swap3A_3638 = arith.index_cast %add3A_3408 : i32 to index
          %swap3A_3639 = tpu.vector_load %arg15[%swap3A_3637, %swap3A_3638] {strides = array<i32>} : memref<48x2048xf32, #tpu.memory_space<vmem>>, vector<1x16xf32>,
          %swap3A_3640 = vector.shape_cast %swap3A_3639 : vector<1x16xf32> to vector<16xf32>
          %swap3A_3641 = vector.shape_cast %add3A_3636 : vector<16xf32> to vector<1x16xf32>
          tpu.vector_store %arg15[%swap3A_3637, %swap3A_3638], %swap3A_3641 {strides = array<i32>} : memref<48x2048xf32, #tpu.memory_space<vmem>>, vector<1x16xf32>,
          %scan3A_3642 = arith.constant 14 : i32
          %scan3A_3643 = arith.addi %scan3A_3461, %scan3A_3642 : i32
          %get3A_3644 = arith.index_cast %scan3A_3643 : i32 to index
          %get3A_3645 = arith.index_cast %add3A_3408 : i32 to index
          %get3A_3646 = tpu.vector_load %arg15[%get3A_3644, %get3A_3645] {strides = array<i32>} : memref<48x2048xf32, #tpu.memory_space<vmem>>, vector<1x16xf32>,
          %get3A_3647 = vector.shape_cast %get3A_3646 : vector<1x16xf32> to vector<16xf32>
          %mul3A_3648 = arith.mulf %get3A_3647, %get3A_3412 : vector<16xf32>
          %add3A_3649 = arith.addf %mul3A_3648, %get3A_3416 : vector<16xf32>
          %swap3A_3650 = arith.index_cast %scan3A_3643 : i32 to index
          %swap3A_3651 = arith.index_cast %add3A_3408 : i32 to index
          %swap3A_3652 = tpu.vector_load %arg15[%swap3A_3650, %swap3A_3651] {strides = array<i32>} : memref<48x2048xf32, #tpu.memory_space<vmem>>, vector<1x16xf32>,
          %swap3A_3653 = vector.shape_cast %swap3A_3652 : vector<1x16xf32> to vector<16xf32>
          %swap3A_3654 = vector.shape_cast %add3A_3649 : vector<16xf32> to vector<1x16xf32>
          tpu.vector_store %arg15[%swap3A_3650, %swap3A_3651], %swap3A_3654 {strides = array<i32>} : memref<48x2048xf32, #tpu.memory_space<vmem>>, vector<1x16xf32>,
          %scan3A_3655 = arith.constant 15 : i32
          %scan3A_3656 = arith.addi %scan3A_3461, %scan3A_3655 : i32
          %get3A_3657 = arith.index_cast %scan3A_3656 : i32 to index
          %get3A_3658 = arith.index_cast %add3A_3408 : i32 to index
          %get3A_3659 = tpu.vector_load %arg15[%get3A_3657, %get3A_3658] {strides = array<i32>} : memref<48x2048xf32, #tpu.memory_space<vmem>>, vector<1x16xf32>,
          %get3A_3660 = vector.shape_cast %get3A_3659 : vector<1x16xf32> to vector<16xf32>
          %mul3A_3661 = arith.mulf %get3A_3660, %get3A_3412 : vector<16xf32>
          %add3A_3662 = arith.addf %mul3A_3661, %get3A_3416 : vector<16xf32>
          %swap3A_3663 = arith.index_cast %scan3A_3656 : i32 to index
          %swap3A_3664 = arith.index_cast %add3A_3408 : i32 to index
          %swap3A_3665 = tpu.vector_load %arg15[%swap3A_3663, %swap3A_3664] {strides = array<i32>} : memref<48x2048xf32, #tpu.memory_space<vmem>>, vector<1x16xf32>,
          %swap3A_3666 = vector.shape_cast %swap3A_3665 : vector<1x16xf32> to vector<16xf32>
          %swap3A_3667 = vector.shape_cast %add3A_3662 : vector<16xf32> to vector<1x16xf32>
          tpu.vector_store %arg15[%swap3A_3663, %swap3A_3664], %swap3A_3667 {strides = array<i32>} : memref<48x2048xf32, #tpu.memory_space<vmem>>, vector<1x16xf32>,
        }
        %scan3A_3422 = arith.constant 48 : i32
        %scan3A_3423 = arith.constant 1 : i32
        %scan3A_3424 = arith.addi %scan3A_3386, %scan3A_3423 : i32
        %mul3A_3425 = arith.constant 32 : i32
        %mul3A_3426 = arith.muli %scan3A_3424, %mul3A_3425 : i32
        %add3A_3427 = arith.constant 0 : i32
        %add3A_3428 = arith.addi %mul3A_3426, %add3A_3427 : i32
        %get3A_3429 = arith.index_cast %scan3A_3424 : i32 to index
        %get3A_3430 = arith.constant 0 : index
        %get3A_3431 = tpu.vector_load %arg13[%get3A_3429, %get3A_3430] {strides = array<i32>} : memref<64x32xf32, #tpu.memory_space<vmem>>, vector<1x16xf32>,
        %get3A_3432 = vector.shape_cast %get3A_3431 : vector<1x16xf32> to vector<16xf32>
        %get3A_3433 = arith.index_cast %scan3A_3424 : i32 to index
        %get3A_3434 = arith.constant 0 : index
        %get3A_3435 = tpu.vector_load %arg14[%get3A_3433, %get3A_3434] {strides = array<i32>} : memref<64x32xf32, #tpu.memory_space<vmem>>, vector<1x16xf32>,
        %get3A_3436 = vector.shape_cast %get3A_3435 : vector<1x16xf32> to vector<16xf32>
        %scan3A_3437 = arith.constant 0 : i32
        %scan3A_3438 = arith.constant 0 : i32
        %scan3A_3439 = arith.constant 48 : i32
        %scan3A_3440 = arith.addi %scan3A_3438, %scan3A_3439 : i32
        %scan3A_3441 = arith.constant 16 : i32
        scf.for %scan3A_3461 = %scan3A_3438 to %scan3A_3440 step %scan3A_3441  : i32 {
          %get3A_3462 = arith.index_cast %scan3A_3461 : i32 to index
          %get3A_3463 = arith.index_cast %add3A_3428 : i32 to index
          %get3A_3464 = tpu.vector_load %arg15[%get3A_3462, %get3A_3463] {strides = array<i32>} : memref<48x2048xf32, #tpu.memory_space<vmem>>, vector<1x16xf32>,
          %get3A_3465 = vector.shape_cast %get3A_3464 : vector<1x16xf32> to vector<16xf32>
          %mul3A_3466 = arith.mulf %get3A_3465, %get3A_3432 : vector<16xf32>
          %add3A_3467 = arith.addf %mul3A_3466, %get3A_3436 : vector<16xf32>
          %swap3A_3468 = arith.index_cast %scan3A_3461 : i32 to index
          %swap3A_3469 = arith.index_cast %add3A_3428 : i32 to index
          %swap3A_3470 = tpu.vector_load %arg15[%swap3A_3468, %swap3A_3469] {strides = array<i32>} : memref<48x2048xf32, #tpu.memory_space<vmem>>, vector<1x16xf32>,
          %swap3A_3471 = vector.shape_cast %swap3A_3470 : vector<1x16xf32> to vector<16xf32>
          %swap3A_3472 = vector.shape_cast %add3A_3467 : vector<16xf32> to vector<1x16xf32>
          tpu.vector_store %arg15[%swap3A_3468, %swap3A_3469], %swap3A_3472 {strides = array<i32>} : memref<48x2048xf32, #tpu.memory_space<vmem>>, vector<1x16xf32>,
          %scan3A_3473 = arith.constant 1 : i32
          %scan3A_3474 = arith.addi %scan3A_3461, %scan3A_3473 : i32
          %get3A_3475 = arith.index_cast %scan3A_3474 : i32 to index
          %get3A_3476 = arith.index_cast %add3A_3428 : i32 to index
          %get3A_3477 = tpu.vector_load %arg15[%get3A_3475, %get3A_3476] {strides = array<i32>} : memref<48x2048xf32, #tpu.memory_space<vmem>>, vector<1x16xf32>,
          %get3A_3478 = vector.shape_cast %get3A_3477 : vector<1x16xf32> to vector<16xf32>
          %mul3A_3479 = arith.mulf %get3A_3478, %get3A_3432 : vector<16xf32>
          %add3A_3480 = arith.addf %mul3A_3479, %get3A_3436 : vector<16xf32>
          %swap3A_3481 = arith.index_cast %scan3A_3474 : i32 to index
          %swap3A_3482 = arith.index_cast %add3A_3428 : i32 to index
          %swap3A_3483 = tpu.vector_load %arg15[%swap3A_3481, %swap3A_3482] {strides = array<i32>} : memref<48x2048xf32, #tpu.memory_space<vmem>>, vector<1x16xf32>,
          %swap3A_3484 = vector.shape_cast %swap3A_3483 : vector<1x16xf32> to vector<16xf32>
          %swap3A_3485 = vector.shape_cast %add3A_3480 : vector<16xf32> to vector<1x16xf32>
          tpu.vector_store %arg15[%swap3A_3481, %swap3A_3482], %swap3A_3485 {strides = array<i32>} : memref<48x2048xf32, #tpu.memory_space<vmem>>, vector<1x16xf32>,
          %scan3A_3486 = arith.constant 2 : i32
          %scan3A_3487 = arith.addi %scan3A_3461, %scan3A_3486 : i32
          %get3A_3488 = arith.index_cast %scan3A_3487 : i32 to index
          %get3A_3489 = arith.index_cast %add3A_3428 : i32 to index
          %get3A_3490 = tpu.vector_load %arg15[%get3A_3488, %get3A_3489] {strides = array<i32>} : memref<48x2048xf32, #tpu.memory_space<vmem>>, vector<1x16xf32>,
          %get3A_3491 = vector.shape_cast %get3A_3490 : vector<1x16xf32> to vector<16xf32>
          %mul3A_3492 = arith.mulf %get3A_3491, %get3A_3432 : vector<16xf32>
          %add3A_3493 = arith.addf %mul3A_3492, %get3A_3436 : vector<16xf32>
          %swap3A_3494 = arith.index_cast %scan3A_3487 : i32 to index
          %swap3A_3495 = arith.index_cast %add3A_3428 : i32 to index
          %swap3A_3496 = tpu.vector_load %arg15[%swap3A_3494, %swap3A_3495] {strides = array<i32>} : memref<48x2048xf32, #tpu.memory_space<vmem>>, vector<1x16xf32>,
          %swap3A_3497 = vector.shape_cast %swap3A_3496 : vector<1x16xf32> to vector<16xf32>
          %swap3A_3498 = vector.shape_cast %add3A_3493 : vector<16xf32> to vector<1x16xf32>
          tpu.vector_store %arg15[%swap3A_3494, %swap3A_3495], %swap3A_3498 {strides = array<i32>} : memref<48x2048xf32, #tpu.memory_space<vmem>>, vector<1x16xf32>,
          %scan3A_3499 = arith.constant 3 : i32
          %scan3A_3500 = arith.addi %scan3A_3461, %scan3A_3499 : i32
          %get3A_3501 = arith.index_cast %scan3A_3500 : i32 to index
          %get3A_3502 = arith.index_cast %add3A_3428 : i32 to index
          %get3A_3503 = tpu.vector_load %arg15[%get3A_3501, %get3A_3502] {strides = array<i32>} : memref<48x2048xf32, #tpu.memory_space<vmem>>, vector<1x16xf32>,
          %get3A_3504 = vector.shape_cast %get3A_3503 : vector<1x16xf32> to vector<16xf32>
          %mul3A_3505 = arith.mulf %get3A_3504, %get3A_3432 : vector<16xf32>
          %add3A_3506 = arith.addf %mul3A_3505, %get3A_3436 : vector<16xf32>
          %swap3A_3507 = arith.index_cast %scan3A_3500 : i32 to index
          %swap3A_3508 = arith.index_cast %add3A_3428 : i32 to index
          %swap3A_3509 = tpu.vector_load %arg15[%swap3A_3507, %swap3A_3508] {strides = array<i32>} : memref<48x2048xf32, #tpu.memory_space<vmem>>, vector<1x16xf32>,
          %swap3A_3510 = vector.shape_cast %swap3A_3509 : vector<1x16xf32> to vector<16xf32>
          %swap3A_3511 = vector.shape_cast %add3A_3506 : vector<16xf32> to vector<1x16xf32>
          tpu.vector_store %arg15[%swap3A_3507, %swap3A_3508], %swap3A_3511 {strides = array<i32>} : memref<48x2048xf32, #tpu.memory_space<vmem>>, vector<1x16xf32>,
          %scan3A_3512 = arith.constant 4 : i32
          %scan3A_3513 = arith.addi %scan3A_3461, %scan3A_3512 : i32
          %get3A_3514 = arith.index_cast %scan3A_3513 : i32 to index
          %get3A_3515 = arith.index_cast %add3A_3428 : i32 to index
          %get3A_3516 = tpu.vector_load %arg15[%get3A_3514, %get3A_3515] {strides = array<i32>} : memref<48x2048xf32, #tpu.memory_space<vmem>>, vector<1x16xf32>,
          %get3A_3517 = vector.shape_cast %get3A_3516 : vector<1x16xf32> to vector<16xf32>
          %mul3A_3518 = arith.mulf %get3A_3517, %get3A_3432 : vector<16xf32>
          %add3A_3519 = arith.addf %mul3A_3518, %get3A_3436 : vector<16xf32>
          %swap3A_3520 = arith.index_cast %scan3A_3513 : i32 to index
          %swap3A_3521 = arith.index_cast %add3A_3428 : i32 to index
          %swap3A_3522 = tpu.vector_load %arg15[%swap3A_3520, %swap3A_3521] {strides = array<i32>} : memref<48x2048xf32, #tpu.memory_space<vmem>>, vector<1x16xf32>,
          %swap3A_3523 = vector.shape_cast %swap3A_3522 : vector<1x16xf32> to vector<16xf32>
          %swap3A_3524 = vector.shape_cast %add3A_3519 : vector<16xf32> to vector<1x16xf32>
          tpu.vector_store %arg15[%swap3A_3520, %swap3A_3521], %swap3A_3524 {strides = array<i32>} : memref<48x2048xf32, #tpu.memory_space<vmem>>, vector<1x16xf32>,
          %scan3A_3525 = arith.constant 5 : i32
          %scan3A_3526 = arith.addi %scan3A_3461, %scan3A_3525 : i32
          %get3A_3527 = arith.index_cast %scan3A_3526 : i32 to index
          %get3A_3528 = arith.index_cast %add3A_3428 : i32 to index
          %get3A_3529 = tpu.vector_load %arg15[%get3A_3527, %get3A_3528] {strides = array<i32>} : memref<48x2048xf32, #tpu.memory_space<vmem>>, vector<1x16xf32>,
          %get3A_3530 = vector.shape_cast %get3A_3529 : vector<1x16xf32> to vector<16xf32>
          %mul3A_3531 = arith.mulf %get3A_3530, %get3A_3432 : vector<16xf32>
          %add3A_3532 = arith.addf %mul3A_3531, %get3A_3436 : vector<16xf32>
          %swap3A_3533 = arith.index_cast %scan3A_3526 : i32 to index
          %swap3A_3534 = arith.index_cast %add3A_3428 : i32 to index
          %swap3A_3535 = tpu.vector_load %arg15[%swap3A_3533, %swap3A_3534] {strides = array<i32>} : memref<48x2048xf32, #tpu.memory_space<vmem>>, vector<1x16xf32>,
          %swap3A_3536 = vector.shape_cast %swap3A_3535 : vector<1x16xf32> to vector<16xf32>
          %swap3A_3537 = vector.shape_cast %add3A_3532 : vector<16xf32> to vector<1x16xf32>
          tpu.vector_store %arg15[%swap3A_3533, %swap3A_3534], %swap3A_3537 {strides = array<i32>} : memref<48x2048xf32, #tpu.memory_space<vmem>>, vector<1x16xf32>,
          %scan3A_3538 = arith.constant 6 : i32
          %scan3A_3539 = arith.addi %scan3A_3461, %scan3A_3538 : i32
          %get3A_3540 = arith.index_cast %scan3A_3539 : i32 to index
          %get3A_3541 = arith.index_cast %add3A_3428 : i32 to index
          %get3A_3542 = tpu.vector_load %arg15[%get3A_3540, %get3A_3541] {strides = array<i32>} : memref<48x2048xf32, #tpu.memory_space<vmem>>, vector<1x16xf32>,
          %get3A_3543 = vector.shape_cast %get3A_3542 : vector<1x16xf32> to vector<16xf32>
          %mul3A_3544 = arith.mulf %get3A_3543, %get3A_3432 : vector<16xf32>
          %add3A_3545 = arith.addf %mul3A_3544, %get3A_3436 : vector<16xf32>
          %swap3A_3546 = arith.index_cast %scan3A_3539 : i32 to index
          %swap3A_3547 = arith.index_cast %add3A_3428 : i32 to index
          %swap3A_3548 = tpu.vector_load %arg15[%swap3A_3546, %swap3A_3547] {strides = array<i32>} : memref<48x2048xf32, #tpu.memory_space<vmem>>, vector<1x16xf32>,
          %swap3A_3549 = vector.shape_cast %swap3A_3548 : vector<1x16xf32> to vector<16xf32>
          %swap3A_3550 = vector.shape_cast %add3A_3545 : vector<16xf32> to vector<1x16xf32>
          tpu.vector_store %arg15[%swap3A_3546, %swap3A_3547], %swap3A_3550 {strides = array<i32>} : memref<48x2048xf32, #tpu.memory_space<vmem>>, vector<1x16xf32>,
          %scan3A_3551 = arith.constant 7 : i32
          %scan3A_3552 = arith.addi %scan3A_3461, %scan3A_3551 : i32
          %get3A_3553 = arith.index_cast %scan3A_3552 : i32 to index
          %get3A_3554 = arith.index_cast %add3A_3428 : i32 to index
          %get3A_3555 = tpu.vector_load %arg15[%get3A_3553, %get3A_3554] {strides = array<i32>} : memref<48x2048xf32, #tpu.memory_space<vmem>>, vector<1x16xf32>,
          %get3A_3556 = vector.shape_cast %get3A_3555 : vector<1x16xf32> to vector<16xf32>
          %mul3A_3557 = arith.mulf %get3A_3556, %get3A_3432 : vector<16xf32>
          %add3A_3558 = arith.addf %mul3A_3557, %get3A_3436 : vector<16xf32>
          %swap3A_3559 = arith.index_cast %scan3A_3552 : i32 to index
          %swap3A_3560 = arith.index_cast %add3A_3428 : i32 to index
          %swap3A_3561 = tpu.vector_load %arg15[%swap3A_3559, %swap3A_3560] {strides = array<i32>} : memref<48x2048xf32, #tpu.memory_space<vmem>>, vector<1x16xf32>,
          %swap3A_3562 = vector.shape_cast %swap3A_3561 : vector<1x16xf32> to vector<16xf32>
          %swap3A_3563 = vector.shape_cast %add3A_3558 : vector<16xf32> to vector<1x16xf32>
          tpu.vector_store %arg15[%swap3A_3559, %swap3A_3560], %swap3A_3563 {strides = array<i32>} : memref<48x2048xf32, #tpu.memory_space<vmem>>, vector<1x16xf32>,
          %scan3A_3564 = arith.constant 8 : i32
          %scan3A_3565 = arith.addi %scan3A_3461, %scan3A_3564 : i32
          %get3A_3566 = arith.index_cast %scan3A_3565 : i32 to index
          %get3A_3567 = arith.index_cast %add3A_3428 : i32 to index
          %get3A_3568 = tpu.vector_load %arg15[%get3A_3566, %get3A_3567] {strides = array<i32>} : memref<48x2048xf32, #tpu.memory_space<vmem>>, vector<1x16xf32>,
          %get3A_3569 = vector.shape_cast %get3A_3568 : vector<1x16xf32> to vector<16xf32>
          %mul3A_3570 = arith.mulf %get3A_3569, %get3A_3432 : vector<16xf32>
          %add3A_3571 = arith.addf %mul3A_3570, %get3A_3436 : vector<16xf32>
          %swap3A_3572 = arith.index_cast %scan3A_3565 : i32 to index
          %swap3A_3573 = arith.index_cast %add3A_3428 : i32 to index
          %swap3A_3574 = tpu.vector_load %arg15[%swap3A_3572, %swap3A_3573] {strides = array<i32>} : memref<48x2048xf32, #tpu.memory_space<vmem>>, vector<1x16xf32>,
          %swap3A_3575 = vector.shape_cast %swap3A_3574 : vector<1x16xf32> to vector<16xf32>
          %swap3A_3576 = vector.shape_cast %add3A_3571 : vector<16xf32> to vector<1x16xf32>
          tpu.vector_store %arg15[%swap3A_3572, %swap3A_3573], %swap3A_3576 {strides = array<i32>} : memref<48x2048xf32, #tpu.memory_space<vmem>>, vector<1x16xf32>,
          %scan3A_3577 = arith.constant 9 : i32
          %scan3A_3578 = arith.addi %scan3A_3461, %scan3A_3577 : i32
          %get3A_3579 = arith.index_cast %scan3A_3578 : i32 to index
          %get3A_3580 = arith.index_cast %add3A_3428 : i32 to index
          %get3A_3581 = tpu.vector_load %arg15[%get3A_3579, %get3A_3580] {strides = array<i32>} : memref<48x2048xf32, #tpu.memory_space<vmem>>, vector<1x16xf32>,
          %get3A_3582 = vector.shape_cast %get3A_3581 : vector<1x16xf32> to vector<16xf32>
          %mul3A_3583 = arith.mulf %get3A_3582, %get3A_3432 : vector<16xf32>
          %add3A_3584 = arith.addf %mul3A_3583, %get3A_3436 : vector<16xf32>
          %swap3A_3585 = arith.index_cast %scan3A_3578 : i32 to index
          %swap3A_3586 = arith.index_cast %add3A_3428 : i32 to index
          %swap3A_3587 = tpu.vector_load %arg15[%swap3A_3585, %swap3A_3586] {strides = array<i32>} : memref<48x2048xf32, #tpu.memory_space<vmem>>, vector<1x16xf32>,
          %swap3A_3588 = vector.shape_cast %swap3A_3587 : vector<1x16xf32> to vector<16xf32>
          %swap3A_3589 = vector.shape_cast %add3A_3584 : vector<16xf32> to vector<1x16xf32>
          tpu.vector_store %arg15[%swap3A_3585, %swap3A_3586], %swap3A_3589 {strides = array<i32>} : memref<48x2048xf32, #tpu.memory_space<vmem>>, vector<1x16xf32>,
          %scan3A_3590 = arith.constant 10 : i32
          %scan3A_3591 = arith.addi %scan3A_3461, %scan3A_3590 : i32
          %get3A_3592 = arith.index_cast %scan3A_3591 : i32 to index
          %get3A_3593 = arith.index_cast %add3A_3428 : i32 to index
          %get3A_3594 = tpu.vector_load %arg15[%get3A_3592, %get3A_3593] {strides = array<i32>} : memref<48x2048xf32, #tpu.memory_space<vmem>>, vector<1x16xf32>,
          %get3A_3595 = vector.shape_cast %get3A_3594 : vector<1x16xf32> to vector<16xf32>
          %mul3A_3596 = arith.mulf %get3A_3595, %get3A_3432 : vector<16xf32>
          %add3A_3597 = arith.addf %mul3A_3596, %get3A_3436 : vector<16xf32>
          %swap3A_3598 = arith.index_cast %scan3A_3591 : i32 to index
          %swap3A_3599 = arith.index_cast %add3A_3428 : i32 to index
          %swap3A_3600 = tpu.vector_load %arg15[%swap3A_3598, %swap3A_3599] {strides = array<i32>} : memref<48x2048xf32, #tpu.memory_space<vmem>>, vector<1x16xf32>,
          %swap3A_3601 = vector.shape_cast %swap3A_3600 : vector<1x16xf32> to vector<16xf32>
          %swap3A_3602 = vector.shape_cast %add3A_3597 : vector<16xf32> to vector<1x16xf32>
          tpu.vector_store %arg15[%swap3A_3598, %swap3A_3599], %swap3A_3602 {strides = array<i32>} : memref<48x2048xf32, #tpu.memory_space<vmem>>, vector<1x16xf32>,
          %scan3A_3603 = arith.constant 11 : i32
          %scan3A_3604 = arith.addi %scan3A_3461, %scan3A_3603 : i32
          %get3A_3605 = arith.index_cast %scan3A_3604 : i32 to index
          %get3A_3606 = arith.index_cast %add3A_3428 : i32 to index
          %get3A_3607 = tpu.vector_load %arg15[%get3A_3605, %get3A_3606] {strides = array<i32>} : memref<48x2048xf32, #tpu.memory_space<vmem>>, vector<1x16xf32>,
          %get3A_3608 = vector.shape_cast %get3A_3607 : vector<1x16xf32> to vector<16xf32>
          %mul3A_3609 = arith.mulf %get3A_3608, %get3A_3432 : vector<16xf32>
          %add3A_3610 = arith.addf %mul3A_3609, %get3A_3436 : vector<16xf32>
          %swap3A_3611 = arith.index_cast %scan3A_3604 : i32 to index
          %swap3A_3612 = arith.index_cast %add3A_3428 : i32 to index
          %swap3A_3613 = tpu.vector_load %arg15[%swap3A_3611, %swap3A_3612] {strides = array<i32>} : memref<48x2048xf32, #tpu.memory_space<vmem>>, vector<1x16xf32>,
          %swap3A_3614 = vector.shape_cast %swap3A_3613 : vector<1x16xf32> to vector<16xf32>
          %swap3A_3615 = vector.shape_cast %add3A_3610 : vector<16xf32> to vector<1x16xf32>
          tpu.vector_store %arg15[%swap3A_3611, %swap3A_3612], %swap3A_3615 {strides = array<i32>} : memref<48x2048xf32, #tpu.memory_space<vmem>>, vector<1x16xf32>,
          %scan3A_3616 = arith.constant 12 : i32
          %scan3A_3617 = arith.addi %scan3A_3461, %scan3A_3616 : i32
          %get3A_3618 = arith.index_cast %scan3A_3617 : i32 to index
          %get3A_3619 = arith.index_cast %add3A_3428 : i32 to index
          %get3A_3620 = tpu.vector_load %arg15[%get3A_3618, %get3A_3619] {strides = array<i32>} : memref<48x2048xf32, #tpu.memory_space<vmem>>, vector<1x16xf32>,
          %get3A_3621 = vector.shape_cast %get3A_3620 : vector<1x16xf32> to vector<16xf32>
          %mul3A_3622 = arith.mulf %get3A_3621, %get3A_3432 : vector<16xf32>
          %add3A_3623 = arith.addf %mul3A_3622, %get3A_3436 : vector<16xf32>
          %swap3A_3624 = arith.index_cast %scan3A_3617 : i32 to index
          %swap3A_3625 = arith.index_cast %add3A_3428 : i32 to index
          %swap3A_3626 = tpu.vector_load %arg15[%swap3A_3624, %swap3A_3625] {strides = array<i32>} : memref<48x2048xf32, #tpu.memory_space<vmem>>, vector<1x16xf32>,
          %swap3A_3627 = vector.shape_cast %swap3A_3626 : vector<1x16xf32> to vector<16xf32>
          %swap3A_3628 = vector.shape_cast %add3A_3623 : vector<16xf32> to vector<1x16xf32>
          tpu.vector_store %arg15[%swap3A_3624, %swap3A_3625], %swap3A_3628 {strides = array<i32>} : memref<48x2048xf32, #tpu.memory_space<vmem>>, vector<1x16xf32>,
          %scan3A_3629 = arith.constant 13 : i32
          %scan3A_3630 = arith.addi %scan3A_3461, %scan3A_3629 : i32
          %get3A_3631 = arith.index_cast %scan3A_3630 : i32 to index
          %get3A_3632 = arith.index_cast %add3A_3428 : i32 to index
          %get3A_3633 = tpu.vector_load %arg15[%get3A_3631, %get3A_3632] {strides = array<i32>} : memref<48x2048xf32, #tpu.memory_space<vmem>>, vector<1x16xf32>,
          %get3A_3634 = vector.shape_cast %get3A_3633 : vector<1x16xf32> to vector<16xf32>
          %mul3A_3635 = arith.mulf %get3A_3634, %get3A_3432 : vector<16xf32>
          %add3A_3636 = arith.addf %mul3A_3635, %get3A_3436 : vector<16xf32>
          %swap3A_3637 = arith.index_cast %scan3A_3630 : i32 to index
          %swap3A_3638 = arith.index_cast %add3A_3428 : i32 to index
          %swap3A_3639 = tpu.vector_load %arg15[%swap3A_3637, %swap3A_3638] {strides = array<i32>} : memref<48x2048xf32, #tpu.memory_space<vmem>>, vector<1x16xf32>,
          %swap3A_3640 = vector.shape_cast %swap3A_3639 : vector<1x16xf32> to vector<16xf32>
          %swap3A_3641 = vector.shape_cast %add3A_3636 : vector<16xf32> to vector<1x16xf32>
          tpu.vector_store %arg15[%swap3A_3637, %swap3A_3638], %swap3A_3641 {strides = array<i32>} : memref<48x2048xf32, #tpu.memory_space<vmem>>, vector<1x16xf32>,
          %scan3A_3642 = arith.constant 14 : i32
          %scan3A_3643 = arith.addi %scan3A_3461, %scan3A_3642 : i32
          %get3A_3644 = arith.index_cast %scan3A_3643 : i32 to index
          %get3A_3645 = arith.index_cast %add3A_3428 : i32 to index
          %get3A_3646 = tpu.vector_load %arg15[%get3A_3644, %get3A_3645] {strides = array<i32>} : memref<48x2048xf32, #tpu.memory_space<vmem>>, vector<1x16xf32>,
          %get3A_3647 = vector.shape_cast %get3A_3646 : vector<1x16xf32> to vector<16xf32>
          %mul3A_3648 = arith.mulf %get3A_3647, %get3A_3432 : vector<16xf32>
          %add3A_3649 = arith.addf %mul3A_3648, %get3A_3436 : vector<16xf32>
          %swap3A_3650 = arith.index_cast %scan3A_3643 : i32 to index
          %swap3A_3651 = arith.index_cast %add3A_3428 : i32 to index
          %swap3A_3652 = tpu.vector_load %arg15[%swap3A_3650, %swap3A_3651] {strides = array<i32>} : memref<48x2048xf32, #tpu.memory_space<vmem>>, vector<1x16xf32>,
          %swap3A_3653 = vector.shape_cast %swap3A_3652 : vector<1x16xf32> to vector<16xf32>
          %swap3A_3654 = vector.shape_cast %add3A_3649 : vector<16xf32> to vector<1x16xf32>
          tpu.vector_store %arg15[%swap3A_3650, %swap3A_3651], %swap3A_3654 {strides = array<i32>} : memref<48x2048xf32, #tpu.memory_space<vmem>>, vector<1x16xf32>,
          %scan3A_3655 = arith.constant 15 : i32
          %scan3A_3656 = arith.addi %scan3A_3461, %scan3A_3655 : i32
          %get3A_3657 = arith.index_cast %scan3A_3656 : i32 to index
          %get3A_3658 = arith.index_cast %add3A_3428 : i32 to index
          %get3A_3659 = tpu.vector_load %arg15[%get3A_3657, %get3A_3658] {strides = array<i32>} : memref<48x2048xf32, #tpu.memory_space<vmem>>, vector<1x16xf32>,
          %get3A_3660 = vector.shape_cast %get3A_3659 : vector<1x16xf32> to vector<16xf32>
          %mul3A_3661 = arith.mulf %get3A_3660, %get3A_3432 : vector<16xf32>
          %add3A_3662 = arith.addf %mul3A_3661, %get3A_3436 : vector<16xf32>
          %swap3A_3663 = arith.index_cast %scan3A_3656 : i32 to index
          %swap3A_3664 = arith.index_cast %add3A_3428 : i32 to index
          %swap3A_3665 = tpu.vector_load %arg15[%swap3A_3663, %swap3A_3664] {strides = array<i32>} : memref<48x2048xf32, #tpu.memory_space<vmem>>, vector<1x16xf32>,
          %swap3A_3666 = vector.shape_cast %swap3A_3665 : vector<1x16xf32> to vector<16xf32>
          %swap3A_3667 = vector.shape_cast %add3A_3662 : vector<16xf32> to vector<1x16xf32>
          tpu.vector_store %arg15[%swap3A_3663, %swap3A_3664], %swap3A_3667 {strides = array<i32>} : memref<48x2048xf32, #tpu.memory_space<vmem>>, vector<1x16xf32>,
        }
        %scan3A_3442 = arith.constant 48 : i32
        %mul3A_3443 = arith.constant 32 : i32
        %mul3A_3444 = arith.muli %scan3A_3424, %mul3A_3443 : i32
        %add3A_3445 = arith.constant 16 : i32
        %add3A_3446 = arith.addi %mul3A_3444, %add3A_3445 : i32
        %get3A_3447 = arith.index_cast %scan3A_3424 : i32 to index
        %get3A_3448 = arith.constant 16 : index
        %get3A_3449 = tpu.vector_load %arg13[%get3A_3447, %get3A_3448] {strides = array<i32>} : memref<64x32xf32, #tpu.memory_space<vmem>>, vector<1x16xf32>,
        %get3A_3450 = vector.shape_cast %get3A_3449 : vector<1x16xf32> to vector<16xf32>
        %get3A_3451 = arith.index_cast %scan3A_3424 : i32 to index
        %get3A_3452 = arith.constant 16 : index
        %get3A_3453 = tpu.vector_load %arg14[%get3A_3451, %get3A_3452] {strides = array<i32>} : memref<64x32xf32, #tpu.memory_space<vmem>>, vector<1x16xf32>,
        %get3A_3454 = vector.shape_cast %get3A_3453 : vector<1x16xf32> to vector<16xf32>
        %scan3A_3455 = arith.constant 0 : i32
        %scan3A_3456 = arith.constant 0 : i32
        %scan3A_3457 = arith.constant 48 : i32
        %scan3A_3458 = arith.addi %scan3A_3456, %scan3A_3457 : i32
        %scan3A_3459 = arith.constant 16 : i32
        scf.for %scan3A_3461 = %scan3A_3456 to %scan3A_3458 step %scan3A_3459  : i32 {
          %get3A_3462 = arith.index_cast %scan3A_3461 : i32 to index
          %get3A_3463 = arith.index_cast %add3A_3446 : i32 to index
          %get3A_3464 = tpu.vector_load %arg15[%get3A_3462, %get3A_3463] {strides = array<i32>} : memref<48x2048xf32, #tpu.memory_space<vmem>>, vector<1x16xf32>,
          %get3A_3465 = vector.shape_cast %get3A_3464 : vector<1x16xf32> to vector<16xf32>
          %mul3A_3466 = arith.mulf %get3A_3465, %get3A_3450 : vector<16xf32>
          %add3A_3467 = arith.addf %mul3A_3466, %get3A_3454 : vector<16xf32>
          %swap3A_3468 = arith.index_cast %scan3A_3461 : i32 to index
          %swap3A_3469 = arith.index_cast %add3A_3446 : i32 to index
          %swap3A_3470 = tpu.vector_load %arg15[%swap3A_3468, %swap3A_3469] {strides = array<i32>} : memref<48x2048xf32, #tpu.memory_space<vmem>>, vector<1x16xf32>,
          %swap3A_3471 = vector.shape_cast %swap3A_3470 : vector<1x16xf32> to vector<16xf32>
          %swap3A_3472 = vector.shape_cast %add3A_3467 : vector<16xf32> to vector<1x16xf32>
          tpu.vector_store %arg15[%swap3A_3468, %swap3A_3469], %swap3A_3472 {strides = array<i32>} : memref<48x2048xf32, #tpu.memory_space<vmem>>, vector<1x16xf32>,
          %scan3A_3473 = arith.constant 1 : i32
          %scan3A_3474 = arith.addi %scan3A_3461, %scan3A_3473 : i32
          %get3A_3475 = arith.index_cast %scan3A_3474 : i32 to index
          %get3A_3476 = arith.index_cast %add3A_3446 : i32 to index
          %get3A_3477 = tpu.vector_load %arg15[%get3A_3475, %get3A_3476] {strides = array<i32>} : memref<48x2048xf32, #tpu.memory_space<vmem>>, vector<1x16xf32>,
          %get3A_3478 = vector.shape_cast %get3A_3477 : vector<1x16xf32> to vector<16xf32>
          %mul3A_3479 = arith.mulf %get3A_3478, %get3A_3450 : vector<16xf32>
          %add3A_3480 = arith.addf %mul3A_3479, %get3A_3454 : vector<16xf32>
          %swap3A_3481 = arith.index_cast %scan3A_3474 : i32 to index
          %swap3A_3482 = arith.index_cast %add3A_3446 : i32 to index
          %swap3A_3483 = tpu.vector_load %arg15[%swap3A_3481, %swap3A_3482] {strides = array<i32>} : memref<48x2048xf32, #tpu.memory_space<vmem>>, vector<1x16xf32>,
          %swap3A_3484 = vector.shape_cast %swap3A_3483 : vector<1x16xf32> to vector<16xf32>
          %swap3A_3485 = vector.shape_cast %add3A_3480 : vector<16xf32> to vector<1x16xf32>
          tpu.vector_store %arg15[%swap3A_3481, %swap3A_3482], %swap3A_3485 {strides = array<i32>} : memref<48x2048xf32, #tpu.memory_space<vmem>>, vector<1x16xf32>,
          %scan3A_3486 = arith.constant 2 : i32
          %scan3A_3487 = arith.addi %scan3A_3461, %scan3A_3486 : i32
          %get3A_3488 = arith.index_cast %scan3A_3487 : i32 to index
          %get3A_3489 = arith.index_cast %add3A_3446 : i32 to index
          %get3A_3490 = tpu.vector_load %arg15[%get3A_3488, %get3A_3489] {strides = array<i32>} : memref<48x2048xf32, #tpu.memory_space<vmem>>, vector<1x16xf32>,
          %get3A_3491 = vector.shape_cast %get3A_3490 : vector<1x16xf32> to vector<16xf32>
          %mul3A_3492 = arith.mulf %get3A_3491, %get3A_3450 : vector<16xf32>
          %add3A_3493 = arith.addf %mul3A_3492, %get3A_3454 : vector<16xf32>
          %swap3A_3494 = arith.index_cast %scan3A_3487 : i32 to index
          %swap3A_3495 = arith.index_cast %add3A_3446 : i32 to index
          %swap3A_3496 = tpu.vector_load %arg15[%swap3A_3494, %swap3A_3495] {strides = array<i32>} : memref<48x2048xf32, #tpu.memory_space<vmem>>, vector<1x16xf32>,
          %swap3A_3497 = vector.shape_cast %swap3A_3496 : vector<1x16xf32> to vector<16xf32>
          %swap3A_3498 = vector.shape_cast %add3A_3493 : vector<16xf32> to vector<1x16xf32>
          tpu.vector_store %arg15[%swap3A_3494, %swap3A_3495], %swap3A_3498 {strides = array<i32>} : memref<48x2048xf32, #tpu.memory_space<vmem>>, vector<1x16xf32>,
          %scan3A_3499 = arith.constant 3 : i32
          %scan3A_3500 = arith.addi %scan3A_3461, %scan3A_3499 : i32
          %get3A_3501 = arith.index_cast %scan3A_3500 : i32 to index
          %get3A_3502 = arith.index_cast %add3A_3446 : i32 to index
          %get3A_3503 = tpu.vector_load %arg15[%get3A_3501, %get3A_3502] {strides = array<i32>} : memref<48x2048xf32, #tpu.memory_space<vmem>>, vector<1x16xf32>,
          %get3A_3504 = vector.shape_cast %get3A_3503 : vector<1x16xf32> to vector<16xf32>
          %mul3A_3505 = arith.mulf %get3A_3504, %get3A_3450 : vector<16xf32>
          %add3A_3506 = arith.addf %mul3A_3505, %get3A_3454 : vector<16xf32>
          %swap3A_3507 = arith.index_cast %scan3A_3500 : i32 to index
          %swap3A_3508 = arith.index_cast %add3A_3446 : i32 to index
          %swap3A_3509 = tpu.vector_load %arg15[%swap3A_3507, %swap3A_3508] {strides = array<i32>} : memref<48x2048xf32, #tpu.memory_space<vmem>>, vector<1x16xf32>,
          %swap3A_3510 = vector.shape_cast %swap3A_3509 : vector<1x16xf32> to vector<16xf32>
          %swap3A_3511 = vector.shape_cast %add3A_3506 : vector<16xf32> to vector<1x16xf32>
          tpu.vector_store %arg15[%swap3A_3507, %swap3A_3508], %swap3A_3511 {strides = array<i32>} : memref<48x2048xf32, #tpu.memory_space<vmem>>, vector<1x16xf32>,
          %scan3A_3512 = arith.constant 4 : i32
          %scan3A_3513 = arith.addi %scan3A_3461, %scan3A_3512 : i32
          %get3A_3514 = arith.index_cast %scan3A_3513 : i32 to index
          %get3A_3515 = arith.index_cast %add3A_3446 : i32 to index
          %get3A_3516 = tpu.vector_load %arg15[%get3A_3514, %get3A_3515] {strides = array<i32>} : memref<48x2048xf32, #tpu.memory_space<vmem>>, vector<1x16xf32>,
          %get3A_3517 = vector.shape_cast %get3A_3516 : vector<1x16xf32> to vector<16xf32>
          %mul3A_3518 = arith.mulf %get3A_3517, %get3A_3450 : vector<16xf32>
          %add3A_3519 = arith.addf %mul3A_3518, %get3A_3454 : vector<16xf32>
          %swap3A_3520 = arith.index_cast %scan3A_3513 : i32 to index
          %swap3A_3521 = arith.index_cast %add3A_3446 : i32 to index
          %swap3A_3522 = tpu.vector_load %arg15[%swap3A_3520, %swap3A_3521] {strides = array<i32>} : memref<48x2048xf32, #tpu.memory_space<vmem>>, vector<1x16xf32>,
          %swap3A_3523 = vector.shape_cast %swap3A_3522 : vector<1x16xf32> to vector<16xf32>
          %swap3A_3524 = vector.shape_cast %add3A_3519 : vector<16xf32> to vector<1x16xf32>
          tpu.vector_store %arg15[%swap3A_3520, %swap3A_3521], %swap3A_3524 {strides = array<i32>} : memref<48x2048xf32, #tpu.memory_space<vmem>>, vector<1x16xf32>,
          %scan3A_3525 = arith.constant 5 : i32
          %scan3A_3526 = arith.addi %scan3A_3461, %scan3A_3525 : i32
          %get3A_3527 = arith.index_cast %scan3A_3526 : i32 to index
          %get3A_3528 = arith.index_cast %add3A_3446 : i32 to index
          %get3A_3529 = tpu.vector_load %arg15[%get3A_3527, %get3A_3528] {strides = array<i32>} : memref<48x2048xf32, #tpu.memory_space<vmem>>, vector<1x16xf32>,
          %get3A_3530 = vector.shape_cast %get3A_3529 : vector<1x16xf32> to vector<16xf32>
          %mul3A_3531 = arith.mulf %get3A_3530, %get3A_3450 : vector<16xf32>
          %add3A_3532 = arith.addf %mul3A_3531, %get3A_3454 : vector<16xf32>
          %swap3A_3533 = arith.index_cast %scan3A_3526 : i32 to index
          %swap3A_3534 = arith.index_cast %add3A_3446 : i32 to index
          %swap3A_3535 = tpu.vector_load %arg15[%swap3A_3533, %swap3A_3534] {strides = array<i32>} : memref<48x2048xf32, #tpu.memory_space<vmem>>, vector<1x16xf32>,
          %swap3A_3536 = vector.shape_cast %swap3A_3535 : vector<1x16xf32> to vector<16xf32>
          %swap3A_3537 = vector.shape_cast %add3A_3532 : vector<16xf32> to vector<1x16xf32>
          tpu.vector_store %arg15[%swap3A_3533, %swap3A_3534], %swap3A_3537 {strides = array<i32>} : memref<48x2048xf32, #tpu.memory_space<vmem>>, vector<1x16xf32>,
          %scan3A_3538 = arith.constant 6 : i32
          %scan3A_3539 = arith.addi %scan3A_3461, %scan3A_3538 : i32
          %get3A_3540 = arith.index_cast %scan3A_3539 : i32 to index
          %get3A_3541 = arith.index_cast %add3A_3446 : i32 to index
          %get3A_3542 = tpu.vector_load %arg15[%get3A_3540, %get3A_3541] {strides = array<i32>} : memref<48x2048xf32, #tpu.memory_space<vmem>>, vector<1x16xf32>,
          %get3A_3543 = vector.shape_cast %get3A_3542 : vector<1x16xf32> to vector<16xf32>
          %mul3A_3544 = arith.mulf %get3A_3543, %get3A_3450 : vector<16xf32>
          %add3A_3545 = arith.addf %mul3A_3544, %get3A_3454 : vector<16xf32>
          %swap3A_3546 = arith.index_cast %scan3A_3539 : i32 to index
          %swap3A_3547 = arith.index_cast %add3A_3446 : i32 to index
          %swap3A_3548 = tpu.vector_load %arg15[%swap3A_3546, %swap3A_3547] {strides = array<i32>} : memref<48x2048xf32, #tpu.memory_space<vmem>>, vector<1x16xf32>,
          %swap3A_3549 = vector.shape_cast %swap3A_3548 : vector<1x16xf32> to vector<16xf32>
          %swap3A_3550 = vector.shape_cast %add3A_3545 : vector<16xf32> to vector<1x16xf32>
          tpu.vector_store %arg15[%swap3A_3546, %swap3A_3547], %swap3A_3550 {strides = array<i32>} : memref<48x2048xf32, #tpu.memory_space<vmem>>, vector<1x16xf32>,
          %scan3A_3551 = arith.constant 7 : i32
          %scan3A_3552 = arith.addi %scan3A_3461, %scan3A_3551 : i32
          %get3A_3553 = arith.index_cast %scan3A_3552 : i32 to index
          %get3A_3554 = arith.index_cast %add3A_3446 : i32 to index
          %get3A_3555 = tpu.vector_load %arg15[%get3A_3553, %get3A_3554] {strides = array<i32>} : memref<48x2048xf32, #tpu.memory_space<vmem>>, vector<1x16xf32>,
          %get3A_3556 = vector.shape_cast %get3A_3555 : vector<1x16xf32> to vector<16xf32>
          %mul3A_3557 = arith.mulf %get3A_3556, %get3A_3450 : vector<16xf32>
          %add3A_3558 = arith.addf %mul3A_3557, %get3A_3454 : vector<16xf32>
          %swap3A_3559 = arith.index_cast %scan3A_3552 : i32 to index
          %swap3A_3560 = arith.index_cast %add3A_3446 : i32 to index
          %swap3A_3561 = tpu.vector_load %arg15[%swap3A_3559, %swap3A_3560] {strides = array<i32>} : memref<48x2048xf32, #tpu.memory_space<vmem>>, vector<1x16xf32>,
          %swap3A_3562 = vector.shape_cast %swap3A_3561 : vector<1x16xf32> to vector<16xf32>
          %swap3A_3563 = vector.shape_cast %add3A_3558 : vector<16xf32> to vector<1x16xf32>
          tpu.vector_store %arg15[%swap3A_3559, %swap3A_3560], %swap3A_3563 {strides = array<i32>} : memref<48x2048xf32, #tpu.memory_space<vmem>>, vector<1x16xf32>,
          %scan3A_3564 = arith.constant 8 : i32
          %scan3A_3565 = arith.addi %scan3A_3461, %scan3A_3564 : i32
          %get3A_3566 = arith.index_cast %scan3A_3565 : i32 to index
          %get3A_3567 = arith.index_cast %add3A_3446 : i32 to index
          %get3A_3568 = tpu.vector_load %arg15[%get3A_3566, %get3A_3567] {strides = array<i32>} : memref<48x2048xf32, #tpu.memory_space<vmem>>, vector<1x16xf32>,
          %get3A_3569 = vector.shape_cast %get3A_3568 : vector<1x16xf32> to vector<16xf32>
          %mul3A_3570 = arith.mulf %get3A_3569, %get3A_3450 : vector<16xf32>
          %add3A_3571 = arith.addf %mul3A_3570, %get3A_3454 : vector<16xf32>
          %swap3A_3572 = arith.index_cast %scan3A_3565 : i32 to index
          %swap3A_3573 = arith.index_cast %add3A_3446 : i32 to index
          %swap3A_3574 = tpu.vector_load %arg15[%swap3A_3572, %swap3A_3573] {strides = array<i32>} : memref<48x2048xf32, #tpu.memory_space<vmem>>, vector<1x16xf32>,
          %swap3A_3575 = vector.shape_cast %swap3A_3574 : vector<1x16xf32> to vector<16xf32>
          %swap3A_3576 = vector.shape_cast %add3A_3571 : vector<16xf32> to vector<1x16xf32>
          tpu.vector_store %arg15[%swap3A_3572, %swap3A_3573], %swap3A_3576 {strides = array<i32>} : memref<48x2048xf32, #tpu.memory_space<vmem>>, vector<1x16xf32>,
          %scan3A_3577 = arith.constant 9 : i32
          %scan3A_3578 = arith.addi %scan3A_3461, %scan3A_3577 : i32
          %get3A_3579 = arith.index_cast %scan3A_3578 : i32 to index
          %get3A_3580 = arith.index_cast %add3A_3446 : i32 to index
          %get3A_3581 = tpu.vector_load %arg15[%get3A_3579, %get3A_3580] {strides = array<i32>} : memref<48x2048xf32, #tpu.memory_space<vmem>>, vector<1x16xf32>,
          %get3A_3582 = vector.shape_cast %get3A_3581 : vector<1x16xf32> to vector<16xf32>
          %mul3A_3583 = arith.mulf %get3A_3582, %get3A_3450 : vector<16xf32>
          %add3A_3584 = arith.addf %mul3A_3583, %get3A_3454 : vector<16xf32>
          %swap3A_3585 = arith.index_cast %scan3A_3578 : i32 to index
          %swap3A_3586 = arith.index_cast %add3A_3446 : i32 to index
          %swap3A_3587 = tpu.vector_load %arg15[%swap3A_3585, %swap3A_3586] {strides = array<i32>} : memref<48x2048xf32, #tpu.memory_space<vmem>>, vector<1x16xf32>,
          %swap3A_3588 = vector.shape_cast %swap3A_3587 : vector<1x16xf32> to vector<16xf32>
          %swap3A_3589 = vector.shape_cast %add3A_3584 : vector<16xf32> to vector<1x16xf32>
          tpu.vector_store %arg15[%swap3A_3585, %swap3A_3586], %swap3A_3589 {strides = array<i32>} : memref<48x2048xf32, #tpu.memory_space<vmem>>, vector<1x16xf32>,
          %scan3A_3590 = arith.constant 10 : i32
          %scan3A_3591 = arith.addi %scan3A_3461, %scan3A_3590 : i32
          %get3A_3592 = arith.index_cast %scan3A_3591 : i32 to index
          %get3A_3593 = arith.index_cast %add3A_3446 : i32 to index
          %get3A_3594 = tpu.vector_load %arg15[%get3A_3592, %get3A_3593] {strides = array<i32>} : memref<48x2048xf32, #tpu.memory_space<vmem>>, vector<1x16xf32>,
          %get3A_3595 = vector.shape_cast %get3A_3594 : vector<1x16xf32> to vector<16xf32>
          %mul3A_3596 = arith.mulf %get3A_3595, %get3A_3450 : vector<16xf32>
          %add3A_3597 = arith.addf %mul3A_3596, %get3A_3454 : vector<16xf32>
          %swap3A_3598 = arith.index_cast %scan3A_3591 : i32 to index
          %swap3A_3599 = arith.index_cast %add3A_3446 : i32 to index
          %swap3A_3600 = tpu.vector_load %arg15[%swap3A_3598, %swap3A_3599] {strides = array<i32>} : memref<48x2048xf32, #tpu.memory_space<vmem>>, vector<1x16xf32>,
          %swap3A_3601 = vector.shape_cast %swap3A_3600 : vector<1x16xf32> to vector<16xf32>
          %swap3A_3602 = vector.shape_cast %add3A_3597 : vector<16xf32> to vector<1x16xf32>
          tpu.vector_store %arg15[%swap3A_3598, %swap3A_3599], %swap3A_3602 {strides = array<i32>} : memref<48x2048xf32, #tpu.memory_space<vmem>>, vector<1x16xf32>,
          %scan3A_3603 = arith.constant 11 : i32
          %scan3A_3604 = arith.addi %scan3A_3461, %scan3A_3603 : i32
          %get3A_3605 = arith.index_cast %scan3A_3604 : i32 to index
          %get3A_3606 = arith.index_cast %add3A_3446 : i32 to index
          %get3A_3607 = tpu.vector_load %arg15[%get3A_3605, %get3A_3606] {strides = array<i32>} : memref<48x2048xf32, #tpu.memory_space<vmem>>, vector<1x16xf32>,
          %get3A_3608 = vector.shape_cast %get3A_3607 : vector<1x16xf32> to vector<16xf32>
          %mul3A_3609 = arith.mulf %get3A_3608, %get3A_3450 : vector<16xf32>
          %add3A_3610 = arith.addf %mul3A_3609, %get3A_3454 : vector<16xf32>
          %swap3A_3611 = arith.index_cast %scan3A_3604 : i32 to index
          %swap3A_3612 = arith.index_cast %add3A_3446 : i32 to index
          %swap3A_3613 = tpu.vector_load %arg15[%swap3A_3611, %swap3A_3612] {strides = array<i32>} : memref<48x2048xf32, #tpu.memory_space<vmem>>, vector<1x16xf32>,
          %swap3A_3614 = vector.shape_cast %swap3A_3613 : vector<1x16xf32> to vector<16xf32>
          %swap3A_3615 = vector.shape_cast %add3A_3610 : vector<16xf32> to vector<1x16xf32>
          tpu.vector_store %arg15[%swap3A_3611, %swap3A_3612], %swap3A_3615 {strides = array<i32>} : memref<48x2048xf32, #tpu.memory_space<vmem>>, vector<1x16xf32>,
          %scan3A_3616 = arith.constant 12 : i32
          %scan3A_3617 = arith.addi %scan3A_3461, %scan3A_3616 : i32
          %get3A_3618 = arith.index_cast %scan3A_3617 : i32 to index
          %get3A_3619 = arith.index_cast %add3A_3446 : i32 to index
          %get3A_3620 = tpu.vector_load %arg15[%get3A_3618, %get3A_3619] {strides = array<i32>} : memref<48x2048xf32, #tpu.memory_space<vmem>>, vector<1x16xf32>,
          %get3A_3621 = vector.shape_cast %get3A_3620 : vector<1x16xf32> to vector<16xf32>
          %mul3A_3622 = arith.mulf %get3A_3621, %get3A_3450 : vector<16xf32>
          %add3A_3623 = arith.addf %mul3A_3622, %get3A_3454 : vector<16xf32>
          %swap3A_3624 = arith.index_cast %scan3A_3617 : i32 to index
          %swap3A_3625 = arith.index_cast %add3A_3446 : i32 to index
          %swap3A_3626 = tpu.vector_load %arg15[%swap3A_3624, %swap3A_3625] {strides = array<i32>} : memref<48x2048xf32, #tpu.memory_space<vmem>>, vector<1x16xf32>,
          %swap3A_3627 = vector.shape_cast %swap3A_3626 : vector<1x16xf32> to vector<16xf32>
          %swap3A_3628 = vector.shape_cast %add3A_3623 : vector<16xf32> to vector<1x16xf32>
          tpu.vector_store %arg15[%swap3A_3624, %swap3A_3625], %swap3A_3628 {strides = array<i32>} : memref<48x2048xf32, #tpu.memory_space<vmem>>, vector<1x16xf32>,
          %scan3A_3629 = arith.constant 13 : i32
          %scan3A_3630 = arith.addi %scan3A_3461, %scan3A_3629 : i32
          %get3A_3631 = arith.index_cast %scan3A_3630 : i32 to index
          %get3A_3632 = arith.index_cast %add3A_3446 : i32 to index
          %get3A_3633 = tpu.vector_load %arg15[%get3A_3631, %get3A_3632] {strides = array<i32>} : memref<48x2048xf32, #tpu.memory_space<vmem>>, vector<1x16xf32>,
          %get3A_3634 = vector.shape_cast %get3A_3633 : vector<1x16xf32> to vector<16xf32>
          %mul3A_3635 = arith.mulf %get3A_3634, %get3A_3450 : vector<16xf32>
          %add3A_3636 = arith.addf %mul3A_3635, %get3A_3454 : vector<16xf32>
          %swap3A_3637 = arith.index_cast %scan3A_3630 : i32 to index
          %swap3A_3638 = arith.index_cast %add3A_3446 : i32 to index
          %swap3A_3639 = tpu.vector_load %arg15[%swap3A_3637, %swap3A_3638] {strides = array<i32>} : memref<48x2048xf32, #tpu.memory_space<vmem>>, vector<1x16xf32>,
          %swap3A_3640 = vector.shape_cast %swap3A_3639 : vector<1x16xf32> to vector<16xf32>
          %swap3A_3641 = vector.shape_cast %add3A_3636 : vector<16xf32> to vector<1x16xf32>
          tpu.vector_store %arg15[%swap3A_3637, %swap3A_3638], %swap3A_3641 {strides = array<i32>} : memref<48x2048xf32, #tpu.memory_space<vmem>>, vector<1x16xf32>,
          %scan3A_3642 = arith.constant 14 : i32
          %scan3A_3643 = arith.addi %scan3A_3461, %scan3A_3642 : i32
          %get3A_3644 = arith.index_cast %scan3A_3643 : i32 to index
          %get3A_3645 = arith.index_cast %add3A_3446 : i32 to index
          %get3A_3646 = tpu.vector_load %arg15[%get3A_3644, %get3A_3645] {strides = array<i32>} : memref<48x2048xf32, #tpu.memory_space<vmem>>, vector<1x16xf32>,
          %get3A_3647 = vector.shape_cast %get3A_3646 : vector<1x16xf32> to vector<16xf32>
          %mul3A_3648 = arith.mulf %get3A_3647, %get3A_3450 : vector<16xf32>
          %add3A_3649 = arith.addf %mul3A_3648, %get3A_3454 : vector<16xf32>
          %swap3A_3650 = arith.index_cast %scan3A_3643 : i32 to index
          %swap3A_3651 = arith.index_cast %add3A_3446 : i32 to index
          %swap3A_3652 = tpu.vector_load %arg15[%swap3A_3650, %swap3A_3651] {strides = array<i32>} : memref<48x2048xf32, #tpu.memory_space<vmem>>, vector<1x16xf32>,
          %swap3A_3653 = vector.shape_cast %swap3A_3652 : vector<1x16xf32> to vector<16xf32>
          %swap3A_3654 = vector.shape_cast %add3A_3649 : vector<16xf32> to vector<1x16xf32>
          tpu.vector_store %arg15[%swap3A_3650, %swap3A_3651], %swap3A_3654 {strides = array<i32>} : memref<48x2048xf32, #tpu.memory_space<vmem>>, vector<1x16xf32>,
          %scan3A_3655 = arith.constant 15 : i32
          %scan3A_3656 = arith.addi %scan3A_3461, %scan3A_3655 : i32
          %get3A_3657 = arith.index_cast %scan3A_3656 : i32 to index
          %get3A_3658 = arith.index_cast %add3A_3446 : i32 to index
          %get3A_3659 = tpu.vector_load %arg15[%get3A_3657, %get3A_3658] {strides = array<i32>} : memref<48x2048xf32, #tpu.memory_space<vmem>>, vector<1x16xf32>,
          %get3A_3660 = vector.shape_cast %get3A_3659 : vector<1x16xf32> to vector<16xf32>
          %mul3A_3661 = arith.mulf %get3A_3660, %get3A_3450 : vector<16xf32>
          %add3A_3662 = arith.addf %mul3A_3661, %get3A_3454 : vector<16xf32>
          %swap3A_3663 = arith.index_cast %scan3A_3656 : i32 to index
          %swap3A_3664 = arith.index_cast %add3A_3446 : i32 to index
          %swap3A_3665 = tpu.vector_load %arg15[%swap3A_3663, %swap3A_3664] {strides = array<i32>} : memref<48x2048xf32, #tpu.memory_space<vmem>>, vector<1x16xf32>,
          %swap3A_3666 = vector.shape_cast %swap3A_3665 : vector<1x16xf32> to vector<16xf32>
          %swap3A_3667 = vector.shape_cast %add3A_3662 : vector<16xf32> to vector<1x16xf32>
          tpu.vector_store %arg15[%swap3A_3663, %swap3A_3664], %swap3A_3667 {strides = array<i32>} : memref<48x2048xf32, #tpu.memory_space<vmem>>, vector<1x16xf32>,
        }
        %scan3A_3460 = arith.constant 48 : i32
      }
      %scan3A_3385 = arith.constant 64 : i32
      "tpu.region"() ({
        %run_scoped3A = tpu.sem_alloc : memref<!tpu.dma_semaphore, #tpu.memory_space<semaphore_mem>>
        %dma_start3A_3386 = arith.constant 0 : i32
        %dma_start3A_3387 = tpu.memref_slice %arg7[%add3A_3379, %dma_start3A_3386] : memref<16384x2048xf32, #tpu.memory_space<hbm>> -> memref<48x2048xf32, #tpu.memory_space<hbm>>
        %dma_start3A_3388 = arith.constant 0 : i32
        %dma_start3A_3389 = tpu.memref_slice %arg7[%add3A_3379, %dma_start3A_3388] : memref<16384x2048xf32, #tpu.memory_space<hbm>> -> memref<48x2048xf32, #tpu.memory_space<hbm>>
        tpu.enqueue_dma source(%arg15 : memref<48x2048xf32, #tpu.memory_space<vmem>>) target(%dma_start3A_3389 : memref<48x2048xf32, #tpu.memory_space<hbm>>) target_semaphore(%run_scoped3A : memref<!tpu.dma_semaphore, #tpu.memory_space<semaphore_mem>>)
        %dma_wait3A_3390 = arith.constant 0 : i32
        %dma_wait3A_3391 = tpu.memref_slice %arg7[%add3A_3379, %dma_wait3A_3390] : memref<16384x2048xf32, #tpu.memory_space<hbm>> -> memref<48x2048xf32, #tpu.memory_space<hbm>>
        %dma_wait3A_3392 = arith.constant 0 : i32
        %dma_wait3A_3393 = tpu.memref_slice %arg7[%add3A_3379, %dma_wait3A_3392] : memref<16384x2048xf32, #tpu.memory_space<hbm>> -> memref<48x2048xf32, #tpu.memory_space<hbm>>
        tpu.wait_dma2 semaphore(%run_scoped3A : memref<!tpu.dma_semaphore, #tpu.memory_space<semaphore_mem>>) src(%arg15 : memref<48x2048xf32, #tpu.memory_space<vmem>>) dst(%dma_wait3A_3393 : memref<48x2048xf32, #tpu.memory_space<hbm>>)
        tpu.yield
      }) : () -> ()
    }
    %scan3A_3373 = arith.constant 10 : i32
    return
  }
}

</mosaic_0001>

<sc_bundles>
// kernel: kernel.3.cloned.1.call-start
scs
__scs_entry_jumppad:
0x0: {  	(pc) =	sbr.rel $0x88, $3  }
0x1: {  	(tag) =	ssettag $0x0;
	lr =	simm.s32 $0x1  }
0x2: {  	[smem:$0x3F9C] =	sst lr;
	_ =	strace $0xD0000000  }
0x3: {  	_ = 	snop  }
0x4: {  	_ = 	snop  }
0x5: {  	_ = 	snop  }
0x6: {  	_ = 	snop  }
0x7: {  	_ = 	snop  }
__scs_overlays_trampoline_lowered:
0x8: {  	[smem:$0x3FAB] =	sst s0  }
0x9: {  	[smem:$0x3FAC] =	sst s1  }
0xa: {  	[smem:$0x3FAD] =	sst s2  }
0xb: {  	[smem:$0x3FAE] =	sst s3  }
0xc: {  	[smem:$0x3FAF] =	sst s4  }
0xd: {  	[smem:$0x3FB0] =	sst s5  }
0xe: {  	[smem:$0x3FB1] =	sst s6  }
0xf: {  	[smem:$0x3FB2] =	sst s7  }
0x10: {  	[smem:$0x3FB3] =	sst s8  }
0x11: {  	[smem:$0x3FB4] =	sst s9;
	s0 =	simm.s32 @!p0 $0x0  }
0x12: {  	s1 =	sld [smem:$0x3F9A];
	s0 =	simm.s32 @p0 $0x1  }
0x13: {  	[smem:$0x3FB5] =	sst s0;
	s0 =	simm.s32 @!p1 $0x0  }
0x14: {  	s2 =	sld [smem:$0x3F99];
	s0 =	simm.s32 @p1 $0x1  }
0x15: {  	[smem:$0x3FB6] =	sst s0;
	s0 =	simm.s32 @!p2 $0x0  }
0x16: {  	s3 =	sld [smem:$0x3FDB];
	s0 =	simm.s32 @p2 $0x1  }
0x17: {  	s4 =	simm.s32 $0x1BF5;
	[smem:$0x3FB8] =	sst s0  }
0x18: {  	s0 =	sld [smem:$0x3F9B];
	_ =	swait.ge [sflag:s4], $0x0  }
0x19: {  	s7 =	sld [smem:$0x3F9C]  }
0x1a: {  	s8 =	sadd.s32 $0xFFFFE003, lr  }
0x1b: {  	s9 =	sadd.s32 $0xFFFFFEF7, lr;
	s5 =	simm.s32 $0xFFFFFFFF;
	p2 =	slt.u32 s8, $0xFFFFF086  }
0x1c: {  	p1 =	slt.u32 s9, $0xF7A;
	s5 =	simm.s32 @!p2 $0x0  }
0x1d: {  	s5 =	simm.s32 @p1 $0x1;
	p0 =	seq.s32 s7, s2  }
0x1e: {  	s7 =	smul.u32 @!p0 $0xF7A, s2;
	p2 =	seq.s32 @!p0 s5, $0x0  }
0x1f: {  	s9 =	smul.u32 $0xF7A, s1;
	s8 =	simm.s32 @!p0 $0x1BF5;
	p2 =	por !p2, p0  }
0x20: {  	[sflag:s8] =	ssyncset.s32 @!p0 $0xFFFFF086;
	s6 =	sadd.s32 @!p0 s3, s7;
	s7 =	simm.s32 @!p0 $0x108  }
0x21: {  	s3 =	sadd.s32 s3, s9;
	s6 =	sadd.s32 @!p0 $0x88, s6;
	s7 =	simm.s32 @p2 $0x1082  }
0x22: {  	[simem:s7], [sflag:s8] =	dma.local @!p0 [hbm:s6], $0xF7A  }
0x23: {  	s9 =	sor.u32 $0xD0000000, s2;
	s6 =	simm.s32 $0x108;
	_ =	swait.ge @!p0 [sflag:s8], $0x0  }
0x24: {  	s3 =	sadd.s32 $0x88, s3;
	s6 =	simm.s32 @!p1 $0x1082;
	[sflag:s4] =	ssyncset.s32 $0xFFFFF086  }
0x25: {  	[simem:s6], [sflag:s4] =	dma.local [hbm:s3], $0xF7A  }
0x26: {  	[smem:$0x3F9C] =	sst s1;
	(tag) =	ssettag s2;
	_ =	strace s9  }
0x27: {  	s1 =	sld [smem:$0x3FAC]  }
0x28: {  	s2 =	sld [smem:$0x3FAD]  }
0x29: {  	s4 =	sld [smem:$0x3FAF]  }
0x2a: {  	p0 =	seq.s32 s5, $0x0;
	s5 =	sld [smem:$0x3FB0]  }
0x2b: {  	s6 =	sld [smem:$0x3FB1]  }
0x2c: {  	s7 =	sld [smem:$0x3FB2]  }
0x2d: {  	s3 =	simm.s32 $0x108;
	s8 =	sld [smem:$0x3FB3]  }
0x2e: {  	s3 =	simm.s32 @!p0 $0x1082;
	s9 =	sld [smem:$0x3FB4]  }
0x2f: {  	lr =	sadd.s32 s0, s3;
	s0 =	sld [smem:$0x3FAB]  }
0x30: {  	s3 =	sld [smem:$0x3FAE]  }
0x31: {  	[smem:$0x3FB7] =	sst s10  }
0x32: {  	s10 =	sld [smem:$0x3FB5];
	_ =	sdelay $0x3  }
0x33: {  	p0 =	seq.s32 s10, $0x1;
	s10 =	sld [smem:$0x3FB7];
	_ =	sdelay $0x3  }
0x34: {  	[smem:$0x3FB7] =	sst s10  }
0x35: {  	s10 =	sld [smem:$0x3FB6];
	_ =	sdelay $0x3  }
0x36: {  	p1 =	seq.s32 s10, $0x1;
	s10 =	sld [smem:$0x3FB7];
	_ =	sdelay $0x3  }
0x37: {  	[smem:$0x3FB7] =	sst s10  }
0x38: {  	s10 =	sld [smem:$0x3FB8]  }
0x39: {  	_ = 	snop;
	(pc) =	sbr.ind lr, $3  }
0x3a: {  	_ = 	snop  }
0x3b: {  	_ = 	snop  }
0x3c: {  	p2 =	seq.s32 s10, $0x1;
	s10 =	sld [smem:$0x3FB7]  }
0x3d: {  	_ =	shalt  }
0x3e: {  	_ =	shalt  }
0x3f: {  	_ =	shalt  }
0x40: {  	_ =	shalt  }
0x41: {  	_ =	shalt  }
0x42: {  	_ =	shalt  }
0x43: {  	_ =	shalt  }
0x44: {  	_ =	shalt  }
0x45: {  	_ =	shalt  }
0x46: {  	_ =	shalt  }
0x47: {  	_ =	shalt  }
0x48: {  	_ =	shalt  }
0x49: {  	_ =	shalt  }
0x4a: {  	_ =	shalt  }
0x4b: {  	_ =	shalt  }
0x4c: {  	_ =	shalt  }
0x4d: {  	_ =	shalt  }
0x4e: {  	_ =	shalt  }
0x4f: {  	_ =	shalt  }
0x50: {  	_ =	shalt  }
0x51: {  	_ =	shalt  }
0x52: {  	_ =	shalt  }
0x53: {  	_ =	shalt  }
0x54: {  	_ =	shalt  }
0x55: {  	_ =	shalt  }
0x56: {  	_ =	shalt  }
0x57: {  	_ =	shalt  }
0x58: {  	_ =	shalt  }
0x59: {  	_ =	shalt  }
0x5a: {  	_ =	shalt  }
0x5b: {  	_ =	shalt  }
0x5c: {  	_ =	shalt  }
0x5d: {  	_ =	shalt  }
0x5e: {  	_ =	shalt  }
0x5f: {  	_ =	shalt  }
0x60: {  	_ =	shalt  }
0x61: {  	_ =	shalt  }
0x62: {  	_ =	shalt  }
0x63: {  	_ =	shalt  }
0x64: {  	_ =	shalt  }
0x65: {  	_ =	shalt  }
0x66: {  	_ =	shalt  }
0x67: {  	_ =	shalt  }
0x68: {  	_ =	shalt  }
0x69: {  	_ =	shalt  }
0x6a: {  	_ =	shalt  }
0x6b: {  	_ =	shalt  }
0x6c: {  	_ =	shalt  }
0x6d: {  	_ =	shalt  }
0x6e: {  	_ =	shalt  }
0x6f: {  	_ =	shalt  }
0x70: {  	_ =	shalt  }
0x71: {  	_ =	shalt  }
0x72: {  	_ =	shalt  }
0x73: {  	_ =	shalt  }
0x74: {  	_ =	shalt  }
0x75: {  	_ =	shalt  }
0x76: {  	_ =	shalt  }
0x77: {  	_ =	shalt  }
0x78: {  	_ =	shalt  }
0x79: {  	_ =	shalt  }
0x7a: {  	_ =	shalt  }
0x7b: {  	_ =	shalt  }
0x7c: {  	_ =	shalt  }
0x7d: {  	_ =	shalt  }
0x7e: {  	_ =	shalt  }
0x7f: {  	_ =	shalt  }
0x80: {  	_ =	shalt  }
0x81: {  	_ =	shalt  }
0x82: {  	_ =	shalt  }
0x83: {  	_ =	shalt  }
0x84: {  	_ =	shalt  }
0x85: {  	_ =	shalt  }
0x86: {  	_ =	shalt  }
0x87: {  	_ =	shalt  }
.Lfunc_end0:
.L_simem_size_0:
called_computation_lowered:
.L_overlay_start_0:
0x88: {  	s2 =	sld [smem:$0x3FD9]  }
0x89: {  	s3 =	sld [smem:$0x3FFE];
	_ =	sdelay $0x1  }
0x8a: {  	s1 =	srdreg.scid  }
0x8b: {  	s0 =	sand.u32 $0x1, s1  }
0x8c: {  	s17 =	sshll.u32 s0, $0xA;
	s2 =	sadd.s32 s3, s2  }
0x8d: {  	s2 =	sadd.s32 s2, s17  }
0x8e: {  	[smem:$0x3FC3] =	sst s2  }
0x8f: {  	_ = 	snop  }
0x90: {  	s2 =	sld [smem:$0x3FC9]  }
0x91: {  	s18 =	sld [smem:$0x3FC8]  }
0x92: {  	s4 =	sld [smem:$0x3FC7]  }
0x93: {  	s5 =	sld [smem:$0x3FC6]  }
0x94: {  	s6 =	sld [smem:$0x3FD0];
	(tm) =	ssettm $0x1  }
0x95: {  	s7 =	sld [smem:$0x3FFB];
	_ =	sdelay $0x3  }
0x96: {  	_ =	strace s7  }
0x97: {  	s7 =	sld [smem:$0x3FFC];
	_ =	sdelay $0x3  }
0x98: {  	_ =	strace s7  }
0x99: {  	s7 =	sld [smem:$0x3FFD];
	_ =	sdelay $0x3  }
0x9a: {  	_ =	strace s7  }
0x9b: {  	_ =	strace $0x8FFFFFFF  }
0x9c: {  	s19 =	sld [smem:$0x3FDB];
	_ =	sdelay $0x1  }
0x9d: {  	s8 =	simm.s32 $_scs_section_size  }
0x9e: {  	s9 =	simm.s32 $_size__tile_overlayer_lowered;
	s10 =	simm.s32 $_tile_overlayer_lowered  }
0x9f: {  	s22 =	simm.s32 $0x1BFF;
	s21 =	sshll.u32 s10, $0x1;
	s7 =	sadd.s32 s8, s19  }
0xa0: {  	s11 =	simm.s32 $0x0;
	s20 =	sshll.u32 s9, $0x1;
	s9 =	sadd.s32 s21, s7  }
0xa1: {  	[timem:s11], [sflag:s22] =	dma.local [hbm:s9], s20  }
0xa2: {  	_ =	swait.ge [sflag:s22], s20  }
0xa3: {  	s8 =	ssub.s32 $0x0, s20;
	[sflag:s22] =	ssyncset.done $0x0  }
0xa4: {  	[sflag:s22] =	ssyncadd.s32 s8;
	_ =	sdelay $0x1  }
0xa5: {  	s23 =	simm.s32 $0x1B8B  }
0xa6: {  	_ =	swait.ge [sflag:s23], $0x1  }
0xa7: {  	[sflag:s23] =	ssyncset.done $0x0  }
0xa8: {  	s25 =	simm.s32 $0x1B8E;
	s24 =	sld [smem:$0x3FFE];
	[sflag:s23] =	ssyncadd.s32 $0xFFFFFFFF  }
0xa9: {  	s26 =	simm.s32 $execute0_lowered;
	[smem:$0x3FD2] =	sst s25  }
0xaa: {  	s9 =	sshll.u32 s26, $0x1;
	_ =	strace $0x80000046;
	[dreg:$0x1] =	wrdreg $0xFFFFFFFF  }
0xab: {  	s28 =	simm.s32 $_size_execute0_lowered;
	s7 =	sadd.s32 s7, s9;
	[dreg:$0x0] =	wrdreg $0x0  }
0xac: {  	s9 =	sshll.u32 s28, $0x1;
	[dreg:$0x2] =	wrdreg s7  }
0xad: {  	[dreg:$0x3] =	wrdreg s9  }
0xae: {  	[dreg:$0x4] =	wrdreg $0xC0  }
0xaf: {  	_ =	task [dreg:s11], $0x5FFFF  }
0xb0: {  	[dreg:$0x1] =	wrdreg $0xFFFFFFFF  }
0xb1: {  	[dreg:$0x0] =	wrdreg $0x60  }
0xb2: {  	[dreg:$0x2] =	wrdreg s2  }
0xb3: {  	[dreg:$0x3] =	wrdreg s18  }
0xb4: {  	[dreg:$0x4] =	wrdreg s4  }
0xb5: {  	[dreg:$0x5] =	wrdreg s5  }
0xb6: {  	[dreg:$0x6] =	wrdreg s24  }
0xb7: {  	[dreg:$0x7] =	wrdreg s6  }
0xb8: {  	[dreg:$0x8] =	wrdreg $0x9  }
0xb9: {  	_ =	task.clear_ibuf [dreg:s11], $0x9FFFF;
	_ =	strace $0x90000046  }
0xba: {  	s29 =	simm.s32 $0x9;
	_ =	strace $0x80000048  }
0xbb: {  	_ =	swait.ge [sflag:s29], $0x1  }
0xbc: {  	[sflag:s29] =	ssyncadd.s32 $0xFFFFFFFF  }
0xbd: {  	_ =	strace $0x90000048  }
0xbe: {  	_ =	sfence  }
0xbf: {  	s30 =	sld [smem:$0x0];
	_ =	sdelay $0x2  }
0xc0: {  	s31 =	sshll.u32 s1, $0xD;
	s1 =	sshrl.u32 s1, $0x2  }
0xc1: {  	s3 =	sand.u32 $0x4000, s31;
	s1 =	sadd.s32 s1, s30  }
0xc2: {  	s0 =	sor.u32 s3, s0;
	s1 =	sshll.u32 s1, $0x11  }
0xc3: {  	s0 =	sor.u32 s1, s0  }
0xc4: {  	s0 =	sadd.s32 $0x8F2B, s0  }
0xc5: {  	[sflag:s0] =	ssyncadd.remote.s32 $0x1  }
0xc6: {  	_ =	sfence.sel $0xFFFF  }
0xc7: {  	[dreg:$0x0] =	wrdreg $0xFFFFFFFF;
	(pc) =	sbr.abs _section_cstart, $3  }
0xc8: {  	[dreg:$0x1] =	wrdreg $0xFFFFFFFF  }
0xc9: {  	_ =	task.clear_ibuf [dreg:s11], $0x2FFFF;
	_ =	strace $0x9FFFFFFF  }
0xca: {  	(tm) =	ssettm $0x7FFFFFFF  }
0xcb: {  	_ =	shalt  }
tec
execute0_lowered:
.L_overlay_start_1:
0x0: {  	(tag) =	ssettag $0x1  }
0x1: {  	s0 =	rddreg [dreg:$0x0]  }
0x2: {  	s2 =	rddreg [dreg:$0x1]  }
0x3: {  	s3 =	rddreg [dreg:$0x2]  }
0x4: {  	s4 =	rddreg [dreg:$0x3]  }
0x5: {  	s1 =	rddreg [dreg:$0x4]  }
0x6: {  	s5 =	rddreg [dreg:$0x5];
	s7 =	srdreg.scid;
	s6 =	simm.s32 $0x0  }
0x7: {  	v0 =	vimm.s32 $0x0;
	v1 =	vimm.s32 $0x9;
	v2 =	vlaneseq.u32;
	s12 =	simm.s32 $0x80;
	s13 =	simm.s32 $0x100;
	s14 =	simm.s32 $0x40  }
0x8: {  	v3 =	vimm.s32 $0x6;
	v7 =	vimm.s32 $0x4;
	v8 =	vimm.s32 $0xA;
	s15 =	simm.s32 $0x180;
	s16 =	simm.s32 $0x200;
	s17 =	simm.s32 $0x1  }
0x9: {  	v9 =	vimm.s32 $0x1;
	v10 =	vimm.s32 $0x3F000000;
	v11 =	vimm.s32 $0x2;
	s18 =	simm.s32 $0x6200;
	s19 =	simm.s32 $0x0;
	s8 =	sand.u32 $0x1, s7  }
0xa: {  	v12 =	vimm.s32 $0x3;
	v13 =	vimm.s32 $0x5;
	v14 =	vimm.s32 $0x7;
	[smem:$0x7FF] =	sst s6;
	s7 =	stileid.u32;
	s9 =	ssub.s32 $0x2, s8  }
0xb: {  	v15 =	vimm.s32 $0x8;
	v16 =	vimm.s32 $0xB;
	v17 =	vimm.s32 $0xC;
	_ =	strace $0x80000047;
	s31 =	sshll.u32 s7, $0xA;
	s10 =	sshrl.u32 s9, $0x1  }
0xc: {  	v18 =	vimm.s32 $0xD;
	v19 =	vimm.s32 $0xE;
	v20 =	vimm.s32 $0xF;
	s11 =	sshll.u32 s8, $0x9;
	s8 =	sadd.s32 $0x400, s1;
	s10 =	ssub.s32 s9, s10  }
0xd: {  	v4 =	vor.u32 $0x10, v2;
	v5 =	vor.u32 $0x20, v2;
	v6 =	vor.u32 $0x30, v2;
	s9 =	sor.u32 s11, s31;
	s11 =	simm.s32 $0x2;
	s10 =	smax.u32 s10, $0x1  }
.LBB2_1:
0xe: {  	[tilespmem:s6], [sflag:$0x2] =	stream.linear.gather [hbm4b:s2+s6], $0x80, $0x38;
	[tilespmem:$0x1E200] =	vst v63  }
0xf: {  	_ =	swait.ge [sflag:s11], $0x80  }
0x10: {  	[sflag:s11] =	ssyncset.done $0x0  }
0x11: {  	[sflag:s11] =	ssyncadd.s32 $0xFFFFFF80  }
0x12: {  	[tilespmem:s12], [sflag:$0x2] =	stream.linear.gather [hbm4b:s3+s6], $0x80, $0x38;
	[tilespmem:$0x1E200] =	vst v63  }
0x13: {  	_ =	swait.ge [sflag:s11], $0x80  }
0x14: {  	[sflag:s11] =	ssyncset.done $0x0  }
0x15: {  	[sflag:s11] =	ssyncadd.s32 $0xFFFFFF80  }
0x16: {  	[tilespmem:s13], [sflag:$0x2] =	stream.linear.gather [hbm4b:s4+s6], $0x80, $0x38;
	[tilespmem:$0x1E200] =	vst v63  }
0x17: {  	_ =	swait.ge [sflag:s11], $0x80  }
0x18: {  	[sflag:s11] =	ssyncset.done $0x0  }
0x19: {  	[sflag:s11] =	ssyncadd.s32 $0xFFFFFF80  }
0x1a: {  	v21 =	vld [tilespmem:$0x80]  }
0x1b: {  	v22 =	vld [tilespmem:$0x90]  }
0x1c: {  	v23 =	vld [tilespmem:$0xA0]  }
0x1d: {  	v24 =	vld [tilespmem:$0xB0];
	_ =	sdelay $0x3  }
0x1e: {  	vm0 =	vgt.s32 v21, $0x0;
	vm5 =	vgt.s32 v22, $0x0  }
0x1f: {  	vm6 =	vgt.s32 v23, $0x0;
	vm7 =	vgt.s32 v24, $0x0;
	v21 =	vnsel vm0, $0x0, v21  }
0x20: {  	v22 =	vnsel vm5, $0x0, v22;
	v23 =	vnsel vm6, $0x0, v23;
	v21 =	vmin.u32 v21, $0x9  }
0x21: {  	v24 =	vnsel vm7, $0x0, v24;
	v22 =	vmin.u32 v22, $0x9;
	v21 =	vshll.u32 v21, $0x6  }
0x22: {  	v23 =	vmin.u32 v23, $0x9;
	v22 =	vshll.u32 v22, $0x6;
	v21 =	vor.u32 v2, v21  }
0x23: {  	[tilespmem:$0x180] =	vst v21;
	v21 =	vor.u32 v4, v22;
	v22 =	vshll.u32 v23, $0x6;
	v23 =	vmin.u32 v24, $0x9  }
0x24: {  	[tilespmem:$0x190] =	vst v21;
	v21 =	vor.u32 v5, v22;
	v22 =	vshll.u32 v23, $0x6  }
0x25: {  	[tilespmem:$0x1A0] =	vst v21;
	v21 =	vor.u32 v6, v22  }
0x26: {  	[tilespmem:$0x1B0] =	vst v21  }
0x27: {  	[tilespmem:s16], [sflag:$0x1] =	stream.indirect.gather [hbm4b:s8+s14], $0x80, s15, s14, $0xb8;
	[tilespmem:$0x1E200] =	vst v63  }
0x28: {  	_ =	swait.ge [sflag:s17], $0x2000  }
0x29: {  	[sflag:s17] =	ssyncset.done $0x0  }
0x2a: {  	[sflag:s17] =	ssyncadd.s32 $0xFFFFE000  }
0x2b: {  	v21 =	vld [tilespmem:$0x0]  }
0x2c: {  	v22 =	vld [tilespmem:$0x80]  }
0x2d: {  	v23 =	vld [tilespmem:$0x100];
	_ =	sdelay $0x2  }
0x2e: {  	v21 =	vadd.s32 $0xFFFFFFFE, v21  }
0x2f: {  	vm1 =	vlt.s32 v22, $0xA;
	vm8 =	vlt.u32 v21, $0x4  }
0x30: {  	vm9 =	vgt.s32 v23, $0x1;
	vm2 =	veq.s32 v23, $0x0;
	vm0 =	vmand vm8, vm1  }
0x31: {  	v59 =	vld [tilespmem:$0x200];
	vm3 =	veq.s32 v23, $0x1;
	vm1 =	vmand vm0, vm9;
	vm2 =	vmand vm0, vm2  }
0x32: {  	v25 =	vld [tilespmem:$0x210];
	vm0 =	vmand vm0, vm3;
	v23 =	vsel vm2, $0x3F800000, v0;
	v22 =	vsel vm1, $0x3F000000, v0  }
0x33: {  	v27 =	vld [tilespmem:$0x280];
	v26 =	vperm.xlane v23, v0;
	v22 =	vsel vm0, $0x3F800000, v22  }
0x34: {  	v31 =	vld [tilespmem:$0x290];
	v32 =	vperm.xlane v23, v9;
	v30 =	vperm.xlane v22, v0  }
0x35: {  	v33 =	vld [tilespmem:$0x300];
	v39 =	vperm.xlane v23, v11;
	v63 =	vperm.xlane v22, v9  }
0x36: {  	v36 =	vld [tilespmem:$0x310];
	v46 =	vperm.xlane v22, v11;
	v24 =	vmul.f32 v30, v59  }
0x37: {  	v47 =	vld [tilespmem:$0x390];
	vm4 =	vmneg vm1;
	v57 =	vperm.xlane v22, v12;
	v62 =	vmul.f32 v30, v25  }
0x38: {  	vm4 =	vmor vm3, vm4;
	v29 =	vmul.f32 v26, v59;
	v40 =	vmul.f32 v63, v27;
	[tilespmem:$0x4200] =	vst v24  }
0x39: {  	v21 =	vsel vm4, $0x3F800000, v10;
	v26 =	vmul.f32 v26, v25;
	v45 =	vmul.f32 v63, v31;
	[tilespmem:$0x4210] =	vst v62  }
0x3a: {  	v21 =	vsel vm2, $0x0, v21;
	v44 =	vmul.f32 v39, v33;
	v51 =	vmul.f32 v46, v33;
	[tilespmem:$0x4280] =	vst v40  }
0x3b: {  	v28 =	vperm.xlane v21, v0;
	v56 =	vmul.f32 v46, v36;
	[tilespmem:$0x4290] =	vst v45  }
0x3c: {  	v41 =	vld [tilespmem:$0x380];
	v49 =	vmul.f32 v39, v36;
	v39 =	vmul.f32 v57, v47;
	[tilespmem:$0x4300] =	vst v51  }
0x3d: {  	v61 =	vmul.f32 v32, v27;
	v60 =	vperm.xlane v21, v9;
	v29 =	vadd.f32 v28, v29;
	[tilespmem:$0x4310] =	vst v56  }
0x3e: {  	v38 =	vmul.f32 v32, v31;
	v26 =	vadd.f32 v28, v26;
	[tilespmem:$0x4390] =	vst v39  }
0x3f: {  	v50 =	vperm.xlane v23, v12;
	v43 =	vperm.xlane v21, v11;
	v37 =	vadd.f32 v60, v61;
	[tilespmem:$0x2200] =	vst v29  }
0x40: {  	v42 =	vadd.f32 v60, v38;
	[tilespmem:$0x2210] =	vst v26  }
0x41: {  	v52 =	vld [tilespmem:$0x400];
	v55 =	vmul.f32 v50, v41;
	v54 =	vperm.xlane v21, v12;
	v48 =	vadd.f32 v43, v44;
	[tilespmem:$0x2280] =	vst v37  }
0x42: {  	v58 =	vld [tilespmem:$0x410];
	v53 =	vadd.f32 v43, v49;
	[tilespmem:$0x2290] =	vst v42  }
0x43: {  	v63 =	vld [tilespmem:$0x480];
	v59 =	vadd.f32 v54, v55;
	v60 =	vmul.f32 v50, v47;
	v61 =	vperm.xlane v23, v7;
	[tilespmem:$0x2300] =	vst v48  }
0x44: {  	v62 =	vmul.f32 v57, v41;
	v40 =	vperm.xlane v22, v7;
	[tilespmem:$0x2310] =	vst v53  }
0x45: {  	v44 =	vperm.xlane v23, v13;
	v51 =	vperm.xlane v22, v13;
	[tilespmem:$0x2380] =	vst v59;
	v36 =	vadd.f32 v54, v60  }
0x46: {  	v46 =	vld [tilespmem:$0x500];
	v37 =	vperm.xlane v21, v7;
	[tilespmem:$0x4380] =	vst v62;
	v45 =	vmul.f32 v40, v52  }
0x47: {  	v38 =	vmul.f32 v61, v52;
	v50 =	vmul.f32 v40, v58;
	[tilespmem:$0x2390] =	vst v36  }
0x48: {  	v41 =	vld [tilespmem:$0x490];
	v43 =	vmul.f32 v61, v58;
	v56 =	vmul.f32 v51, v63;
	[tilespmem:$0x4400] =	vst v45  }
0x49: {  	v55 =	vperm.xlane v23, v3;
	v62 =	vperm.xlane v22, v3;
	v42 =	vadd.f32 v37, v38;
	[tilespmem:$0x4410] =	vst v50  }
0x4a: {  	v57 =	vld [tilespmem:$0x580];
	v48 =	vperm.xlane v21, v13;
	v49 =	vmul.f32 v44, v63;
	v47 =	vadd.f32 v37, v43;
	[tilespmem:$0x4480] =	vst v56  }
0x4b: {  	v34 =	vld [tilespmem:$0x600];
	v39 =	vmul.f32 v62, v46;
	[tilespmem:$0x2400] =	vst v42  }
0x4c: {  	v52 =	vld [tilespmem:$0x510];
	v59 =	vperm.xlane v21, v3;
	v60 =	vmul.f32 v55, v46;
	v53 =	vadd.f32 v48, v49;
	[tilespmem:$0x2410] =	vst v47  }
0x4d: {  	v40 =	vperm.xlane v22, v14;
	v61 =	vmul.f32 v51, v41;
	[tilespmem:$0x4500] =	vst v39  }
0x4e: {  	v35 =	vld [tilespmem:$0x610];
	v38 =	vperm.xlane v23, v14;
	v50 =	vperm.xlane v22, v15;
	v36 =	vadd.f32 v59, v60;
	[tilespmem:$0x2480] =	vst v53  }
0x4f: {  	v63 =	vld [tilespmem:$0x590];
	v54 =	vmul.f32 v44, v41;
	v45 =	vmul.f32 v40, v57;
	[tilespmem:$0x4490] =	vst v61  }
0x50: {  	v42 =	vperm.xlane v21, v14;
	v56 =	vmul.f32 v50, v34;
	[tilespmem:$0x2500] =	vst v36  }
0x51: {  	v43 =	vmul.f32 v38, v57;
	v58 =	vadd.f32 v48, v54;
	v37 =	vmul.f32 v55, v52;
	[tilespmem:$0x4580] =	vst v45  }
0x52: {  	v44 =	vmul.f32 v62, v52;
	v48 =	vperm.xlane v23, v15;
	[tilespmem:$0x4600] =	vst v56  }
0x53: {  	v53 =	vperm.xlane v21, v15;
	v61 =	vmul.f32 v50, v35;
	[tilespmem:$0x2490] =	vst v58  }
0x54: {  	v51 =	vld [tilespmem:$0x680];
	v62 =	vperm.xlane v21, v1;
	v46 =	vadd.f32 v42, v43;
	v47 =	vmul.f32 v38, v63;
	[tilespmem:$0x4510] =	vst v44  }
0x55: {  	v60 =	vld [tilespmem:$0x700];
	v49 =	vmul.f32 v40, v63;
	v43 =	vperm.xlane v23, v8;
	[tilespmem:$0x4610] =	vst v61  }
0x56: {  	v55 =	vld [tilespmem:$0x690];
	v56 =	vperm.xlane v21, v16;
	v41 =	vadd.f32 v59, v37;
	v54 =	vmul.f32 v48, v34;
	[tilespmem:$0x2580] =	vst v46  }
0x57: {  	v38 =	vperm.xlane v23, v19;
	v29 =	vmul.f32 v48, v35;
	v52 =	vadd.f32 v42, v47;
	[tilespmem:$0x4590] =	vst v49  }
0x58: {  	v58 =	vperm.xlane v22, v1;
	v59 =	vperm.xlane v23, v1;
	[tilespmem:$0x2510] =	vst v41;
	v57 =	vadd.f32 v53, v54  }
0x59: {  	v63 =	vld [tilespmem:$0x710];
	v48 =	vperm.xlane v21, v8;
	v46 =	vperm.xlane v22, v8;
	v39 =	vadd.f32 v53, v29;
	[tilespmem:$0x2590] =	vst v52  }
0x5a: {  	v36 =	vld [tilespmem:$0x790];
	v49 =	vmul.f32 v43, v60;
	v41 =	vmul.f32 v58, v51;
	[tilespmem:$0x2600] =	vst v57  }
0x5b: {  	v40 =	vmul.f32 v59, v51;
	v45 =	vmul.f32 v58, v55;
	[tilespmem:$0x2610] =	vst v39  }
0x5c: {  	v53 =	vperm.xlane v23, v16;
	v42 =	vmul.f32 v59, v55;
	v55 =	vadd.f32 v48, v49;
	[tilespmem:$0x4680] =	vst v41  }
0x5d: {  	v47 =	vld [tilespmem:$0x780];
	v50 =	vmul.f32 v46, v60;
	v52 =	vperm.xlane v22, v16;
	[tilespmem:$0x4690] =	vst v45  }
0x5e: {  	v60 =	vperm.xlane v23, v17;
	v44 =	vadd.f32 v62, v40;
	v51 =	vmul.f32 v43, v63;
	[tilespmem:$0x2700] =	vst v55  }
0x5f: {  	v54 =	vld [tilespmem:$0x800];
	v28 =	vmul.f32 v46, v63;
	v59 =	vmul.f32 v53, v36;
	[tilespmem:$0x4700] =	vst v50  }
0x60: {  	v25 =	vadd.f32 v62, v42;
	v61 =	vmul.f32 v52, v36;
	v62 =	vperm.xlane v22, v17;
	[tilespmem:$0x2680] =	vst v44  }
0x61: {  	v37 =	vld [tilespmem:$0x890];
	v42 =	vperm.xlane v21, v17;
	v50 =	vperm.xlane v21, v18;
	[tilespmem:$0x4710] =	vst v28  }
0x62: {  	v57 =	vld [tilespmem:$0x810];
	v58 =	vmul.f32 v53, v47;
	v32 =	vmul.f32 v52, v47;
	v24 =	vadd.f32 v48, v51;
	[tilespmem:$0x2690] =	vst v25  }
0x63: {  	v63 =	vld [tilespmem:$0x880];
	v48 =	vperm.xlane v23, v18;
	v51 =	vperm.xlane v22, v18;
	[tilespmem:$0x4790] =	vst v61  }
0x64: {  	v49 =	vld [tilespmem:$0x910];
	v46 =	vadd.f32 v56, v59;
	v23 =	vperm.xlane v23, v20;
	v43 =	vmul.f32 v60, v54;
	[tilespmem:$0x2710] =	vst v24  }
0x65: {  	v45 =	vld [tilespmem:$0x900];
	v44 =	vmul.f32 v62, v54;
	v61 =	vperm.xlane v22, v19;
	[tilespmem:$0x4780] =	vst v32  }
0x66: {  	v39 =	vld [tilespmem:$0x980];
	v41 =	vadd.f32 v56, v58;
	[tilespmem:$0x2790] =	vst v46;
	v29 =	vmul.f32 v48, v37;
	v58 =	vperm.xlane v21, v19  }
0x67: {  	v40 =	vld [tilespmem:$0x90];
	v46 =	vperm.xlane v22, v20;
	v30 =	vmul.f32 v60, v57;
	v52 =	vadd.f32 v42, v43;
	[tilespmem:$0x4800] =	vst v44  }
0x68: {  	v47 =	vmul.f32 v62, v57;
	v53 =	vmul.f32 v48, v63;
	[tilespmem:$0x2780] =	vst v41  }
0x69: {  	v56 =	vld [tilespmem:$0x10];
	v55 =	vmul.f32 v51, v63;
	v62 =	vmul.f32 v38, v49;
	[tilespmem:$0x2800] =	vst v52  }
0x6a: {  	v63 =	vld [tilespmem:$0x110];
	v59 =	vmul.f32 v38, v45;
	v60 =	vadd.f32 v50, v29;
	v41 =	vmul.f32 v51, v37;
	[tilespmem:$0x4810] =	vst v47  }
0x6b: {  	v43 =	vld [tilespmem:$0x990];
	v44 =	vmul.f32 v61, v45;
	v29 =	vmul.f32 v61, v49;
	[tilespmem:$0x4880] =	vst v55  }
0x6c: {  	vm11 =	vlt.s32 v40, $0xA;
	v45 =	vperm.xlane v21, v20;
	v21 =	vmul.f32 v23, v39;
	[tilespmem:$0x2890] =	vst v60  }
0x6d: {  	v49 =	vmul.f32 v46, v39;
	v54 =	vadd.f32 v42, v30;
	v57 =	vadd.f32 v50, v53;
	[tilespmem:$0x4890] =	vst v41  }
0x6e: {  	v31 =	vadd.f32 v58, v62;
	v42 =	vadd.f32 v58, v59;
	[tilespmem:$0x4900] =	vst v44;
	v30 =	vadd.s32 $0xFFFFFFFE, v56  }
0x6f: {  	v47 =	vadd.f32 v45, v21;
	[tilespmem:$0x4910] =	vst v29;
	vm10 =	vlt.u32 v30, $0x4;
	vm12 =	vgt.s32 v63, $0x1  }
0x70: {  	[tilespmem:$0x4980] =	vst v49;
	v22 =	vmul.f32 v23, v43;
	vm13 =	veq.s32 v63, $0x0;
	vm0 =	vmand vm10, vm11  }
0x71: {  	v48 =	vld [tilespmem:$0xA00];
	[tilespmem:$0x2810] =	vst v54;
	vm14 =	veq.s32 v63, $0x1;
	v55 =	vmul.f32 v46, v43;
	vm1 =	vmand vm0, vm12  }
0x72: {  	v50 =	vld [tilespmem:$0xA10];
	[tilespmem:$0x2880] =	vst v57;
	vm2 =	vmand vm0, vm13;
	vm0 =	vmand vm0, vm14;
	v23 =	vsel vm1, $0x3F000000, v0  }
0x73: {  	v52 =	vld [tilespmem:$0xA80];
	[tilespmem:$0x2910] =	vst v31;
	v24 =	vadd.f32 v45, v22;
	v21 =	vsel vm2, $0x3F800000, v0;
	v23 =	vsel vm0, $0x3F800000, v23  }
0x74: {  	v57 =	vld [tilespmem:$0xA90];
	[tilespmem:$0x2900] =	vst v42;
	vm15 =	vmneg vm1;
	v51 =	vperm.xlane v21, v0;
	v56 =	vperm.xlane v23, v0  }
0x75: {  	[tilespmem:$0x2980] =	vst v47;
	vm4 =	vmor vm14, vm15;
	v59 =	vperm.xlane v21, v9;
	v41 =	vperm.xlane v21, v11  }
0x76: {  	[tilespmem:$0x4990] =	vst v55;
	v22 =	vsel vm4, $0x3F800000, v10;
	v37 =	vperm.xlane v23, v9;
	v60 =	vmul.f32 v56, v48  }
0x77: {  	v61 =	vld [tilespmem:$0xB00];
	[tilespmem:$0x2990] =	vst v24;
	v22 =	vsel vm2, $0x0, v22;
	v54 =	vmul.f32 v51, v48;
	v36 =	vmul.f32 v56, v50  }
0x78: {  	v53 =	vperm.xlane v22, v0;
	v42 =	vmul.f32 v37, v52;
	[tilespmem:$0x4A00] =	vst v60  }
0x79: {  	v38 =	vld [tilespmem:$0xB10];
	v31 =	vmul.f32 v51, v50;
	v47 =	vmul.f32 v37, v57;
	[tilespmem:$0x4A10] =	vst v36  }
0x7a: {  	v35 =	vmul.f32 v59, v52;
	v63 =	vperm.xlane v22, v9;
	v58 =	vadd.f32 v53, v54;
	[tilespmem:$0x4A80] =	vst v42  }
0x7b: {  	v40 =	vmul.f32 v59, v57;
	v62 =	vadd.f32 v53, v31;
	[tilespmem:$0x4A90] =	vst v47  }
0x7c: {  	v43 =	vld [tilespmem:$0xB80];
	v46 =	vmul.f32 v41, v61;
	v45 =	vperm.xlane v22, v11;
	v39 =	vadd.f32 v63, v35;
	[tilespmem:$0x2A00] =	vst v58  }
0x7d: {  	v49 =	vld [tilespmem:$0xB90];
	v48 =	vperm.xlane v23, v11;
	v44 =	vadd.f32 v63, v40;
	[tilespmem:$0x2A10] =	vst v62  }
0x7e: {  	v51 =	vmul.f32 v41, v38;
	v50 =	vadd.f32 v45, v46;
	[tilespmem:$0x2A80] =	vst v39  }
0x7f: {  	v59 =	vperm.xlane v23, v12;
	v53 =	vmul.f32 v48, v61;
	[tilespmem:$0x2A90] =	vst v44  }
0x80: {  	v52 =	vperm.xlane v21, v12;
	v55 =	vadd.f32 v45, v51;
	[tilespmem:$0x2B00] =	vst v50  }
0x81: {  	v56 =	vperm.xlane v22, v12;
	v54 =	vld [tilespmem:$0xC00];
	v35 =	vmul.f32 v59, v43;
	[tilespmem:$0x4B00] =	vst v53  }
0x82: {  	v57 =	vmul.f32 v52, v43;
	v60 =	vld [tilespmem:$0xC10];
	v40 =	vmul.f32 v59, v49;
	[tilespmem:$0x2B10] =	vst v55  }
0x83: {  	v36 =	vld [tilespmem:$0xC80];
	v58 =	vmul.f32 v48, v38;
	v62 =	vmul.f32 v52, v49;
	[tilespmem:$0x4B80] =	vst v35  }
0x84: {  	v41 =	vperm.xlane v23, v7;
	v63 =	vperm.xlane v21, v7;
	v42 =	vld [tilespmem:$0xC90];
	v61 =	vadd.f32 v56, v57;
	[tilespmem:$0x4B90] =	vst v40  }
0x85: {  	v45 =	vperm.xlane v21, v13;
	v38 =	vperm.xlane v22, v7;
	[tilespmem:$0x4B10] =	vst v58;
	v37 =	vadd.f32 v56, v62  }
0x86: {  	v52 =	vperm.xlane v23, v13;
	[tilespmem:$0x2B80] =	vst v61;
	v46 =	vmul.f32 v41, v54  }
0x87: {  	v47 =	vld [tilespmem:$0xD00];
	v49 =	vperm.xlane v22, v13;
	v51 =	vmul.f32 v41, v60;
	[tilespmem:$0x2B90] =	vst v37  }
0x88: {  	v53 =	vld [tilespmem:$0xD10];
	v39 =	vmul.f32 v63, v54;
	v57 =	vmul.f32 v52, v36;
	[tilespmem:$0x4C00] =	vst v46  }
0x89: {  	v44 =	vmul.f32 v63, v60;
	v62 =	vmul.f32 v52, v42;
	[tilespmem:$0x4C10] =	vst v51  }
0x8a: {  	v56 =	vperm.xlane v21, v3;
	v50 =	vmul.f32 v45, v36;
	v43 =	vadd.f32 v38, v39;
	[tilespmem:$0x4C80] =	vst v57  }
0x8b: {  	v55 =	vmul.f32 v45, v42;
	v60 =	vperm.xlane v22, v3;
	v48 =	vadd.f32 v38, v44;
	[tilespmem:$0x4C90] =	vst v62  }
0x8c: {  	v63 =	vperm.xlane v23, v3;
	v41 =	vperm.xlane v23, v14;
	v54 =	vadd.f32 v49, v50;
	[tilespmem:$0x2C00] =	vst v43  }
0x8d: {  	v58 =	vld [tilespmem:$0xD80];
	v61 =	vmul.f32 v56, v47;
	v59 =	vadd.f32 v49, v55;
	v38 =	vmul.f32 v56, v53;
	[tilespmem:$0x2C10] =	vst v48  }
0x8e: {  	v36 =	vld [tilespmem:$0xD90];
	v39 =	vperm.xlane v21, v14;
	v40 =	vmul.f32 v63, v47;
	[tilespmem:$0x2C80] =	vst v54  }
0x8f: {  	v42 =	vld [tilespmem:$0xE00];
	v44 =	vperm.xlane v22, v14;
	v47 =	vmul.f32 v63, v53;
	[tilespmem:$0x2C90] =	vst v59  }
0x90: {  	v51 =	vperm.xlane v21, v15;
	v53 =	vperm.xlane v23, v15;
	v37 =	vadd.f32 v60, v61;
	[tilespmem:$0x4D00] =	vst v40  }
0x91: {  	v46 =	vld [tilespmem:$0xE10];
	v56 =	vperm.xlane v22, v15;
	v62 =	vperm.xlane v21, v1;
	v43 =	vadd.f32 v60, v38;
	[tilespmem:$0x4D10] =	vst v47  }
0x92: {  	v61 =	vperm.xlane v23, v1;
	v48 =	vmul.f32 v41, v58;
	[tilespmem:$0x2D00] =	vst v37  }
0x93: {  	v63 =	vld [tilespmem:$0xF00];
	v45 =	vmul.f32 v39, v58;
	v52 =	vmul.f32 v41, v36;
	[tilespmem:$0x2D10] =	vst v43  }
0x94: {  	v54 =	vld [tilespmem:$0xE80];
	v50 =	vmul.f32 v39, v36;
	v59 =	vmul.f32 v53, v42;
	[tilespmem:$0x4D80] =	vst v48  }
0x95: {  	v58 =	vld [tilespmem:$0xE90];
	v47 =	vperm.xlane v21, v8;
	v57 =	vmul.f32 v51, v42;
	v49 =	vadd.f32 v44, v45;
	[tilespmem:$0x4D90] =	vst v52  }
0x96: {  	v41 =	vperm.xlane v22, v1;
	v55 =	vadd.f32 v44, v50;
	v30 =	vmul.f32 v51, v46;
	[tilespmem:$0x4E00] =	vst v59  }
0x97: {  	v60 =	vadd.f32 v56, v57;
	v40 =	vmul.f32 v53, v46;
	v50 =	vperm.xlane v23, v8;
	[tilespmem:$0x2D80] =	vst v49  }
0x98: {  	v42 =	vld [tilespmem:$0xF10];
	v52 =	vperm.xlane v22, v8;
	v53 =	vmul.f32 v47, v63;
	[tilespmem:$0x2D90] =	vst v55  }
0x99: {  	v59 =	vperm.xlane v21, v16;
	[tilespmem:$0x2E00] =	vst v60;
	v43 =	vadd.f32 v56, v30;
	v44 =	vmul.f32 v62, v54  }
0x9a: {  	v51 =	vld [tilespmem:$0xF80];
	v45 =	vmul.f32 v61, v54;
	v46 =	vmul.f32 v62, v58;
	[tilespmem:$0x4E10] =	vst v40  }
0x9b: {  	v49 =	vmul.f32 v61, v58;
	v56 =	vmul.f32 v50, v63;
	[tilespmem:$0x2E10] =	vst v43  }
0x9c: {  	v58 =	vperm.xlane v23, v16;
	v61 =	vadd.f32 v52, v53;
	v62 =	vperm.xlane v22, v16;
	[tilespmem:$0x4E80] =	vst v45  }
0x9d: {  	v54 =	vld [tilespmem:$0xF90];
	v53 =	vperm.xlane v22, v18;
	v57 =	vmul.f32 v47, v42;
	[tilespmem:$0x4E90] =	vst v49  }
0x9e: {  	v60 =	vld [tilespmem:$0x1000];
	v29 =	vmul.f32 v50, v42;
	v48 =	vadd.f32 v41, v44;
	[tilespmem:$0x2F00] =	vst v61;
	v43 =	vperm.xlane v21, v17  }
0x9f: {  	v63 =	vld [tilespmem:$0x1010];
	v55 =	vadd.f32 v41, v46;
	[tilespmem:$0x4F00] =	vst v56;
	v45 =	vperm.xlane v23, v17;
	v40 =	vmul.f32 v59, v51  }
0xa0: {  	v34 =	vld [tilespmem:$0x1100];
	v32 =	vmul.f32 v58, v51;
	v41 =	vadd.f32 v52, v57;
	[tilespmem:$0x4F10] =	vst v29;
	v52 =	vperm.xlane v21, v18  }
0xa1: {  	v37 =	vld [tilespmem:$0x1090];
	v57 =	vperm.xlane v21, v19;
	v21 =	vperm.xlane v21, v20;
	[tilespmem:$0x2E80] =	vst v48  }
0xa2: {  	v46 =	vld [tilespmem:$0x1080];
	[tilespmem:$0x2E90] =	vst v55;
	v48 =	vperm.xlane v22, v17;
	v42 =	vmul.f32 v59, v54  }
0xa3: {  	v44 =	vmul.f32 v58, v54;
	[tilespmem:$0x2F10] =	vst v41;
	v47 =	vadd.f32 v62, v40;
	v49 =	vmul.f32 v43, v60  }
0xa4: {  	v33 =	vld [tilespmem:$0x1110];
	v50 =	vmul.f32 v45, v60;
	v27 =	vmul.f32 v43, v63;
	[tilespmem:$0x4F80] =	vst v32  }
0xa5: {  	v25 =	vmul.f32 v45, v63;
	v54 =	vperm.xlane v23, v18;
	[tilespmem:$0x2F80] =	vst v47  }
0xa6: {  	v58 =	vld [tilespmem:$0x1180];
	v61 =	vmul.f32 v52, v37;
	v45 =	vmul.f32 v57, v34;
	[tilespmem:$0x4F90] =	vst v44  }
0xa7: {  	v51 =	vadd.f32 v62, v42;
	v55 =	vadd.f32 v48, v49;
	v56 =	vmul.f32 v52, v46;
	v62 =	vld [tilespmem:$0x20];
	[tilespmem:$0x5000] =	vst v50  }
0xa8: {  	v59 =	vadd.f32 v48, v27;
	v60 =	vmul.f32 v54, v46;
	v44 =	vperm.xlane v22, v19;
	v46 =	vld [tilespmem:$0xA0];
	[tilespmem:$0x5010] =	vst v25  }
0xa9: {  	v28 =	vadd.f32 v53, v61;
	v47 =	vperm.xlane v23, v19;
	v48 =	vmul.f32 v57, v33;
	v49 =	vld [tilespmem:$0x120];
	[tilespmem:$0x2F90] =	vst v51  }
0xaa: {  	v50 =	vmul.f32 v54, v37;
	v52 =	vld [tilespmem:$0x1190];
	v54 =	vperm.xlane v22, v20;
	[tilespmem:$0x3000] =	vst v55;
	v63 =	vadd.f32 v53, v56  }
0xab: {  	[tilespmem:$0x3010] =	vst v59;
	v51 =	vadd.f32 v44, v45;
	v53 =	vmul.f32 v47, v34;
	v31 =	vadd.f32 v44, v48  }
0xac: {  	v29 =	vmul.f32 v47, v33;
	[tilespmem:$0x5080] =	vst v60;
	v55 =	vperm.xlane v23, v20;
	v30 =	vadd.s32 $0xFFFFFFFE, v62  }
0xad: {  	[tilespmem:$0x3090] =	vst v28;
	v22 =	vmul.f32 v21, v58;
	vm5 =	vlt.s32 v46, $0xA;
	vm4 =	vlt.u32 v30, $0x4  }
0xae: {  	[tilespmem:$0x5090] =	vst v50;
	v58 =	vmul.f32 v55, v58;
	vm6 =	vgt.s32 v49, $0x1;
	vm0 =	vmand vm4, vm5  }
0xaf: {  	v57 =	vld [tilespmem:$0x1200];
	[tilespmem:$0x3080] =	vst v63;
	v21 =	vmul.f32 v21, v52;
	vm7 =	veq.s32 v49, $0x0;
	vm1 =	vmand vm0, vm6  }
0xb0: {  	v59 =	vld [tilespmem:$0x1210];
	[tilespmem:$0x3100] =	vst v51;
	vm8 =	veq.s32 v49, $0x1;
	vm2 =	vmand vm0, vm7;
	vm9 =	vmneg vm1  }
0xb1: {  	v61 =	vld [tilespmem:$0x1280];
	[tilespmem:$0x5100] =	vst v53;
	v56 =	vadd.f32 v54, v22;
	v22 =	vsel vm2, $0x3F800000, v0;
	vm4 =	vmor vm8, vm9  }
0xb2: {  	v39 =	vld [tilespmem:$0x1290];
	[tilespmem:$0x3110] =	vst v31;
	v24 =	vadd.f32 v54, v21;
	v60 =	vperm.xlane v22, v0;
	v21 =	vsel vm4, $0x3F800000, v10  }
0xb3: {  	[tilespmem:$0x5110] =	vst v29;
	v37 =	vmul.f32 v55, v52;
	v41 =	vperm.xlane v22, v9;
	v23 =	vsel vm2, $0x0, v21  }
0xb4: {  	[tilespmem:$0x5180] =	vst v58;
	v63 =	vmul.f32 v60, v57;
	v62 =	vperm.xlane v23, v0  }
0xb5: {  	[tilespmem:$0x3180] =	vst v56;
	vm0 =	vmand vm0, vm8;
	v21 =	vsel vm1, $0x3F000000, v0;
	v31 =	vmul.f32 v60, v59  }
0xb6: {  	[tilespmem:$0x5190] =	vst v37;
	v46 =	vmul.f32 v41, v61;
	v45 =	vperm.xlane v23, v9;
	v40 =	vadd.f32 v62, v63  }
0xb7: {  	v49 =	vld [tilespmem:$0x1310];
	[tilespmem:$0x3190] =	vst v24;
	v51 =	vmul.f32 v41, v39;
	v21 =	vsel vm0, $0x3F800000, v21;
	v44 =	vadd.f32 v62, v31  }
0xb8: {  	v43 =	vld [tilespmem:$0x1300];
	v38 =	vperm.xlane v21, v0;
	v50 =	vadd.f32 v45, v46;
	[tilespmem:$0x3200] =	vst v40  }
0xb9: {  	v52 =	vperm.xlane v22, v11;
	v55 =	vadd.f32 v45, v51;
	[tilespmem:$0x3210] =	vst v44  }
0xba: {  	v48 =	vperm.xlane v21, v9;
	v42 =	vmul.f32 v38, v57;
	[tilespmem:$0x3280] =	vst v50  }
0xbb: {  	v54 =	vld [tilespmem:$0x1380];
	v56 =	vperm.xlane v23, v11;
	v47 =	vmul.f32 v38, v59;
	[tilespmem:$0x3290] =	vst v55  }
0xbc: {  	v60 =	vld [tilespmem:$0x1390];
	v62 =	vmul.f32 v52, v49;
	v53 =	vmul.f32 v48, v61;
	[tilespmem:$0x5200] =	vst v42  }
0xbd: {  	v37 =	vld [tilespmem:$0x1400];
	v57 =	vmul.f32 v52, v43;
	v58 =	vmul.f32 v48, v39;
	[tilespmem:$0x5210] =	vst v47  }
0xbe: {  	v63 =	vperm.xlane v22, v12;
	v59 =	vperm.xlane v21, v11;
	v38 =	vadd.f32 v56, v62;
	[tilespmem:$0x5280] =	vst v53  }
0xbf: {  	v46 =	vperm.xlane v22, v7;
	v39 =	vperm.xlane v23, v12;
	v61 =	vadd.f32 v56, v57;
	[tilespmem:$0x5290] =	vst v58  }
0xc0: {  	v40 =	vmul.f32 v63, v54;
	v36 =	vmul.f32 v59, v43;
	[tilespmem:$0x3310] =	vst v38  }
0xc1: {  	v45 =	vmul.f32 v63, v60;
	v41 =	vmul.f32 v59, v49;
	[tilespmem:$0x3300] =	vst v61  }
0xc2: {  	v50 =	vperm.xlane v23, v7;
	v51 =	vmul.f32 v46, v37;
	v44 =	vadd.f32 v39, v40;
	[tilespmem:$0x5300] =	vst v36  }
0xc3: {  	v48 =	vld [tilespmem:$0x1480];
	v42 =	vperm.xlane v21, v12;
	v49 =	vadd.f32 v39, v45;
	[tilespmem:$0x5310] =	vst v41  }
0xc4: {  	v43 =	vld [tilespmem:$0x1410];
	v53 =	vperm.xlane v21, v7;
	v55 =	vadd.f32 v50, v51;
	[tilespmem:$0x3380] =	vst v44  }
0xc5: {  	v57 =	vperm.xlane v22, v13;
	v47 =	vmul.f32 v42, v54;
	[tilespmem:$0x3390] =	vst v49  }
0xc6: {  	v59 =	vld [tilespmem:$0x1500];
	v52 =	vmul.f32 v42, v60;
	v36 =	vperm.xlane v21, v13;
	[tilespmem:$0x3400] =	vst v55  }
0xc7: {  	v58 =	vmul.f32 v53, v37;
	v61 =	vperm.xlane v23, v13;
	[tilespmem:$0x5380] =	vst v47  }
0xc8: {  	v54 =	vld [tilespmem:$0x1490];
	v62 =	vmul.f32 v57, v48;
	[tilespmem:$0x5390] =	vst v52;
	v41 =	vmul.f32 v36, v48  }
0xc9: {  	[tilespmem:$0x5400] =	vst v58;
	v47 =	vperm.xlane v21, v3;
	v63 =	vmul.f32 v53, v43  }
0xca: {  	v40 =	vperm.xlane v22, v3;
	v37 =	vld [tilespmem:$0x1510];
	v56 =	vmul.f32 v46, v43;
	v38 =	vadd.f32 v61, v62;
	[tilespmem:$0x5480] =	vst v41  }
0xcb: {  	v42 =	vld [tilespmem:$0x1580];
	v52 =	vmul.f32 v47, v59;
	[tilespmem:$0x5410] =	vst v63  }
0xcc: {  	v44 =	vperm.xlane v23, v3;
	v45 =	vmul.f32 v40, v59;
	v60 =	vadd.f32 v50, v56;
	[tilespmem:$0x3480] =	vst v38  }
0xcd: {  	v46 =	vmul.f32 v36, v54;
	[tilespmem:$0x5500] =	vst v52  }
0xce: {  	v51 =	vperm.xlane v22, v14;
	v39 =	vmul.f32 v57, v54;
	v49 =	vadd.f32 v44, v45;
	[tilespmem:$0x3410] =	vst v60  }
0xcf: {  	v48 =	vld [tilespmem:$0x1590];
	v50 =	vmul.f32 v40, v37;
	v59 =	vmul.f32 v47, v37;
	[tilespmem:$0x5490] =	vst v46  }
0xd0: {  	v58 =	vld [tilespmem:$0x1610];
	v56 =	vperm.xlane v23, v14;
	v57 =	vmul.f32 v51, v42;
	v43 =	vadd.f32 v61, v39;
	[tilespmem:$0x3500] =	vst v49  }
0xd1: {  	v53 =	vperm.xlane v21, v14;
	v63 =	vperm.xlane v22, v15;
	v55 =	vadd.f32 v44, v50;
	[tilespmem:$0x5510] =	vst v59  }
0xd2: {  	v37 =	vperm.xlane v21, v15;
	v40 =	vperm.xlane v23, v15;
	v61 =	vadd.f32 v56, v57;
	[tilespmem:$0x3490] =	vst v43  }
0xd3: {  	v54 =	vld [tilespmem:$0x1600];
	v45 =	vperm.xlane v21, v1;
	v60 =	vmul.f32 v53, v42;
	[tilespmem:$0x3510] =	vst v55  }
0xd4: {  	v38 =	vld [tilespmem:$0x1680];
	v62 =	vmul.f32 v51, v48;
	v36 =	vmul.f32 v53, v48;
	[tilespmem:$0x3580] =	vst v61  }
0xd5: {  	v47 =	vld [tilespmem:$0x1700];
	v30 =	vmul.f32 v63, v58;
	v48 =	vmul.f32 v37, v58;
	[tilespmem:$0x5580] =	vst v60  }
0xd6: {  	v46 =	vperm.xlane v22, v1;
	v49 =	vperm.xlane v23, v1;
	v39 =	vadd.f32 v56, v62;
	[tilespmem:$0x5590] =	vst v36  }
0xd7: {  	v42 =	vld [tilespmem:$0x1690];
	v58 =	vperm.xlane v21, v8;
	v51 =	vadd.f32 v40, v30;
	v55 =	vperm.xlane v22, v8;
	[tilespmem:$0x5610] =	vst v48  }
0xd8: {  	v50 =	vld [tilespmem:$0x1710];
	v60 =	vperm.xlane v23, v8;
	v43 =	vmul.f32 v37, v54;
	[tilespmem:$0x3590] =	vst v39  }
0xd9: {  	v41 =	vmul.f32 v63, v54;
	v53 =	vmul.f32 v45, v38;
	[tilespmem:$0x3610] =	vst v51  }
0xda: {  	v52 =	vmul.f32 v46, v38;
	v37 =	vmul.f32 v58, v47;
	[tilespmem:$0x5600] =	vst v43  }
0xdb: {  	v59 =	vld [tilespmem:$0x1780];
	v48 =	vperm.xlane v22, v17;
	v61 =	vmul.f32 v55, v47;
	v44 =	vadd.f32 v40, v41;
	[tilespmem:$0x5680] =	vst v53  }
0xdc: {  	v39 =	vperm.xlane v21, v16;
	v54 =	vmul.f32 v46, v42;
	v56 =	vadd.f32 v49, v52;
	[tilespmem:$0x5700] =	vst v37  }
0xdd: {  	v62 =	vld [tilespmem:$0x1790];
	v57 =	vmul.f32 v45, v42;
	v38 =	vmul.f32 v55, v50;
	[tilespmem:$0x3600] =	vst v44  }
0xde: {  	v40 =	vperm.xlane v22, v16;
	v29 =	vmul.f32 v58, v50;
	[tilespmem:$0x3680] =	vst v56  }
0xdf: {  	v51 =	vld [tilespmem:$0x1880];
	v43 =	vperm.xlane v23, v16;
	v50 =	vperm.xlane v21, v17;
	v42 =	vadd.f32 v60, v61;
	[tilespmem:$0x5690] =	vst v57  }
0xe0: {  	v53 =	vperm.xlane v23, v17;
	v32 =	vmul.f32 v39, v59;
	[tilespmem:$0x5710] =	vst v29  }
0xe1: {  	v34 =	vld [tilespmem:$0x1900];
	v58 =	vperm.xlane v22, v18;
	v63 =	vadd.f32 v49, v54;
	v45 =	vmul.f32 v40, v59;
	[tilespmem:$0x3700] =	vst v42  }
0xe2: {  	v41 =	vld [tilespmem:$0x1800];
	v46 =	vadd.f32 v60, v38;
	v47 =	vmul.f32 v40, v62;
	v49 =	vmul.f32 v39, v62;
	[tilespmem:$0x5780] =	vst v32  }
0xe3: {  	v55 =	vld [tilespmem:$0x1890];
	v59 =	vperm.xlane v23, v18;
	v60 =	vperm.xlane v21, v18;
	[tilespmem:$0x3690] =	vst v63  }
0xe4: {  	v44 =	vld [tilespmem:$0x1810];
	[tilespmem:$0x3710] =	vst v46;
	v52 =	vadd.f32 v43, v45;
	v62 =	vmul.f32 v58, v51;
	v63 =	vperm.xlane v22, v19  }
0xe5: {  	v33 =	vld [tilespmem:$0x1910];
	v57 =	vadd.f32 v43, v47;
	[tilespmem:$0x5790] =	vst v49;
	v45 =	vmul.f32 v60, v51;
	v49 =	vperm.xlane v23, v19  }
0xe6: {  	v39 =	vld [tilespmem:$0x1980];
	v22 =	vperm.xlane v22, v20;
	v23 =	vperm.xlane v23, v20;
	[tilespmem:$0x3780] =	vst v52  }
0xe7: {  	v47 =	vld [tilespmem:$0x30];
	v54 =	vmul.f32 v48, v41;
	v56 =	vmul.f32 v50, v41;
	[tilespmem:$0x3790] =	vst v57  }
0xe8: {  	v51 =	vld [tilespmem:$0xB0];
	v46 =	vmul.f32 v58, v55;
	v55 =	vmul.f32 v60, v55;
	[tilespmem:$0x5880] =	vst v45  }
0xe9: {  	v52 =	vperm.xlane v21, v19;
	v27 =	vmul.f32 v48, v44;
	v61 =	vadd.f32 v53, v54;
	[tilespmem:$0x5800] =	vst v56  }
0xea: {  	v57 =	vld [tilespmem:$0x1990];
	v25 =	vmul.f32 v50, v44;
	v48 =	vadd.f32 v59, v62;
	v50 =	vmul.f32 v63, v34;
	[tilespmem:$0x5890] =	vst v55  }
0xeb: {  	v28 =	vadd.f32 v59, v46;
	v54 =	vld [tilespmem:$0x130];
	v60 =	vmul.f32 v22, v39;
	v59 =	vmul.f32 v52, v34;
	[tilespmem:$0x3800] =	vst v61  }
0xec: {  	v29 =	vmul.f32 v52, v33;
	v44 =	vadd.f32 v53, v27;
	v53 =	vmul.f32 v63, v33;
	[tilespmem:$0x5810] =	vst v25  }
0xed: {  	v56 =	vadd.f32 v49, v50;
	[tilespmem:$0x3880] =	vst v48;
	v30 =	vadd.s32 $0xFFFFFFFE, v47;
	vm11 =	vlt.s32 v51, $0xA  }
0xee: {  	v61 =	vperm.xlane v21, v20;
	[tilespmem:$0x3890] =	vst v28;
	v24 =	vadd.f32 v23, v60;
	vm10 =	vlt.u32 v30, $0x4  }
0xef: {  	[tilespmem:$0x5900] =	vst v59;
	v58 =	vadd.f32 v49, v53;
	vm0 =	vmand vm10, vm11;
	v21 =	vmul.f32 v22, v57  }
0xf0: {  	[tilespmem:$0x5910] =	vst v29;
	v40 =	vmul.f32 v61, v39;
	vm12 =	vgt.s32 v54, $0x1;
	vm13 =	veq.s32 v54, $0x0  }
0xf1: {  	v62 =	vld [tilespmem:$0x1A00];
	[tilespmem:$0x3810] =	vst v44;
	vm14 =	veq.s32 v54, $0x1;
	vm1 =	vmand vm0, vm12;
	vm2 =	vmand vm0, vm13  }
0xf2: {  	v37 =	vld [tilespmem:$0x1A10];
	[tilespmem:$0x3900] =	vst v56;
	v63 =	vadd.f32 v23, v21;
	vm0 =	vmand vm0, vm14;
	v23 =	vsel vm1, $0x3F000000, v0  }
0xf3: {  	v41 =	vld [tilespmem:$0x1A80];
	[tilespmem:$0x3980] =	vst v24;
	v27 =	vmul.f32 v61, v57;
	v21 =	vsel vm2, $0x3F800000, v0;
	v23 =	vsel vm0, $0x3F800000, v23  }
0xf4: {  	v45 =	vld [tilespmem:$0x1A90];
	[tilespmem:$0x3910] =	vst v58;
	v38 =	vperm.xlane v21, v0;
	v44 =	vperm.xlane v23, v0  }
0xf5: {  	v48 =	vld [tilespmem:$0x1B00];
	[tilespmem:$0x5980] =	vst v40;
	v47 =	vperm.xlane v21, v9;
	v56 =	vperm.xlane v21, v11  }
0xf6: {  	v53 =	vld [tilespmem:$0x1B10];
	[tilespmem:$0x5990] =	vst v27;
	vm15 =	vmneg vm1;
	v52 =	vperm.xlane v23, v9;
	v26 =	vmul.f32 v44, v62  }
0xf7: {  	vm4 =	vmor vm14, vm15;
	[tilespmem:$0x3990] =	vst v63;
	v63 =	vperm.xlane v23, v11;
	v51 =	vmul.f32 v44, v37  }
0xf8: {  	v22 =	vsel vm4, $0x3F800000, v10;
	v43 =	vmul.f32 v38, v62;
	v57 =	vmul.f32 v52, v41;
	[tilespmem:$0x5A00] =	vst v26  }
0xf9: {  	v22 =	vsel vm2, $0x0, v22;
	v25 =	vmul.f32 v38, v37;
	v62 =	vmul.f32 v52, v45;
	[tilespmem:$0x5A10] =	vst v51  }
0xfa: {  	v42 =	vperm.xlane v22, v0;
	v40 =	vmul.f32 v63, v48;
	[tilespmem:$0x5A80] =	vst v57  }
0xfb: {  	v58 =	vld [tilespmem:$0x1B80];
	v55 =	vmul.f32 v47, v45;
	v45 =	vmul.f32 v63, v53;
	[tilespmem:$0x5A90] =	vst v62  }
0xfc: {  	v36 =	vld [tilespmem:$0x1B90];
	v50 =	vmul.f32 v47, v41;
	v49 =	vperm.xlane v22, v9;
	v46 =	vadd.f32 v42, v43;
	[tilespmem:$0x5B00] =	vst v40  }
0xfd: {  	v39 =	vperm.xlane v21, v12;
	v24 =	vadd.f32 v42, v25;
	[tilespmem:$0x5B10] =	vst v45  }
0xfe: {  	v61 =	vmul.f32 v56, v48;
	v60 =	vperm.xlane v22, v11;
	v54 =	vadd.f32 v49, v50;
	[tilespmem:$0x3A00] =	vst v46  }
0xff: {  	v38 =	vmul.f32 v56, v53;
	v47 =	vld [tilespmem:$0x1C10];
	v59 =	vadd.f32 v49, v55;
	[tilespmem:$0x3A10] =	vst v24  }
0x100: {  	v41 =	vld [tilespmem:$0x1C00];
	v44 =	vmul.f32 v39, v58;
	v37 =	vadd.f32 v60, v61;
	v43 =	vperm.xlane v22, v12;
	[tilespmem:$0x3A80] =	vst v54  }
0x101: {  	v52 =	vld [tilespmem:$0x1C80];
	v42 =	vadd.f32 v60, v38;
	v49 =	vmul.f32 v39, v36;
	[tilespmem:$0x3A90] =	vst v59  }
0x102: {  	v57 =	vperm.xlane v23, v7;
	[tilespmem:$0x3B00] =	vst v37;
	v48 =	vadd.f32 v43, v44  }
0x103: {  	v50 =	vperm.xlane v21, v7;
	v61 =	vperm.xlane v21, v13;
	[tilespmem:$0x3B10] =	vst v42;
	v53 =	vadd.f32 v43, v49  }
0x104: {  	v39 =	vperm.xlane v23, v13;
	v38 =	vmul.f32 v57, v47;
	[tilespmem:$0x3B80] =	vst v48  }
0x105: {  	v46 =	vperm.xlane v23, v12;
	v62 =	vmul.f32 v57, v41;
	[tilespmem:$0x3B90] =	vst v53  }
0x106: {  	v63 =	vld [tilespmem:$0x1D00];
	v54 =	vperm.xlane v22, v7;
	v44 =	vmul.f32 v39, v52;
	[tilespmem:$0x5C10] =	vst v38  }
0x107: {  	v40 =	vld [tilespmem:$0x1D10];
	v60 =	vmul.f32 v50, v47;
	v51 =	vmul.f32 v46, v58;
	[tilespmem:$0x5C00] =	vst v62  }
0x108: {  	v55 =	vmul.f32 v50, v41;
	v56 =	vmul.f32 v46, v36;
	[tilespmem:$0x5C80] =	vst v44  }
0x109: {  	v45 =	vld [tilespmem:$0x1D80];
	v43 =	vperm.xlane v21, v3;
	v50 =	vperm.xlane v23, v3;
	v35 =	vadd.f32 v54, v60;
	[tilespmem:$0x5B80] =	vst v51  }
0x10a: {  	v47 =	vperm.xlane v22, v3;
	v37 =	vmul.f32 v61, v52;
	v58 =	vld [tilespmem:$0x1C90];
	v59 =	vadd.f32 v54, v55;
	[tilespmem:$0x5B90] =	vst v56  }
0x10b: {  	v36 =	vperm.xlane v22, v13;
	v55 =	vmul.f32 v50, v63;
	[tilespmem:$0x3C10] =	vst v35  }
0x10c: {  	v48 =	vmul.f32 v43, v63;
	v60 =	vmul.f32 v50, v40;
	[tilespmem:$0x3C00] =	vst v59  }
0x10d: {  	v53 =	vmul.f32 v43, v40;
	v54 =	vperm.xlane v21, v14;
	v41 =	vadd.f32 v36, v37;
	[tilespmem:$0x5D00] =	vst v55  }
0x10e: {  	v62 =	vld [tilespmem:$0x1E10];
	v52 =	vadd.f32 v47, v48;
	[tilespmem:$0x5D10] =	vst v60  }
0x10f: {  	v51 =	vld [tilespmem:$0x1D90];
	v57 =	vadd.f32 v47, v53;
	v59 =	vmul.f32 v54, v45;
	[tilespmem:$0x3C80] =	vst v41;
	v42 =	vmul.f32 v61, v58  }
0x110: {  	v56 =	vld [tilespmem:$0x1E00];
	[tilespmem:$0x3D00] =	vst v52;
	v49 =	vmul.f32 v39, v58;
	v58 =	vperm.xlane v22, v14  }
0x111: {  	v61 =	vperm.xlane v23, v14;
	[tilespmem:$0x3D10] =	vst v57;
	v46 =	vadd.f32 v36, v42  }
0x112: {  	v44 =	vperm.xlane v23, v15;
	[tilespmem:$0x5C90] =	vst v49;
	v63 =	vadd.f32 v58, v59  }
0x113: {  	v37 =	vperm.xlane v21, v15;
	v38 =	vmul.f32 v61, v45;
	[tilespmem:$0x3C90] =	vst v46  }
0x114: {  	v50 =	vld [tilespmem:$0x1F00];
	v41 =	vperm.xlane v22, v15;
	v43 =	vmul.f32 v61, v51;
	[tilespmem:$0x3D80] =	vst v63  }
0x115: {  	v39 =	vld [tilespmem:$0x1E80];
	v47 =	vmul.f32 v37, v62;
	v49 =	vmul.f32 v44, v56;
	[tilespmem:$0x5D80] =	vst v38  }
0x116: {  	v36 =	vmul.f32 v54, v51;
	v54 =	vmul.f32 v44, v62;
	[tilespmem:$0x5D90] =	vst v43  }
0x117: {  	v42 =	vmul.f32 v37, v56;
	v59 =	vperm.xlane v21, v8;
	v51 =	vadd.f32 v41, v47;
	[tilespmem:$0x5E00] =	vst v49  }
0x118: {  	v48 =	vperm.xlane v21, v1;
	v55 =	vperm.xlane v23, v1;
	v40 =	vadd.f32 v58, v36;
	[tilespmem:$0x5E10] =	vst v54  }
0x119: {  	v45 =	vld [tilespmem:$0x1E90];
	v46 =	vadd.f32 v41, v42;
	v63 =	vperm.xlane v22, v8;
	v36 =	vmul.f32 v59, v50;
	[tilespmem:$0x3E10] =	vst v51  }
0x11a: {  	v56 =	vld [tilespmem:$0x1F10];
	v38 =	vperm.xlane v23, v8;
	v60 =	vmul.f32 v55, v39;
	[tilespmem:$0x3D90] =	vst v40  }
0x11b: {  	v52 =	vperm.xlane v22, v1;
	v61 =	vld [tilespmem:$0x1F80];
	v53 =	vmul.f32 v48, v39;
	[tilespmem:$0x3E00] =	vst v46;
	v40 =	vadd.f32 v63, v36  }
0x11c: {  	v43 =	vmul.f32 v38, v50;
	[tilespmem:$0x5E80] =	vst v60  }
0x11d: {  	v42 =	vperm.xlane v21, v16;
	v57 =	vadd.f32 v52, v53;
	[tilespmem:$0x3F00] =	vst v40  }
0x11e: {  	v49 =	vperm.xlane v23, v16;
	v37 =	vmul.f32 v55, v45;
	[tilespmem:$0x5F00] =	vst v43  }
0x11f: {  	v44 =	vld [tilespmem:$0x2000];
	v58 =	vmul.f32 v48, v45;
	v48 =	vmul.f32 v38, v56;
	[tilespmem:$0x3E80] =	vst v57  }
0x120: {  	v39 =	vld [tilespmem:$0x1F90];
	v41 =	vmul.f32 v59, v56;
	v54 =	vmul.f32 v49, v61;
	[tilespmem:$0x5E90] =	vst v37  }
0x121: {  	v46 =	vperm.xlane v22, v16;
	v47 =	vmul.f32 v42, v61;
	v62 =	vadd.f32 v52, v58;
	[tilespmem:$0x5F10] =	vst v48  }
0x122: {  	v50 =	vld [tilespmem:$0x2010];
	v53 =	vperm.xlane v21, v17;
	v60 =	vperm.xlane v23, v17;
	v45 =	vadd.f32 v63, v41;
	[tilespmem:$0x5F80] =	vst v54  }
0x123: {  	v51 =	vadd.f32 v46, v47;
	v57 =	vperm.xlane v22, v17;
	[tilespmem:$0x3E90] =	vst v62  }
0x124: {  	v55 =	vld [tilespmem:$0x2080];
	v58 =	vmul.f32 v53, v44;
	v37 =	vmul.f32 v60, v44;
	[tilespmem:$0x3F10] =	vst v45  }
0x125: {  	v61 =	vld [tilespmem:$0x2090];
	v59 =	vmul.f32 v49, v39;
	[tilespmem:$0x3F80] =	vst v51  }
0x126: {  	v36 =	vperm.xlane v21, v18;
	v38 =	vld [tilespmem:$0x2100];
	v52 =	vmul.f32 v42, v39;
	v62 =	vadd.f32 v57, v58;
	[tilespmem:$0x6000] =	vst v37  }
0x127: {  	v43 =	vperm.xlane v23, v18;
	v42 =	vmul.f32 v60, v50;
	[tilespmem:$0x5F90] =	vst v59  }
0x128: {  	v40 =	vperm.xlane v22, v18;
	v47 =	vperm.xlane v21, v19;
	v56 =	vadd.f32 v46, v52;
	[tilespmem:$0x4000] =	vst v62  }
0x129: {  	v54 =	vperm.xlane v23, v19;
	v48 =	vmul.f32 v43, v55;
	[tilespmem:$0x6010] =	vst v42  }
0x12a: {  	v63 =	vmul.f32 v53, v50;
	v53 =	vmul.f32 v43, v61;
	[tilespmem:$0x3F90] =	vst v56  }
0x12b: {  	v44 =	vld [tilespmem:$0x2110];
	v41 =	vmul.f32 v36, v55;
	v58 =	vmul.f32 v54, v38;
	[tilespmem:$0x6080] =	vst v48  }
0x12c: {  	v49 =	vld [tilespmem:$0x2180];
	v46 =	vmul.f32 v36, v61;
	v39 =	vadd.f32 v57, v63;
	[tilespmem:$0x6090] =	vst v53  }
0x12d: {  	v51 =	vperm.xlane v22, v19;
	v52 =	vmul.f32 v47, v38;
	v55 =	vld [tilespmem:$0x2190];
	v45 =	vadd.f32 v40, v41;
	[tilespmem:$0x6100] =	vst v58  }
0x12e: {  	v21 =	vperm.xlane v21, v20;
	v50 =	vadd.f32 v40, v46;
	[tilespmem:$0x4010] =	vst v39  }
0x12f: {  	v23 =	vperm.xlane v23, v20;
	v22 =	vperm.xlane v22, v20;
	v56 =	vadd.f32 v51, v52;
	[tilespmem:$0x4080] =	vst v45  }
0x130: {  	v57 =	vmul.f32 v47, v44;
	v61 =	vmul.f32 v54, v44;
	[tilespmem:$0x4090] =	vst v50  }
0x131: {  	v60 =	vmul.f32 v21, v49;
	v63 =	vmul.f32 v23, v49;
	[tilespmem:$0x4100] =	vst v56  }
0x132: {  	v59 =	vadd.f32 v51, v57;
	[tilespmem:$0x6110] =	vst v61;
	v21 =	vmul.f32 v21, v55  }
0x133: {  	v62 =	vadd.f32 v22, v60;
	[tilespmem:$0x6180] =	vst v63  }
0x134: {  	[tilespmem:$0x4110] =	vst v59;
	v21 =	vadd.f32 v22, v21  }
0x135: {  	[tilespmem:$0x4180] =	vst v62;
	v22 =	vmul.f32 v23, v55  }
0x136: {  	[tilespmem:$0x4190] =	vst v21  }
0x137: {  	s20 =	simm.s32 $0x0;
	[tilespmem:$0x6190] =	vst v22  }
.LBB2_2:
0x138: {  	s1 =	smul.u32 $0x30, s20;
	_ =	sdelay $0x1  }
0x139: {  	s1 =	sadd.s32 s1, s9  }
0x13a: {  	s21 =	sshll.u32 s1, $0x8  }
0x13b: {  	s22 =	simm.s32 $0x0;
	s1 =	sadd.s32 s0, s21  }
0x13c: {  	[tilespmem:s18], [sflag:$0x2] =	stream.linear.gather [hbm4b:s1+s22], $0x18000, $0x38;
	[tilespmem:$0x1E200] =	vst v63  }
0x13d: {  	_ =	swait.ge [sflag:s11], $0x18000  }
0x13e: {  	p0 =	por $0x0, $0x0;
	[sflag:s11] =	ssyncset.done $0x0  }
0x13f: {  	s23 =	simm.s32 $0x0;
	s24 =	simm.s32 $0x0;
	[sflag:s11] =	ssyncadd.s32 $0xFFFE8000  }
.LBB2_3:
0x140: {  	s1 =	simm.s32 $0x1  }
0x141: {  	s25 =	sshll.u32 s24, $0x2;
	s1 =	simm.s32 @!p0 $0x0  }
0x142: {  	s25 =	sand.u32 $0xFFFFF000, s25;
	s1 =	sshll.u32 s1, $0x8  }
0x143: {  	s28 =	sshll.u32 s22, $0x7;
	s1 =	sor.u32 s1, s25  }
0x144: {  	v22 =	vld [tilespmem:s28+$0x2200];
	s1 =	sshrl.u32 s1, $0x2  }
0x145: {  	v21 =	vld [tilespmem:s28+$0x4200];
	s30 =	sadd.s32 $0xA200, s1  }
0x146: {  	v23 =	vld [tilespmem:s30+$0x0]  }
0x147: {  	v24 =	vld [tilespmem:s30+$0xFFFFC100]  }
0x148: {  	v26 =	vld [tilespmem:s30+$0xFFFFC180]  }
0x149: {  	v25 =	vld [tilespmem:s30+$0x300]  }
0x14a: {  	v27 =	vld [tilespmem:s30+$0x200]  }
0x14b: {  	v34 =	vld [tilespmem:s30+$0x100]  }
0x14c: {  	v28 =	vld [tilespmem:s30+$0xFFFFC000]  }
0x14d: {  	v29 =	vld [tilespmem:s30+$0x180]  }
0x14e: {  	v30 =	vld [tilespmem:s30+$0xFFFFC380];
	v25 =	vmul.f32 v25, v22  }
0x14f: {  	v35 =	vld [tilespmem:s30+$0xFFFFC280];
	v31 =	vmul.f32 v23, v22  }
0x150: {  	s26 =	sand.u32 $0x3, s23;
	v23 =	vld [tilespmem:s30+$0x380];
	v27 =	vmul.f32 v27, v22;
	v32 =	vadd.f32 v25, v21  }
0x151: {  	s26 =	sshll.u32 s26, $0x7;
	v33 =	vmul.f32 v24, v22;
	v24 =	vld [tilespmem:s30+$0xFFFFC300];
	v31 =	vadd.f32 v31, v21  }
0x152: {  	s25 =	sor.u32 s26, s25;
	v26 =	vmul.f32 v26, v22;
	v37 =	vmul.f32 v29, v22;
	v25 =	vld [tilespmem:s30+$0x280];
	v36 =	vadd.f32 v27, v21;
	[tilespmem:s30+$0x300] =	vst v32  }
0x153: {  	s26 =	sshrl.u32 s25, $0x2;
	v28 =	vmul.f32 v28, v22;
	v38 =	vadd.f32 v33, v21;
	v27 =	vld [tilespmem:s30+$0xFFFFC200];
	[tilespmem:s30+$0x0] =	vst v31  }
0x154: {  	s31 =	simm.s32 $0x0;
	s25 =	sadd.s32 $0xA230, s26;
	v34 =	vmul.f32 v34, v22;
	v29 =	vadd.f32 v26, v21;
	v26 =	vld [tilespmem:s30+$0x80];
	v33 =	vadd.f32 v37, v21;
	[tilespmem:s30+$0x200] =	vst v36  }
0x155: {  	s26 =	sadd.s32 $0xA220, s26;
	s29 =	sadd.s32 $0xA210, s1;
	s1 =	sadd.s32 $0x8000, s30;
	v31 =	vmul.f32 v30, v22;
	v32 =	vadd.f32 v28, v21;
	v28 =	vld [tilespmem:s30+$0xFFFFC080];
	[tilespmem:s30+$0xFFFFC100] =	vst v38;
	v30 =	vmul.f32 v35, v22  }
.LBB2_4:
0x156: {  	v35 =	vld [tilespmem:s1+$0x0];
	s31 =	sadd.s32 $0x10, s31;
	[tilespmem:s30+$0x180] =	vst v33;
	v23 =	vmul.f32 v23, v22  }
0x157: {  	v25 =	vmul.f32 v25, v22;
	v33 =	vld [tilespmem:s1+$0xFFFFC100];
	p1 =	slt.u32 s31, $0x20;
	[tilespmem:s30+$0xFFFFC180] =	vst v29;
	v29 =	vadd.f32 v31, v21;
	v31 =	vadd.f32 v34, v21  }
0x158: {  	v24 =	vmul.f32 v24, v22;
	v34 =	vld [tilespmem:s1+$0xFFFFC180];
	[tilespmem:s30+$0xFFFFC000] =	vst v32;
	v27 =	vmul.f32 v27, v22  }
0x159: {  	v25 =	vadd.f32 v25, v21;
	v23 =	vadd.f32 v23, v21;
	v32 =	vld [tilespmem:s1+$0x300];
	[tilespmem:s30+$0xFFFFC380] =	vst v29;
	v26 =	vmul.f32 v26, v22  }
0x15a: {  	v30 =	vadd.f32 v30, v21;
	v29 =	vld [tilespmem:s1+$0x200];
	v28 =	vmul.f32 v28, v22;
	v27 =	vadd.f32 v27, v21;
	[tilespmem:s30+$0x100] =	vst v31  }
0x15b: {  	v31 =	vmul.f32 v35, v22;
	v35 =	vld [tilespmem:s1+$0x100];
	v26 =	vadd.f32 v26, v21;
	[tilespmem:s30+$0x380] =	vst v23  }
0x15c: {  	v36 =	vld [tilespmem:s1+$0xFFFFC000];
	v28 =	vadd.f32 v28, v21;
	[tilespmem:s30+$0xFFFFC280] =	vst v30  }
0x15d: {  	v30 =	vadd.f32 v31, v21;
	v31 =	vld [tilespmem:s1+$0x180];
	[tilespmem:s30+$0xFFFFC200] =	vst v27  }
0x15e: {  	v37 =	vld [tilespmem:s1+$0xFFFFC380];
	v27 =	vmul.f32 v32, v22;
	[tilespmem:s30+$0x280] =	vst v25  }
0x15f: {  	v24 =	vadd.f32 v24, v21;
	v25 =	vmul.f32 v29, v22;
	v23 =	vld [tilespmem:s1+$0x380];
	[tilespmem:s30+$0x80] =	vst v26  }
0x160: {  	v26 =	vmul.f32 v34, v22;
	v34 =	vld [tilespmem:s1+$0xFFFFC280];
	v27 =	vadd.f32 v27, v21;
	[tilespmem:s30+$0xFFFFC080] =	vst v28  }
.Ltmp0:
0x161: {  	v32 =	vmul.f32 v33, v22;
	v28 =	vmul.f32 v36, v22;
	v36 =	vadd.f32 v25, v21;
	v25 =	vld [tilespmem:s1+$0x280];
	[tilespmem:s30+$0xFFFFC300] =	vst v24;
	s30 =	smov.u32 s1;
	(pc) =	sbr.rel @p1 .LBB2_4-.Ltmp0, $4  }
0x162: {  	v29 =	vadd.f32 v26, v21;
	v24 =	vld [tilespmem:s1+$0xFFFFC300];
	v33 =	vmul.f32 v31, v22;
	[tilespmem:s1+$0x300] =	vst v27  }
0x163: {  	v38 =	vadd.f32 v32, v21;
	v27 =	vld [tilespmem:s1+$0xFFFFC200];
	v31 =	vmul.f32 v37, v22;
	[tilespmem:s1+$0x0] =	vst v30  }
0x164: {  	v26 =	vld [tilespmem:s1+$0x80];
	v33 =	vadd.f32 v33, v21;
	[tilespmem:s1+$0x200] =	vst v36  }
0x165: {  	v32 =	vadd.f32 v28, v21;
	s1 =	sadd.s32 $0x8000, s1;
	v28 =	vld [tilespmem:s30+$0xFFFFC080];
	[tilespmem:s30+$0xFFFFC100] =	vst v38;
	v30 =	vmul.f32 v34, v22;
	v34 =	vmul.f32 v35, v22  }
0x166: {  	[tilespmem:s30+$0x180] =	vst v33  }
0x167: {  	v23 =	vmul.f32 v23, v22;
	[tilespmem:s30+$0xFFFFC180] =	vst v29;
	v29 =	vadd.f32 v31, v21  }
0x168: {  	v31 =	vadd.f32 v34, v21;
	[tilespmem:s30+$0xFFFFC000] =	vst v32  }
0x169: {  	v27 =	vmul.f32 v27, v22;
	[tilespmem:s30+$0xFFFFC380] =	vst v29;
	v23 =	vadd.f32 v23, v21  }
0x16a: {  	v25 =	vmul.f32 v25, v22;
	v29 =	vadd.f32 v30, v21;
	[tilespmem:s30+$0x100] =	vst v31  }
0x16b: {  	v26 =	vmul.f32 v26, v22;
	v27 =	vadd.f32 v27, v21;
	[tilespmem:s30+$0x380] =	vst v23  }
0x16c: {  	v23 =	vadd.f32 v25, v21;
	v25 =	vmul.f32 v28, v22;
	[tilespmem:s30+$0xFFFFC280] =	vst v29  }
0x16d: {  	v22 =	vmul.f32 v24, v22;
	v24 =	vadd.f32 v26, v21;
	[tilespmem:s30+$0xFFFFC200] =	vst v27  }
0x16e: {  	v25 =	vadd.f32 v25, v21;
	[tilespmem:s30+$0x280] =	vst v23  }
0x16f: {  	v21 =	vadd.f32 v22, v21;
	[tilespmem:s30+$0x80] =	vst v24  }
0x170: {  	[tilespmem:s30+$0xFFFFC080] =	vst v25  }
0x171: {  	[tilespmem:s30+$0xFFFFC300] =	vst v21  }
0x172: {  	v22 =	vld [tilespmem:s28+$0x2210]  }
0x173: {  	v21 =	vld [tilespmem:s28+$0x4210]  }
0x174: {  	v23 =	vld [tilespmem:s29+$0x0]  }
0x175: {  	v25 =	vld [tilespmem:s29+$0xFFFFC100]  }
0x176: {  	v26 =	vld [tilespmem:s29+$0xFFFFC180]  }
0x177: {  	v24 =	vld [tilespmem:s29+$0x300]  }
0x178: {  	v27 =	vld [tilespmem:s29+$0x200]  }
0x179: {  	v61 =	vld [tilespmem:s29+$0x100]  }
0x17a: {  	v28 =	vld [tilespmem:s29+$0xFFFFC000]  }
0x17b: {  	v29 =	vld [tilespmem:s29+$0x180]  }
0x17c: {  	v31 =	vld [tilespmem:s29+$0xFFFFC380];
	v30 =	vmul.f32 v24, v22  }
0x17d: {  	v35 =	vld [tilespmem:s29+$0xFFFFC280];
	v23 =	vmul.f32 v23, v22  }
0x17e: {  	v24 =	vld [tilespmem:s29+$0x380];
	v27 =	vmul.f32 v27, v22;
	v30 =	vadd.f32 v30, v21  }
0x17f: {  	v63 =	vmul.f32 v25, v22;
	v25 =	vld [tilespmem:s29+$0x280];
	v26 =	vmul.f32 v26, v22;
	v62 =	vadd.f32 v23, v21  }
0x180: {  	v29 =	vmul.f32 v29, v22;
	v36 =	vmul.f32 v28, v22;
	v28 =	vld [tilespmem:s29+$0xFFFFC200];
	v27 =	vadd.f32 v27, v21;
	[tilespmem:s29+$0x300] =	vst v30  }
0x181: {  	v23 =	vld [tilespmem:s29+$0xFFFFC300];
	v37 =	vadd.f32 v63, v21;
	[tilespmem:s29+$0x0] =	vst v62  }
0x182: {  	v31 =	vmul.f32 v31, v22;
	v33 =	vadd.f32 v29, v21;
	v30 =	vadd.f32 v26, v21;
	v26 =	vld [tilespmem:s29+$0x80];
	[tilespmem:s29+$0x200] =	vst v27  }
0x183: {  	s1 =	sadd.s32 $0x8000, s29;
	s30 =	simm.s32 $0x0;
	v34 =	vmul.f32 v61, v22;
	v32 =	vadd.f32 v36, v21;
	v29 =	vmul.f32 v35, v22;
	v27 =	vld [tilespmem:s29+$0xFFFFC080];
	[tilespmem:s29+$0xFFFFC100] =	vst v37  }
.LBB2_6:
0x184: {  	v35 =	vld [tilespmem:s1+$0x0];
	s30 =	sadd.s32 $0x10, s30;
	[tilespmem:s29+$0x180] =	vst v33;
	v24 =	vmul.f32 v24, v22  }
0x185: {  	v25 =	vmul.f32 v25, v22;
	v33 =	vld [tilespmem:s1+$0xFFFFC100];
	p1 =	slt.u32 s30, $0x20;
	[tilespmem:s29+$0xFFFFC180] =	vst v30;
	v30 =	vadd.f32 v31, v21;
	v31 =	vadd.f32 v34, v21  }
0x186: {  	v23 =	vmul.f32 v23, v22;
	v34 =	vld [tilespmem:s1+$0xFFFFC180];
	[tilespmem:s29+$0xFFFFC000] =	vst v32;
	v28 =	vmul.f32 v28, v22  }
0x187: {  	v25 =	vadd.f32 v25, v21;
	v24 =	vadd.f32 v24, v21;
	v32 =	vld [tilespmem:s1+$0x300];
	[tilespmem:s29+$0xFFFFC380] =	vst v30;
	v26 =	vmul.f32 v26, v22  }
0x188: {  	v29 =	vadd.f32 v29, v21;
	v30 =	vld [tilespmem:s1+$0x200];
	v27 =	vmul.f32 v27, v22;
	v28 =	vadd.f32 v28, v21;
	[tilespmem:s29+$0x100] =	vst v31  }
0x189: {  	v31 =	vmul.f32 v35, v22;
	v35 =	vld [tilespmem:s1+$0x100];
	v26 =	vadd.f32 v26, v21;
	[tilespmem:s29+$0x380] =	vst v24  }
0x18a: {  	v36 =	vld [tilespmem:s1+$0xFFFFC000];
	v27 =	vadd.f32 v27, v21;
	[tilespmem:s29+$0xFFFFC280] =	vst v29  }
0x18b: {  	v29 =	vadd.f32 v31, v21;
	v31 =	vld [tilespmem:s1+$0x180];
	[tilespmem:s29+$0xFFFFC200] =	vst v28  }
0x18c: {  	v37 =	vld [tilespmem:s1+$0xFFFFC380];
	v28 =	vmul.f32 v32, v22;
	[tilespmem:s29+$0x280] =	vst v25  }
0x18d: {  	v23 =	vadd.f32 v23, v21;
	v25 =	vmul.f32 v30, v22;
	v24 =	vld [tilespmem:s1+$0x380];
	[tilespmem:s29+$0x80] =	vst v26  }
0x18e: {  	v26 =	vmul.f32 v34, v22;
	v34 =	vld [tilespmem:s1+$0xFFFFC280];
	v28 =	vadd.f32 v28, v21;
	[tilespmem:s29+$0xFFFFC080] =	vst v27  }
.Ltmp1:
0x18f: {  	v32 =	vmul.f32 v33, v22;
	v27 =	vmul.f32 v36, v22;
	v36 =	vadd.f32 v25, v21;
	v25 =	vld [tilespmem:s1+$0x280];
	[tilespmem:s29+$0xFFFFC300] =	vst v23;
	s29 =	smov.u32 s1;
	(pc) =	sbr.rel @p1 .LBB2_6-.Ltmp1, $4  }
0x190: {  	v30 =	vadd.f32 v26, v21;
	v23 =	vld [tilespmem:s1+$0xFFFFC300];
	v33 =	vmul.f32 v31, v22;
	[tilespmem:s1+$0x300] =	vst v28  }
0x191: {  	v38 =	vadd.f32 v32, v21;
	v28 =	vld [tilespmem:s1+$0xFFFFC200];
	v31 =	vmul.f32 v37, v22;
	[tilespmem:s1+$0x0] =	vst v29  }
0x192: {  	v26 =	vld [tilespmem:s1+$0x80];
	v33 =	vadd.f32 v33, v21;
	[tilespmem:s1+$0x200] =	vst v36  }
0x193: {  	v32 =	vadd.f32 v27, v21;
	s1 =	sadd.s32 $0x8000, s1;
	v27 =	vld [tilespmem:s29+$0xFFFFC080];
	[tilespmem:s29+$0xFFFFC100] =	vst v38;
	v29 =	vmul.f32 v34, v22;
	v34 =	vmul.f32 v35, v22  }
0x194: {  	[tilespmem:s29+$0x180] =	vst v33  }
0x195: {  	[tilespmem:s29+$0xFFFFC180] =	vst v30;
	v30 =	vadd.f32 v31, v21  }
0x196: {  	v24 =	vmul.f32 v24, v22;
	v31 =	vadd.f32 v34, v21;
	[tilespmem:s29+$0xFFFFC000] =	vst v32  }
0x197: {  	v29 =	vadd.f32 v29, v21;
	v28 =	vmul.f32 v28, v22;
	[tilespmem:s29+$0xFFFFC380] =	vst v30  }
0x198: {  	v25 =	vmul.f32 v25, v22;
	v24 =	vadd.f32 v24, v21;
	[tilespmem:s29+$0x100] =	vst v31  }
0x199: {  	v26 =	vmul.f32 v26, v22;
	[tilespmem:s29+$0xFFFFC280] =	vst v29;
	v28 =	vadd.f32 v28, v21  }
0x19a: {  	[tilespmem:s29+$0x380] =	vst v24;
	v24 =	vadd.f32 v25, v21;
	v25 =	vmul.f32 v27, v22  }
0x19b: {  	v22 =	vmul.f32 v23, v22;
	v23 =	vadd.f32 v26, v21;
	[tilespmem:s29+$0xFFFFC200] =	vst v28  }
0x19c: {  	v25 =	vadd.f32 v25, v21;
	[tilespmem:s29+$0x280] =	vst v24  }
0x19d: {  	v21 =	vadd.f32 v22, v21;
	[tilespmem:s29+$0x80] =	vst v23  }
0x19e: {  	[tilespmem:s29+$0xFFFFC080] =	vst v25  }
0x19f: {  	[tilespmem:s29+$0xFFFFC300] =	vst v21  }
0x1a0: {  	v22 =	vld [tilespmem:s28+$0x2280]  }
0x1a1: {  	v21 =	vld [tilespmem:s28+$0x4280]  }
0x1a2: {  	v23 =	vld [tilespmem:s26+$0x0]  }
0x1a3: {  	v25 =	vld [tilespmem:s26+$0xFFFFC100]  }
0x1a4: {  	v26 =	vld [tilespmem:s26+$0xFFFFC180]  }
0x1a5: {  	v24 =	vld [tilespmem:s26+$0x300]  }
0x1a6: {  	v27 =	vld [tilespmem:s26+$0x200]  }
0x1a7: {  	v61 =	vld [tilespmem:s26+$0x100]  }
0x1a8: {  	v28 =	vld [tilespmem:s26+$0xFFFFC000]  }
0x1a9: {  	v29 =	vld [tilespmem:s26+$0x180]  }
0x1aa: {  	v30 =	vld [tilespmem:s26+$0xFFFFC380];
	v31 =	vmul.f32 v24, v22  }
0x1ab: {  	v35 =	vld [tilespmem:s26+$0xFFFFC280];
	v23 =	vmul.f32 v23, v22  }
0x1ac: {  	v24 =	vld [tilespmem:s26+$0x380];
	v27 =	vmul.f32 v27, v22;
	v31 =	vadd.f32 v31, v21  }
0x1ad: {  	v63 =	vmul.f32 v25, v22;
	v25 =	vld [tilespmem:s26+$0x280];
	v26 =	vmul.f32 v26, v22;
	v62 =	vadd.f32 v23, v21  }
0x1ae: {  	v36 =	vmul.f32 v29, v22;
	v37 =	vmul.f32 v28, v22;
	v28 =	vld [tilespmem:s26+$0xFFFFC200];
	v27 =	vadd.f32 v27, v21;
	[tilespmem:s26+$0x300] =	vst v31  }
0x1af: {  	v23 =	vld [tilespmem:s26+$0xFFFFC300];
	v38 =	vadd.f32 v63, v21;
	[tilespmem:s26+$0x0] =	vst v62  }
0x1b0: {  	v34 =	vmul.f32 v61, v22;
	v29 =	vadd.f32 v26, v21;
	v26 =	vld [tilespmem:s26+$0x80];
	v33 =	vadd.f32 v36, v21;
	[tilespmem:s26+$0x200] =	vst v27  }
0x1b1: {  	s1 =	sadd.s32 $0x8000, s26;
	s29 =	simm.s32 $0x0;
	s28 =	sor.u32 $0x80, s28;
	v32 =	vadd.f32 v37, v21;
	v31 =	vmul.f32 v30, v22;
	v27 =	vld [tilespmem:s26+$0xFFFFC080];
	[tilespmem:s26+$0xFFFFC100] =	vst v38;
	v30 =	vmul.f32 v35, v22  }
.LBB2_8:
0x1b2: {  	v35 =	vld [tilespmem:s1+$0x0];
	s29 =	sadd.s32 $0x10, s29;
	[tilespmem:s26+$0x180] =	vst v33;
	v24 =	vmul.f32 v24, v22  }
0x1b3: {  	v25 =	vmul.f32 v25, v22;
	v33 =	vld [tilespmem:s1+$0xFFFFC100];
	p1 =	slt.u32 s29, $0x20;
	[tilespmem:s26+$0xFFFFC180] =	vst v29;
	v29 =	vadd.f32 v31, v21;
	v31 =	vadd.f32 v34, v21  }
0x1b4: {  	v23 =	vmul.f32 v23, v22;
	v34 =	vld [tilespmem:s1+$0xFFFFC180];
	[tilespmem:s26+$0xFFFFC000] =	vst v32;
	v28 =	vmul.f32 v28, v22  }
0x1b5: {  	v25 =	vadd.f32 v25, v21;
	v24 =	vadd.f32 v24, v21;
	v32 =	vld [tilespmem:s1+$0x300];
	[tilespmem:s26+$0xFFFFC380] =	vst v29;
	v26 =	vmul.f32 v26, v22  }
0x1b6: {  	v30 =	vadd.f32 v30, v21;
	v29 =	vld [tilespmem:s1+$0x200];
	v27 =	vmul.f32 v27, v22;
	v28 =	vadd.f32 v28, v21;
	[tilespmem:s26+$0x100] =	vst v31  }
0x1b7: {  	v31 =	vmul.f32 v35, v22;
	v35 =	vld [tilespmem:s1+$0x100];
	v26 =	vadd.f32 v26, v21;
	[tilespmem:s26+$0x380] =	vst v24  }
0x1b8: {  	v36 =	vld [tilespmem:s1+$0xFFFFC000];
	v27 =	vadd.f32 v27, v21;
	[tilespmem:s26+$0xFFFFC280] =	vst v30  }
0x1b9: {  	v30 =	vadd.f32 v31, v21;
	v31 =	vld [tilespmem:s1+$0x180];
	[tilespmem:s26+$0xFFFFC200] =	vst v28  }
0x1ba: {  	v37 =	vld [tilespmem:s1+$0xFFFFC380];
	v28 =	vmul.f32 v32, v22;
	[tilespmem:s26+$0x280] =	vst v25  }
0x1bb: {  	v23 =	vadd.f32 v23, v21;
	v25 =	vmul.f32 v29, v22;
	v24 =	vld [tilespmem:s1+$0x380];
	[tilespmem:s26+$0x80] =	vst v26  }
0x1bc: {  	v26 =	vmul.f32 v34, v22;
	v34 =	vld [tilespmem:s1+$0xFFFFC280];
	v28 =	vadd.f32 v28, v21;
	[tilespmem:s26+$0xFFFFC080] =	vst v27  }
.Ltmp2:
0x1bd: {  	v32 =	vmul.f32 v33, v22;
	v27 =	vmul.f32 v36, v22;
	v36 =	vadd.f32 v25, v21;
	v25 =	vld [tilespmem:s1+$0x280];
	[tilespmem:s26+$0xFFFFC300] =	vst v23;
	s26 =	smov.u32 s1;
	(pc) =	sbr.rel @p1 .LBB2_8-.Ltmp2, $4  }
0x1be: {  	v29 =	vadd.f32 v26, v21;
	v23 =	vld [tilespmem:s1+$0xFFFFC300];
	v33 =	vmul.f32 v31, v22;
	[tilespmem:s1+$0x300] =	vst v28  }
0x1bf: {  	v38 =	vadd.f32 v32, v21;
	v28 =	vld [tilespmem:s1+$0xFFFFC200];
	v31 =	vmul.f32 v37, v22;
	[tilespmem:s1+$0x0] =	vst v30  }
0x1c0: {  	v26 =	vld [tilespmem:s1+$0x80];
	v33 =	vadd.f32 v33, v21;
	[tilespmem:s1+$0x200] =	vst v36  }
0x1c1: {  	v32 =	vadd.f32 v27, v21;
	s1 =	sadd.s32 $0x8000, s1;
	v27 =	vld [tilespmem:s26+$0xFFFFC080];
	[tilespmem:s26+$0xFFFFC100] =	vst v38;
	v30 =	vmul.f32 v34, v22;
	v34 =	vmul.f32 v35, v22  }
0x1c2: {  	[tilespmem:s26+$0x180] =	vst v33  }
0x1c3: {  	v24 =	vmul.f32 v24, v22;
	[tilespmem:s26+$0xFFFFC180] =	vst v29;
	v29 =	vadd.f32 v31, v21  }
0x1c4: {  	v31 =	vadd.f32 v34, v21;
	[tilespmem:s26+$0xFFFFC000] =	vst v32  }
0x1c5: {  	v28 =	vmul.f32 v28, v22;
	[tilespmem:s26+$0xFFFFC380] =	vst v29;
	v24 =	vadd.f32 v24, v21  }
0x1c6: {  	v25 =	vmul.f32 v25, v22;
	v29 =	vadd.f32 v30, v21;
	[tilespmem:s26+$0x100] =	vst v31  }
0x1c7: {  	v26 =	vmul.f32 v26, v22;
	v28 =	vadd.f32 v28, v21;
	[tilespmem:s26+$0x380] =	vst v24  }
0x1c8: {  	v24 =	vadd.f32 v25, v21;
	v25 =	vmul.f32 v27, v22;
	[tilespmem:s26+$0xFFFFC280] =	vst v29  }
0x1c9: {  	v22 =	vmul.f32 v23, v22;
	v23 =	vadd.f32 v26, v21;
	[tilespmem:s26+$0xFFFFC200] =	vst v28  }
0x1ca: {  	v25 =	vadd.f32 v25, v21;
	[tilespmem:s26+$0x280] =	vst v24  }
0x1cb: {  	v21 =	vadd.f32 v22, v21;
	[tilespmem:s26+$0x80] =	vst v23  }
0x1cc: {  	[tilespmem:s26+$0xFFFFC080] =	vst v25  }
0x1cd: {  	[tilespmem:s26+$0xFFFFC300] =	vst v21  }
0x1ce: {  	v22 =	vld [tilespmem:s28+$0x2210]  }
0x1cf: {  	v21 =	vld [tilespmem:s28+$0x4210]  }
0x1d0: {  	v23 =	vld [tilespmem:s25+$0x0]  }
0x1d1: {  	v25 =	vld [tilespmem:s25+$0xFFFFC100]  }
0x1d2: {  	v26 =	vld [tilespmem:s25+$0xFFFFC180]  }
0x1d3: {  	v24 =	vld [tilespmem:s25+$0x300]  }
0x1d4: {  	v27 =	vld [tilespmem:s25+$0x200]  }
0x1d5: {  	v61 =	vld [tilespmem:s25+$0x100]  }
0x1d6: {  	v28 =	vld [tilespmem:s25+$0xFFFFC000]  }
0x1d7: {  	v29 =	vld [tilespmem:s25+$0x180]  }
0x1d8: {  	v31 =	vld [tilespmem:s25+$0xFFFFC380];
	v30 =	vmul.f32 v24, v22  }
0x1d9: {  	v35 =	vld [tilespmem:s25+$0xFFFFC280];
	v23 =	vmul.f32 v23, v22  }
0x1da: {  	v24 =	vld [tilespmem:s25+$0x380];
	v27 =	vmul.f32 v27, v22;
	v30 =	vadd.f32 v30, v21  }
0x1db: {  	v63 =	vmul.f32 v25, v22;
	v25 =	vld [tilespmem:s25+$0x280];
	v26 =	vmul.f32 v26, v22;
	v62 =	vadd.f32 v23, v21  }
0x1dc: {  	v29 =	vmul.f32 v29, v22;
	v36 =	vmul.f32 v28, v22;
	v28 =	vld [tilespmem:s25+$0xFFFFC200];
	v27 =	vadd.f32 v27, v21;
	[tilespmem:s25+$0x300] =	vst v30  }
0x1dd: {  	v23 =	vld [tilespmem:s25+$0xFFFFC300];
	v37 =	vadd.f32 v63, v21;
	[tilespmem:s25+$0x0] =	vst v62  }
0x1de: {  	v31 =	vmul.f32 v31, v22;
	v33 =	vadd.f32 v29, v21;
	v30 =	vadd.f32 v26, v21;
	v26 =	vld [tilespmem:s25+$0x80];
	[tilespmem:s25+$0x200] =	vst v27  }
0x1df: {  	s1 =	sadd.s32 $0x8000, s25;
	s26 =	simm.s32 $0x0;
	v34 =	vmul.f32 v61, v22;
	v32 =	vadd.f32 v36, v21;
	v29 =	vmul.f32 v35, v22;
	v27 =	vld [tilespmem:s25+$0xFFFFC080];
	[tilespmem:s25+$0xFFFFC100] =	vst v37  }
.LBB2_10:
0x1e0: {  	v35 =	vld [tilespmem:s1+$0x0];
	s26 =	sadd.s32 $0x10, s26;
	[tilespmem:s25+$0x180] =	vst v33;
	v24 =	vmul.f32 v24, v22  }
0x1e1: {  	v25 =	vmul.f32 v25, v22;
	v33 =	vld [tilespmem:s1+$0xFFFFC100];
	p1 =	slt.u32 s26, $0x20;
	[tilespmem:s25+$0xFFFFC180] =	vst v30;
	v30 =	vadd.f32 v31, v21;
	v31 =	vadd.f32 v34, v21  }
0x1e2: {  	v23 =	vmul.f32 v23, v22;
	v34 =	vld [tilespmem:s1+$0xFFFFC180];
	[tilespmem:s25+$0xFFFFC000] =	vst v32;
	v28 =	vmul.f32 v28, v22  }
0x1e3: {  	v25 =	vadd.f32 v25, v21;
	v24 =	vadd.f32 v24, v21;
	v32 =	vld [tilespmem:s1+$0x300];
	[tilespmem:s25+$0xFFFFC380] =	vst v30;
	v26 =	vmul.f32 v26, v22  }
0x1e4: {  	v29 =	vadd.f32 v29, v21;
	v30 =	vld [tilespmem:s1+$0x200];
	v27 =	vmul.f32 v27, v22;
	v28 =	vadd.f32 v28, v21;
	[tilespmem:s25+$0x100] =	vst v31  }
0x1e5: {  	v31 =	vmul.f32 v35, v22;
	v35 =	vld [tilespmem:s1+$0x100];
	v26 =	vadd.f32 v26, v21;
	[tilespmem:s25+$0x380] =	vst v24  }
0x1e6: {  	v36 =	vld [tilespmem:s1+$0xFFFFC000];
	v27 =	vadd.f32 v27, v21;
	[tilespmem:s25+$0xFFFFC280] =	vst v29  }
0x1e7: {  	v29 =	vadd.f32 v31, v21;
	v31 =	vld [tilespmem:s1+$0x180];
	[tilespmem:s25+$0xFFFFC200] =	vst v28  }
0x1e8: {  	v37 =	vld [tilespmem:s1+$0xFFFFC380];
	v28 =	vmul.f32 v32, v22;
	[tilespmem:s25+$0x280] =	vst v25  }
0x1e9: {  	v23 =	vadd.f32 v23, v21;
	v25 =	vmul.f32 v30, v22;
	v24 =	vld [tilespmem:s1+$0x380];
	[tilespmem:s25+$0x80] =	vst v26  }
0x1ea: {  	v26 =	vmul.f32 v34, v22;
	v34 =	vld [tilespmem:s1+$0xFFFFC280];
	v28 =	vadd.f32 v28, v21;
	[tilespmem:s25+$0xFFFFC080] =	vst v27  }
.Ltmp3:
0x1eb: {  	v32 =	vmul.f32 v33, v22;
	v27 =	vmul.f32 v36, v22;
	v36 =	vadd.f32 v25, v21;
	v25 =	vld [tilespmem:s1+$0x280];
	[tilespmem:s25+$0xFFFFC300] =	vst v23;
	s25 =	smov.u32 s1;
	(pc) =	sbr.rel @p1 .LBB2_10-.Ltmp3, $4  }
0x1ec: {  	v30 =	vadd.f32 v26, v21;
	v23 =	vld [tilespmem:s1+$0xFFFFC300];
	v33 =	vmul.f32 v31, v22;
	[tilespmem:s1+$0x300] =	vst v28  }
0x1ed: {  	v38 =	vadd.f32 v32, v21;
	v28 =	vld [tilespmem:s1+$0xFFFFC200];
	v31 =	vmul.f32 v37, v22;
	[tilespmem:s1+$0x0] =	vst v29  }
0x1ee: {  	v26 =	vld [tilespmem:s1+$0x80];
	v33 =	vadd.f32 v33, v21;
	[tilespmem:s1+$0x200] =	vst v36  }
0x1ef: {  	v32 =	vadd.f32 v27, v21;
	s1 =	sadd.s32 $0x8000, s1;
	v27 =	vld [tilespmem:s25+$0xFFFFC080];
	[tilespmem:s25+$0xFFFFC100] =	vst v38;
	v29 =	vmul.f32 v34, v22;
	v34 =	vmul.f32 v35, v22  }
0x1f0: {  	[tilespmem:s25+$0x180] =	vst v33  }
0x1f1: {  	[tilespmem:s25+$0xFFFFC180] =	vst v30;
	v60 =	vadd.f32 v31, v21  }
0x1f2: {  	v24 =	vmul.f32 v24, v22;
	v61 =	vadd.f32 v34, v21;
	[tilespmem:s25+$0xFFFFC000] =	vst v32  }
0x1f3: {  	v25 =	vmul.f32 v25, v22;
	v29 =	vadd.f32 v29, v21;
	[tilespmem:s25+$0xFFFFC380] =	vst v60  }
0x1f4: {  	v28 =	vmul.f32 v28, v22;
	v24 =	vadd.f32 v24, v21;
	[tilespmem:s25+$0x100] =	vst v61  }
0x1f5: {  	v62 =	vadd.f32 v25, v21;
	v26 =	vmul.f32 v26, v22;
	[tilespmem:s25+$0xFFFFC280] =	vst v29  }
0x1f6: {  	p1 =	slt.u32 s22, $0x3E;
	v28 =	vadd.f32 v28, v21;
	[tilespmem:s25+$0x380] =	vst v24;
	v63 =	vmul.f32 v27, v22  }
.Ltmp4:
0x1f7: {  	v22 =	vmul.f32 v23, v22;
	[tilespmem:s25+$0x280] =	vst v62;
	v23 =	vadd.f32 v26, v21;
	(pc) =	sbr.rel @p1 .LBB2_3-.Ltmp4, $4  }
0x1f8: {  	[tilespmem:s25+$0xFFFFC200] =	vst v28;
	v25 =	vadd.f32 v63, v21  }
0x1f9: {  	v21 =	vadd.f32 v22, v21;
	[tilespmem:s25+$0x80] =	vst v23  }
0x1fa: {  	s22 =	sadd.s32 $0x2, s22;
	[tilespmem:s25+$0xFFFFC080] =	vst v25  }
0x1fb: {  	s24 =	sadd.s32 $0x200, s24;
	p0 =	por !p0, !p0;
	s23 =	sadd.s32 $0x2, s23;
	[tilespmem:s25+$0xFFFFC300] =	vst v21  }
0x1fc: {  	s20 =	sadd.s32 $0x1, s20  }
0x1fd: {  	p0 =	sne.s32 s20, $0xA  }
.Ltmp5:
0x1fe: {  	s1 =	sadd.s32 s5, s21;
	(pc) =	sbr.rel @p0 .LBB2_2-.Ltmp5, $4  }
0x1ff: {  	[hbm4b:s1+s6] =	stream.linear.scatter [tilespmem:s18], [sflag:$0x2], $0x18000, $0x38;
	[tilespmem:$0x1E200] =	vst v63  }
0x200: {  	_ =	swait.ge [sflag:s11], $0x18000  }
0x201: {  	[sflag:s11] =	ssyncset.done $0x0  }
0x202: {  	[sflag:s11] =	ssyncadd.s32 $0xFFFE8000  }
0x203: {  	s19 =	sadd.s32 $0x1, s19  }
0x204: {  	p0 =	sne.s32 s19, s10  }
.Ltmp6:
0x205: {  	_ = 	snop;
	(pc) =	sbr.rel @p0 .LBB2_1-.Ltmp6, $1  }
0x206: {  	_ =	sdelay $0x3  }
0x207: {  	_ =	sfence.sel $0x180000  }
0x208: {  	[bflag:$0x0] =	sbarrier.arrive $0xFFFF  }
0x209: {  	_ =	strace $0x90000047  }
0x20a: {  	[bflag:$0x2] =	sbarrier.arrive $0xFFFF  }
0x20b: {  	p0 =	sne.s32 s7, $0x0;
	s0 =	rddreg [dreg:$0x6]  }
0x20c: {  	s0 =	sadd.s32 @!p0 $0x100000, s0  }
0x20d: {  	[sflag:s0] =	ssyncadd.tile.s32 @!p0 $0x1;
	_ =	shalt  }
.Lfunc_end2:
_tile_overlayer_lowered:
.L_overlay_start_2:
0x20e: {  	(tag) =	ssettag $0x2  }
0x20f: {  	s0 =	rddreg [dreg:$0x0];
	s2 =	stileid.u32  }
0x210: {  	s1 =	rddreg [dreg:$0x1];
	p0 =	sne.s32 s2, $0x0  }
0x211: {  	s3 =	rddreg [dreg:$0x2];
	[bflag:$0x3] =	sbarrier.arrive $0xFFFF;
	s2 =	simm.s32 @!p0 $0x1C02  }
0x212: {  	[timem:s3], [sflag:s2] =	dma.local @!p0 [hbm:s0], s1  }
0x213: {  	s0 =	simm.s32 @!p0 $0x2  }
0x214: {  	_ =	swait.ge @!p0 [sflag:s0], s1  }
0x215: {  	s1 =	ssub.s32 @!p0 $0x0, s1;
	[sflag:s0] =	ssyncset.done @!p0 $0x0  }
0x216: {  	[sflag:s0] =	ssyncadd.s32 @!p0 s1  }
0x217: {  	[bflag:$0x3] =	sbarrier.arrive $0xFFFF  }
0x218: {  	_ =	shalt  }

</sc_bundles>
